<compile_context>
chip_gen: v7x
topology: tpu7x:2x2x1
jax: 0.10.2.dev20260603
libtpu: 0.0.44.dev20260713+nightly
codegen_flags: <defaults>
</compile_context>

<pallas_src>
import functools
import math

import jax
import jax.numpy as jnp
from jax import lax
from jax.experimental import pallas as pl
from jax.experimental.pallas import tpu as pltpu
from jax.experimental.pallas import tpu_sc as plsc

_ROUND = 32


@functools.lru_cache(maxsize=None)
def _make_gather(B, NT, TR, D, num_objs):
    info = plsc.get_sparse_core_info()
    NC, NS, L = info.num_cores, info.num_subcores, info.num_lanes
    NW = NC * NS
    assert B % (8 * NW) == 0 and D % L == 0
    b_per_w = B // NW
    n_rounds = b_per_w // _ROUND
    n_pairs = n_rounds // 2

    mesh = plsc.VectorSubcoreMesh(core_axis_name="c", subcore_axis_name="s")

    @functools.partial(
        pl.kernel,
        mesh=mesh,
        out_type=jax.ShapeDtypeStruct((B, D), jnp.float32),
        compiler_params=pltpu.CompilerParams(use_tc_tiling_on_sc=True),
        scratch_types=[
            pltpu.VMEM((b_per_w,), jnp.int32),
            pltpu.VMEM((b_per_w,), jnp.int32),
            pltpu.VMEM((_ROUND, TR, D), jnp.float32),
            pltpu.VMEM((_ROUND, TR, D), jnp.float32),
            pltpu.VMEM((2, _ROUND, D), jnp.float32),
            pltpu.SemaphoreType.DMA,
            pltpu.SemaphoreType.DMA,
            pltpu.SemaphoreType.DMA,
        ],
    )
    def gather_kernel(
        tid_hbm, sub_hbm, w3_hbm, out_hbm,
        tid_v, sub_v, tiles0_v, tiles1_v, stage_v, gsem0, gsem1, osem,
    ):
        wid = lax.axis_index("s") * NC + lax.axis_index("c")
        base = wid * b_per_w
        pltpu.sync_copy(tid_hbm.at[pl.ds(base, b_per_w)], tid_v)
        pltpu.sync_copy(sub_hbm.at[pl.ds(base, b_per_w)], sub_v)

        def fire(k, tiles, sem):
            def fire_g(g, _2):
                tvec = tid_v[pl.ds(k * _ROUND + g * L, L)]
                for j in range(L):
                    pltpu.async_copy(
                        w3_hbm.at[tvec[j]], tiles.at[g * L + j], sem
                    )
                return _2

            lax.fori_loop(0, _ROUND // L, fire_g, None)

        def drain_tiles(sem):
            pltpu.make_async_copy(
                w3_hbm.at[pl.ds(0, _ROUND)], tiles0_v, sem
            ).wait()

        def reclaim_stage(sl):
            pltpu.make_async_copy(
                out_hbm.at[pl.ds(0, _ROUND), :], stage_v.at[sl], osem
            ).wait()

        def extract_and_put(k, sl, tiles):
            def ext_g(g, _2):
                svec = sub_v[pl.ds(k * _ROUND + g * L, L)]
                for j in range(L):
                    slot = g * L + j
                    s = svec[j]
                    for c in range(D // L):
                        stage_v[sl, slot, pl.ds(c * L, L)] = (
                            tiles[slot, s, pl.ds(c * L, L)]
                        )
                return _2

            lax.fori_loop(0, _ROUND // L, ext_g, None)
            pltpu.async_copy(
                stage_v.at[sl],
                out_hbm.at[pl.ds(base + k * _ROUND, _ROUND), :],
                osem,
            )

        fire(0, tiles0_v, gsem0)

        def pair_body(kk, _):
            k0 = 2 * kk
            fire(k0 + 1, tiles1_v, gsem1)
            drain_tiles(gsem0)

            @pl.when(kk >= 1)
            def _r0():
                reclaim_stage(0)

            extract_and_put(k0, 0, tiles0_v)

            @pl.when(kk + 1 < n_pairs)
            def _f0():
                fire(k0 + 2, tiles0_v, gsem0)

            drain_tiles(gsem1)

            @pl.when(kk >= 1)
            def _r1():
                reclaim_stage(1)

            extract_and_put(k0 + 1, 1, tiles1_v)
            return _

        lax.fori_loop(0, n_pairs, pair_body, None)
        reclaim_stage(0)
        reclaim_stage(1)

    return gather_kernel


def kernel(labels, W):
    B = labels.shape[0]
    V, D = W.shape
    num_objs = math.isqrt(V)
    w3 = W.reshape(V // 8, 8, D)
    r = labels[:, 0].astype(jnp.int32) * num_objs + labels[:, 1].astype(jnp.int32)
    return _make_gather(B, V // 8, 8, D, num_objs)(r >> 3, r & 7, w3)

# --- scband reference (transcript-rebuilt; emitter-appended) ---
"""Pipeline reference for scband-frequency-bias-63256278335729 (READ-ONLY COPY).

The authoritative reference and input builder live on the scoring server;
editing this copy changes nothing except your own understanding.
"""

import jax, jax.numpy as jnp
import numpy as np

NUM_OBJS = 1000
NUM_RELS = 64
BATCH = 16384

def setup_inputs(seed: int = 0) -> dict:
    key = jax.random.key(seed)
    k1, k2 = jax.random.split(key)
    labels = jax.random.randint(k1, (BATCH, 2), 0, NUM_OBJS, dtype=jnp.int64 if jax.config.jax_enable_x64 else jnp.int32)
    # obj_baseline embedding table: (num_objs*num_objs, num_rels), initialized from pred_dist
    W = jax.random.uniform(k2, (NUM_OBJS * NUM_OBJS, NUM_RELS), dtype=jnp.float32)
    return {"labels": labels, "W": W}

def reference(labels, W):
    # index_with_labels: obj_baseline(labels[:,0] * num_objs + labels[:,1])
    idx = labels[:, 0] * NUM_OBJS + labels[:, 1]
    return jnp.take(W, idx, axis=0)

if __name__ == "__main__":
    import jax
    _d = setup_inputs()
    print(jax.jit(kernel)(*tuple(_d.values())))

</pallas_src>

<mosaic_0001>
#map = affine_map<(d0, d1) -> (0)>
#map1 = affine_map<(d0, d1) -> (0, 0, 0)>
#map2 = affine_map<(d0, d1) -> (0, 0)>
module attributes {stable_mosaic.version = 14 : i64} {
  func.func @gather_kernel(%arg0: i32, %arg1: i32, %arg2: memref<16384xi32, #tpu.memory_space<hbm>>, %arg3: memref<16384xi32, #tpu.memory_space<hbm>>, %arg4: memref<125000x8x64xf32, #tpu.memory_space<hbm>>, %arg5: memref<16384x64xf32, #tpu.memory_space<hbm>>, %arg6: memref<512xi32, #tpu.memory_space<vmem>>, %arg7: memref<512xi32, #tpu.memory_space<vmem>>, %arg8: memref<32x8x64xf32, #tpu.memory_space<vmem>>, %arg9: memref<32x8x64xf32, #tpu.memory_space<vmem>>, %arg10: memref<2x32x64xf32, #tpu.memory_space<vmem>>, %arg11: memref<!tpu.dma_semaphore, #tpu.memory_space<semaphore_mem>>, %arg12: memref<!tpu.dma_semaphore, #tpu.memory_space<semaphore_mem>>, %arg13: memref<!tpu.dma_semaphore, #tpu.memory_space<semaphore_mem>>) attributes {dimension_semantics = [#tpu.dimension_semantics<core_parallel>, #tpu.dimension_semantics<subcore_parallel>], iteration_bounds = array<i64: 2, 16>, scalar_prefetch = 0 : i64, scratch_operands = 8 : i64, tpu.core_type = #tpu.core_type<sc_vector_subcore>, window_params = [{transform_indices = #map}, {transform_indices = #map}, {transform_indices = #map1}, {transform_indices = #map2}]} {
    %mul3A = arith.constant 2 : i32
    %mul3A_0 = arith.muli %arg1, %mul3A : i32
    %add3A = arith.addi %mul3A_0, %arg0 : i32
    %mul3A_1 = arith.constant 512 : i32
    %mul3A_2 = arith.muli %add3A, %mul3A_1 : i32
    "tpu.region"() ({
      %run_scoped3A = tpu.sem_alloc : memref<!tpu.dma_semaphore, #tpu.memory_space<semaphore_mem>>
      %dma_start3A = tpu.memref_slice %arg2[%mul3A_2] : memref<16384xi32, #tpu.memory_space<hbm>> -> memref<512xi32, #tpu.memory_space<hbm>>
      %dma_start3A_41 = tpu.memref_slice %arg2[%mul3A_2] : memref<16384xi32, #tpu.memory_space<hbm>> -> memref<512xi32, #tpu.memory_space<hbm>>
      tpu.enqueue_dma source(%dma_start3A_41 : memref<512xi32, #tpu.memory_space<hbm>>) target(%arg6 : memref<512xi32, #tpu.memory_space<vmem>>) target_semaphore(%run_scoped3A : memref<!tpu.dma_semaphore, #tpu.memory_space<semaphore_mem>>)
      %dma_wait3A_42 = tpu.memref_slice %arg2[%mul3A_2] : memref<16384xi32, #tpu.memory_space<hbm>> -> memref<512xi32, #tpu.memory_space<hbm>>
      %dma_wait3A_43 = tpu.memref_slice %arg2[%mul3A_2] : memref<16384xi32, #tpu.memory_space<hbm>> -> memref<512xi32, #tpu.memory_space<hbm>>
      tpu.wait_dma2 semaphore(%run_scoped3A : memref<!tpu.dma_semaphore, #tpu.memory_space<semaphore_mem>>) src(%dma_wait3A_43 : memref<512xi32, #tpu.memory_space<hbm>>) dst(%arg6 : memref<512xi32, #tpu.memory_space<vmem>>)
      tpu.yield
    }) : () -> ()
    "tpu.region"() ({
      %run_scoped3A = tpu.sem_alloc : memref<!tpu.dma_semaphore, #tpu.memory_space<semaphore_mem>>
      %dma_start3A = tpu.memref_slice %arg3[%mul3A_2] : memref<16384xi32, #tpu.memory_space<hbm>> -> memref<512xi32, #tpu.memory_space<hbm>>
      %dma_start3A_41 = tpu.memref_slice %arg3[%mul3A_2] : memref<16384xi32, #tpu.memory_space<hbm>> -> memref<512xi32, #tpu.memory_space<hbm>>
      tpu.enqueue_dma source(%dma_start3A_41 : memref<512xi32, #tpu.memory_space<hbm>>) target(%arg7 : memref<512xi32, #tpu.memory_space<vmem>>) target_semaphore(%run_scoped3A : memref<!tpu.dma_semaphore, #tpu.memory_space<semaphore_mem>>)
      %dma_wait3A_42 = tpu.memref_slice %arg3[%mul3A_2] : memref<16384xi32, #tpu.memory_space<hbm>> -> memref<512xi32, #tpu.memory_space<hbm>>
      %dma_wait3A_43 = tpu.memref_slice %arg3[%mul3A_2] : memref<16384xi32, #tpu.memory_space<hbm>> -> memref<512xi32, #tpu.memory_space<hbm>>
      tpu.wait_dma2 semaphore(%run_scoped3A : memref<!tpu.dma_semaphore, #tpu.memory_space<semaphore_mem>>) src(%dma_wait3A_43 : memref<512xi32, #tpu.memory_space<hbm>>) dst(%arg7 : memref<512xi32, #tpu.memory_space<vmem>>)
      tpu.yield
    }) : () -> ()
    %scan3A = arith.constant 0 : i32
    %scan3A_3 = arith.constant 2 : i32
    %scan3A_4 = arith.addi %scan3A, %scan3A_3 : i32
    %scan3A_5 = arith.constant 1 : i32
    scf.for %scan3A_41 = %scan3A to %scan3A_4 step %scan3A_5  : i32 {
      %mul3A_42 = arith.constant 16 : i32
      %mul3A_43 = arith.muli %scan3A_41, %mul3A_42 : i32
      %add3A_44 = arith.constant 0 : i32
      %add3A_45 = arith.addi %add3A_44, %mul3A_43 : i32
      %get3A = arith.index_cast %add3A_45 : i32 to index
      %get3A_46 = tpu.vector_load %arg6[%get3A] {strides = array<i32>} : memref<512xi32, #tpu.memory_space<vmem>>, vector<16xi32>,
      %get3A_47 = vector.shape_cast %get3A_46 : vector<16xi32> to vector<16xi32>
      %slice3A = vector.extract_strided_slice %get3A_47 {offsets = [0], sizes = [1], strides = [1]} : vector<16xi32> to vector<1xi32>
      %squeeze3A = vector.extract %slice3A[0] : i32 from vector<1xi32>
      %mul3A_48 = arith.constant 16 : i32
      %mul3A_49 = arith.muli %scan3A_41, %mul3A_48 : i32
      %add3A_50 = arith.constant 0 : i32
      %add3A_51 = arith.addi %mul3A_49, %add3A_50 : i32
      %dma_start3A = arith.constant 0 : i32
      %dma_start3A_52 = arith.constant 0 : i32
      %dma_start3A_53 = tpu.memref_slice %arg8[%add3A_51, %dma_start3A, %dma_start3A_52] : memref<32x8x64xf32, #tpu.memory_space<vmem>> -> memref<1x8x64xf32, #tpu.memory_space<vmem>>
      %dma_start3A_54 = tpu.memref_squeeze %dma_start3A_53 : memref<1x8x64xf32, #tpu.memory_space<vmem>> -> memref<8x64xf32, #tpu.memory_space<vmem>>
      %dma_start3A_55 = arith.constant 0 : i32
      %dma_start3A_56 = arith.constant 0 : i32
      %dma_start3A_57 = tpu.memref_slice %arg4[%squeeze3A, %dma_start3A_55, %dma_start3A_56] : memref<125000x8x64xf32, #tpu.memory_space<hbm>> -> memref<1x8x64xf32, #tpu.memory_space<hbm>>
      %dma_start3A_58 = tpu.memref_squeeze %dma_start3A_57 : memref<1x8x64xf32, #tpu.memory_space<hbm>> -> memref<8x64xf32, #tpu.memory_space<hbm>>
      %dma_start3A_59 = arith.constant 0 : i32
      %dma_start3A_60 = arith.constant 0 : i32
      %dma_start3A_61 = tpu.memref_slice %arg8[%add3A_51, %dma_start3A_59, %dma_start3A_60] : memref<32x8x64xf32, #tpu.memory_space<vmem>> -> memref<1x8x64xf32, #tpu.memory_space<vmem>>
      %dma_start3A_62 = tpu.memref_squeeze %dma_start3A_61 : memref<1x8x64xf32, #tpu.memory_space<vmem>> -> memref<8x64xf32, #tpu.memory_space<vmem>>
      %dma_start3A_63 = arith.constant 0 : i32
      %dma_start3A_64 = arith.constant 0 : i32
      %dma_start3A_65 = tpu.memref_slice %arg4[%squeeze3A, %dma_start3A_63, %dma_start3A_64] : memref<125000x8x64xf32, #tpu.memory_space<hbm>> -> memref<1x8x64xf32, #tpu.memory_space<hbm>>
      %dma_start3A_66 = tpu.memref_squeeze %dma_start3A_65 : memref<1x8x64xf32, #tpu.memory_space<hbm>> -> memref<8x64xf32, #tpu.memory_space<hbm>>
      tpu.enqueue_dma source(%dma_start3A_66 : memref<8x64xf32, #tpu.memory_space<hbm>>) target(%dma_start3A_62 : memref<8x64xf32, #tpu.memory_space<vmem>>) target_semaphore(%arg11 : memref<!tpu.dma_semaphore, #tpu.memory_space<semaphore_mem>>)
      %slice3A_67 = vector.extract_strided_slice %get3A_47 {offsets = [1], sizes = [1], strides = [1]} : vector<16xi32> to vector<1xi32>
      %squeeze3A_68 = vector.extract %slice3A_67[0] : i32 from vector<1xi32>
      %mul3A_69 = arith.constant 16 : i32
      %mul3A_70 = arith.muli %scan3A_41, %mul3A_69 : i32
      %add3A_71 = arith.constant 1 : i32
      %add3A_72 = arith.addi %mul3A_70, %add3A_71 : i32
      %dma_start3A_73 = arith.constant 0 : i32
      %dma_start3A_74 = arith.constant 0 : i32
      %dma_start3A_75 = tpu.memref_slice %arg8[%add3A_72, %dma_start3A_73, %dma_start3A_74] : memref<32x8x64xf32, #tpu.memory_space<vmem>> -> memref<1x8x64xf32, #tpu.memory_space<vmem>>
      %dma_start3A_76 = tpu.memref_squeeze %dma_start3A_75 : memref<1x8x64xf32, #tpu.memory_space<vmem>> -> memref<8x64xf32, #tpu.memory_space<vmem>>
      %dma_start3A_77 = arith.constant 0 : i32
      %dma_start3A_78 = arith.constant 0 : i32
      %dma_start3A_79 = tpu.memref_slice %arg4[%squeeze3A_68, %dma_start3A_77, %dma_start3A_78] : memref<125000x8x64xf32, #tpu.memory_space<hbm>> -> memref<1x8x64xf32, #tpu.memory_space<hbm>>
      %dma_start3A_80 = tpu.memref_squeeze %dma_start3A_79 : memref<1x8x64xf32, #tpu.memory_space<hbm>> -> memref<8x64xf32, #tpu.memory_space<hbm>>
      %dma_start3A_81 = arith.constant 0 : i32
      %dma_start3A_82 = arith.constant 0 : i32
      %dma_start3A_83 = tpu.memref_slice %arg8[%add3A_72, %dma_start3A_81, %dma_start3A_82] : memref<32x8x64xf32, #tpu.memory_space<vmem>> -> memref<1x8x64xf32, #tpu.memory_space<vmem>>
      %dma_start3A_84 = tpu.memref_squeeze %dma_start3A_83 : memref<1x8x64xf32, #tpu.memory_space<vmem>> -> memref<8x64xf32, #tpu.memory_space<vmem>>
      %dma_start3A_85 = arith.constant 0 : i32
      %dma_start3A_86 = arith.constant 0 : i32
      %dma_start3A_87 = tpu.memref_slice %arg4[%squeeze3A_68, %dma_start3A_85, %dma_start3A_86] : memref<125000x8x64xf32, #tpu.memory_space<hbm>> -> memref<1x8x64xf32, #tpu.memory_space<hbm>>
      %dma_start3A_88 = tpu.memref_squeeze %dma_start3A_87 : memref<1x8x64xf32, #tpu.memory_space<hbm>> -> memref<8x64xf32, #tpu.memory_space<hbm>>
      tpu.enqueue_dma source(%dma_start3A_88 : memref<8x64xf32, #tpu.memory_space<hbm>>) target(%dma_start3A_84 : memref<8x64xf32, #tpu.memory_space<vmem>>) target_semaphore(%arg11 : memref<!tpu.dma_semaphore, #tpu.memory_space<semaphore_mem>>)
      %slice3A_89 = vector.extract_strided_slice %get3A_47 {offsets = [2], sizes = [1], strides = [1]} : vector<16xi32> to vector<1xi32>
      %squeeze3A_90 = vector.extract %slice3A_89[0] : i32 from vector<1xi32>
      %mul3A_91 = arith.constant 16 : i32
      %mul3A_92 = arith.muli %scan3A_41, %mul3A_91 : i32
      %add3A_93 = arith.constant 2 : i32
      %add3A_94 = arith.addi %mul3A_92, %add3A_93 : i32
      %dma_start3A_95 = arith.constant 0 : i32
      %dma_start3A_96 = arith.constant 0 : i32
      %dma_start3A_97 = tpu.memref_slice %arg8[%add3A_94, %dma_start3A_95, %dma_start3A_96] : memref<32x8x64xf32, #tpu.memory_space<vmem>> -> memref<1x8x64xf32, #tpu.memory_space<vmem>>
      %dma_start3A_98 = tpu.memref_squeeze %dma_start3A_97 : memref<1x8x64xf32, #tpu.memory_space<vmem>> -> memref<8x64xf32, #tpu.memory_space<vmem>>
      %dma_start3A_99 = arith.constant 0 : i32
      %dma_start3A_100 = arith.constant 0 : i32
      %dma_start3A_101 = tpu.memref_slice %arg4[%squeeze3A_90, %dma_start3A_99, %dma_start3A_100] : memref<125000x8x64xf32, #tpu.memory_space<hbm>> -> memref<1x8x64xf32, #tpu.memory_space<hbm>>
      %dma_start3A_102 = tpu.memref_squeeze %dma_start3A_101 : memref<1x8x64xf32, #tpu.memory_space<hbm>> -> memref<8x64xf32, #tpu.memory_space<hbm>>
      %dma_start3A_103 = arith.constant 0 : i32
      %dma_start3A_104 = arith.constant 0 : i32
      %dma_start3A_105 = tpu.memref_slice %arg8[%add3A_94, %dma_start3A_103, %dma_start3A_104] : memref<32x8x64xf32, #tpu.memory_space<vmem>> -> memref<1x8x64xf32, #tpu.memory_space<vmem>>
      %dma_start3A_106 = tpu.memref_squeeze %dma_start3A_105 : memref<1x8x64xf32, #tpu.memory_space<vmem>> -> memref<8x64xf32, #tpu.memory_space<vmem>>
      %dma_start3A_107 = arith.constant 0 : i32
      %dma_start3A_108 = arith.constant 0 : i32
      %dma_start3A_109 = tpu.memref_slice %arg4[%squeeze3A_90, %dma_start3A_107, %dma_start3A_108] : memref<125000x8x64xf32, #tpu.memory_space<hbm>> -> memref<1x8x64xf32, #tpu.memory_space<hbm>>
      %dma_start3A_110 = tpu.memref_squeeze %dma_start3A_109 : memref<1x8x64xf32, #tpu.memory_space<hbm>> -> memref<8x64xf32, #tpu.memory_space<hbm>>
      tpu.enqueue_dma source(%dma_start3A_110 : memref<8x64xf32, #tpu.memory_space<hbm>>) target(%dma_start3A_106 : memref<8x64xf32, #tpu.memory_space<vmem>>) target_semaphore(%arg11 : memref<!tpu.dma_semaphore, #tpu.memory_space<semaphore_mem>>)
      %slice3A_111 = vector.extract_strided_slice %get3A_47 {offsets = [3], sizes = [1], strides = [1]} : vector<16xi32> to vector<1xi32>
      %squeeze3A_112 = vector.extract %slice3A_111[0] : i32 from vector<1xi32>
      %mul3A_113 = arith.constant 16 : i32
      %mul3A_114 = arith.muli %scan3A_41, %mul3A_113 : i32
      %add3A_115 = arith.constant 3 : i32
      %add3A_116 = arith.addi %mul3A_114, %add3A_115 : i32
      %dma_start3A_117 = arith.constant 0 : i32
      %dma_start3A_118 = arith.constant 0 : i32
      %dma_start3A_119 = tpu.memref_slice %arg8[%add3A_116, %dma_start3A_117, %dma_start3A_118] : memref<32x8x64xf32, #tpu.memory_space<vmem>> -> memref<1x8x64xf32, #tpu.memory_space<vmem>>
      %dma_start3A_120 = tpu.memref_squeeze %dma_start3A_119 : memref<1x8x64xf32, #tpu.memory_space<vmem>> -> memref<8x64xf32, #tpu.memory_space<vmem>>
      %dma_start3A_121 = arith.constant 0 : i32
      %dma_start3A_122 = arith.constant 0 : i32
      %dma_start3A_123 = tpu.memref_slice %arg4[%squeeze3A_112, %dma_start3A_121, %dma_start3A_122] : memref<125000x8x64xf32, #tpu.memory_space<hbm>> -> memref<1x8x64xf32, #tpu.memory_space<hbm>>
      %dma_start3A_124 = tpu.memref_squeeze %dma_start3A_123 : memref<1x8x64xf32, #tpu.memory_space<hbm>> -> memref<8x64xf32, #tpu.memory_space<hbm>>
      %dma_start3A_125 = arith.constant 0 : i32
      %dma_start3A_126 = arith.constant 0 : i32
      %dma_start3A_127 = tpu.memref_slice %arg8[%add3A_116, %dma_start3A_125, %dma_start3A_126] : memref<32x8x64xf32, #tpu.memory_space<vmem>> -> memref<1x8x64xf32, #tpu.memory_space<vmem>>
      %dma_start3A_128 = tpu.memref_squeeze %dma_start3A_127 : memref<1x8x64xf32, #tpu.memory_space<vmem>> -> memref<8x64xf32, #tpu.memory_space<vmem>>
      %dma_start3A_129 = arith.constant 0 : i32
      %dma_start3A_130 = arith.constant 0 : i32
      %dma_start3A_131 = tpu.memref_slice %arg4[%squeeze3A_112, %dma_start3A_129, %dma_start3A_130] : memref<125000x8x64xf32, #tpu.memory_space<hbm>> -> memref<1x8x64xf32, #tpu.memory_space<hbm>>
      %dma_start3A_132 = tpu.memref_squeeze %dma_start3A_131 : memref<1x8x64xf32, #tpu.memory_space<hbm>> -> memref<8x64xf32, #tpu.memory_space<hbm>>
      tpu.enqueue_dma source(%dma_start3A_132 : memref<8x64xf32, #tpu.memory_space<hbm>>) target(%dma_start3A_128 : memref<8x64xf32, #tpu.memory_space<vmem>>) target_semaphore(%arg11 : memref<!tpu.dma_semaphore, #tpu.memory_space<semaphore_mem>>)
      %slice3A_133 = vector.extract_strided_slice %get3A_47 {offsets = [4], sizes = [1], strides = [1]} : vector<16xi32> to vector<1xi32>
      %squeeze3A_134 = vector.extract %slice3A_133[0] : i32 from vector<1xi32>
      %mul3A_135 = arith.constant 16 : i32
      %mul3A_136 = arith.muli %scan3A_41, %mul3A_135 : i32
      %add3A_137 = arith.constant 4 : i32
      %add3A_138 = arith.addi %mul3A_136, %add3A_137 : i32
      %dma_start3A_139 = arith.constant 0 : i32
      %dma_start3A_140 = arith.constant 0 : i32
      %dma_start3A_141 = tpu.memref_slice %arg8[%add3A_138, %dma_start3A_139, %dma_start3A_140] : memref<32x8x64xf32, #tpu.memory_space<vmem>> -> memref<1x8x64xf32, #tpu.memory_space<vmem>>
      %dma_start3A_142 = tpu.memref_squeeze %dma_start3A_141 : memref<1x8x64xf32, #tpu.memory_space<vmem>> -> memref<8x64xf32, #tpu.memory_space<vmem>>
      %dma_start3A_143 = arith.constant 0 : i32
      %dma_start3A_144 = arith.constant 0 : i32
      %dma_start3A_145 = tpu.memref_slice %arg4[%squeeze3A_134, %dma_start3A_143, %dma_start3A_144] : memref<125000x8x64xf32, #tpu.memory_space<hbm>> -> memref<1x8x64xf32, #tpu.memory_space<hbm>>
      %dma_start3A_146 = tpu.memref_squeeze %dma_start3A_145 : memref<1x8x64xf32, #tpu.memory_space<hbm>> -> memref<8x64xf32, #tpu.memory_space<hbm>>
      %dma_start3A_147 = arith.constant 0 : i32
      %dma_start3A_148 = arith.constant 0 : i32
      %dma_start3A_149 = tpu.memref_slice %arg8[%add3A_138, %dma_start3A_147, %dma_start3A_148] : memref<32x8x64xf32, #tpu.memory_space<vmem>> -> memref<1x8x64xf32, #tpu.memory_space<vmem>>
      %dma_start3A_150 = tpu.memref_squeeze %dma_start3A_149 : memref<1x8x64xf32, #tpu.memory_space<vmem>> -> memref<8x64xf32, #tpu.memory_space<vmem>>
      %dma_start3A_151 = arith.constant 0 : i32
      %dma_start3A_152 = arith.constant 0 : i32
      %dma_start3A_153 = tpu.memref_slice %arg4[%squeeze3A_134, %dma_start3A_151, %dma_start3A_152] : memref<125000x8x64xf32, #tpu.memory_space<hbm>> -> memref<1x8x64xf32, #tpu.memory_space<hbm>>
      %dma_start3A_154 = tpu.memref_squeeze %dma_start3A_153 : memref<1x8x64xf32, #tpu.memory_space<hbm>> -> memref<8x64xf32, #tpu.memory_space<hbm>>
      tpu.enqueue_dma source(%dma_start3A_154 : memref<8x64xf32, #tpu.memory_space<hbm>>) target(%dma_start3A_150 : memref<8x64xf32, #tpu.memory_space<vmem>>) target_semaphore(%arg11 : memref<!tpu.dma_semaphore, #tpu.memory_space<semaphore_mem>>)
      %slice3A_155 = vector.extract_strided_slice %get3A_47 {offsets = [5], sizes = [1], strides = [1]} : vector<16xi32> to vector<1xi32>
      %squeeze3A_156 = vector.extract %slice3A_155[0] : i32 from vector<1xi32>
      %mul3A_157 = arith.constant 16 : i32
      %mul3A_158 = arith.muli %scan3A_41, %mul3A_157 : i32
      %add3A_159 = arith.constant 5 : i32
      %add3A_160 = arith.addi %mul3A_158, %add3A_159 : i32
      %dma_start3A_161 = arith.constant 0 : i32
      %dma_start3A_162 = arith.constant 0 : i32
      %dma_start3A_163 = tpu.memref_slice %arg8[%add3A_160, %dma_start3A_161, %dma_start3A_162] : memref<32x8x64xf32, #tpu.memory_space<vmem>> -> memref<1x8x64xf32, #tpu.memory_space<vmem>>
      %dma_start3A_164 = tpu.memref_squeeze %dma_start3A_163 : memref<1x8x64xf32, #tpu.memory_space<vmem>> -> memref<8x64xf32, #tpu.memory_space<vmem>>
      %dma_start3A_165 = arith.constant 0 : i32
      %dma_start3A_166 = arith.constant 0 : i32
      %dma_start3A_167 = tpu.memref_slice %arg4[%squeeze3A_156, %dma_start3A_165, %dma_start3A_166] : memref<125000x8x64xf32, #tpu.memory_space<hbm>> -> memref<1x8x64xf32, #tpu.memory_space<hbm>>
      %dma_start3A_168 = tpu.memref_squeeze %dma_start3A_167 : memref<1x8x64xf32, #tpu.memory_space<hbm>> -> memref<8x64xf32, #tpu.memory_space<hbm>>
      %dma_start3A_169 = arith.constant 0 : i32
      %dma_start3A_170 = arith.constant 0 : i32
      %dma_start3A_171 = tpu.memref_slice %arg8[%add3A_160, %dma_start3A_169, %dma_start3A_170] : memref<32x8x64xf32, #tpu.memory_space<vmem>> -> memref<1x8x64xf32, #tpu.memory_space<vmem>>
      %dma_start3A_172 = tpu.memref_squeeze %dma_start3A_171 : memref<1x8x64xf32, #tpu.memory_space<vmem>> -> memref<8x64xf32, #tpu.memory_space<vmem>>
      %dma_start3A_173 = arith.constant 0 : i32
      %dma_start3A_174 = arith.constant 0 : i32
      %dma_start3A_175 = tpu.memref_slice %arg4[%squeeze3A_156, %dma_start3A_173, %dma_start3A_174] : memref<125000x8x64xf32, #tpu.memory_space<hbm>> -> memref<1x8x64xf32, #tpu.memory_space<hbm>>
      %dma_start3A_176 = tpu.memref_squeeze %dma_start3A_175 : memref<1x8x64xf32, #tpu.memory_space<hbm>> -> memref<8x64xf32, #tpu.memory_space<hbm>>
      tpu.enqueue_dma source(%dma_start3A_176 : memref<8x64xf32, #tpu.memory_space<hbm>>) target(%dma_start3A_172 : memref<8x64xf32, #tpu.memory_space<vmem>>) target_semaphore(%arg11 : memref<!tpu.dma_semaphore, #tpu.memory_space<semaphore_mem>>)
      %slice3A_177 = vector.extract_strided_slice %get3A_47 {offsets = [6], sizes = [1], strides = [1]} : vector<16xi32> to vector<1xi32>
      %squeeze3A_178 = vector.extract %slice3A_177[0] : i32 from vector<1xi32>
      %mul3A_179 = arith.constant 16 : i32
      %mul3A_180 = arith.muli %scan3A_41, %mul3A_179 : i32
      %add3A_181 = arith.constant 6 : i32
      %add3A_182 = arith.addi %mul3A_180, %add3A_181 : i32
      %dma_start3A_183 = arith.constant 0 : i32
      %dma_start3A_184 = arith.constant 0 : i32
      %dma_start3A_185 = tpu.memref_slice %arg8[%add3A_182, %dma_start3A_183, %dma_start3A_184] : memref<32x8x64xf32, #tpu.memory_space<vmem>> -> memref<1x8x64xf32, #tpu.memory_space<vmem>>
      %dma_start3A_186 = tpu.memref_squeeze %dma_start3A_185 : memref<1x8x64xf32, #tpu.memory_space<vmem>> -> memref<8x64xf32, #tpu.memory_space<vmem>>
      %dma_start3A_187 = arith.constant 0 : i32
      %dma_start3A_188 = arith.constant 0 : i32
      %dma_start3A_189 = tpu.memref_slice %arg4[%squeeze3A_178, %dma_start3A_187, %dma_start3A_188] : memref<125000x8x64xf32, #tpu.memory_space<hbm>> -> memref<1x8x64xf32, #tpu.memory_space<hbm>>
      %dma_start3A_190 = tpu.memref_squeeze %dma_start3A_189 : memref<1x8x64xf32, #tpu.memory_space<hbm>> -> memref<8x64xf32, #tpu.memory_space<hbm>>
      %dma_start3A_191 = arith.constant 0 : i32
      %dma_start3A_192 = arith.constant 0 : i32
      %dma_start3A_193 = tpu.memref_slice %arg8[%add3A_182, %dma_start3A_191, %dma_start3A_192] : memref<32x8x64xf32, #tpu.memory_space<vmem>> -> memref<1x8x64xf32, #tpu.memory_space<vmem>>
      %dma_start3A_194 = tpu.memref_squeeze %dma_start3A_193 : memref<1x8x64xf32, #tpu.memory_space<vmem>> -> memref<8x64xf32, #tpu.memory_space<vmem>>
      %dma_start3A_195 = arith.constant 0 : i32
      %dma_start3A_196 = arith.constant 0 : i32
      %dma_start3A_197 = tpu.memref_slice %arg4[%squeeze3A_178, %dma_start3A_195, %dma_start3A_196] : memref<125000x8x64xf32, #tpu.memory_space<hbm>> -> memref<1x8x64xf32, #tpu.memory_space<hbm>>
      %dma_start3A_198 = tpu.memref_squeeze %dma_start3A_197 : memref<1x8x64xf32, #tpu.memory_space<hbm>> -> memref<8x64xf32, #tpu.memory_space<hbm>>
      tpu.enqueue_dma source(%dma_start3A_198 : memref<8x64xf32, #tpu.memory_space<hbm>>) target(%dma_start3A_194 : memref<8x64xf32, #tpu.memory_space<vmem>>) target_semaphore(%arg11 : memref<!tpu.dma_semaphore, #tpu.memory_space<semaphore_mem>>)
      %slice3A_199 = vector.extract_strided_slice %get3A_47 {offsets = [7], sizes = [1], strides = [1]} : vector<16xi32> to vector<1xi32>
      %squeeze3A_200 = vector.extract %slice3A_199[0] : i32 from vector<1xi32>
      %mul3A_201 = arith.constant 16 : i32
      %mul3A_202 = arith.muli %scan3A_41, %mul3A_201 : i32
      %add3A_203 = arith.constant 7 : i32
      %add3A_204 = arith.addi %mul3A_202, %add3A_203 : i32
      %dma_start3A_205 = arith.constant 0 : i32
      %dma_start3A_206 = arith.constant 0 : i32
      %dma_start3A_207 = tpu.memref_slice %arg8[%add3A_204, %dma_start3A_205, %dma_start3A_206] : memref<32x8x64xf32, #tpu.memory_space<vmem>> -> memref<1x8x64xf32, #tpu.memory_space<vmem>>
      %dma_start3A_208 = tpu.memref_squeeze %dma_start3A_207 : memref<1x8x64xf32, #tpu.memory_space<vmem>> -> memref<8x64xf32, #tpu.memory_space<vmem>>
      %dma_start3A_209 = arith.constant 0 : i32
      %dma_start3A_210 = arith.constant 0 : i32
      %dma_start3A_211 = tpu.memref_slice %arg4[%squeeze3A_200, %dma_start3A_209, %dma_start3A_210] : memref<125000x8x64xf32, #tpu.memory_space<hbm>> -> memref<1x8x64xf32, #tpu.memory_space<hbm>>
      %dma_start3A_212 = tpu.memref_squeeze %dma_start3A_211 : memref<1x8x64xf32, #tpu.memory_space<hbm>> -> memref<8x64xf32, #tpu.memory_space<hbm>>
      %dma_start3A_213 = arith.constant 0 : i32
      %dma_start3A_214 = arith.constant 0 : i32
      %dma_start3A_215 = tpu.memref_slice %arg8[%add3A_204, %dma_start3A_213, %dma_start3A_214] : memref<32x8x64xf32, #tpu.memory_space<vmem>> -> memref<1x8x64xf32, #tpu.memory_space<vmem>>
      %dma_start3A_216 = tpu.memref_squeeze %dma_start3A_215 : memref<1x8x64xf32, #tpu.memory_space<vmem>> -> memref<8x64xf32, #tpu.memory_space<vmem>>
      %dma_start3A_217 = arith.constant 0 : i32
      %dma_start3A_218 = arith.constant 0 : i32
      %dma_start3A_219 = tpu.memref_slice %arg4[%squeeze3A_200, %dma_start3A_217, %dma_start3A_218] : memref<125000x8x64xf32, #tpu.memory_space<hbm>> -> memref<1x8x64xf32, #tpu.memory_space<hbm>>
      %dma_start3A_220 = tpu.memref_squeeze %dma_start3A_219 : memref<1x8x64xf32, #tpu.memory_space<hbm>> -> memref<8x64xf32, #tpu.memory_space<hbm>>
      tpu.enqueue_dma source(%dma_start3A_220 : memref<8x64xf32, #tpu.memory_space<hbm>>) target(%dma_start3A_216 : memref<8x64xf32, #tpu.memory_space<vmem>>) target_semaphore(%arg11 : memref<!tpu.dma_semaphore, #tpu.memory_space<semaphore_mem>>)
      %slice3A_221 = vector.extract_strided_slice %get3A_47 {offsets = [8], sizes = [1], strides = [1]} : vector<16xi32> to vector<1xi32>
      %squeeze3A_222 = vector.extract %slice3A_221[0] : i32 from vector<1xi32>
      %mul3A_223 = arith.constant 16 : i32
      %mul3A_224 = arith.muli %scan3A_41, %mul3A_223 : i32
      %add3A_225 = arith.constant 8 : i32
      %add3A_226 = arith.addi %mul3A_224, %add3A_225 : i32
      %dma_start3A_227 = arith.constant 0 : i32
      %dma_start3A_228 = arith.constant 0 : i32
      %dma_start3A_229 = tpu.memref_slice %arg8[%add3A_226, %dma_start3A_227, %dma_start3A_228] : memref<32x8x64xf32, #tpu.memory_space<vmem>> -> memref<1x8x64xf32, #tpu.memory_space<vmem>>
      %dma_start3A_230 = tpu.memref_squeeze %dma_start3A_229 : memref<1x8x64xf32, #tpu.memory_space<vmem>> -> memref<8x64xf32, #tpu.memory_space<vmem>>
      %dma_start3A_231 = arith.constant 0 : i32
      %dma_start3A_232 = arith.constant 0 : i32
      %dma_start3A_233 = tpu.memref_slice %arg4[%squeeze3A_222, %dma_start3A_231, %dma_start3A_232] : memref<125000x8x64xf32, #tpu.memory_space<hbm>> -> memref<1x8x64xf32, #tpu.memory_space<hbm>>
      %dma_start3A_234 = tpu.memref_squeeze %dma_start3A_233 : memref<1x8x64xf32, #tpu.memory_space<hbm>> -> memref<8x64xf32, #tpu.memory_space<hbm>>
      %dma_start3A_235 = arith.constant 0 : i32
      %dma_start3A_236 = arith.constant 0 : i32
      %dma_start3A_237 = tpu.memref_slice %arg8[%add3A_226, %dma_start3A_235, %dma_start3A_236] : memref<32x8x64xf32, #tpu.memory_space<vmem>> -> memref<1x8x64xf32, #tpu.memory_space<vmem>>
      %dma_start3A_238 = tpu.memref_squeeze %dma_start3A_237 : memref<1x8x64xf32, #tpu.memory_space<vmem>> -> memref<8x64xf32, #tpu.memory_space<vmem>>
      %dma_start3A_239 = arith.constant 0 : i32
      %dma_start3A_240 = arith.constant 0 : i32
      %dma_start3A_241 = tpu.memref_slice %arg4[%squeeze3A_222, %dma_start3A_239, %dma_start3A_240] : memref<125000x8x64xf32, #tpu.memory_space<hbm>> -> memref<1x8x64xf32, #tpu.memory_space<hbm>>
      %dma_start3A_242 = tpu.memref_squeeze %dma_start3A_241 : memref<1x8x64xf32, #tpu.memory_space<hbm>> -> memref<8x64xf32, #tpu.memory_space<hbm>>
      tpu.enqueue_dma source(%dma_start3A_242 : memref<8x64xf32, #tpu.memory_space<hbm>>) target(%dma_start3A_238 : memref<8x64xf32, #tpu.memory_space<vmem>>) target_semaphore(%arg11 : memref<!tpu.dma_semaphore, #tpu.memory_space<semaphore_mem>>)
      %slice3A_243 = vector.extract_strided_slice %get3A_47 {offsets = [9], sizes = [1], strides = [1]} : vector<16xi32> to vector<1xi32>
      %squeeze3A_244 = vector.extract %slice3A_243[0] : i32 from vector<1xi32>
      %mul3A_245 = arith.constant 16 : i32
      %mul3A_246 = arith.muli %scan3A_41, %mul3A_245 : i32
      %add3A_247 = arith.constant 9 : i32
      %add3A_248 = arith.addi %mul3A_246, %add3A_247 : i32
      %dma_start3A_249 = arith.constant 0 : i32
      %dma_start3A_250 = arith.constant 0 : i32
      %dma_start3A_251 = tpu.memref_slice %arg8[%add3A_248, %dma_start3A_249, %dma_start3A_250] : memref<32x8x64xf32, #tpu.memory_space<vmem>> -> memref<1x8x64xf32, #tpu.memory_space<vmem>>
      %dma_start3A_252 = tpu.memref_squeeze %dma_start3A_251 : memref<1x8x64xf32, #tpu.memory_space<vmem>> -> memref<8x64xf32, #tpu.memory_space<vmem>>
      %dma_start3A_253 = arith.constant 0 : i32
      %dma_start3A_254 = arith.constant 0 : i32
      %dma_start3A_255 = tpu.memref_slice %arg4[%squeeze3A_244, %dma_start3A_253, %dma_start3A_254] : memref<125000x8x64xf32, #tpu.memory_space<hbm>> -> memref<1x8x64xf32, #tpu.memory_space<hbm>>
      %dma_start3A_256 = tpu.memref_squeeze %dma_start3A_255 : memref<1x8x64xf32, #tpu.memory_space<hbm>> -> memref<8x64xf32, #tpu.memory_space<hbm>>
      %dma_start3A_257 = arith.constant 0 : i32
      %dma_start3A_258 = arith.constant 0 : i32
      %dma_start3A_259 = tpu.memref_slice %arg8[%add3A_248, %dma_start3A_257, %dma_start3A_258] : memref<32x8x64xf32, #tpu.memory_space<vmem>> -> memref<1x8x64xf32, #tpu.memory_space<vmem>>
      %dma_start3A_260 = tpu.memref_squeeze %dma_start3A_259 : memref<1x8x64xf32, #tpu.memory_space<vmem>> -> memref<8x64xf32, #tpu.memory_space<vmem>>
      %dma_start3A_261 = arith.constant 0 : i32
      %dma_start3A_262 = arith.constant 0 : i32
      %dma_start3A_263 = tpu.memref_slice %arg4[%squeeze3A_244, %dma_start3A_261, %dma_start3A_262] : memref<125000x8x64xf32, #tpu.memory_space<hbm>> -> memref<1x8x64xf32, #tpu.memory_space<hbm>>
      %dma_start3A_264 = tpu.memref_squeeze %dma_start3A_263 : memref<1x8x64xf32, #tpu.memory_space<hbm>> -> memref<8x64xf32, #tpu.memory_space<hbm>>
      tpu.enqueue_dma source(%dma_start3A_264 : memref<8x64xf32, #tpu.memory_space<hbm>>) target(%dma_start3A_260 : memref<8x64xf32, #tpu.memory_space<vmem>>) target_semaphore(%arg11 : memref<!tpu.dma_semaphore, #tpu.memory_space<semaphore_mem>>)
      %slice3A_265 = vector.extract_strided_slice %get3A_47 {offsets = [10], sizes = [1], strides = [1]} : vector<16xi32> to vector<1xi32>
      %squeeze3A_266 = vector.extract %slice3A_265[0] : i32 from vector<1xi32>
      %mul3A_267 = arith.constant 16 : i32
      %mul3A_268 = arith.muli %scan3A_41, %mul3A_267 : i32
      %add3A_269 = arith.constant 10 : i32
      %add3A_270 = arith.addi %mul3A_268, %add3A_269 : i32
      %dma_start3A_271 = arith.constant 0 : i32
      %dma_start3A_272 = arith.constant 0 : i32
      %dma_start3A_273 = tpu.memref_slice %arg8[%add3A_270, %dma_start3A_271, %dma_start3A_272] : memref<32x8x64xf32, #tpu.memory_space<vmem>> -> memref<1x8x64xf32, #tpu.memory_space<vmem>>
      %dma_start3A_274 = tpu.memref_squeeze %dma_start3A_273 : memref<1x8x64xf32, #tpu.memory_space<vmem>> -> memref<8x64xf32, #tpu.memory_space<vmem>>
      %dma_start3A_275 = arith.constant 0 : i32
      %dma_start3A_276 = arith.constant 0 : i32
      %dma_start3A_277 = tpu.memref_slice %arg4[%squeeze3A_266, %dma_start3A_275, %dma_start3A_276] : memref<125000x8x64xf32, #tpu.memory_space<hbm>> -> memref<1x8x64xf32, #tpu.memory_space<hbm>>
      %dma_start3A_278 = tpu.memref_squeeze %dma_start3A_277 : memref<1x8x64xf32, #tpu.memory_space<hbm>> -> memref<8x64xf32, #tpu.memory_space<hbm>>
      %dma_start3A_279 = arith.constant 0 : i32
      %dma_start3A_280 = arith.constant 0 : i32
      %dma_start3A_281 = tpu.memref_slice %arg8[%add3A_270, %dma_start3A_279, %dma_start3A_280] : memref<32x8x64xf32, #tpu.memory_space<vmem>> -> memref<1x8x64xf32, #tpu.memory_space<vmem>>
      %dma_start3A_282 = tpu.memref_squeeze %dma_start3A_281 : memref<1x8x64xf32, #tpu.memory_space<vmem>> -> memref<8x64xf32, #tpu.memory_space<vmem>>
      %dma_start3A_283 = arith.constant 0 : i32
      %dma_start3A_284 = arith.constant 0 : i32
      %dma_start3A_285 = tpu.memref_slice %arg4[%squeeze3A_266, %dma_start3A_283, %dma_start3A_284] : memref<125000x8x64xf32, #tpu.memory_space<hbm>> -> memref<1x8x64xf32, #tpu.memory_space<hbm>>
      %dma_start3A_286 = tpu.memref_squeeze %dma_start3A_285 : memref<1x8x64xf32, #tpu.memory_space<hbm>> -> memref<8x64xf32, #tpu.memory_space<hbm>>
      tpu.enqueue_dma source(%dma_start3A_286 : memref<8x64xf32, #tpu.memory_space<hbm>>) target(%dma_start3A_282 : memref<8x64xf32, #tpu.memory_space<vmem>>) target_semaphore(%arg11 : memref<!tpu.dma_semaphore, #tpu.memory_space<semaphore_mem>>)
      %slice3A_287 = vector.extract_strided_slice %get3A_47 {offsets = [11], sizes = [1], strides = [1]} : vector<16xi32> to vector<1xi32>
      %squeeze3A_288 = vector.extract %slice3A_287[0] : i32 from vector<1xi32>
      %mul3A_289 = arith.constant 16 : i32
      %mul3A_290 = arith.muli %scan3A_41, %mul3A_289 : i32
      %add3A_291 = arith.constant 11 : i32
      %add3A_292 = arith.addi %mul3A_290, %add3A_291 : i32
      %dma_start3A_293 = arith.constant 0 : i32
      %dma_start3A_294 = arith.constant 0 : i32
      %dma_start3A_295 = tpu.memref_slice %arg8[%add3A_292, %dma_start3A_293, %dma_start3A_294] : memref<32x8x64xf32, #tpu.memory_space<vmem>> -> memref<1x8x64xf32, #tpu.memory_space<vmem>>
      %dma_start3A_296 = tpu.memref_squeeze %dma_start3A_295 : memref<1x8x64xf32, #tpu.memory_space<vmem>> -> memref<8x64xf32, #tpu.memory_space<vmem>>
      %dma_start3A_297 = arith.constant 0 : i32
      %dma_start3A_298 = arith.constant 0 : i32
      %dma_start3A_299 = tpu.memref_slice %arg4[%squeeze3A_288, %dma_start3A_297, %dma_start3A_298] : memref<125000x8x64xf32, #tpu.memory_space<hbm>> -> memref<1x8x64xf32, #tpu.memory_space<hbm>>
      %dma_start3A_300 = tpu.memref_squeeze %dma_start3A_299 : memref<1x8x64xf32, #tpu.memory_space<hbm>> -> memref<8x64xf32, #tpu.memory_space<hbm>>
      %dma_start3A_301 = arith.constant 0 : i32
      %dma_start3A_302 = arith.constant 0 : i32
      %dma_start3A_303 = tpu.memref_slice %arg8[%add3A_292, %dma_start3A_301, %dma_start3A_302] : memref<32x8x64xf32, #tpu.memory_space<vmem>> -> memref<1x8x64xf32, #tpu.memory_space<vmem>>
      %dma_start3A_304 = tpu.memref_squeeze %dma_start3A_303 : memref<1x8x64xf32, #tpu.memory_space<vmem>> -> memref<8x64xf32, #tpu.memory_space<vmem>>
      %dma_start3A_305 = arith.constant 0 : i32
      %dma_start3A_306 = arith.constant 0 : i32
      %dma_start3A_307 = tpu.memref_slice %arg4[%squeeze3A_288, %dma_start3A_305, %dma_start3A_306] : memref<125000x8x64xf32, #tpu.memory_space<hbm>> -> memref<1x8x64xf32, #tpu.memory_space<hbm>>
      %dma_start3A_308 = tpu.memref_squeeze %dma_start3A_307 : memref<1x8x64xf32, #tpu.memory_space<hbm>> -> memref<8x64xf32, #tpu.memory_space<hbm>>
      tpu.enqueue_dma source(%dma_start3A_308 : memref<8x64xf32, #tpu.memory_space<hbm>>) target(%dma_start3A_304 : memref<8x64xf32, #tpu.memory_space<vmem>>) target_semaphore(%arg11 : memref<!tpu.dma_semaphore, #tpu.memory_space<semaphore_mem>>)
      %slice3A_309 = vector.extract_strided_slice %get3A_47 {offsets = [12], sizes = [1], strides = [1]} : vector<16xi32> to vector<1xi32>
      %squeeze3A_310 = vector.extract %slice3A_309[0] : i32 from vector<1xi32>
      %mul3A_311 = arith.constant 16 : i32
      %mul3A_312 = arith.muli %scan3A_41, %mul3A_311 : i32
      %add3A_313 = arith.constant 12 : i32
      %add3A_314 = arith.addi %mul3A_312, %add3A_313 : i32
      %dma_start3A_315 = arith.constant 0 : i32
      %dma_start3A_316 = arith.constant 0 : i32
      %dma_start3A_317 = tpu.memref_slice %arg8[%add3A_314, %dma_start3A_315, %dma_start3A_316] : memref<32x8x64xf32, #tpu.memory_space<vmem>> -> memref<1x8x64xf32, #tpu.memory_space<vmem>>
      %dma_start3A_318 = tpu.memref_squeeze %dma_start3A_317 : memref<1x8x64xf32, #tpu.memory_space<vmem>> -> memref<8x64xf32, #tpu.memory_space<vmem>>
      %dma_start3A_319 = arith.constant 0 : i32
      %dma_start3A_320 = arith.constant 0 : i32
      %dma_start3A_321 = tpu.memref_slice %arg4[%squeeze3A_310, %dma_start3A_319, %dma_start3A_320] : memref<125000x8x64xf32, #tpu.memory_space<hbm>> -> memref<1x8x64xf32, #tpu.memory_space<hbm>>
      %dma_start3A_322 = tpu.memref_squeeze %dma_start3A_321 : memref<1x8x64xf32, #tpu.memory_space<hbm>> -> memref<8x64xf32, #tpu.memory_space<hbm>>
      %dma_start3A_323 = arith.constant 0 : i32
      %dma_start3A_324 = arith.constant 0 : i32
      %dma_start3A_325 = tpu.memref_slice %arg8[%add3A_314, %dma_start3A_323, %dma_start3A_324] : memref<32x8x64xf32, #tpu.memory_space<vmem>> -> memref<1x8x64xf32, #tpu.memory_space<vmem>>
      %dma_start3A_326 = tpu.memref_squeeze %dma_start3A_325 : memref<1x8x64xf32, #tpu.memory_space<vmem>> -> memref<8x64xf32, #tpu.memory_space<vmem>>
      %dma_start3A_327 = arith.constant 0 : i32
      %dma_start3A_328 = arith.constant 0 : i32
      %dma_start3A_329 = tpu.memref_slice %arg4[%squeeze3A_310, %dma_start3A_327, %dma_start3A_328] : memref<125000x8x64xf32, #tpu.memory_space<hbm>> -> memref<1x8x64xf32, #tpu.memory_space<hbm>>
      %dma_start3A_330 = tpu.memref_squeeze %dma_start3A_329 : memref<1x8x64xf32, #tpu.memory_space<hbm>> -> memref<8x64xf32, #tpu.memory_space<hbm>>
      tpu.enqueue_dma source(%dma_start3A_330 : memref<8x64xf32, #tpu.memory_space<hbm>>) target(%dma_start3A_326 : memref<8x64xf32, #tpu.memory_space<vmem>>) target_semaphore(%arg11 : memref<!tpu.dma_semaphore, #tpu.memory_space<semaphore_mem>>)
      %slice3A_331 = vector.extract_strided_slice %get3A_47 {offsets = [13], sizes = [1], strides = [1]} : vector<16xi32> to vector<1xi32>
      %squeeze3A_332 = vector.extract %slice3A_331[0] : i32 from vector<1xi32>
      %mul3A_333 = arith.constant 16 : i32
      %mul3A_334 = arith.muli %scan3A_41, %mul3A_333 : i32
      %add3A_335 = arith.constant 13 : i32
      %add3A_336 = arith.addi %mul3A_334, %add3A_335 : i32
      %dma_start3A_337 = arith.constant 0 : i32
      %dma_start3A_338 = arith.constant 0 : i32
      %dma_start3A_339 = tpu.memref_slice %arg8[%add3A_336, %dma_start3A_337, %dma_start3A_338] : memref<32x8x64xf32, #tpu.memory_space<vmem>> -> memref<1x8x64xf32, #tpu.memory_space<vmem>>
      %dma_start3A_340 = tpu.memref_squeeze %dma_start3A_339 : memref<1x8x64xf32, #tpu.memory_space<vmem>> -> memref<8x64xf32, #tpu.memory_space<vmem>>
      %dma_start3A_341 = arith.constant 0 : i32
      %dma_start3A_342 = arith.constant 0 : i32
      %dma_start3A_343 = tpu.memref_slice %arg4[%squeeze3A_332, %dma_start3A_341, %dma_start3A_342] : memref<125000x8x64xf32, #tpu.memory_space<hbm>> -> memref<1x8x64xf32, #tpu.memory_space<hbm>>
      %dma_start3A_344 = tpu.memref_squeeze %dma_start3A_343 : memref<1x8x64xf32, #tpu.memory_space<hbm>> -> memref<8x64xf32, #tpu.memory_space<hbm>>
      %dma_start3A_345 = arith.constant 0 : i32
      %dma_start3A_346 = arith.constant 0 : i32
      %dma_start3A_347 = tpu.memref_slice %arg8[%add3A_336, %dma_start3A_345, %dma_start3A_346] : memref<32x8x64xf32, #tpu.memory_space<vmem>> -> memref<1x8x64xf32, #tpu.memory_space<vmem>>
      %dma_start3A_348 = tpu.memref_squeeze %dma_start3A_347 : memref<1x8x64xf32, #tpu.memory_space<vmem>> -> memref<8x64xf32, #tpu.memory_space<vmem>>
      %dma_start3A_349 = arith.constant 0 : i32
      %dma_start3A_350 = arith.constant 0 : i32
      %dma_start3A_351 = tpu.memref_slice %arg4[%squeeze3A_332, %dma_start3A_349, %dma_start3A_350] : memref<125000x8x64xf32, #tpu.memory_space<hbm>> -> memref<1x8x64xf32, #tpu.memory_space<hbm>>
      %dma_start3A_352 = tpu.memref_squeeze %dma_start3A_351 : memref<1x8x64xf32, #tpu.memory_space<hbm>> -> memref<8x64xf32, #tpu.memory_space<hbm>>
      tpu.enqueue_dma source(%dma_start3A_352 : memref<8x64xf32, #tpu.memory_space<hbm>>) target(%dma_start3A_348 : memref<8x64xf32, #tpu.memory_space<vmem>>) target_semaphore(%arg11 : memref<!tpu.dma_semaphore, #tpu.memory_space<semaphore_mem>>)
      %slice3A_353 = vector.extract_strided_slice %get3A_47 {offsets = [14], sizes = [1], strides = [1]} : vector<16xi32> to vector<1xi32>
      %squeeze3A_354 = vector.extract %slice3A_353[0] : i32 from vector<1xi32>
      %mul3A_355 = arith.constant 16 : i32
      %mul3A_356 = arith.muli %scan3A_41, %mul3A_355 : i32
      %add3A_357 = arith.constant 14 : i32
      %add3A_358 = arith.addi %mul3A_356, %add3A_357 : i32
      %dma_start3A_359 = arith.constant 0 : i32
      %dma_start3A_360 = arith.constant 0 : i32
      %dma_start3A_361 = tpu.memref_slice %arg8[%add3A_358, %dma_start3A_359, %dma_start3A_360] : memref<32x8x64xf32, #tpu.memory_space<vmem>> -> memref<1x8x64xf32, #tpu.memory_space<vmem>>
      %dma_start3A_362 = tpu.memref_squeeze %dma_start3A_361 : memref<1x8x64xf32, #tpu.memory_space<vmem>> -> memref<8x64xf32, #tpu.memory_space<vmem>>
      %dma_start3A_363 = arith.constant 0 : i32
      %dma_start3A_364 = arith.constant 0 : i32
      %dma_start3A_365 = tpu.memref_slice %arg4[%squeeze3A_354, %dma_start3A_363, %dma_start3A_364] : memref<125000x8x64xf32, #tpu.memory_space<hbm>> -> memref<1x8x64xf32, #tpu.memory_space<hbm>>
      %dma_start3A_366 = tpu.memref_squeeze %dma_start3A_365 : memref<1x8x64xf32, #tpu.memory_space<hbm>> -> memref<8x64xf32, #tpu.memory_space<hbm>>
      %dma_start3A_367 = arith.constant 0 : i32
      %dma_start3A_368 = arith.constant 0 : i32
      %dma_start3A_369 = tpu.memref_slice %arg8[%add3A_358, %dma_start3A_367, %dma_start3A_368] : memref<32x8x64xf32, #tpu.memory_space<vmem>> -> memref<1x8x64xf32, #tpu.memory_space<vmem>>
      %dma_start3A_370 = tpu.memref_squeeze %dma_start3A_369 : memref<1x8x64xf32, #tpu.memory_space<vmem>> -> memref<8x64xf32, #tpu.memory_space<vmem>>
      %dma_start3A_371 = arith.constant 0 : i32
      %dma_start3A_372 = arith.constant 0 : i32
      %dma_start3A_373 = tpu.memref_slice %arg4[%squeeze3A_354, %dma_start3A_371, %dma_start3A_372] : memref<125000x8x64xf32, #tpu.memory_space<hbm>> -> memref<1x8x64xf32, #tpu.memory_space<hbm>>
      %dma_start3A_374 = tpu.memref_squeeze %dma_start3A_373 : memref<1x8x64xf32, #tpu.memory_space<hbm>> -> memref<8x64xf32, #tpu.memory_space<hbm>>
      tpu.enqueue_dma source(%dma_start3A_374 : memref<8x64xf32, #tpu.memory_space<hbm>>) target(%dma_start3A_370 : memref<8x64xf32, #tpu.memory_space<vmem>>) target_semaphore(%arg11 : memref<!tpu.dma_semaphore, #tpu.memory_space<semaphore_mem>>)
      %slice3A_375 = vector.extract_strided_slice %get3A_47 {offsets = [15], sizes = [1], strides = [1]} : vector<16xi32> to vector<1xi32>
      %squeeze3A_376 = vector.extract %slice3A_375[0] : i32 from vector<1xi32>
      %mul3A_377 = arith.constant 16 : i32
      %mul3A_378 = arith.muli %scan3A_41, %mul3A_377 : i32
      %add3A_379 = arith.constant 15 : i32
      %add3A_380 = arith.addi %mul3A_378, %add3A_379 : i32
      %dma_start3A_381 = arith.constant 0 : i32
      %dma_start3A_382 = arith.constant 0 : i32
      %dma_start3A_383 = tpu.memref_slice %arg8[%add3A_380, %dma_start3A_381, %dma_start3A_382] : memref<32x8x64xf32, #tpu.memory_space<vmem>> -> memref<1x8x64xf32, #tpu.memory_space<vmem>>
      %dma_start3A_384 = tpu.memref_squeeze %dma_start3A_383 : memref<1x8x64xf32, #tpu.memory_space<vmem>> -> memref<8x64xf32, #tpu.memory_space<vmem>>
      %dma_start3A_385 = arith.constant 0 : i32
      %dma_start3A_386 = arith.constant 0 : i32
      %dma_start3A_387 = tpu.memref_slice %arg4[%squeeze3A_376, %dma_start3A_385, %dma_start3A_386] : memref<125000x8x64xf32, #tpu.memory_space<hbm>> -> memref<1x8x64xf32, #tpu.memory_space<hbm>>
      %dma_start3A_388 = tpu.memref_squeeze %dma_start3A_387 : memref<1x8x64xf32, #tpu.memory_space<hbm>> -> memref<8x64xf32, #tpu.memory_space<hbm>>
      %dma_start3A_389 = arith.constant 0 : i32
      %dma_start3A_390 = arith.constant 0 : i32
      %dma_start3A_391 = tpu.memref_slice %arg8[%add3A_380, %dma_start3A_389, %dma_start3A_390] : memref<32x8x64xf32, #tpu.memory_space<vmem>> -> memref<1x8x64xf32, #tpu.memory_space<vmem>>
      %dma_start3A_392 = tpu.memref_squeeze %dma_start3A_391 : memref<1x8x64xf32, #tpu.memory_space<vmem>> -> memref<8x64xf32, #tpu.memory_space<vmem>>
      %dma_start3A_393 = arith.constant 0 : i32
      %dma_start3A_394 = arith.constant 0 : i32
      %dma_start3A_395 = tpu.memref_slice %arg4[%squeeze3A_376, %dma_start3A_393, %dma_start3A_394] : memref<125000x8x64xf32, #tpu.memory_space<hbm>> -> memref<1x8x64xf32, #tpu.memory_space<hbm>>
      %dma_start3A_396 = tpu.memref_squeeze %dma_start3A_395 : memref<1x8x64xf32, #tpu.memory_space<hbm>> -> memref<8x64xf32, #tpu.memory_space<hbm>>
      tpu.enqueue_dma source(%dma_start3A_396 : memref<8x64xf32, #tpu.memory_space<hbm>>) target(%dma_start3A_392 : memref<8x64xf32, #tpu.memory_space<vmem>>) target_semaphore(%arg11 : memref<!tpu.dma_semaphore, #tpu.memory_space<semaphore_mem>>)
    }
    %scan3A_6 = arith.constant 2 : i32
    %scan3A_7 = arith.constant 0 : i32
    %scan3A_8 = arith.constant 8 : i32
    %scan3A_9 = arith.addi %scan3A_7, %scan3A_8 : i32
    %scan3A_10 = arith.constant 1 : i32
    scf.for %scan3A_41 = %scan3A_7 to %scan3A_9 step %scan3A_10  : i32 {
      %mul3A_42 = arith.constant 2 : i32
      %mul3A_43 = arith.muli %mul3A_42, %scan3A_41 : i32
      %add3A_44 = arith.constant 1 : i32
      %add3A_45 = arith.addi %mul3A_43, %add3A_44 : i32
      %scan3A_46 = arith.constant 0 : i32
      %scan3A_47 = arith.constant 2 : i32
      %scan3A_48 = arith.addi %scan3A_46, %scan3A_47 : i32
      %scan3A_49 = arith.constant 1 : i32
      scf.for %scan3A_123 = %scan3A_46 to %scan3A_48 step %scan3A_49  : i32 {
        %mul3A_124 = arith.constant 32 : i32
        %mul3A_125 = arith.muli %add3A_45, %mul3A_124 : i32
        %mul3A_126 = arith.constant 16 : i32
        %mul3A_127 = arith.muli %scan3A_123, %mul3A_126 : i32
        %add3A_128 = arith.addi %mul3A_125, %mul3A_127 : i32
        %get3A = arith.index_cast %add3A_128 : i32 to index
        %get3A_129 = tpu.vector_load %arg6[%get3A] {strides = array<i32>} : memref<512xi32, #tpu.memory_space<vmem>>, vector<16xi32>,
        %get3A_130 = vector.shape_cast %get3A_129 : vector<16xi32> to vector<16xi32>
        %slice3A = vector.extract_strided_slice %get3A_130 {offsets = [0], sizes = [1], strides = [1]} : vector<16xi32> to vector<1xi32>
        %squeeze3A = vector.extract %slice3A[0] : i32 from vector<1xi32>
        %mul3A_131 = arith.constant 16 : i32
        %mul3A_132 = arith.muli %scan3A_123, %mul3A_131 : i32
        %add3A_133 = arith.constant 0 : i32
        %add3A_134 = arith.addi %mul3A_132, %add3A_133 : i32
        %dma_start3A_135 = arith.constant 0 : i32
        %dma_start3A_136 = arith.constant 0 : i32
        %dma_start3A_137 = tpu.memref_slice %arg9[%add3A_134, %dma_start3A_135, %dma_start3A_136] : memref<32x8x64xf32, #tpu.memory_space<vmem>> -> memref<1x8x64xf32, #tpu.memory_space<vmem>>
        %dma_start3A_138 = tpu.memref_squeeze %dma_start3A_137 : memref<1x8x64xf32, #tpu.memory_space<vmem>> -> memref<8x64xf32, #tpu.memory_space<vmem>>
        %dma_start3A_139 = arith.constant 0 : i32
        %dma_start3A_140 = arith.constant 0 : i32
        %dma_start3A_141 = tpu.memref_slice %arg4[%squeeze3A, %dma_start3A_139, %dma_start3A_140] : memref<125000x8x64xf32, #tpu.memory_space<hbm>> -> memref<1x8x64xf32, #tpu.memory_space<hbm>>
        %dma_start3A_142 = tpu.memref_squeeze %dma_start3A_141 : memref<1x8x64xf32, #tpu.memory_space<hbm>> -> memref<8x64xf32, #tpu.memory_space<hbm>>
        %dma_start3A_143 = arith.constant 0 : i32
        %dma_start3A_144 = arith.constant 0 : i32
        %dma_start3A_145 = tpu.memref_slice %arg9[%add3A_134, %dma_start3A_143, %dma_start3A_144] : memref<32x8x64xf32, #tpu.memory_space<vmem>> -> memref<1x8x64xf32, #tpu.memory_space<vmem>>
        %dma_start3A_146 = tpu.memref_squeeze %dma_start3A_145 : memref<1x8x64xf32, #tpu.memory_space<vmem>> -> memref<8x64xf32, #tpu.memory_space<vmem>>
        %dma_start3A_147 = arith.constant 0 : i32
        %dma_start3A_148 = arith.constant 0 : i32
        %dma_start3A_149 = tpu.memref_slice %arg4[%squeeze3A, %dma_start3A_147, %dma_start3A_148] : memref<125000x8x64xf32, #tpu.memory_space<hbm>> -> memref<1x8x64xf32, #tpu.memory_space<hbm>>
        %dma_start3A_150 = tpu.memref_squeeze %dma_start3A_149 : memref<1x8x64xf32, #tpu.memory_space<hbm>> -> memref<8x64xf32, #tpu.memory_space<hbm>>
        tpu.enqueue_dma source(%dma_start3A_150 : memref<8x64xf32, #tpu.memory_space<hbm>>) target(%dma_start3A_146 : memref<8x64xf32, #tpu.memory_space<vmem>>) target_semaphore(%arg12 : memref<!tpu.dma_semaphore, #tpu.memory_space<semaphore_mem>>)
        %slice3A_151 = vector.extract_strided_slice %get3A_130 {offsets = [1], sizes = [1], strides = [1]} : vector<16xi32> to vector<1xi32>
        %squeeze3A_152 = vector.extract %slice3A_151[0] : i32 from vector<1xi32>
        %mul3A_153 = arith.constant 16 : i32
        %mul3A_154 = arith.muli %scan3A_123, %mul3A_153 : i32
        %add3A_155 = arith.constant 1 : i32
        %add3A_156 = arith.addi %mul3A_154, %add3A_155 : i32
        %dma_start3A_157 = arith.constant 0 : i32
        %dma_start3A_158 = arith.constant 0 : i32
        %dma_start3A_159 = tpu.memref_slice %arg9[%add3A_156, %dma_start3A_157, %dma_start3A_158] : memref<32x8x64xf32, #tpu.memory_space<vmem>> -> memref<1x8x64xf32, #tpu.memory_space<vmem>>
        %dma_start3A_160 = tpu.memref_squeeze %dma_start3A_159 : memref<1x8x64xf32, #tpu.memory_space<vmem>> -> memref<8x64xf32, #tpu.memory_space<vmem>>
        %dma_start3A_161 = arith.constant 0 : i32
        %dma_start3A_162 = arith.constant 0 : i32
        %dma_start3A_163 = tpu.memref_slice %arg4[%squeeze3A_152, %dma_start3A_161, %dma_start3A_162] : memref<125000x8x64xf32, #tpu.memory_space<hbm>> -> memref<1x8x64xf32, #tpu.memory_space<hbm>>
        %dma_start3A_164 = tpu.memref_squeeze %dma_start3A_163 : memref<1x8x64xf32, #tpu.memory_space<hbm>> -> memref<8x64xf32, #tpu.memory_space<hbm>>
        %dma_start3A_165 = arith.constant 0 : i32
        %dma_start3A_166 = arith.constant 0 : i32
        %dma_start3A_167 = tpu.memref_slice %arg9[%add3A_156, %dma_start3A_165, %dma_start3A_166] : memref<32x8x64xf32, #tpu.memory_space<vmem>> -> memref<1x8x64xf32, #tpu.memory_space<vmem>>
        %dma_start3A_168 = tpu.memref_squeeze %dma_start3A_167 : memref<1x8x64xf32, #tpu.memory_space<vmem>> -> memref<8x64xf32, #tpu.memory_space<vmem>>
        %dma_start3A_169 = arith.constant 0 : i32
        %dma_start3A_170 = arith.constant 0 : i32
        %dma_start3A_171 = tpu.memref_slice %arg4[%squeeze3A_152, %dma_start3A_169, %dma_start3A_170] : memref<125000x8x64xf32, #tpu.memory_space<hbm>> -> memref<1x8x64xf32, #tpu.memory_space<hbm>>
        %dma_start3A_172 = tpu.memref_squeeze %dma_start3A_171 : memref<1x8x64xf32, #tpu.memory_space<hbm>> -> memref<8x64xf32, #tpu.memory_space<hbm>>
        tpu.enqueue_dma source(%dma_start3A_172 : memref<8x64xf32, #tpu.memory_space<hbm>>) target(%dma_start3A_168 : memref<8x64xf32, #tpu.memory_space<vmem>>) target_semaphore(%arg12 : memref<!tpu.dma_semaphore, #tpu.memory_space<semaphore_mem>>)
        %slice3A_173 = vector.extract_strided_slice %get3A_130 {offsets = [2], sizes = [1], strides = [1]} : vector<16xi32> to vector<1xi32>
        %squeeze3A_174 = vector.extract %slice3A_173[0] : i32 from vector<1xi32>
        %mul3A_175 = arith.constant 16 : i32
        %mul3A_176 = arith.muli %scan3A_123, %mul3A_175 : i32
        %add3A_177 = arith.constant 2 : i32
        %add3A_178 = arith.addi %mul3A_176, %add3A_177 : i32
        %dma_start3A_179 = arith.constant 0 : i32
        %dma_start3A_180 = arith.constant 0 : i32
        %dma_start3A_181 = tpu.memref_slice %arg9[%add3A_178, %dma_start3A_179, %dma_start3A_180] : memref<32x8x64xf32, #tpu.memory_space<vmem>> -> memref<1x8x64xf32, #tpu.memory_space<vmem>>
        %dma_start3A_182 = tpu.memref_squeeze %dma_start3A_181 : memref<1x8x64xf32, #tpu.memory_space<vmem>> -> memref<8x64xf32, #tpu.memory_space<vmem>>
        %dma_start3A_183 = arith.constant 0 : i32
        %dma_start3A_184 = arith.constant 0 : i32
        %dma_start3A_185 = tpu.memref_slice %arg4[%squeeze3A_174, %dma_start3A_183, %dma_start3A_184] : memref<125000x8x64xf32, #tpu.memory_space<hbm>> -> memref<1x8x64xf32, #tpu.memory_space<hbm>>
        %dma_start3A_186 = tpu.memref_squeeze %dma_start3A_185 : memref<1x8x64xf32, #tpu.memory_space<hbm>> -> memref<8x64xf32, #tpu.memory_space<hbm>>
        %dma_start3A_187 = arith.constant 0 : i32
        %dma_start3A_188 = arith.constant 0 : i32
        %dma_start3A_189 = tpu.memref_slice %arg9[%add3A_178, %dma_start3A_187, %dma_start3A_188] : memref<32x8x64xf32, #tpu.memory_space<vmem>> -> memref<1x8x64xf32, #tpu.memory_space<vmem>>
        %dma_start3A_190 = tpu.memref_squeeze %dma_start3A_189 : memref<1x8x64xf32, #tpu.memory_space<vmem>> -> memref<8x64xf32, #tpu.memory_space<vmem>>
        %dma_start3A_191 = arith.constant 0 : i32
        %dma_start3A_192 = arith.constant 0 : i32
        %dma_start3A_193 = tpu.memref_slice %arg4[%squeeze3A_174, %dma_start3A_191, %dma_start3A_192] : memref<125000x8x64xf32, #tpu.memory_space<hbm>> -> memref<1x8x64xf32, #tpu.memory_space<hbm>>
        %dma_start3A_194 = tpu.memref_squeeze %dma_start3A_193 : memref<1x8x64xf32, #tpu.memory_space<hbm>> -> memref<8x64xf32, #tpu.memory_space<hbm>>
        tpu.enqueue_dma source(%dma_start3A_194 : memref<8x64xf32, #tpu.memory_space<hbm>>) target(%dma_start3A_190 : memref<8x64xf32, #tpu.memory_space<vmem>>) target_semaphore(%arg12 : memref<!tpu.dma_semaphore, #tpu.memory_space<semaphore_mem>>)
        %slice3A_195 = vector.extract_strided_slice %get3A_130 {offsets = [3], sizes = [1], strides = [1]} : vector<16xi32> to vector<1xi32>
        %squeeze3A_196 = vector.extract %slice3A_195[0] : i32 from vector<1xi32>
        %mul3A_197 = arith.constant 16 : i32
        %mul3A_198 = arith.muli %scan3A_123, %mul3A_197 : i32
        %add3A_199 = arith.constant 3 : i32
        %add3A_200 = arith.addi %mul3A_198, %add3A_199 : i32
        %dma_start3A_201 = arith.constant 0 : i32
        %dma_start3A_202 = arith.constant 0 : i32
        %dma_start3A_203 = tpu.memref_slice %arg9[%add3A_200, %dma_start3A_201, %dma_start3A_202] : memref<32x8x64xf32, #tpu.memory_space<vmem>> -> memref<1x8x64xf32, #tpu.memory_space<vmem>>
        %dma_start3A_204 = tpu.memref_squeeze %dma_start3A_203 : memref<1x8x64xf32, #tpu.memory_space<vmem>> -> memref<8x64xf32, #tpu.memory_space<vmem>>
        %dma_start3A_205 = arith.constant 0 : i32
        %dma_start3A_206 = arith.constant 0 : i32
        %dma_start3A_207 = tpu.memref_slice %arg4[%squeeze3A_196, %dma_start3A_205, %dma_start3A_206] : memref<125000x8x64xf32, #tpu.memory_space<hbm>> -> memref<1x8x64xf32, #tpu.memory_space<hbm>>
        %dma_start3A_208 = tpu.memref_squeeze %dma_start3A_207 : memref<1x8x64xf32, #tpu.memory_space<hbm>> -> memref<8x64xf32, #tpu.memory_space<hbm>>
        %dma_start3A_209 = arith.constant 0 : i32
        %dma_start3A_210 = arith.constant 0 : i32
        %dma_start3A_211 = tpu.memref_slice %arg9[%add3A_200, %dma_start3A_209, %dma_start3A_210] : memref<32x8x64xf32, #tpu.memory_space<vmem>> -> memref<1x8x64xf32, #tpu.memory_space<vmem>>
        %dma_start3A_212 = tpu.memref_squeeze %dma_start3A_211 : memref<1x8x64xf32, #tpu.memory_space<vmem>> -> memref<8x64xf32, #tpu.memory_space<vmem>>
        %dma_start3A_213 = arith.constant 0 : i32
        %dma_start3A_214 = arith.constant 0 : i32
        %dma_start3A_215 = tpu.memref_slice %arg4[%squeeze3A_196, %dma_start3A_213, %dma_start3A_214] : memref<125000x8x64xf32, #tpu.memory_space<hbm>> -> memref<1x8x64xf32, #tpu.memory_space<hbm>>
        %dma_start3A_216 = tpu.memref_squeeze %dma_start3A_215 : memref<1x8x64xf32, #tpu.memory_space<hbm>> -> memref<8x64xf32, #tpu.memory_space<hbm>>
        tpu.enqueue_dma source(%dma_start3A_216 : memref<8x64xf32, #tpu.memory_space<hbm>>) target(%dma_start3A_212 : memref<8x64xf32, #tpu.memory_space<vmem>>) target_semaphore(%arg12 : memref<!tpu.dma_semaphore, #tpu.memory_space<semaphore_mem>>)
        %slice3A_217 = vector.extract_strided_slice %get3A_130 {offsets = [4], sizes = [1], strides = [1]} : vector<16xi32> to vector<1xi32>
        %squeeze3A_218 = vector.extract %slice3A_217[0] : i32 from vector<1xi32>
        %mul3A_219 = arith.constant 16 : i32
        %mul3A_220 = arith.muli %scan3A_123, %mul3A_219 : i32
        %add3A_221 = arith.constant 4 : i32
        %add3A_222 = arith.addi %mul3A_220, %add3A_221 : i32
        %dma_start3A_223 = arith.constant 0 : i32
        %dma_start3A_224 = arith.constant 0 : i32
        %dma_start3A_225 = tpu.memref_slice %arg9[%add3A_222, %dma_start3A_223, %dma_start3A_224] : memref<32x8x64xf32, #tpu.memory_space<vmem>> -> memref<1x8x64xf32, #tpu.memory_space<vmem>>
        %dma_start3A_226 = tpu.memref_squeeze %dma_start3A_225 : memref<1x8x64xf32, #tpu.memory_space<vmem>> -> memref<8x64xf32, #tpu.memory_space<vmem>>
        %dma_start3A_227 = arith.constant 0 : i32
        %dma_start3A_228 = arith.constant 0 : i32
        %dma_start3A_229 = tpu.memref_slice %arg4[%squeeze3A_218, %dma_start3A_227, %dma_start3A_228] : memref<125000x8x64xf32, #tpu.memory_space<hbm>> -> memref<1x8x64xf32, #tpu.memory_space<hbm>>
        %dma_start3A_230 = tpu.memref_squeeze %dma_start3A_229 : memref<1x8x64xf32, #tpu.memory_space<hbm>> -> memref<8x64xf32, #tpu.memory_space<hbm>>
        %dma_start3A_231 = arith.constant 0 : i32
        %dma_start3A_232 = arith.constant 0 : i32
        %dma_start3A_233 = tpu.memref_slice %arg9[%add3A_222, %dma_start3A_231, %dma_start3A_232] : memref<32x8x64xf32, #tpu.memory_space<vmem>> -> memref<1x8x64xf32, #tpu.memory_space<vmem>>
        %dma_start3A_234 = tpu.memref_squeeze %dma_start3A_233 : memref<1x8x64xf32, #tpu.memory_space<vmem>> -> memref<8x64xf32, #tpu.memory_space<vmem>>
        %dma_start3A_235 = arith.constant 0 : i32
        %dma_start3A_236 = arith.constant 0 : i32
        %dma_start3A_237 = tpu.memref_slice %arg4[%squeeze3A_218, %dma_start3A_235, %dma_start3A_236] : memref<125000x8x64xf32, #tpu.memory_space<hbm>> -> memref<1x8x64xf32, #tpu.memory_space<hbm>>
        %dma_start3A_238 = tpu.memref_squeeze %dma_start3A_237 : memref<1x8x64xf32, #tpu.memory_space<hbm>> -> memref<8x64xf32, #tpu.memory_space<hbm>>
        tpu.enqueue_dma source(%dma_start3A_238 : memref<8x64xf32, #tpu.memory_space<hbm>>) target(%dma_start3A_234 : memref<8x64xf32, #tpu.memory_space<vmem>>) target_semaphore(%arg12 : memref<!tpu.dma_semaphore, #tpu.memory_space<semaphore_mem>>)
        %slice3A_239 = vector.extract_strided_slice %get3A_130 {offsets = [5], sizes = [1], strides = [1]} : vector<16xi32> to vector<1xi32>
        %squeeze3A_240 = vector.extract %slice3A_239[0] : i32 from vector<1xi32>
        %mul3A_241 = arith.constant 16 : i32
        %mul3A_242 = arith.muli %scan3A_123, %mul3A_241 : i32
        %add3A_243 = arith.constant 5 : i32
        %add3A_244 = arith.addi %mul3A_242, %add3A_243 : i32
        %dma_start3A_245 = arith.constant 0 : i32
        %dma_start3A_246 = arith.constant 0 : i32
        %dma_start3A_247 = tpu.memref_slice %arg9[%add3A_244, %dma_start3A_245, %dma_start3A_246] : memref<32x8x64xf32, #tpu.memory_space<vmem>> -> memref<1x8x64xf32, #tpu.memory_space<vmem>>
        %dma_start3A_248 = tpu.memref_squeeze %dma_start3A_247 : memref<1x8x64xf32, #tpu.memory_space<vmem>> -> memref<8x64xf32, #tpu.memory_space<vmem>>
        %dma_start3A_249 = arith.constant 0 : i32
        %dma_start3A_250 = arith.constant 0 : i32
        %dma_start3A_251 = tpu.memref_slice %arg4[%squeeze3A_240, %dma_start3A_249, %dma_start3A_250] : memref<125000x8x64xf32, #tpu.memory_space<hbm>> -> memref<1x8x64xf32, #tpu.memory_space<hbm>>
        %dma_start3A_252 = tpu.memref_squeeze %dma_start3A_251 : memref<1x8x64xf32, #tpu.memory_space<hbm>> -> memref<8x64xf32, #tpu.memory_space<hbm>>
        %dma_start3A_253 = arith.constant 0 : i32
        %dma_start3A_254 = arith.constant 0 : i32
        %dma_start3A_255 = tpu.memref_slice %arg9[%add3A_244, %dma_start3A_253, %dma_start3A_254] : memref<32x8x64xf32, #tpu.memory_space<vmem>> -> memref<1x8x64xf32, #tpu.memory_space<vmem>>
        %dma_start3A_256 = tpu.memref_squeeze %dma_start3A_255 : memref<1x8x64xf32, #tpu.memory_space<vmem>> -> memref<8x64xf32, #tpu.memory_space<vmem>>
        %dma_start3A_257 = arith.constant 0 : i32
        %dma_start3A_258 = arith.constant 0 : i32
        %dma_start3A_259 = tpu.memref_slice %arg4[%squeeze3A_240, %dma_start3A_257, %dma_start3A_258] : memref<125000x8x64xf32, #tpu.memory_space<hbm>> -> memref<1x8x64xf32, #tpu.memory_space<hbm>>
        %dma_start3A_260 = tpu.memref_squeeze %dma_start3A_259 : memref<1x8x64xf32, #tpu.memory_space<hbm>> -> memref<8x64xf32, #tpu.memory_space<hbm>>
        tpu.enqueue_dma source(%dma_start3A_260 : memref<8x64xf32, #tpu.memory_space<hbm>>) target(%dma_start3A_256 : memref<8x64xf32, #tpu.memory_space<vmem>>) target_semaphore(%arg12 : memref<!tpu.dma_semaphore, #tpu.memory_space<semaphore_mem>>)
        %slice3A_261 = vector.extract_strided_slice %get3A_130 {offsets = [6], sizes = [1], strides = [1]} : vector<16xi32> to vector<1xi32>
        %squeeze3A_262 = vector.extract %slice3A_261[0] : i32 from vector<1xi32>
        %mul3A_263 = arith.constant 16 : i32
        %mul3A_264 = arith.muli %scan3A_123, %mul3A_263 : i32
        %add3A_265 = arith.constant 6 : i32
        %add3A_266 = arith.addi %mul3A_264, %add3A_265 : i32
        %dma_start3A_267 = arith.constant 0 : i32
        %dma_start3A_268 = arith.constant 0 : i32
        %dma_start3A_269 = tpu.memref_slice %arg9[%add3A_266, %dma_start3A_267, %dma_start3A_268] : memref<32x8x64xf32, #tpu.memory_space<vmem>> -> memref<1x8x64xf32, #tpu.memory_space<vmem>>
        %dma_start3A_270 = tpu.memref_squeeze %dma_start3A_269 : memref<1x8x64xf32, #tpu.memory_space<vmem>> -> memref<8x64xf32, #tpu.memory_space<vmem>>
        %dma_start3A_271 = arith.constant 0 : i32
        %dma_start3A_272 = arith.constant 0 : i32
        %dma_start3A_273 = tpu.memref_slice %arg4[%squeeze3A_262, %dma_start3A_271, %dma_start3A_272] : memref<125000x8x64xf32, #tpu.memory_space<hbm>> -> memref<1x8x64xf32, #tpu.memory_space<hbm>>
        %dma_start3A_274 = tpu.memref_squeeze %dma_start3A_273 : memref<1x8x64xf32, #tpu.memory_space<hbm>> -> memref<8x64xf32, #tpu.memory_space<hbm>>
        %dma_start3A_275 = arith.constant 0 : i32
        %dma_start3A_276 = arith.constant 0 : i32
        %dma_start3A_277 = tpu.memref_slice %arg9[%add3A_266, %dma_start3A_275, %dma_start3A_276] : memref<32x8x64xf32, #tpu.memory_space<vmem>> -> memref<1x8x64xf32, #tpu.memory_space<vmem>>
        %dma_start3A_278 = tpu.memref_squeeze %dma_start3A_277 : memref<1x8x64xf32, #tpu.memory_space<vmem>> -> memref<8x64xf32, #tpu.memory_space<vmem>>
        %dma_start3A_279 = arith.constant 0 : i32
        %dma_start3A_280 = arith.constant 0 : i32
        %dma_start3A_281 = tpu.memref_slice %arg4[%squeeze3A_262, %dma_start3A_279, %dma_start3A_280] : memref<125000x8x64xf32, #tpu.memory_space<hbm>> -> memref<1x8x64xf32, #tpu.memory_space<hbm>>
        %dma_start3A_282 = tpu.memref_squeeze %dma_start3A_281 : memref<1x8x64xf32, #tpu.memory_space<hbm>> -> memref<8x64xf32, #tpu.memory_space<hbm>>
        tpu.enqueue_dma source(%dma_start3A_282 : memref<8x64xf32, #tpu.memory_space<hbm>>) target(%dma_start3A_278 : memref<8x64xf32, #tpu.memory_space<vmem>>) target_semaphore(%arg12 : memref<!tpu.dma_semaphore, #tpu.memory_space<semaphore_mem>>)
        %slice3A_283 = vector.extract_strided_slice %get3A_130 {offsets = [7], sizes = [1], strides = [1]} : vector<16xi32> to vector<1xi32>
        %squeeze3A_284 = vector.extract %slice3A_283[0] : i32 from vector<1xi32>
        %mul3A_285 = arith.constant 16 : i32
        %mul3A_286 = arith.muli %scan3A_123, %mul3A_285 : i32
        %add3A_287 = arith.constant 7 : i32
        %add3A_288 = arith.addi %mul3A_286, %add3A_287 : i32
        %dma_start3A_289 = arith.constant 0 : i32
        %dma_start3A_290 = arith.constant 0 : i32
        %dma_start3A_291 = tpu.memref_slice %arg9[%add3A_288, %dma_start3A_289, %dma_start3A_290] : memref<32x8x64xf32, #tpu.memory_space<vmem>> -> memref<1x8x64xf32, #tpu.memory_space<vmem>>
        %dma_start3A_292 = tpu.memref_squeeze %dma_start3A_291 : memref<1x8x64xf32, #tpu.memory_space<vmem>> -> memref<8x64xf32, #tpu.memory_space<vmem>>
        %dma_start3A_293 = arith.constant 0 : i32
        %dma_start3A_294 = arith.constant 0 : i32
        %dma_start3A_295 = tpu.memref_slice %arg4[%squeeze3A_284, %dma_start3A_293, %dma_start3A_294] : memref<125000x8x64xf32, #tpu.memory_space<hbm>> -> memref<1x8x64xf32, #tpu.memory_space<hbm>>
        %dma_start3A_296 = tpu.memref_squeeze %dma_start3A_295 : memref<1x8x64xf32, #tpu.memory_space<hbm>> -> memref<8x64xf32, #tpu.memory_space<hbm>>
        %dma_start3A_297 = arith.constant 0 : i32
        %dma_start3A_298 = arith.constant 0 : i32
        %dma_start3A_299 = tpu.memref_slice %arg9[%add3A_288, %dma_start3A_297, %dma_start3A_298] : memref<32x8x64xf32, #tpu.memory_space<vmem>> -> memref<1x8x64xf32, #tpu.memory_space<vmem>>
        %dma_start3A_300 = tpu.memref_squeeze %dma_start3A_299 : memref<1x8x64xf32, #tpu.memory_space<vmem>> -> memref<8x64xf32, #tpu.memory_space<vmem>>
        %dma_start3A_301 = arith.constant 0 : i32
        %dma_start3A_302 = arith.constant 0 : i32
        %dma_start3A_303 = tpu.memref_slice %arg4[%squeeze3A_284, %dma_start3A_301, %dma_start3A_302] : memref<125000x8x64xf32, #tpu.memory_space<hbm>> -> memref<1x8x64xf32, #tpu.memory_space<hbm>>
        %dma_start3A_304 = tpu.memref_squeeze %dma_start3A_303 : memref<1x8x64xf32, #tpu.memory_space<hbm>> -> memref<8x64xf32, #tpu.memory_space<hbm>>
        tpu.enqueue_dma source(%dma_start3A_304 : memref<8x64xf32, #tpu.memory_space<hbm>>) target(%dma_start3A_300 : memref<8x64xf32, #tpu.memory_space<vmem>>) target_semaphore(%arg12 : memref<!tpu.dma_semaphore, #tpu.memory_space<semaphore_mem>>)
        %slice3A_305 = vector.extract_strided_slice %get3A_130 {offsets = [8], sizes = [1], strides = [1]} : vector<16xi32> to vector<1xi32>
        %squeeze3A_306 = vector.extract %slice3A_305[0] : i32 from vector<1xi32>
        %mul3A_307 = arith.constant 16 : i32
        %mul3A_308 = arith.muli %scan3A_123, %mul3A_307 : i32
        %add3A_309 = arith.constant 8 : i32
        %add3A_310 = arith.addi %mul3A_308, %add3A_309 : i32
        %dma_start3A_311 = arith.constant 0 : i32
        %dma_start3A_312 = arith.constant 0 : i32
        %dma_start3A_313 = tpu.memref_slice %arg9[%add3A_310, %dma_start3A_311, %dma_start3A_312] : memref<32x8x64xf32, #tpu.memory_space<vmem>> -> memref<1x8x64xf32, #tpu.memory_space<vmem>>
        %dma_start3A_314 = tpu.memref_squeeze %dma_start3A_313 : memref<1x8x64xf32, #tpu.memory_space<vmem>> -> memref<8x64xf32, #tpu.memory_space<vmem>>
        %dma_start3A_315 = arith.constant 0 : i32
        %dma_start3A_316 = arith.constant 0 : i32
        %dma_start3A_317 = tpu.memref_slice %arg4[%squeeze3A_306, %dma_start3A_315, %dma_start3A_316] : memref<125000x8x64xf32, #tpu.memory_space<hbm>> -> memref<1x8x64xf32, #tpu.memory_space<hbm>>
        %dma_start3A_318 = tpu.memref_squeeze %dma_start3A_317 : memref<1x8x64xf32, #tpu.memory_space<hbm>> -> memref<8x64xf32, #tpu.memory_space<hbm>>
        %dma_start3A_319 = arith.constant 0 : i32
        %dma_start3A_320 = arith.constant 0 : i32
        %dma_start3A_321 = tpu.memref_slice %arg9[%add3A_310, %dma_start3A_319, %dma_start3A_320] : memref<32x8x64xf32, #tpu.memory_space<vmem>> -> memref<1x8x64xf32, #tpu.memory_space<vmem>>
        %dma_start3A_322 = tpu.memref_squeeze %dma_start3A_321 : memref<1x8x64xf32, #tpu.memory_space<vmem>> -> memref<8x64xf32, #tpu.memory_space<vmem>>
        %dma_start3A_323 = arith.constant 0 : i32
        %dma_start3A_324 = arith.constant 0 : i32
        %dma_start3A_325 = tpu.memref_slice %arg4[%squeeze3A_306, %dma_start3A_323, %dma_start3A_324] : memref<125000x8x64xf32, #tpu.memory_space<hbm>> -> memref<1x8x64xf32, #tpu.memory_space<hbm>>
        %dma_start3A_326 = tpu.memref_squeeze %dma_start3A_325 : memref<1x8x64xf32, #tpu.memory_space<hbm>> -> memref<8x64xf32, #tpu.memory_space<hbm>>
        tpu.enqueue_dma source(%dma_start3A_326 : memref<8x64xf32, #tpu.memory_space<hbm>>) target(%dma_start3A_322 : memref<8x64xf32, #tpu.memory_space<vmem>>) target_semaphore(%arg12 : memref<!tpu.dma_semaphore, #tpu.memory_space<semaphore_mem>>)
        %slice3A_327 = vector.extract_strided_slice %get3A_130 {offsets = [9], sizes = [1], strides = [1]} : vector<16xi32> to vector<1xi32>
        %squeeze3A_328 = vector.extract %slice3A_327[0] : i32 from vector<1xi32>
        %mul3A_329 = arith.constant 16 : i32
        %mul3A_330 = arith.muli %scan3A_123, %mul3A_329 : i32
        %add3A_331 = arith.constant 9 : i32
        %add3A_332 = arith.addi %mul3A_330, %add3A_331 : i32
        %dma_start3A_333 = arith.constant 0 : i32
        %dma_start3A_334 = arith.constant 0 : i32
        %dma_start3A_335 = tpu.memref_slice %arg9[%add3A_332, %dma_start3A_333, %dma_start3A_334] : memref<32x8x64xf32, #tpu.memory_space<vmem>> -> memref<1x8x64xf32, #tpu.memory_space<vmem>>
        %dma_start3A_336 = tpu.memref_squeeze %dma_start3A_335 : memref<1x8x64xf32, #tpu.memory_space<vmem>> -> memref<8x64xf32, #tpu.memory_space<vmem>>
        %dma_start3A_337 = arith.constant 0 : i32
        %dma_start3A_338 = arith.constant 0 : i32
        %dma_start3A_339 = tpu.memref_slice %arg4[%squeeze3A_328, %dma_start3A_337, %dma_start3A_338] : memref<125000x8x64xf32, #tpu.memory_space<hbm>> -> memref<1x8x64xf32, #tpu.memory_space<hbm>>
        %dma_start3A_340 = tpu.memref_squeeze %dma_start3A_339 : memref<1x8x64xf32, #tpu.memory_space<hbm>> -> memref<8x64xf32, #tpu.memory_space<hbm>>
        %dma_start3A_341 = arith.constant 0 : i32
        %dma_start3A_342 = arith.constant 0 : i32
        %dma_start3A_343 = tpu.memref_slice %arg9[%add3A_332, %dma_start3A_341, %dma_start3A_342] : memref<32x8x64xf32, #tpu.memory_space<vmem>> -> memref<1x8x64xf32, #tpu.memory_space<vmem>>
        %dma_start3A_344 = tpu.memref_squeeze %dma_start3A_343 : memref<1x8x64xf32, #tpu.memory_space<vmem>> -> memref<8x64xf32, #tpu.memory_space<vmem>>
        %dma_start3A_345 = arith.constant 0 : i32
        %dma_start3A_346 = arith.constant 0 : i32
        %dma_start3A_347 = tpu.memref_slice %arg4[%squeeze3A_328, %dma_start3A_345, %dma_start3A_346] : memref<125000x8x64xf32, #tpu.memory_space<hbm>> -> memref<1x8x64xf32, #tpu.memory_space<hbm>>
        %dma_start3A_348 = tpu.memref_squeeze %dma_start3A_347 : memref<1x8x64xf32, #tpu.memory_space<hbm>> -> memref<8x64xf32, #tpu.memory_space<hbm>>
        tpu.enqueue_dma source(%dma_start3A_348 : memref<8x64xf32, #tpu.memory_space<hbm>>) target(%dma_start3A_344 : memref<8x64xf32, #tpu.memory_space<vmem>>) target_semaphore(%arg12 : memref<!tpu.dma_semaphore, #tpu.memory_space<semaphore_mem>>)
        %slice3A_349 = vector.extract_strided_slice %get3A_130 {offsets = [10], sizes = [1], strides = [1]} : vector<16xi32> to vector<1xi32>
        %squeeze3A_350 = vector.extract %slice3A_349[0] : i32 from vector<1xi32>
        %mul3A_351 = arith.constant 16 : i32
        %mul3A_352 = arith.muli %scan3A_123, %mul3A_351 : i32
        %add3A_353 = arith.constant 10 : i32
        %add3A_354 = arith.addi %mul3A_352, %add3A_353 : i32
        %dma_start3A_355 = arith.constant 0 : i32
        %dma_start3A_356 = arith.constant 0 : i32
        %dma_start3A_357 = tpu.memref_slice %arg9[%add3A_354, %dma_start3A_355, %dma_start3A_356] : memref<32x8x64xf32, #tpu.memory_space<vmem>> -> memref<1x8x64xf32, #tpu.memory_space<vmem>>
        %dma_start3A_358 = tpu.memref_squeeze %dma_start3A_357 : memref<1x8x64xf32, #tpu.memory_space<vmem>> -> memref<8x64xf32, #tpu.memory_space<vmem>>
        %dma_start3A_359 = arith.constant 0 : i32
        %dma_start3A_360 = arith.constant 0 : i32
        %dma_start3A_361 = tpu.memref_slice %arg4[%squeeze3A_350, %dma_start3A_359, %dma_start3A_360] : memref<125000x8x64xf32, #tpu.memory_space<hbm>> -> memref<1x8x64xf32, #tpu.memory_space<hbm>>
        %dma_start3A_362 = tpu.memref_squeeze %dma_start3A_361 : memref<1x8x64xf32, #tpu.memory_space<hbm>> -> memref<8x64xf32, #tpu.memory_space<hbm>>
        %dma_start3A_363 = arith.constant 0 : i32
        %dma_start3A_364 = arith.constant 0 : i32
        %dma_start3A_365 = tpu.memref_slice %arg9[%add3A_354, %dma_start3A_363, %dma_start3A_364] : memref<32x8x64xf32, #tpu.memory_space<vmem>> -> memref<1x8x64xf32, #tpu.memory_space<vmem>>
        %dma_start3A_366 = tpu.memref_squeeze %dma_start3A_365 : memref<1x8x64xf32, #tpu.memory_space<vmem>> -> memref<8x64xf32, #tpu.memory_space<vmem>>
        %dma_start3A_367 = arith.constant 0 : i32
        %dma_start3A_368 = arith.constant 0 : i32
        %dma_start3A_369 = tpu.memref_slice %arg4[%squeeze3A_350, %dma_start3A_367, %dma_start3A_368] : memref<125000x8x64xf32, #tpu.memory_space<hbm>> -> memref<1x8x64xf32, #tpu.memory_space<hbm>>
        %dma_start3A_370 = tpu.memref_squeeze %dma_start3A_369 : memref<1x8x64xf32, #tpu.memory_space<hbm>> -> memref<8x64xf32, #tpu.memory_space<hbm>>
        tpu.enqueue_dma source(%dma_start3A_370 : memref<8x64xf32, #tpu.memory_space<hbm>>) target(%dma_start3A_366 : memref<8x64xf32, #tpu.memory_space<vmem>>) target_semaphore(%arg12 : memref<!tpu.dma_semaphore, #tpu.memory_space<semaphore_mem>>)
        %slice3A_371 = vector.extract_strided_slice %get3A_130 {offsets = [11], sizes = [1], strides = [1]} : vector<16xi32> to vector<1xi32>
        %squeeze3A_372 = vector.extract %slice3A_371[0] : i32 from vector<1xi32>
        %mul3A_373 = arith.constant 16 : i32
        %mul3A_374 = arith.muli %scan3A_123, %mul3A_373 : i32
        %add3A_375 = arith.constant 11 : i32
        %add3A_376 = arith.addi %mul3A_374, %add3A_375 : i32
        %dma_start3A_377 = arith.constant 0 : i32
        %dma_start3A_378 = arith.constant 0 : i32
        %dma_start3A_379 = tpu.memref_slice %arg9[%add3A_376, %dma_start3A_377, %dma_start3A_378] : memref<32x8x64xf32, #tpu.memory_space<vmem>> -> memref<1x8x64xf32, #tpu.memory_space<vmem>>
        %dma_start3A_380 = tpu.memref_squeeze %dma_start3A_379 : memref<1x8x64xf32, #tpu.memory_space<vmem>> -> memref<8x64xf32, #tpu.memory_space<vmem>>
        %dma_start3A_381 = arith.constant 0 : i32
        %dma_start3A_382 = arith.constant 0 : i32
        %dma_start3A_383 = tpu.memref_slice %arg4[%squeeze3A_372, %dma_start3A_381, %dma_start3A_382] : memref<125000x8x64xf32, #tpu.memory_space<hbm>> -> memref<1x8x64xf32, #tpu.memory_space<hbm>>
        %dma_start3A_384 = tpu.memref_squeeze %dma_start3A_383 : memref<1x8x64xf32, #tpu.memory_space<hbm>> -> memref<8x64xf32, #tpu.memory_space<hbm>>
        %dma_start3A_385 = arith.constant 0 : i32
        %dma_start3A_386 = arith.constant 0 : i32
        %dma_start3A_387 = tpu.memref_slice %arg9[%add3A_376, %dma_start3A_385, %dma_start3A_386] : memref<32x8x64xf32, #tpu.memory_space<vmem>> -> memref<1x8x64xf32, #tpu.memory_space<vmem>>
        %dma_start3A_388 = tpu.memref_squeeze %dma_start3A_387 : memref<1x8x64xf32, #tpu.memory_space<vmem>> -> memref<8x64xf32, #tpu.memory_space<vmem>>
        %dma_start3A_389 = arith.constant 0 : i32
        %dma_start3A_390 = arith.constant 0 : i32
        %dma_start3A_391 = tpu.memref_slice %arg4[%squeeze3A_372, %dma_start3A_389, %dma_start3A_390] : memref<125000x8x64xf32, #tpu.memory_space<hbm>> -> memref<1x8x64xf32, #tpu.memory_space<hbm>>
        %dma_start3A_392 = tpu.memref_squeeze %dma_start3A_391 : memref<1x8x64xf32, #tpu.memory_space<hbm>> -> memref<8x64xf32, #tpu.memory_space<hbm>>
        tpu.enqueue_dma source(%dma_start3A_392 : memref<8x64xf32, #tpu.memory_space<hbm>>) target(%dma_start3A_388 : memref<8x64xf32, #tpu.memory_space<vmem>>) target_semaphore(%arg12 : memref<!tpu.dma_semaphore, #tpu.memory_space<semaphore_mem>>)
        %slice3A_393 = vector.extract_strided_slice %get3A_130 {offsets = [12], sizes = [1], strides = [1]} : vector<16xi32> to vector<1xi32>
        %squeeze3A_394 = vector.extract %slice3A_393[0] : i32 from vector<1xi32>
        %mul3A_395 = arith.constant 16 : i32
        %mul3A_396 = arith.muli %scan3A_123, %mul3A_395 : i32
        %add3A_397 = arith.constant 12 : i32
        %add3A_398 = arith.addi %mul3A_396, %add3A_397 : i32
        %dma_start3A_399 = arith.constant 0 : i32
        %dma_start3A_400 = arith.constant 0 : i32
        %dma_start3A_401 = tpu.memref_slice %arg9[%add3A_398, %dma_start3A_399, %dma_start3A_400] : memref<32x8x64xf32, #tpu.memory_space<vmem>> -> memref<1x8x64xf32, #tpu.memory_space<vmem>>
        %dma_start3A_402 = tpu.memref_squeeze %dma_start3A_401 : memref<1x8x64xf32, #tpu.memory_space<vmem>> -> memref<8x64xf32, #tpu.memory_space<vmem>>
        %dma_start3A_403 = arith.constant 0 : i32
        %dma_start3A_404 = arith.constant 0 : i32
        %dma_start3A_405 = tpu.memref_slice %arg4[%squeeze3A_394, %dma_start3A_403, %dma_start3A_404] : memref<125000x8x64xf32, #tpu.memory_space<hbm>> -> memref<1x8x64xf32, #tpu.memory_space<hbm>>
        %dma_start3A_406 = tpu.memref_squeeze %dma_start3A_405 : memref<1x8x64xf32, #tpu.memory_space<hbm>> -> memref<8x64xf32, #tpu.memory_space<hbm>>
        %dma_start3A_407 = arith.constant 0 : i32
        %dma_start3A_408 = arith.constant 0 : i32
        %dma_start3A_409 = tpu.memref_slice %arg9[%add3A_398, %dma_start3A_407, %dma_start3A_408] : memref<32x8x64xf32, #tpu.memory_space<vmem>> -> memref<1x8x64xf32, #tpu.memory_space<vmem>>
        %dma_start3A_410 = tpu.memref_squeeze %dma_start3A_409 : memref<1x8x64xf32, #tpu.memory_space<vmem>> -> memref<8x64xf32, #tpu.memory_space<vmem>>
        %dma_start3A_411 = arith.constant 0 : i32
        %dma_start3A_412 = arith.constant 0 : i32
        %dma_start3A_413 = tpu.memref_slice %arg4[%squeeze3A_394, %dma_start3A_411, %dma_start3A_412] : memref<125000x8x64xf32, #tpu.memory_space<hbm>> -> memref<1x8x64xf32, #tpu.memory_space<hbm>>
        %dma_start3A_414 = tpu.memref_squeeze %dma_start3A_413 : memref<1x8x64xf32, #tpu.memory_space<hbm>> -> memref<8x64xf32, #tpu.memory_space<hbm>>
        tpu.enqueue_dma source(%dma_start3A_414 : memref<8x64xf32, #tpu.memory_space<hbm>>) target(%dma_start3A_410 : memref<8x64xf32, #tpu.memory_space<vmem>>) target_semaphore(%arg12 : memref<!tpu.dma_semaphore, #tpu.memory_space<semaphore_mem>>)
        %slice3A_415 = vector.extract_strided_slice %get3A_130 {offsets = [13], sizes = [1], strides = [1]} : vector<16xi32> to vector<1xi32>
        %squeeze3A_416 = vector.extract %slice3A_415[0] : i32 from vector<1xi32>
        %mul3A_417 = arith.constant 16 : i32
        %mul3A_418 = arith.muli %scan3A_123, %mul3A_417 : i32
        %add3A_419 = arith.constant 13 : i32
        %add3A_420 = arith.addi %mul3A_418, %add3A_419 : i32
        %dma_start3A_421 = arith.constant 0 : i32
        %dma_start3A_422 = arith.constant 0 : i32
        %dma_start3A_423 = tpu.memref_slice %arg9[%add3A_420, %dma_start3A_421, %dma_start3A_422] : memref<32x8x64xf32, #tpu.memory_space<vmem>> -> memref<1x8x64xf32, #tpu.memory_space<vmem>>
        %dma_start3A_424 = tpu.memref_squeeze %dma_start3A_423 : memref<1x8x64xf32, #tpu.memory_space<vmem>> -> memref<8x64xf32, #tpu.memory_space<vmem>>
        %dma_start3A_425 = arith.constant 0 : i32
        %dma_start3A_426 = arith.constant 0 : i32
        %dma_start3A_427 = tpu.memref_slice %arg4[%squeeze3A_416, %dma_start3A_425, %dma_start3A_426] : memref<125000x8x64xf32, #tpu.memory_space<hbm>> -> memref<1x8x64xf32, #tpu.memory_space<hbm>>
        %dma_start3A_428 = tpu.memref_squeeze %dma_start3A_427 : memref<1x8x64xf32, #tpu.memory_space<hbm>> -> memref<8x64xf32, #tpu.memory_space<hbm>>
        %dma_start3A_429 = arith.constant 0 : i32
        %dma_start3A_430 = arith.constant 0 : i32
        %dma_start3A_431 = tpu.memref_slice %arg9[%add3A_420, %dma_start3A_429, %dma_start3A_430] : memref<32x8x64xf32, #tpu.memory_space<vmem>> -> memref<1x8x64xf32, #tpu.memory_space<vmem>>
        %dma_start3A_432 = tpu.memref_squeeze %dma_start3A_431 : memref<1x8x64xf32, #tpu.memory_space<vmem>> -> memref<8x64xf32, #tpu.memory_space<vmem>>
        %dma_start3A_433 = arith.constant 0 : i32
        %dma_start3A_434 = arith.constant 0 : i32
        %dma_start3A_435 = tpu.memref_slice %arg4[%squeeze3A_416, %dma_start3A_433, %dma_start3A_434] : memref<125000x8x64xf32, #tpu.memory_space<hbm>> -> memref<1x8x64xf32, #tpu.memory_space<hbm>>
        %dma_start3A_436 = tpu.memref_squeeze %dma_start3A_435 : memref<1x8x64xf32, #tpu.memory_space<hbm>> -> memref<8x64xf32, #tpu.memory_space<hbm>>
        tpu.enqueue_dma source(%dma_start3A_436 : memref<8x64xf32, #tpu.memory_space<hbm>>) target(%dma_start3A_432 : memref<8x64xf32, #tpu.memory_space<vmem>>) target_semaphore(%arg12 : memref<!tpu.dma_semaphore, #tpu.memory_space<semaphore_mem>>)
        %slice3A_437 = vector.extract_strided_slice %get3A_130 {offsets = [14], sizes = [1], strides = [1]} : vector<16xi32> to vector<1xi32>
        %squeeze3A_438 = vector.extract %slice3A_437[0] : i32 from vector<1xi32>
        %mul3A_439 = arith.constant 16 : i32
        %mul3A_440 = arith.muli %scan3A_123, %mul3A_439 : i32
        %add3A_441 = arith.constant 14 : i32
        %add3A_442 = arith.addi %mul3A_440, %add3A_441 : i32
        %dma_start3A_443 = arith.constant 0 : i32
        %dma_start3A_444 = arith.constant 0 : i32
        %dma_start3A_445 = tpu.memref_slice %arg9[%add3A_442, %dma_start3A_443, %dma_start3A_444] : memref<32x8x64xf32, #tpu.memory_space<vmem>> -> memref<1x8x64xf32, #tpu.memory_space<vmem>>
        %dma_start3A_446 = tpu.memref_squeeze %dma_start3A_445 : memref<1x8x64xf32, #tpu.memory_space<vmem>> -> memref<8x64xf32, #tpu.memory_space<vmem>>
        %dma_start3A_447 = arith.constant 0 : i32
        %dma_start3A_448 = arith.constant 0 : i32
        %dma_start3A_449 = tpu.memref_slice %arg4[%squeeze3A_438, %dma_start3A_447, %dma_start3A_448] : memref<125000x8x64xf32, #tpu.memory_space<hbm>> -> memref<1x8x64xf32, #tpu.memory_space<hbm>>
        %dma_start3A_450 = tpu.memref_squeeze %dma_start3A_449 : memref<1x8x64xf32, #tpu.memory_space<hbm>> -> memref<8x64xf32, #tpu.memory_space<hbm>>
        %dma_start3A_451 = arith.constant 0 : i32
        %dma_start3A_452 = arith.constant 0 : i32
        %dma_start3A_453 = tpu.memref_slice %arg9[%add3A_442, %dma_start3A_451, %dma_start3A_452] : memref<32x8x64xf32, #tpu.memory_space<vmem>> -> memref<1x8x64xf32, #tpu.memory_space<vmem>>
        %dma_start3A_454 = tpu.memref_squeeze %dma_start3A_453 : memref<1x8x64xf32, #tpu.memory_space<vmem>> -> memref<8x64xf32, #tpu.memory_space<vmem>>
        %dma_start3A_455 = arith.constant 0 : i32
        %dma_start3A_456 = arith.constant 0 : i32
        %dma_start3A_457 = tpu.memref_slice %arg4[%squeeze3A_438, %dma_start3A_455, %dma_start3A_456] : memref<125000x8x64xf32, #tpu.memory_space<hbm>> -> memref<1x8x64xf32, #tpu.memory_space<hbm>>
        %dma_start3A_458 = tpu.memref_squeeze %dma_start3A_457 : memref<1x8x64xf32, #tpu.memory_space<hbm>> -> memref<8x64xf32, #tpu.memory_space<hbm>>
        tpu.enqueue_dma source(%dma_start3A_458 : memref<8x64xf32, #tpu.memory_space<hbm>>) target(%dma_start3A_454 : memref<8x64xf32, #tpu.memory_space<vmem>>) target_semaphore(%arg12 : memref<!tpu.dma_semaphore, #tpu.memory_space<semaphore_mem>>)
        %slice3A_459 = vector.extract_strided_slice %get3A_130 {offsets = [15], sizes = [1], strides = [1]} : vector<16xi32> to vector<1xi32>
        %squeeze3A_460 = vector.extract %slice3A_459[0] : i32 from vector<1xi32>
        %mul3A_461 = arith.constant 16 : i32
        %mul3A_462 = arith.muli %scan3A_123, %mul3A_461 : i32
        %add3A_463 = arith.constant 15 : i32
        %add3A_464 = arith.addi %mul3A_462, %add3A_463 : i32
        %dma_start3A_465 = arith.constant 0 : i32
        %dma_start3A_466 = arith.constant 0 : i32
        %dma_start3A_467 = tpu.memref_slice %arg9[%add3A_464, %dma_start3A_465, %dma_start3A_466] : memref<32x8x64xf32, #tpu.memory_space<vmem>> -> memref<1x8x64xf32, #tpu.memory_space<vmem>>
        %dma_start3A_468 = tpu.memref_squeeze %dma_start3A_467 : memref<1x8x64xf32, #tpu.memory_space<vmem>> -> memref<8x64xf32, #tpu.memory_space<vmem>>
        %dma_start3A_469 = arith.constant 0 : i32
        %dma_start3A_470 = arith.constant 0 : i32
        %dma_start3A_471 = tpu.memref_slice %arg4[%squeeze3A_460, %dma_start3A_469, %dma_start3A_470] : memref<125000x8x64xf32, #tpu.memory_space<hbm>> -> memref<1x8x64xf32, #tpu.memory_space<hbm>>
        %dma_start3A_472 = tpu.memref_squeeze %dma_start3A_471 : memref<1x8x64xf32, #tpu.memory_space<hbm>> -> memref<8x64xf32, #tpu.memory_space<hbm>>
        %dma_start3A_473 = arith.constant 0 : i32
        %dma_start3A_474 = arith.constant 0 : i32
        %dma_start3A_475 = tpu.memref_slice %arg9[%add3A_464, %dma_start3A_473, %dma_start3A_474] : memref<32x8x64xf32, #tpu.memory_space<vmem>> -> memref<1x8x64xf32, #tpu.memory_space<vmem>>
        %dma_start3A_476 = tpu.memref_squeeze %dma_start3A_475 : memref<1x8x64xf32, #tpu.memory_space<vmem>> -> memref<8x64xf32, #tpu.memory_space<vmem>>
        %dma_start3A_477 = arith.constant 0 : i32
        %dma_start3A_478 = arith.constant 0 : i32
        %dma_start3A_479 = tpu.memref_slice %arg4[%squeeze3A_460, %dma_start3A_477, %dma_start3A_478] : memref<125000x8x64xf32, #tpu.memory_space<hbm>> -> memref<1x8x64xf32, #tpu.memory_space<hbm>>
        %dma_start3A_480 = tpu.memref_squeeze %dma_start3A_479 : memref<1x8x64xf32, #tpu.memory_space<hbm>> -> memref<8x64xf32, #tpu.memory_space<hbm>>
        tpu.enqueue_dma source(%dma_start3A_480 : memref<8x64xf32, #tpu.memory_space<hbm>>) target(%dma_start3A_476 : memref<8x64xf32, #tpu.memory_space<vmem>>) target_semaphore(%arg12 : memref<!tpu.dma_semaphore, #tpu.memory_space<semaphore_mem>>)
      }
      %scan3A_50 = arith.constant 2 : i32
      %dma_wait3A_51 = arith.constant 0 : i32
      %dma_wait3A_52 = arith.constant 0 : i32
      %dma_wait3A_53 = arith.constant 0 : i32
      %dma_wait3A_54 = tpu.memref_slice %arg4[%dma_wait3A_51, %dma_wait3A_52, %dma_wait3A_53] : memref<125000x8x64xf32, #tpu.memory_space<hbm>> -> memref<32x8x64xf32, #tpu.memory_space<hbm>>
      %dma_wait3A_55 = arith.constant 0 : i32
      %dma_wait3A_56 = arith.constant 0 : i32
      %dma_wait3A_57 = arith.constant 0 : i32
      %dma_wait3A_58 = tpu.memref_slice %arg4[%dma_wait3A_55, %dma_wait3A_56, %dma_wait3A_57] : memref<125000x8x64xf32, #tpu.memory_space<hbm>> -> memref<32x8x64xf32, #tpu.memory_space<hbm>>
      tpu.wait_dma2 semaphore(%arg11 : memref<!tpu.dma_semaphore, #tpu.memory_space<semaphore_mem>>) src(%dma_wait3A_58 : memref<32x8x64xf32, #tpu.memory_space<hbm>>) dst(%arg8 : memref<32x8x64xf32, #tpu.memory_space<vmem>>)
      %ge3A = arith.constant 1 : i32
      %ge3A_59 = arith.cmpi sge, %scan3A_41, %ge3A : i32
      %convert_element_type3A = arith.extui %ge3A_59 : i1 to i32
      %cond3A = arith.constant 0 : i32
      %cond3A_60 = arith.cmpi ne, %convert_element_type3A, %cond3A : i32
      scf.if %cond3A_60 {
        %dma_wait3A_123 = arith.constant 0 : i32
        %dma_wait3A_124 = arith.constant 0 : i32
        %dma_wait3A_125 = arith.constant 0 : i32
        %dma_wait3A_126 = tpu.memref_slice %arg10[%dma_wait3A_123, %dma_wait3A_124, %dma_wait3A_125] : memref<2x32x64xf32, #tpu.memory_space<vmem>> -> memref<1x32x64xf32, #tpu.memory_space<vmem>>
        %dma_wait3A_127 = tpu.memref_squeeze %dma_wait3A_126 : memref<1x32x64xf32, #tpu.memory_space<vmem>> -> memref<32x64xf32, #tpu.memory_space<vmem>>
        %dma_wait3A_128 = arith.constant 0 : i32
        %dma_wait3A_129 = arith.constant 0 : i32
        %dma_wait3A_130 = tpu.memref_slice %arg5[%dma_wait3A_128, %dma_wait3A_129] : memref<16384x64xf32, #tpu.memory_space<hbm>> -> memref<32x64xf32, #tpu.memory_space<hbm>>
        %dma_wait3A_131 = arith.constant 0 : i32
        %dma_wait3A_132 = arith.constant 0 : i32
        %dma_wait3A_133 = tpu.memref_slice %arg10[%dma_wait3A_123, %dma_wait3A_131, %dma_wait3A_132] : memref<2x32x64xf32, #tpu.memory_space<vmem>> -> memref<1x32x64xf32, #tpu.memory_space<vmem>>
        %dma_wait3A_134 = tpu.memref_squeeze %dma_wait3A_133 : memref<1x32x64xf32, #tpu.memory_space<vmem>> -> memref<32x64xf32, #tpu.memory_space<vmem>>
        %dma_wait3A_135 = arith.constant 0 : i32
        %dma_wait3A_136 = arith.constant 0 : i32
        %dma_wait3A_137 = tpu.memref_slice %arg5[%dma_wait3A_135, %dma_wait3A_136] : memref<16384x64xf32, #tpu.memory_space<hbm>> -> memref<32x64xf32, #tpu.memory_space<hbm>>
        tpu.wait_dma2 semaphore(%arg13 : memref<!tpu.dma_semaphore, #tpu.memory_space<semaphore_mem>>) src(%dma_wait3A_137 : memref<32x64xf32, #tpu.memory_space<hbm>>) dst(%dma_wait3A_134 : memref<32x64xf32, #tpu.memory_space<vmem>>)
      } else {
      }
      %scan3A_61 = arith.constant 0 : i32
      %scan3A_62 = arith.constant 2 : i32
      %scan3A_63 = arith.addi %scan3A_61, %scan3A_62 : i32
      %scan3A_64 = arith.constant 1 : i32
      scf.for %scan3A_123 = %scan3A_61 to %scan3A_63 step %scan3A_64  : i32 {
        %mul3A_124 = arith.constant 32 : i32
        %mul3A_125 = arith.muli %mul3A_43, %mul3A_124 : i32
        %mul3A_126 = arith.constant 16 : i32
        %mul3A_127 = arith.muli %scan3A_123, %mul3A_126 : i32
        %add3A_128 = arith.addi %mul3A_125, %mul3A_127 : i32
        %get3A = arith.index_cast %add3A_128 : i32 to index
        %get3A_129 = tpu.vector_load %arg7[%get3A] {strides = array<i32>} : memref<512xi32, #tpu.memory_space<vmem>>, vector<16xi32>,
        %get3A_130 = vector.shape_cast %get3A_129 : vector<16xi32> to vector<16xi32>
        %mul3A_131 = arith.constant 16 : i32
        %mul3A_132 = arith.muli %scan3A_123, %mul3A_131 : i32
        %add3A_133 = arith.constant 0 : i32
        %add3A_134 = arith.addi %mul3A_132, %add3A_133 : i32
        %slice3A = vector.extract_strided_slice %get3A_130 {offsets = [0], sizes = [1], strides = [1]} : vector<16xi32> to vector<1xi32>
        %squeeze3A = vector.extract %slice3A[0] : i32 from vector<1xi32>
        %get3A_135 = arith.index_cast %add3A_134 : i32 to index
        %get3A_136 = arith.index_cast %squeeze3A : i32 to index
        %get3A_137 = arith.constant 0 : index
        %get3A_138 = tpu.vector_load %arg8[%get3A_135, %get3A_136, %get3A_137] {strides = array<i32>} : memref<32x8x64xf32, #tpu.memory_space<vmem>>, vector<1x1x16xf32>,
        %get3A_139 = vector.shape_cast %get3A_138 : vector<1x1x16xf32> to vector<16xf32>
        %swap3A = arith.constant 0 : i32
        %swap3A_140 = arith.index_cast %swap3A : i32 to index
        %swap3A_141 = arith.index_cast %add3A_134 : i32 to index
        %swap3A_142 = arith.constant 0 : index
        %swap3A_143 = tpu.vector_load %arg10[%swap3A_140, %swap3A_141, %swap3A_142] {strides = array<i32>} : memref<2x32x64xf32, #tpu.memory_space<vmem>>, vector<1x1x16xf32>,
        %swap3A_144 = vector.shape_cast %swap3A_143 : vector<1x1x16xf32> to vector<16xf32>
        %swap3A_145 = vector.shape_cast %get3A_139 : vector<16xf32> to vector<1x1x16xf32>
        tpu.vector_store %arg10[%swap3A_140, %swap3A_141, %swap3A_142], %swap3A_145 {strides = array<i32>} : memref<2x32x64xf32, #tpu.memory_space<vmem>>, vector<1x1x16xf32>,
        %get3A_146 = arith.index_cast %add3A_134 : i32 to index
        %get3A_147 = arith.index_cast %squeeze3A : i32 to index
        %get3A_148 = arith.constant 16 : index
        %get3A_149 = tpu.vector_load %arg8[%get3A_146, %get3A_147, %get3A_148] {strides = array<i32>} : memref<32x8x64xf32, #tpu.memory_space<vmem>>, vector<1x1x16xf32>,
        %get3A_150 = vector.shape_cast %get3A_149 : vector<1x1x16xf32> to vector<16xf32>
        %swap3A_151 = arith.constant 0 : i32
        %swap3A_152 = arith.index_cast %swap3A_151 : i32 to index
        %swap3A_153 = arith.index_cast %add3A_134 : i32 to index
        %swap3A_154 = arith.constant 16 : index
        %swap3A_155 = tpu.vector_load %arg10[%swap3A_152, %swap3A_153, %swap3A_154] {strides = array<i32>} : memref<2x32x64xf32, #tpu.memory_space<vmem>>, vector<1x1x16xf32>,
        %swap3A_156 = vector.shape_cast %swap3A_155 : vector<1x1x16xf32> to vector<16xf32>
        %swap3A_157 = vector.shape_cast %get3A_150 : vector<16xf32> to vector<1x1x16xf32>
        tpu.vector_store %arg10[%swap3A_152, %swap3A_153, %swap3A_154], %swap3A_157 {strides = array<i32>} : memref<2x32x64xf32, #tpu.memory_space<vmem>>, vector<1x1x16xf32>,
        %get3A_158 = arith.index_cast %add3A_134 : i32 to index
        %get3A_159 = arith.index_cast %squeeze3A : i32 to index
        %get3A_160 = arith.constant 32 : index
        %get3A_161 = tpu.vector_load %arg8[%get3A_158, %get3A_159, %get3A_160] {strides = array<i32>} : memref<32x8x64xf32, #tpu.memory_space<vmem>>, vector<1x1x16xf32>,
        %get3A_162 = vector.shape_cast %get3A_161 : vector<1x1x16xf32> to vector<16xf32>
        %swap3A_163 = arith.constant 0 : i32
        %swap3A_164 = arith.index_cast %swap3A_163 : i32 to index
        %swap3A_165 = arith.index_cast %add3A_134 : i32 to index
        %swap3A_166 = arith.constant 32 : index
        %swap3A_167 = tpu.vector_load %arg10[%swap3A_164, %swap3A_165, %swap3A_166] {strides = array<i32>} : memref<2x32x64xf32, #tpu.memory_space<vmem>>, vector<1x1x16xf32>,
        %swap3A_168 = vector.shape_cast %swap3A_167 : vector<1x1x16xf32> to vector<16xf32>
        %swap3A_169 = vector.shape_cast %get3A_162 : vector<16xf32> to vector<1x1x16xf32>
        tpu.vector_store %arg10[%swap3A_164, %swap3A_165, %swap3A_166], %swap3A_169 {strides = array<i32>} : memref<2x32x64xf32, #tpu.memory_space<vmem>>, vector<1x1x16xf32>,
        %get3A_170 = arith.index_cast %add3A_134 : i32 to index
        %get3A_171 = arith.index_cast %squeeze3A : i32 to index
        %get3A_172 = arith.constant 48 : index
        %get3A_173 = tpu.vector_load %arg8[%get3A_170, %get3A_171, %get3A_172] {strides = array<i32>} : memref<32x8x64xf32, #tpu.memory_space<vmem>>, vector<1x1x16xf32>,
        %get3A_174 = vector.shape_cast %get3A_173 : vector<1x1x16xf32> to vector<16xf32>
        %swap3A_175 = arith.constant 0 : i32
        %swap3A_176 = arith.index_cast %swap3A_175 : i32 to index
        %swap3A_177 = arith.index_cast %add3A_134 : i32 to index
        %swap3A_178 = arith.constant 48 : index
        %swap3A_179 = tpu.vector_load %arg10[%swap3A_176, %swap3A_177, %swap3A_178] {strides = array<i32>} : memref<2x32x64xf32, #tpu.memory_space<vmem>>, vector<1x1x16xf32>,
        %swap3A_180 = vector.shape_cast %swap3A_179 : vector<1x1x16xf32> to vector<16xf32>
        %swap3A_181 = vector.shape_cast %get3A_174 : vector<16xf32> to vector<1x1x16xf32>
        tpu.vector_store %arg10[%swap3A_176, %swap3A_177, %swap3A_178], %swap3A_181 {strides = array<i32>} : memref<2x32x64xf32, #tpu.memory_space<vmem>>, vector<1x1x16xf32>,
        %mul3A_182 = arith.constant 16 : i32
        %mul3A_183 = arith.muli %scan3A_123, %mul3A_182 : i32
        %add3A_184 = arith.constant 1 : i32
        %add3A_185 = arith.addi %mul3A_183, %add3A_184 : i32
        %slice3A_186 = vector.extract_strided_slice %get3A_130 {offsets = [1], sizes = [1], strides = [1]} : vector<16xi32> to vector<1xi32>
        %squeeze3A_187 = vector.extract %slice3A_186[0] : i32 from vector<1xi32>
        %get3A_188 = arith.index_cast %add3A_185 : i32 to index
        %get3A_189 = arith.index_cast %squeeze3A_187 : i32 to index
        %get3A_190 = arith.constant 0 : index
        %get3A_191 = tpu.vector_load %arg8[%get3A_188, %get3A_189, %get3A_190] {strides = array<i32>} : memref<32x8x64xf32, #tpu.memory_space<vmem>>, vector<1x1x16xf32>,
        %get3A_192 = vector.shape_cast %get3A_191 : vector<1x1x16xf32> to vector<16xf32>
        %swap3A_193 = arith.constant 0 : i32
        %swap3A_194 = arith.index_cast %swap3A_193 : i32 to index
        %swap3A_195 = arith.index_cast %add3A_185 : i32 to index
        %swap3A_196 = arith.constant 0 : index
        %swap3A_197 = tpu.vector_load %arg10[%swap3A_194, %swap3A_195, %swap3A_196] {strides = array<i32>} : memref<2x32x64xf32, #tpu.memory_space<vmem>>, vector<1x1x16xf32>,
        %swap3A_198 = vector.shape_cast %swap3A_197 : vector<1x1x16xf32> to vector<16xf32>
        %swap3A_199 = vector.shape_cast %get3A_192 : vector<16xf32> to vector<1x1x16xf32>
        tpu.vector_store %arg10[%swap3A_194, %swap3A_195, %swap3A_196], %swap3A_199 {strides = array<i32>} : memref<2x32x64xf32, #tpu.memory_space<vmem>>, vector<1x1x16xf32>,
        %get3A_200 = arith.index_cast %add3A_185 : i32 to index
        %get3A_201 = arith.index_cast %squeeze3A_187 : i32 to index
        %get3A_202 = arith.constant 16 : index
        %get3A_203 = tpu.vector_load %arg8[%get3A_200, %get3A_201, %get3A_202] {strides = array<i32>} : memref<32x8x64xf32, #tpu.memory_space<vmem>>, vector<1x1x16xf32>,
        %get3A_204 = vector.shape_cast %get3A_203 : vector<1x1x16xf32> to vector<16xf32>
        %swap3A_205 = arith.constant 0 : i32
        %swap3A_206 = arith.index_cast %swap3A_205 : i32 to index
        %swap3A_207 = arith.index_cast %add3A_185 : i32 to index
        %swap3A_208 = arith.constant 16 : index
        %swap3A_209 = tpu.vector_load %arg10[%swap3A_206, %swap3A_207, %swap3A_208] {strides = array<i32>} : memref<2x32x64xf32, #tpu.memory_space<vmem>>, vector<1x1x16xf32>,
        %swap3A_210 = vector.shape_cast %swap3A_209 : vector<1x1x16xf32> to vector<16xf32>
        %swap3A_211 = vector.shape_cast %get3A_204 : vector<16xf32> to vector<1x1x16xf32>
        tpu.vector_store %arg10[%swap3A_206, %swap3A_207, %swap3A_208], %swap3A_211 {strides = array<i32>} : memref<2x32x64xf32, #tpu.memory_space<vmem>>, vector<1x1x16xf32>,
        %get3A_212 = arith.index_cast %add3A_185 : i32 to index
        %get3A_213 = arith.index_cast %squeeze3A_187 : i32 to index
        %get3A_214 = arith.constant 32 : index
        %get3A_215 = tpu.vector_load %arg8[%get3A_212, %get3A_213, %get3A_214] {strides = array<i32>} : memref<32x8x64xf32, #tpu.memory_space<vmem>>, vector<1x1x16xf32>,
        %get3A_216 = vector.shape_cast %get3A_215 : vector<1x1x16xf32> to vector<16xf32>
        %swap3A_217 = arith.constant 0 : i32
        %swap3A_218 = arith.index_cast %swap3A_217 : i32 to index
        %swap3A_219 = arith.index_cast %add3A_185 : i32 to index
        %swap3A_220 = arith.constant 32 : index
        %swap3A_221 = tpu.vector_load %arg10[%swap3A_218, %swap3A_219, %swap3A_220] {strides = array<i32>} : memref<2x32x64xf32, #tpu.memory_space<vmem>>, vector<1x1x16xf32>,
        %swap3A_222 = vector.shape_cast %swap3A_221 : vector<1x1x16xf32> to vector<16xf32>
        %swap3A_223 = vector.shape_cast %get3A_216 : vector<16xf32> to vector<1x1x16xf32>
        tpu.vector_store %arg10[%swap3A_218, %swap3A_219, %swap3A_220], %swap3A_223 {strides = array<i32>} : memref<2x32x64xf32, #tpu.memory_space<vmem>>, vector<1x1x16xf32>,
        %get3A_224 = arith.index_cast %add3A_185 : i32 to index
        %get3A_225 = arith.index_cast %squeeze3A_187 : i32 to index
        %get3A_226 = arith.constant 48 : index
        %get3A_227 = tpu.vector_load %arg8[%get3A_224, %get3A_225, %get3A_226] {strides = array<i32>} : memref<32x8x64xf32, #tpu.memory_space<vmem>>, vector<1x1x16xf32>,
        %get3A_228 = vector.shape_cast %get3A_227 : vector<1x1x16xf32> to vector<16xf32>
        %swap3A_229 = arith.constant 0 : i32
        %swap3A_230 = arith.index_cast %swap3A_229 : i32 to index
        %swap3A_231 = arith.index_cast %add3A_185 : i32 to index
        %swap3A_232 = arith.constant 48 : index
        %swap3A_233 = tpu.vector_load %arg10[%swap3A_230, %swap3A_231, %swap3A_232] {strides = array<i32>} : memref<2x32x64xf32, #tpu.memory_space<vmem>>, vector<1x1x16xf32>,
        %swap3A_234 = vector.shape_cast %swap3A_233 : vector<1x1x16xf32> to vector<16xf32>
        %swap3A_235 = vector.shape_cast %get3A_228 : vector<16xf32> to vector<1x1x16xf32>
        tpu.vector_store %arg10[%swap3A_230, %swap3A_231, %swap3A_232], %swap3A_235 {strides = array<i32>} : memref<2x32x64xf32, #tpu.memory_space<vmem>>, vector<1x1x16xf32>,
        %mul3A_236 = arith.constant 16 : i32
        %mul3A_237 = arith.muli %scan3A_123, %mul3A_236 : i32
        %add3A_238 = arith.constant 2 : i32
        %add3A_239 = arith.addi %mul3A_237, %add3A_238 : i32
        %slice3A_240 = vector.extract_strided_slice %get3A_130 {offsets = [2], sizes = [1], strides = [1]} : vector<16xi32> to vector<1xi32>
        %squeeze3A_241 = vector.extract %slice3A_240[0] : i32 from vector<1xi32>
        %get3A_242 = arith.index_cast %add3A_239 : i32 to index
        %get3A_243 = arith.index_cast %squeeze3A_241 : i32 to index
        %get3A_244 = arith.constant 0 : index
        %get3A_245 = tpu.vector_load %arg8[%get3A_242, %get3A_243, %get3A_244] {strides = array<i32>} : memref<32x8x64xf32, #tpu.memory_space<vmem>>, vector<1x1x16xf32>,
        %get3A_246 = vector.shape_cast %get3A_245 : vector<1x1x16xf32> to vector<16xf32>
        %swap3A_247 = arith.constant 0 : i32
        %swap3A_248 = arith.index_cast %swap3A_247 : i32 to index
        %swap3A_249 = arith.index_cast %add3A_239 : i32 to index
        %swap3A_250 = arith.constant 0 : index
        %swap3A_251 = tpu.vector_load %arg10[%swap3A_248, %swap3A_249, %swap3A_250] {strides = array<i32>} : memref<2x32x64xf32, #tpu.memory_space<vmem>>, vector<1x1x16xf32>,
        %swap3A_252 = vector.shape_cast %swap3A_251 : vector<1x1x16xf32> to vector<16xf32>
        %swap3A_253 = vector.shape_cast %get3A_246 : vector<16xf32> to vector<1x1x16xf32>
        tpu.vector_store %arg10[%swap3A_248, %swap3A_249, %swap3A_250], %swap3A_253 {strides = array<i32>} : memref<2x32x64xf32, #tpu.memory_space<vmem>>, vector<1x1x16xf32>,
        %get3A_254 = arith.index_cast %add3A_239 : i32 to index
        %get3A_255 = arith.index_cast %squeeze3A_241 : i32 to index
        %get3A_256 = arith.constant 16 : index
        %get3A_257 = tpu.vector_load %arg8[%get3A_254, %get3A_255, %get3A_256] {strides = array<i32>} : memref<32x8x64xf32, #tpu.memory_space<vmem>>, vector<1x1x16xf32>,
        %get3A_258 = vector.shape_cast %get3A_257 : vector<1x1x16xf32> to vector<16xf32>
        %swap3A_259 = arith.constant 0 : i32
        %swap3A_260 = arith.index_cast %swap3A_259 : i32 to index
        %swap3A_261 = arith.index_cast %add3A_239 : i32 to index
        %swap3A_262 = arith.constant 16 : index
        %swap3A_263 = tpu.vector_load %arg10[%swap3A_260, %swap3A_261, %swap3A_262] {strides = array<i32>} : memref<2x32x64xf32, #tpu.memory_space<vmem>>, vector<1x1x16xf32>,
        %swap3A_264 = vector.shape_cast %swap3A_263 : vector<1x1x16xf32> to vector<16xf32>
        %swap3A_265 = vector.shape_cast %get3A_258 : vector<16xf32> to vector<1x1x16xf32>
        tpu.vector_store %arg10[%swap3A_260, %swap3A_261, %swap3A_262], %swap3A_265 {strides = array<i32>} : memref<2x32x64xf32, #tpu.memory_space<vmem>>, vector<1x1x16xf32>,
        %get3A_266 = arith.index_cast %add3A_239 : i32 to index
        %get3A_267 = arith.index_cast %squeeze3A_241 : i32 to index
        %get3A_268 = arith.constant 32 : index
        %get3A_269 = tpu.vector_load %arg8[%get3A_266, %get3A_267, %get3A_268] {strides = array<i32>} : memref<32x8x64xf32, #tpu.memory_space<vmem>>, vector<1x1x16xf32>,
        %get3A_270 = vector.shape_cast %get3A_269 : vector<1x1x16xf32> to vector<16xf32>
        %swap3A_271 = arith.constant 0 : i32
        %swap3A_272 = arith.index_cast %swap3A_271 : i32 to index
        %swap3A_273 = arith.index_cast %add3A_239 : i32 to index
        %swap3A_274 = arith.constant 32 : index
        %swap3A_275 = tpu.vector_load %arg10[%swap3A_272, %swap3A_273, %swap3A_274] {strides = array<i32>} : memref<2x32x64xf32, #tpu.memory_space<vmem>>, vector<1x1x16xf32>,
        %swap3A_276 = vector.shape_cast %swap3A_275 : vector<1x1x16xf32> to vector<16xf32>
        %swap3A_277 = vector.shape_cast %get3A_270 : vector<16xf32> to vector<1x1x16xf32>
        tpu.vector_store %arg10[%swap3A_272, %swap3A_273, %swap3A_274], %swap3A_277 {strides = array<i32>} : memref<2x32x64xf32, #tpu.memory_space<vmem>>, vector<1x1x16xf32>,
        %get3A_278 = arith.index_cast %add3A_239 : i32 to index
        %get3A_279 = arith.index_cast %squeeze3A_241 : i32 to index
        %get3A_280 = arith.constant 48 : index
        %get3A_281 = tpu.vector_load %arg8[%get3A_278, %get3A_279, %get3A_280] {strides = array<i32>} : memref<32x8x64xf32, #tpu.memory_space<vmem>>, vector<1x1x16xf32>,
        %get3A_282 = vector.shape_cast %get3A_281 : vector<1x1x16xf32> to vector<16xf32>
        %swap3A_283 = arith.constant 0 : i32
        %swap3A_284 = arith.index_cast %swap3A_283 : i32 to index
        %swap3A_285 = arith.index_cast %add3A_239 : i32 to index
        %swap3A_286 = arith.constant 48 : index
        %swap3A_287 = tpu.vector_load %arg10[%swap3A_284, %swap3A_285, %swap3A_286] {strides = array<i32>} : memref<2x32x64xf32, #tpu.memory_space<vmem>>, vector<1x1x16xf32>,
        %swap3A_288 = vector.shape_cast %swap3A_287 : vector<1x1x16xf32> to vector<16xf32>
        %swap3A_289 = vector.shape_cast %get3A_282 : vector<16xf32> to vector<1x1x16xf32>
        tpu.vector_store %arg10[%swap3A_284, %swap3A_285, %swap3A_286], %swap3A_289 {strides = array<i32>} : memref<2x32x64xf32, #tpu.memory_space<vmem>>, vector<1x1x16xf32>,
        %mul3A_290 = arith.constant 16 : i32
        %mul3A_291 = arith.muli %scan3A_123, %mul3A_290 : i32
        %add3A_292 = arith.constant 3 : i32
        %add3A_293 = arith.addi %mul3A_291, %add3A_292 : i32
        %slice3A_294 = vector.extract_strided_slice %get3A_130 {offsets = [3], sizes = [1], strides = [1]} : vector<16xi32> to vector<1xi32>
        %squeeze3A_295 = vector.extract %slice3A_294[0] : i32 from vector<1xi32>
        %get3A_296 = arith.index_cast %add3A_293 : i32 to index
        %get3A_297 = arith.index_cast %squeeze3A_295 : i32 to index
        %get3A_298 = arith.constant 0 : index
        %get3A_299 = tpu.vector_load %arg8[%get3A_296, %get3A_297, %get3A_298] {strides = array<i32>} : memref<32x8x64xf32, #tpu.memory_space<vmem>>, vector<1x1x16xf32>,
        %get3A_300 = vector.shape_cast %get3A_299 : vector<1x1x16xf32> to vector<16xf32>
        %swap3A_301 = arith.constant 0 : i32
        %swap3A_302 = arith.index_cast %swap3A_301 : i32 to index
        %swap3A_303 = arith.index_cast %add3A_293 : i32 to index
        %swap3A_304 = arith.constant 0 : index
        %swap3A_305 = tpu.vector_load %arg10[%swap3A_302, %swap3A_303, %swap3A_304] {strides = array<i32>} : memref<2x32x64xf32, #tpu.memory_space<vmem>>, vector<1x1x16xf32>,
        %swap3A_306 = vector.shape_cast %swap3A_305 : vector<1x1x16xf32> to vector<16xf32>
        %swap3A_307 = vector.shape_cast %get3A_300 : vector<16xf32> to vector<1x1x16xf32>
        tpu.vector_store %arg10[%swap3A_302, %swap3A_303, %swap3A_304], %swap3A_307 {strides = array<i32>} : memref<2x32x64xf32, #tpu.memory_space<vmem>>, vector<1x1x16xf32>,
        %get3A_308 = arith.index_cast %add3A_293 : i32 to index
        %get3A_309 = arith.index_cast %squeeze3A_295 : i32 to index
        %get3A_310 = arith.constant 16 : index
        %get3A_311 = tpu.vector_load %arg8[%get3A_308, %get3A_309, %get3A_310] {strides = array<i32>} : memref<32x8x64xf32, #tpu.memory_space<vmem>>, vector<1x1x16xf32>,
        %get3A_312 = vector.shape_cast %get3A_311 : vector<1x1x16xf32> to vector<16xf32>
        %swap3A_313 = arith.constant 0 : i32
        %swap3A_314 = arith.index_cast %swap3A_313 : i32 to index
        %swap3A_315 = arith.index_cast %add3A_293 : i32 to index
        %swap3A_316 = arith.constant 16 : index
        %swap3A_317 = tpu.vector_load %arg10[%swap3A_314, %swap3A_315, %swap3A_316] {strides = array<i32>} : memref<2x32x64xf32, #tpu.memory_space<vmem>>, vector<1x1x16xf32>,
        %swap3A_318 = vector.shape_cast %swap3A_317 : vector<1x1x16xf32> to vector<16xf32>
        %swap3A_319 = vector.shape_cast %get3A_312 : vector<16xf32> to vector<1x1x16xf32>
        tpu.vector_store %arg10[%swap3A_314, %swap3A_315, %swap3A_316], %swap3A_319 {strides = array<i32>} : memref<2x32x64xf32, #tpu.memory_space<vmem>>, vector<1x1x16xf32>,
        %get3A_320 = arith.index_cast %add3A_293 : i32 to index
        %get3A_321 = arith.index_cast %squeeze3A_295 : i32 to index
        %get3A_322 = arith.constant 32 : index
        %get3A_323 = tpu.vector_load %arg8[%get3A_320, %get3A_321, %get3A_322] {strides = array<i32>} : memref<32x8x64xf32, #tpu.memory_space<vmem>>, vector<1x1x16xf32>,
        %get3A_324 = vector.shape_cast %get3A_323 : vector<1x1x16xf32> to vector<16xf32>
        %swap3A_325 = arith.constant 0 : i32
        %swap3A_326 = arith.index_cast %swap3A_325 : i32 to index
        %swap3A_327 = arith.index_cast %add3A_293 : i32 to index
        %swap3A_328 = arith.constant 32 : index
        %swap3A_329 = tpu.vector_load %arg10[%swap3A_326, %swap3A_327, %swap3A_328] {strides = array<i32>} : memref<2x32x64xf32, #tpu.memory_space<vmem>>, vector<1x1x16xf32>,
        %swap3A_330 = vector.shape_cast %swap3A_329 : vector<1x1x16xf32> to vector<16xf32>
        %swap3A_331 = vector.shape_cast %get3A_324 : vector<16xf32> to vector<1x1x16xf32>
        tpu.vector_store %arg10[%swap3A_326, %swap3A_327, %swap3A_328], %swap3A_331 {strides = array<i32>} : memref<2x32x64xf32, #tpu.memory_space<vmem>>, vector<1x1x16xf32>,
        %get3A_332 = arith.index_cast %add3A_293 : i32 to index
        %get3A_333 = arith.index_cast %squeeze3A_295 : i32 to index
        %get3A_334 = arith.constant 48 : index
        %get3A_335 = tpu.vector_load %arg8[%get3A_332, %get3A_333, %get3A_334] {strides = array<i32>} : memref<32x8x64xf32, #tpu.memory_space<vmem>>, vector<1x1x16xf32>,
        %get3A_336 = vector.shape_cast %get3A_335 : vector<1x1x16xf32> to vector<16xf32>
        %swap3A_337 = arith.constant 0 : i32
        %swap3A_338 = arith.index_cast %swap3A_337 : i32 to index
        %swap3A_339 = arith.index_cast %add3A_293 : i32 to index
        %swap3A_340 = arith.constant 48 : index
        %swap3A_341 = tpu.vector_load %arg10[%swap3A_338, %swap3A_339, %swap3A_340] {strides = array<i32>} : memref<2x32x64xf32, #tpu.memory_space<vmem>>, vector<1x1x16xf32>,
        %swap3A_342 = vector.shape_cast %swap3A_341 : vector<1x1x16xf32> to vector<16xf32>
        %swap3A_343 = vector.shape_cast %get3A_336 : vector<16xf32> to vector<1x1x16xf32>
        tpu.vector_store %arg10[%swap3A_338, %swap3A_339, %swap3A_340], %swap3A_343 {strides = array<i32>} : memref<2x32x64xf32, #tpu.memory_space<vmem>>, vector<1x1x16xf32>,
        %mul3A_344 = arith.constant 16 : i32
        %mul3A_345 = arith.muli %scan3A_123, %mul3A_344 : i32
        %add3A_346 = arith.constant 4 : i32
        %add3A_347 = arith.addi %mul3A_345, %add3A_346 : i32
        %slice3A_348 = vector.extract_strided_slice %get3A_130 {offsets = [4], sizes = [1], strides = [1]} : vector<16xi32> to vector<1xi32>
        %squeeze3A_349 = vector.extract %slice3A_348[0] : i32 from vector<1xi32>
        %get3A_350 = arith.index_cast %add3A_347 : i32 to index
        %get3A_351 = arith.index_cast %squeeze3A_349 : i32 to index
        %get3A_352 = arith.constant 0 : index
        %get3A_353 = tpu.vector_load %arg8[%get3A_350, %get3A_351, %get3A_352] {strides = array<i32>} : memref<32x8x64xf32, #tpu.memory_space<vmem>>, vector<1x1x16xf32>,
        %get3A_354 = vector.shape_cast %get3A_353 : vector<1x1x16xf32> to vector<16xf32>
        %swap3A_355 = arith.constant 0 : i32
        %swap3A_356 = arith.index_cast %swap3A_355 : i32 to index
        %swap3A_357 = arith.index_cast %add3A_347 : i32 to index
        %swap3A_358 = arith.constant 0 : index
        %swap3A_359 = tpu.vector_load %arg10[%swap3A_356, %swap3A_357, %swap3A_358] {strides = array<i32>} : memref<2x32x64xf32, #tpu.memory_space<vmem>>, vector<1x1x16xf32>,
        %swap3A_360 = vector.shape_cast %swap3A_359 : vector<1x1x16xf32> to vector<16xf32>
        %swap3A_361 = vector.shape_cast %get3A_354 : vector<16xf32> to vector<1x1x16xf32>
        tpu.vector_store %arg10[%swap3A_356, %swap3A_357, %swap3A_358], %swap3A_361 {strides = array<i32>} : memref<2x32x64xf32, #tpu.memory_space<vmem>>, vector<1x1x16xf32>,
        %get3A_362 = arith.index_cast %add3A_347 : i32 to index
        %get3A_363 = arith.index_cast %squeeze3A_349 : i32 to index
        %get3A_364 = arith.constant 16 : index
        %get3A_365 = tpu.vector_load %arg8[%get3A_362, %get3A_363, %get3A_364] {strides = array<i32>} : memref<32x8x64xf32, #tpu.memory_space<vmem>>, vector<1x1x16xf32>,
        %get3A_366 = vector.shape_cast %get3A_365 : vector<1x1x16xf32> to vector<16xf32>
        %swap3A_367 = arith.constant 0 : i32
        %swap3A_368 = arith.index_cast %swap3A_367 : i32 to index
        %swap3A_369 = arith.index_cast %add3A_347 : i32 to index
        %swap3A_370 = arith.constant 16 : index
        %swap3A_371 = tpu.vector_load %arg10[%swap3A_368, %swap3A_369, %swap3A_370] {strides = array<i32>} : memref<2x32x64xf32, #tpu.memory_space<vmem>>, vector<1x1x16xf32>,
        %swap3A_372 = vector.shape_cast %swap3A_371 : vector<1x1x16xf32> to vector<16xf32>
        %swap3A_373 = vector.shape_cast %get3A_366 : vector<16xf32> to vector<1x1x16xf32>
        tpu.vector_store %arg10[%swap3A_368, %swap3A_369, %swap3A_370], %swap3A_373 {strides = array<i32>} : memref<2x32x64xf32, #tpu.memory_space<vmem>>, vector<1x1x16xf32>,
        %get3A_374 = arith.index_cast %add3A_347 : i32 to index
        %get3A_375 = arith.index_cast %squeeze3A_349 : i32 to index
        %get3A_376 = arith.constant 32 : index
        %get3A_377 = tpu.vector_load %arg8[%get3A_374, %get3A_375, %get3A_376] {strides = array<i32>} : memref<32x8x64xf32, #tpu.memory_space<vmem>>, vector<1x1x16xf32>,
        %get3A_378 = vector.shape_cast %get3A_377 : vector<1x1x16xf32> to vector<16xf32>
        %swap3A_379 = arith.constant 0 : i32
        %swap3A_380 = arith.index_cast %swap3A_379 : i32 to index
        %swap3A_381 = arith.index_cast %add3A_347 : i32 to index
        %swap3A_382 = arith.constant 32 : index
        %swap3A_383 = tpu.vector_load %arg10[%swap3A_380, %swap3A_381, %swap3A_382] {strides = array<i32>} : memref<2x32x64xf32, #tpu.memory_space<vmem>>, vector<1x1x16xf32>,
        %swap3A_384 = vector.shape_cast %swap3A_383 : vector<1x1x16xf32> to vector<16xf32>
        %swap3A_385 = vector.shape_cast %get3A_378 : vector<16xf32> to vector<1x1x16xf32>
        tpu.vector_store %arg10[%swap3A_380, %swap3A_381, %swap3A_382], %swap3A_385 {strides = array<i32>} : memref<2x32x64xf32, #tpu.memory_space<vmem>>, vector<1x1x16xf32>,
        %get3A_386 = arith.index_cast %add3A_347 : i32 to index
        %get3A_387 = arith.index_cast %squeeze3A_349 : i32 to index
        %get3A_388 = arith.constant 48 : index
        %get3A_389 = tpu.vector_load %arg8[%get3A_386, %get3A_387, %get3A_388] {strides = array<i32>} : memref<32x8x64xf32, #tpu.memory_space<vmem>>, vector<1x1x16xf32>,
        %get3A_390 = vector.shape_cast %get3A_389 : vector<1x1x16xf32> to vector<16xf32>
        %swap3A_391 = arith.constant 0 : i32
        %swap3A_392 = arith.index_cast %swap3A_391 : i32 to index
        %swap3A_393 = arith.index_cast %add3A_347 : i32 to index
        %swap3A_394 = arith.constant 48 : index
        %swap3A_395 = tpu.vector_load %arg10[%swap3A_392, %swap3A_393, %swap3A_394] {strides = array<i32>} : memref<2x32x64xf32, #tpu.memory_space<vmem>>, vector<1x1x16xf32>,
        %swap3A_396 = vector.shape_cast %swap3A_395 : vector<1x1x16xf32> to vector<16xf32>
        %swap3A_397 = vector.shape_cast %get3A_390 : vector<16xf32> to vector<1x1x16xf32>
        tpu.vector_store %arg10[%swap3A_392, %swap3A_393, %swap3A_394], %swap3A_397 {strides = array<i32>} : memref<2x32x64xf32, #tpu.memory_space<vmem>>, vector<1x1x16xf32>,
        %mul3A_398 = arith.constant 16 : i32
        %mul3A_399 = arith.muli %scan3A_123, %mul3A_398 : i32
        %add3A_400 = arith.constant 5 : i32
        %add3A_401 = arith.addi %mul3A_399, %add3A_400 : i32
        %slice3A_402 = vector.extract_strided_slice %get3A_130 {offsets = [5], sizes = [1], strides = [1]} : vector<16xi32> to vector<1xi32>
        %squeeze3A_403 = vector.extract %slice3A_402[0] : i32 from vector<1xi32>
        %get3A_404 = arith.index_cast %add3A_401 : i32 to index
        %get3A_405 = arith.index_cast %squeeze3A_403 : i32 to index
        %get3A_406 = arith.constant 0 : index
        %get3A_407 = tpu.vector_load %arg8[%get3A_404, %get3A_405, %get3A_406] {strides = array<i32>} : memref<32x8x64xf32, #tpu.memory_space<vmem>>, vector<1x1x16xf32>,
        %get3A_408 = vector.shape_cast %get3A_407 : vector<1x1x16xf32> to vector<16xf32>
        %swap3A_409 = arith.constant 0 : i32
        %swap3A_410 = arith.index_cast %swap3A_409 : i32 to index
        %swap3A_411 = arith.index_cast %add3A_401 : i32 to index
        %swap3A_412 = arith.constant 0 : index
        %swap3A_413 = tpu.vector_load %arg10[%swap3A_410, %swap3A_411, %swap3A_412] {strides = array<i32>} : memref<2x32x64xf32, #tpu.memory_space<vmem>>, vector<1x1x16xf32>,
        %swap3A_414 = vector.shape_cast %swap3A_413 : vector<1x1x16xf32> to vector<16xf32>
        %swap3A_415 = vector.shape_cast %get3A_408 : vector<16xf32> to vector<1x1x16xf32>
        tpu.vector_store %arg10[%swap3A_410, %swap3A_411, %swap3A_412], %swap3A_415 {strides = array<i32>} : memref<2x32x64xf32, #tpu.memory_space<vmem>>, vector<1x1x16xf32>,
        %get3A_416 = arith.index_cast %add3A_401 : i32 to index
        %get3A_417 = arith.index_cast %squeeze3A_403 : i32 to index
        %get3A_418 = arith.constant 16 : index
        %get3A_419 = tpu.vector_load %arg8[%get3A_416, %get3A_417, %get3A_418] {strides = array<i32>} : memref<32x8x64xf32, #tpu.memory_space<vmem>>, vector<1x1x16xf32>,
        %get3A_420 = vector.shape_cast %get3A_419 : vector<1x1x16xf32> to vector<16xf32>
        %swap3A_421 = arith.constant 0 : i32
        %swap3A_422 = arith.index_cast %swap3A_421 : i32 to index
        %swap3A_423 = arith.index_cast %add3A_401 : i32 to index
        %swap3A_424 = arith.constant 16 : index
        %swap3A_425 = tpu.vector_load %arg10[%swap3A_422, %swap3A_423, %swap3A_424] {strides = array<i32>} : memref<2x32x64xf32, #tpu.memory_space<vmem>>, vector<1x1x16xf32>,
        %swap3A_426 = vector.shape_cast %swap3A_425 : vector<1x1x16xf32> to vector<16xf32>
        %swap3A_427 = vector.shape_cast %get3A_420 : vector<16xf32> to vector<1x1x16xf32>
        tpu.vector_store %arg10[%swap3A_422, %swap3A_423, %swap3A_424], %swap3A_427 {strides = array<i32>} : memref<2x32x64xf32, #tpu.memory_space<vmem>>, vector<1x1x16xf32>,
        %get3A_428 = arith.index_cast %add3A_401 : i32 to index
        %get3A_429 = arith.index_cast %squeeze3A_403 : i32 to index
        %get3A_430 = arith.constant 32 : index
        %get3A_431 = tpu.vector_load %arg8[%get3A_428, %get3A_429, %get3A_430] {strides = array<i32>} : memref<32x8x64xf32, #tpu.memory_space<vmem>>, vector<1x1x16xf32>,
        %get3A_432 = vector.shape_cast %get3A_431 : vector<1x1x16xf32> to vector<16xf32>
        %swap3A_433 = arith.constant 0 : i32
        %swap3A_434 = arith.index_cast %swap3A_433 : i32 to index
        %swap3A_435 = arith.index_cast %add3A_401 : i32 to index
        %swap3A_436 = arith.constant 32 : index
        %swap3A_437 = tpu.vector_load %arg10[%swap3A_434, %swap3A_435, %swap3A_436] {strides = array<i32>} : memref<2x32x64xf32, #tpu.memory_space<vmem>>, vector<1x1x16xf32>,
        %swap3A_438 = vector.shape_cast %swap3A_437 : vector<1x1x16xf32> to vector<16xf32>
        %swap3A_439 = vector.shape_cast %get3A_432 : vector<16xf32> to vector<1x1x16xf32>
        tpu.vector_store %arg10[%swap3A_434, %swap3A_435, %swap3A_436], %swap3A_439 {strides = array<i32>} : memref<2x32x64xf32, #tpu.memory_space<vmem>>, vector<1x1x16xf32>,
        %get3A_440 = arith.index_cast %add3A_401 : i32 to index
        %get3A_441 = arith.index_cast %squeeze3A_403 : i32 to index
        %get3A_442 = arith.constant 48 : index
        %get3A_443 = tpu.vector_load %arg8[%get3A_440, %get3A_441, %get3A_442] {strides = array<i32>} : memref<32x8x64xf32, #tpu.memory_space<vmem>>, vector<1x1x16xf32>,
        %get3A_444 = vector.shape_cast %get3A_443 : vector<1x1x16xf32> to vector<16xf32>
        %swap3A_445 = arith.constant 0 : i32
        %swap3A_446 = arith.index_cast %swap3A_445 : i32 to index
        %swap3A_447 = arith.index_cast %add3A_401 : i32 to index
        %swap3A_448 = arith.constant 48 : index
        %swap3A_449 = tpu.vector_load %arg10[%swap3A_446, %swap3A_447, %swap3A_448] {strides = array<i32>} : memref<2x32x64xf32, #tpu.memory_space<vmem>>, vector<1x1x16xf32>,
        %swap3A_450 = vector.shape_cast %swap3A_449 : vector<1x1x16xf32> to vector<16xf32>
        %swap3A_451 = vector.shape_cast %get3A_444 : vector<16xf32> to vector<1x1x16xf32>
        tpu.vector_store %arg10[%swap3A_446, %swap3A_447, %swap3A_448], %swap3A_451 {strides = array<i32>} : memref<2x32x64xf32, #tpu.memory_space<vmem>>, vector<1x1x16xf32>,
        %mul3A_452 = arith.constant 16 : i32
        %mul3A_453 = arith.muli %scan3A_123, %mul3A_452 : i32
        %add3A_454 = arith.constant 6 : i32
        %add3A_455 = arith.addi %mul3A_453, %add3A_454 : i32
        %slice3A_456 = vector.extract_strided_slice %get3A_130 {offsets = [6], sizes = [1], strides = [1]} : vector<16xi32> to vector<1xi32>
        %squeeze3A_457 = vector.extract %slice3A_456[0] : i32 from vector<1xi32>
        %get3A_458 = arith.index_cast %add3A_455 : i32 to index
        %get3A_459 = arith.index_cast %squeeze3A_457 : i32 to index
        %get3A_460 = arith.constant 0 : index
        %get3A_461 = tpu.vector_load %arg8[%get3A_458, %get3A_459, %get3A_460] {strides = array<i32>} : memref<32x8x64xf32, #tpu.memory_space<vmem>>, vector<1x1x16xf32>,
        %get3A_462 = vector.shape_cast %get3A_461 : vector<1x1x16xf32> to vector<16xf32>
        %swap3A_463 = arith.constant 0 : i32
        %swap3A_464 = arith.index_cast %swap3A_463 : i32 to index
        %swap3A_465 = arith.index_cast %add3A_455 : i32 to index
        %swap3A_466 = arith.constant 0 : index
        %swap3A_467 = tpu.vector_load %arg10[%swap3A_464, %swap3A_465, %swap3A_466] {strides = array<i32>} : memref<2x32x64xf32, #tpu.memory_space<vmem>>, vector<1x1x16xf32>,
        %swap3A_468 = vector.shape_cast %swap3A_467 : vector<1x1x16xf32> to vector<16xf32>
        %swap3A_469 = vector.shape_cast %get3A_462 : vector<16xf32> to vector<1x1x16xf32>
        tpu.vector_store %arg10[%swap3A_464, %swap3A_465, %swap3A_466], %swap3A_469 {strides = array<i32>} : memref<2x32x64xf32, #tpu.memory_space<vmem>>, vector<1x1x16xf32>,
        %get3A_470 = arith.index_cast %add3A_455 : i32 to index
        %get3A_471 = arith.index_cast %squeeze3A_457 : i32 to index
        %get3A_472 = arith.constant 16 : index
        %get3A_473 = tpu.vector_load %arg8[%get3A_470, %get3A_471, %get3A_472] {strides = array<i32>} : memref<32x8x64xf32, #tpu.memory_space<vmem>>, vector<1x1x16xf32>,
        %get3A_474 = vector.shape_cast %get3A_473 : vector<1x1x16xf32> to vector<16xf32>
        %swap3A_475 = arith.constant 0 : i32
        %swap3A_476 = arith.index_cast %swap3A_475 : i32 to index
        %swap3A_477 = arith.index_cast %add3A_455 : i32 to index
        %swap3A_478 = arith.constant 16 : index
        %swap3A_479 = tpu.vector_load %arg10[%swap3A_476, %swap3A_477, %swap3A_478] {strides = array<i32>} : memref<2x32x64xf32, #tpu.memory_space<vmem>>, vector<1x1x16xf32>,
        %swap3A_480 = vector.shape_cast %swap3A_479 : vector<1x1x16xf32> to vector<16xf32>
        %swap3A_481 = vector.shape_cast %get3A_474 : vector<16xf32> to vector<1x1x16xf32>
        tpu.vector_store %arg10[%swap3A_476, %swap3A_477, %swap3A_478], %swap3A_481 {strides = array<i32>} : memref<2x32x64xf32, #tpu.memory_space<vmem>>, vector<1x1x16xf32>,
        %get3A_482 = arith.index_cast %add3A_455 : i32 to index
        %get3A_483 = arith.index_cast %squeeze3A_457 : i32 to index
        %get3A_484 = arith.constant 32 : index
        %get3A_485 = tpu.vector_load %arg8[%get3A_482, %get3A_483, %get3A_484] {strides = array<i32>} : memref<32x8x64xf32, #tpu.memory_space<vmem>>, vector<1x1x16xf32>,
        %get3A_486 = vector.shape_cast %get3A_485 : vector<1x1x16xf32> to vector<16xf32>
        %swap3A_487 = arith.constant 0 : i32
        %swap3A_488 = arith.index_cast %swap3A_487 : i32 to index
        %swap3A_489 = arith.index_cast %add3A_455 : i32 to index
        %swap3A_490 = arith.constant 32 : index
        %swap3A_491 = tpu.vector_load %arg10[%swap3A_488, %swap3A_489, %swap3A_490] {strides = array<i32>} : memref<2x32x64xf32, #tpu.memory_space<vmem>>, vector<1x1x16xf32>,
        %swap3A_492 = vector.shape_cast %swap3A_491 : vector<1x1x16xf32> to vector<16xf32>
        %swap3A_493 = vector.shape_cast %get3A_486 : vector<16xf32> to vector<1x1x16xf32>
        tpu.vector_store %arg10[%swap3A_488, %swap3A_489, %swap3A_490], %swap3A_493 {strides = array<i32>} : memref<2x32x64xf32, #tpu.memory_space<vmem>>, vector<1x1x16xf32>,
        %get3A_494 = arith.index_cast %add3A_455 : i32 to index
        %get3A_495 = arith.index_cast %squeeze3A_457 : i32 to index
        %get3A_496 = arith.constant 48 : index
        %get3A_497 = tpu.vector_load %arg8[%get3A_494, %get3A_495, %get3A_496] {strides = array<i32>} : memref<32x8x64xf32, #tpu.memory_space<vmem>>, vector<1x1x16xf32>,
        %get3A_498 = vector.shape_cast %get3A_497 : vector<1x1x16xf32> to vector<16xf32>
        %swap3A_499 = arith.constant 0 : i32
        %swap3A_500 = arith.index_cast %swap3A_499 : i32 to index
        %swap3A_501 = arith.index_cast %add3A_455 : i32 to index
        %swap3A_502 = arith.constant 48 : index
        %swap3A_503 = tpu.vector_load %arg10[%swap3A_500, %swap3A_501, %swap3A_502] {strides = array<i32>} : memref<2x32x64xf32, #tpu.memory_space<vmem>>, vector<1x1x16xf32>,
        %swap3A_504 = vector.shape_cast %swap3A_503 : vector<1x1x16xf32> to vector<16xf32>
        %swap3A_505 = vector.shape_cast %get3A_498 : vector<16xf32> to vector<1x1x16xf32>
        tpu.vector_store %arg10[%swap3A_500, %swap3A_501, %swap3A_502], %swap3A_505 {strides = array<i32>} : memref<2x32x64xf32, #tpu.memory_space<vmem>>, vector<1x1x16xf32>,
        %mul3A_506 = arith.constant 16 : i32
        %mul3A_507 = arith.muli %scan3A_123, %mul3A_506 : i32
        %add3A_508 = arith.constant 7 : i32
        %add3A_509 = arith.addi %mul3A_507, %add3A_508 : i32
        %slice3A_510 = vector.extract_strided_slice %get3A_130 {offsets = [7], sizes = [1], strides = [1]} : vector<16xi32> to vector<1xi32>
        %squeeze3A_511 = vector.extract %slice3A_510[0] : i32 from vector<1xi32>
        %get3A_512 = arith.index_cast %add3A_509 : i32 to index
        %get3A_513 = arith.index_cast %squeeze3A_511 : i32 to index
        %get3A_514 = arith.constant 0 : index
        %get3A_515 = tpu.vector_load %arg8[%get3A_512, %get3A_513, %get3A_514] {strides = array<i32>} : memref<32x8x64xf32, #tpu.memory_space<vmem>>, vector<1x1x16xf32>,
        %get3A_516 = vector.shape_cast %get3A_515 : vector<1x1x16xf32> to vector<16xf32>
        %swap3A_517 = arith.constant 0 : i32
        %swap3A_518 = arith.index_cast %swap3A_517 : i32 to index
        %swap3A_519 = arith.index_cast %add3A_509 : i32 to index
        %swap3A_520 = arith.constant 0 : index
        %swap3A_521 = tpu.vector_load %arg10[%swap3A_518, %swap3A_519, %swap3A_520] {strides = array<i32>} : memref<2x32x64xf32, #tpu.memory_space<vmem>>, vector<1x1x16xf32>,
        %swap3A_522 = vector.shape_cast %swap3A_521 : vector<1x1x16xf32> to vector<16xf32>
        %swap3A_523 = vector.shape_cast %get3A_516 : vector<16xf32> to vector<1x1x16xf32>
        tpu.vector_store %arg10[%swap3A_518, %swap3A_519, %swap3A_520], %swap3A_523 {strides = array<i32>} : memref<2x32x64xf32, #tpu.memory_space<vmem>>, vector<1x1x16xf32>,
        %get3A_524 = arith.index_cast %add3A_509 : i32 to index
        %get3A_525 = arith.index_cast %squeeze3A_511 : i32 to index
        %get3A_526 = arith.constant 16 : index
        %get3A_527 = tpu.vector_load %arg8[%get3A_524, %get3A_525, %get3A_526] {strides = array<i32>} : memref<32x8x64xf32, #tpu.memory_space<vmem>>, vector<1x1x16xf32>,
        %get3A_528 = vector.shape_cast %get3A_527 : vector<1x1x16xf32> to vector<16xf32>
        %swap3A_529 = arith.constant 0 : i32
        %swap3A_530 = arith.index_cast %swap3A_529 : i32 to index
        %swap3A_531 = arith.index_cast %add3A_509 : i32 to index
        %swap3A_532 = arith.constant 16 : index
        %swap3A_533 = tpu.vector_load %arg10[%swap3A_530, %swap3A_531, %swap3A_532] {strides = array<i32>} : memref<2x32x64xf32, #tpu.memory_space<vmem>>, vector<1x1x16xf32>,
        %swap3A_534 = vector.shape_cast %swap3A_533 : vector<1x1x16xf32> to vector<16xf32>
        %swap3A_535 = vector.shape_cast %get3A_528 : vector<16xf32> to vector<1x1x16xf32>
        tpu.vector_store %arg10[%swap3A_530, %swap3A_531, %swap3A_532], %swap3A_535 {strides = array<i32>} : memref<2x32x64xf32, #tpu.memory_space<vmem>>, vector<1x1x16xf32>,
        %get3A_536 = arith.index_cast %add3A_509 : i32 to index
        %get3A_537 = arith.index_cast %squeeze3A_511 : i32 to index
        %get3A_538 = arith.constant 32 : index
        %get3A_539 = tpu.vector_load %arg8[%get3A_536, %get3A_537, %get3A_538] {strides = array<i32>} : memref<32x8x64xf32, #tpu.memory_space<vmem>>, vector<1x1x16xf32>,
        %get3A_540 = vector.shape_cast %get3A_539 : vector<1x1x16xf32> to vector<16xf32>
        %swap3A_541 = arith.constant 0 : i32
        %swap3A_542 = arith.index_cast %swap3A_541 : i32 to index
        %swap3A_543 = arith.index_cast %add3A_509 : i32 to index
        %swap3A_544 = arith.constant 32 : index
        %swap3A_545 = tpu.vector_load %arg10[%swap3A_542, %swap3A_543, %swap3A_544] {strides = array<i32>} : memref<2x32x64xf32, #tpu.memory_space<vmem>>, vector<1x1x16xf32>,
        %swap3A_546 = vector.shape_cast %swap3A_545 : vector<1x1x16xf32> to vector<16xf32>
        %swap3A_547 = vector.shape_cast %get3A_540 : vector<16xf32> to vector<1x1x16xf32>
        tpu.vector_store %arg10[%swap3A_542, %swap3A_543, %swap3A_544], %swap3A_547 {strides = array<i32>} : memref<2x32x64xf32, #tpu.memory_space<vmem>>, vector<1x1x16xf32>,
        %get3A_548 = arith.index_cast %add3A_509 : i32 to index
        %get3A_549 = arith.index_cast %squeeze3A_511 : i32 to index
        %get3A_550 = arith.constant 48 : index
        %get3A_551 = tpu.vector_load %arg8[%get3A_548, %get3A_549, %get3A_550] {strides = array<i32>} : memref<32x8x64xf32, #tpu.memory_space<vmem>>, vector<1x1x16xf32>,
        %get3A_552 = vector.shape_cast %get3A_551 : vector<1x1x16xf32> to vector<16xf32>
        %swap3A_553 = arith.constant 0 : i32
        %swap3A_554 = arith.index_cast %swap3A_553 : i32 to index
        %swap3A_555 = arith.index_cast %add3A_509 : i32 to index
        %swap3A_556 = arith.constant 48 : index
        %swap3A_557 = tpu.vector_load %arg10[%swap3A_554, %swap3A_555, %swap3A_556] {strides = array<i32>} : memref<2x32x64xf32, #tpu.memory_space<vmem>>, vector<1x1x16xf32>,
        %swap3A_558 = vector.shape_cast %swap3A_557 : vector<1x1x16xf32> to vector<16xf32>
        %swap3A_559 = vector.shape_cast %get3A_552 : vector<16xf32> to vector<1x1x16xf32>
        tpu.vector_store %arg10[%swap3A_554, %swap3A_555, %swap3A_556], %swap3A_559 {strides = array<i32>} : memref<2x32x64xf32, #tpu.memory_space<vmem>>, vector<1x1x16xf32>,
        %mul3A_560 = arith.constant 16 : i32
        %mul3A_561 = arith.muli %scan3A_123, %mul3A_560 : i32
        %add3A_562 = arith.constant 8 : i32
        %add3A_563 = arith.addi %mul3A_561, %add3A_562 : i32
        %slice3A_564 = vector.extract_strided_slice %get3A_130 {offsets = [8], sizes = [1], strides = [1]} : vector<16xi32> to vector<1xi32>
        %squeeze3A_565 = vector.extract %slice3A_564[0] : i32 from vector<1xi32>
        %get3A_566 = arith.index_cast %add3A_563 : i32 to index
        %get3A_567 = arith.index_cast %squeeze3A_565 : i32 to index
        %get3A_568 = arith.constant 0 : index
        %get3A_569 = tpu.vector_load %arg8[%get3A_566, %get3A_567, %get3A_568] {strides = array<i32>} : memref<32x8x64xf32, #tpu.memory_space<vmem>>, vector<1x1x16xf32>,
        %get3A_570 = vector.shape_cast %get3A_569 : vector<1x1x16xf32> to vector<16xf32>
        %swap3A_571 = arith.constant 0 : i32
        %swap3A_572 = arith.index_cast %swap3A_571 : i32 to index
        %swap3A_573 = arith.index_cast %add3A_563 : i32 to index
        %swap3A_574 = arith.constant 0 : index
        %swap3A_575 = tpu.vector_load %arg10[%swap3A_572, %swap3A_573, %swap3A_574] {strides = array<i32>} : memref<2x32x64xf32, #tpu.memory_space<vmem>>, vector<1x1x16xf32>,
        %swap3A_576 = vector.shape_cast %swap3A_575 : vector<1x1x16xf32> to vector<16xf32>
        %swap3A_577 = vector.shape_cast %get3A_570 : vector<16xf32> to vector<1x1x16xf32>
        tpu.vector_store %arg10[%swap3A_572, %swap3A_573, %swap3A_574], %swap3A_577 {strides = array<i32>} : memref<2x32x64xf32, #tpu.memory_space<vmem>>, vector<1x1x16xf32>,
        %get3A_578 = arith.index_cast %add3A_563 : i32 to index
        %get3A_579 = arith.index_cast %squeeze3A_565 : i32 to index
        %get3A_580 = arith.constant 16 : index
        %get3A_581 = tpu.vector_load %arg8[%get3A_578, %get3A_579, %get3A_580] {strides = array<i32>} : memref<32x8x64xf32, #tpu.memory_space<vmem>>, vector<1x1x16xf32>,
        %get3A_582 = vector.shape_cast %get3A_581 : vector<1x1x16xf32> to vector<16xf32>
        %swap3A_583 = arith.constant 0 : i32
        %swap3A_584 = arith.index_cast %swap3A_583 : i32 to index
        %swap3A_585 = arith.index_cast %add3A_563 : i32 to index
        %swap3A_586 = arith.constant 16 : index
        %swap3A_587 = tpu.vector_load %arg10[%swap3A_584, %swap3A_585, %swap3A_586] {strides = array<i32>} : memref<2x32x64xf32, #tpu.memory_space<vmem>>, vector<1x1x16xf32>,
        %swap3A_588 = vector.shape_cast %swap3A_587 : vector<1x1x16xf32> to vector<16xf32>
        %swap3A_589 = vector.shape_cast %get3A_582 : vector<16xf32> to vector<1x1x16xf32>
        tpu.vector_store %arg10[%swap3A_584, %swap3A_585, %swap3A_586], %swap3A_589 {strides = array<i32>} : memref<2x32x64xf32, #tpu.memory_space<vmem>>, vector<1x1x16xf32>,
        %get3A_590 = arith.index_cast %add3A_563 : i32 to index
        %get3A_591 = arith.index_cast %squeeze3A_565 : i32 to index
        %get3A_592 = arith.constant 32 : index
        %get3A_593 = tpu.vector_load %arg8[%get3A_590, %get3A_591, %get3A_592] {strides = array<i32>} : memref<32x8x64xf32, #tpu.memory_space<vmem>>, vector<1x1x16xf32>,
        %get3A_594 = vector.shape_cast %get3A_593 : vector<1x1x16xf32> to vector<16xf32>
        %swap3A_595 = arith.constant 0 : i32
        %swap3A_596 = arith.index_cast %swap3A_595 : i32 to index
        %swap3A_597 = arith.index_cast %add3A_563 : i32 to index
        %swap3A_598 = arith.constant 32 : index
        %swap3A_599 = tpu.vector_load %arg10[%swap3A_596, %swap3A_597, %swap3A_598] {strides = array<i32>} : memref<2x32x64xf32, #tpu.memory_space<vmem>>, vector<1x1x16xf32>,
        %swap3A_600 = vector.shape_cast %swap3A_599 : vector<1x1x16xf32> to vector<16xf32>
        %swap3A_601 = vector.shape_cast %get3A_594 : vector<16xf32> to vector<1x1x16xf32>
        tpu.vector_store %arg10[%swap3A_596, %swap3A_597, %swap3A_598], %swap3A_601 {strides = array<i32>} : memref<2x32x64xf32, #tpu.memory_space<vmem>>, vector<1x1x16xf32>,
        %get3A_602 = arith.index_cast %add3A_563 : i32 to index
        %get3A_603 = arith.index_cast %squeeze3A_565 : i32 to index
        %get3A_604 = arith.constant 48 : index
        %get3A_605 = tpu.vector_load %arg8[%get3A_602, %get3A_603, %get3A_604] {strides = array<i32>} : memref<32x8x64xf32, #tpu.memory_space<vmem>>, vector<1x1x16xf32>,
        %get3A_606 = vector.shape_cast %get3A_605 : vector<1x1x16xf32> to vector<16xf32>
        %swap3A_607 = arith.constant 0 : i32
        %swap3A_608 = arith.index_cast %swap3A_607 : i32 to index
        %swap3A_609 = arith.index_cast %add3A_563 : i32 to index
        %swap3A_610 = arith.constant 48 : index
        %swap3A_611 = tpu.vector_load %arg10[%swap3A_608, %swap3A_609, %swap3A_610] {strides = array<i32>} : memref<2x32x64xf32, #tpu.memory_space<vmem>>, vector<1x1x16xf32>,
        %swap3A_612 = vector.shape_cast %swap3A_611 : vector<1x1x16xf32> to vector<16xf32>
        %swap3A_613 = vector.shape_cast %get3A_606 : vector<16xf32> to vector<1x1x16xf32>
        tpu.vector_store %arg10[%swap3A_608, %swap3A_609, %swap3A_610], %swap3A_613 {strides = array<i32>} : memref<2x32x64xf32, #tpu.memory_space<vmem>>, vector<1x1x16xf32>,
        %mul3A_614 = arith.constant 16 : i32
        %mul3A_615 = arith.muli %scan3A_123, %mul3A_614 : i32
        %add3A_616 = arith.constant 9 : i32
        %add3A_617 = arith.addi %mul3A_615, %add3A_616 : i32
        %slice3A_618 = vector.extract_strided_slice %get3A_130 {offsets = [9], sizes = [1], strides = [1]} : vector<16xi32> to vector<1xi32>
        %squeeze3A_619 = vector.extract %slice3A_618[0] : i32 from vector<1xi32>
        %get3A_620 = arith.index_cast %add3A_617 : i32 to index
        %get3A_621 = arith.index_cast %squeeze3A_619 : i32 to index
        %get3A_622 = arith.constant 0 : index
        %get3A_623 = tpu.vector_load %arg8[%get3A_620, %get3A_621, %get3A_622] {strides = array<i32>} : memref<32x8x64xf32, #tpu.memory_space<vmem>>, vector<1x1x16xf32>,
        %get3A_624 = vector.shape_cast %get3A_623 : vector<1x1x16xf32> to vector<16xf32>
        %swap3A_625 = arith.constant 0 : i32
        %swap3A_626 = arith.index_cast %swap3A_625 : i32 to index
        %swap3A_627 = arith.index_cast %add3A_617 : i32 to index
        %swap3A_628 = arith.constant 0 : index
        %swap3A_629 = tpu.vector_load %arg10[%swap3A_626, %swap3A_627, %swap3A_628] {strides = array<i32>} : memref<2x32x64xf32, #tpu.memory_space<vmem>>, vector<1x1x16xf32>,
        %swap3A_630 = vector.shape_cast %swap3A_629 : vector<1x1x16xf32> to vector<16xf32>
        %swap3A_631 = vector.shape_cast %get3A_624 : vector<16xf32> to vector<1x1x16xf32>
        tpu.vector_store %arg10[%swap3A_626, %swap3A_627, %swap3A_628], %swap3A_631 {strides = array<i32>} : memref<2x32x64xf32, #tpu.memory_space<vmem>>, vector<1x1x16xf32>,
        %get3A_632 = arith.index_cast %add3A_617 : i32 to index
        %get3A_633 = arith.index_cast %squeeze3A_619 : i32 to index
        %get3A_634 = arith.constant 16 : index
        %get3A_635 = tpu.vector_load %arg8[%get3A_632, %get3A_633, %get3A_634] {strides = array<i32>} : memref<32x8x64xf32, #tpu.memory_space<vmem>>, vector<1x1x16xf32>,
        %get3A_636 = vector.shape_cast %get3A_635 : vector<1x1x16xf32> to vector<16xf32>
        %swap3A_637 = arith.constant 0 : i32
        %swap3A_638 = arith.index_cast %swap3A_637 : i32 to index
        %swap3A_639 = arith.index_cast %add3A_617 : i32 to index
        %swap3A_640 = arith.constant 16 : index
        %swap3A_641 = tpu.vector_load %arg10[%swap3A_638, %swap3A_639, %swap3A_640] {strides = array<i32>} : memref<2x32x64xf32, #tpu.memory_space<vmem>>, vector<1x1x16xf32>,
        %swap3A_642 = vector.shape_cast %swap3A_641 : vector<1x1x16xf32> to vector<16xf32>
        %swap3A_643 = vector.shape_cast %get3A_636 : vector<16xf32> to vector<1x1x16xf32>
        tpu.vector_store %arg10[%swap3A_638, %swap3A_639, %swap3A_640], %swap3A_643 {strides = array<i32>} : memref<2x32x64xf32, #tpu.memory_space<vmem>>, vector<1x1x16xf32>,
        %get3A_644 = arith.index_cast %add3A_617 : i32 to index
        %get3A_645 = arith.index_cast %squeeze3A_619 : i32 to index
        %get3A_646 = arith.constant 32 : index
        %get3A_647 = tpu.vector_load %arg8[%get3A_644, %get3A_645, %get3A_646] {strides = array<i32>} : memref<32x8x64xf32, #tpu.memory_space<vmem>>, vector<1x1x16xf32>,
        %get3A_648 = vector.shape_cast %get3A_647 : vector<1x1x16xf32> to vector<16xf32>
        %swap3A_649 = arith.constant 0 : i32
        %swap3A_650 = arith.index_cast %swap3A_649 : i32 to index
        %swap3A_651 = arith.index_cast %add3A_617 : i32 to index
        %swap3A_652 = arith.constant 32 : index
        %swap3A_653 = tpu.vector_load %arg10[%swap3A_650, %swap3A_651, %swap3A_652] {strides = array<i32>} : memref<2x32x64xf32, #tpu.memory_space<vmem>>, vector<1x1x16xf32>,
        %swap3A_654 = vector.shape_cast %swap3A_653 : vector<1x1x16xf32> to vector<16xf32>
        %swap3A_655 = vector.shape_cast %get3A_648 : vector<16xf32> to vector<1x1x16xf32>
        tpu.vector_store %arg10[%swap3A_650, %swap3A_651, %swap3A_652], %swap3A_655 {strides = array<i32>} : memref<2x32x64xf32, #tpu.memory_space<vmem>>, vector<1x1x16xf32>,
        %get3A_656 = arith.index_cast %add3A_617 : i32 to index
        %get3A_657 = arith.index_cast %squeeze3A_619 : i32 to index
        %get3A_658 = arith.constant 48 : index
        %get3A_659 = tpu.vector_load %arg8[%get3A_656, %get3A_657, %get3A_658] {strides = array<i32>} : memref<32x8x64xf32, #tpu.memory_space<vmem>>, vector<1x1x16xf32>,
        %get3A_660 = vector.shape_cast %get3A_659 : vector<1x1x16xf32> to vector<16xf32>
        %swap3A_661 = arith.constant 0 : i32
        %swap3A_662 = arith.index_cast %swap3A_661 : i32 to index
        %swap3A_663 = arith.index_cast %add3A_617 : i32 to index
        %swap3A_664 = arith.constant 48 : index
        %swap3A_665 = tpu.vector_load %arg10[%swap3A_662, %swap3A_663, %swap3A_664] {strides = array<i32>} : memref<2x32x64xf32, #tpu.memory_space<vmem>>, vector<1x1x16xf32>,
        %swap3A_666 = vector.shape_cast %swap3A_665 : vector<1x1x16xf32> to vector<16xf32>
        %swap3A_667 = vector.shape_cast %get3A_660 : vector<16xf32> to vector<1x1x16xf32>
        tpu.vector_store %arg10[%swap3A_662, %swap3A_663, %swap3A_664], %swap3A_667 {strides = array<i32>} : memref<2x32x64xf32, #tpu.memory_space<vmem>>, vector<1x1x16xf32>,
        %mul3A_668 = arith.constant 16 : i32
        %mul3A_669 = arith.muli %scan3A_123, %mul3A_668 : i32
        %add3A_670 = arith.constant 10 : i32
        %add3A_671 = arith.addi %mul3A_669, %add3A_670 : i32
        %slice3A_672 = vector.extract_strided_slice %get3A_130 {offsets = [10], sizes = [1], strides = [1]} : vector<16xi32> to vector<1xi32>
        %squeeze3A_673 = vector.extract %slice3A_672[0] : i32 from vector<1xi32>
        %get3A_674 = arith.index_cast %add3A_671 : i32 to index
        %get3A_675 = arith.index_cast %squeeze3A_673 : i32 to index
        %get3A_676 = arith.constant 0 : index
        %get3A_677 = tpu.vector_load %arg8[%get3A_674, %get3A_675, %get3A_676] {strides = array<i32>} : memref<32x8x64xf32, #tpu.memory_space<vmem>>, vector<1x1x16xf32>,
        %get3A_678 = vector.shape_cast %get3A_677 : vector<1x1x16xf32> to vector<16xf32>
        %swap3A_679 = arith.constant 0 : i32
        %swap3A_680 = arith.index_cast %swap3A_679 : i32 to index
        %swap3A_681 = arith.index_cast %add3A_671 : i32 to index
        %swap3A_682 = arith.constant 0 : index
        %swap3A_683 = tpu.vector_load %arg10[%swap3A_680, %swap3A_681, %swap3A_682] {strides = array<i32>} : memref<2x32x64xf32, #tpu.memory_space<vmem>>, vector<1x1x16xf32>,
        %swap3A_684 = vector.shape_cast %swap3A_683 : vector<1x1x16xf32> to vector<16xf32>
        %swap3A_685 = vector.shape_cast %get3A_678 : vector<16xf32> to vector<1x1x16xf32>
        tpu.vector_store %arg10[%swap3A_680, %swap3A_681, %swap3A_682], %swap3A_685 {strides = array<i32>} : memref<2x32x64xf32, #tpu.memory_space<vmem>>, vector<1x1x16xf32>,
        %get3A_686 = arith.index_cast %add3A_671 : i32 to index
        %get3A_687 = arith.index_cast %squeeze3A_673 : i32 to index
        %get3A_688 = arith.constant 16 : index
        %get3A_689 = tpu.vector_load %arg8[%get3A_686, %get3A_687, %get3A_688] {strides = array<i32>} : memref<32x8x64xf32, #tpu.memory_space<vmem>>, vector<1x1x16xf32>,
        %get3A_690 = vector.shape_cast %get3A_689 : vector<1x1x16xf32> to vector<16xf32>
        %swap3A_691 = arith.constant 0 : i32
        %swap3A_692 = arith.index_cast %swap3A_691 : i32 to index
        %swap3A_693 = arith.index_cast %add3A_671 : i32 to index
        %swap3A_694 = arith.constant 16 : index
        %swap3A_695 = tpu.vector_load %arg10[%swap3A_692, %swap3A_693, %swap3A_694] {strides = array<i32>} : memref<2x32x64xf32, #tpu.memory_space<vmem>>, vector<1x1x16xf32>,
        %swap3A_696 = vector.shape_cast %swap3A_695 : vector<1x1x16xf32> to vector<16xf32>
        %swap3A_697 = vector.shape_cast %get3A_690 : vector<16xf32> to vector<1x1x16xf32>
        tpu.vector_store %arg10[%swap3A_692, %swap3A_693, %swap3A_694], %swap3A_697 {strides = array<i32>} : memref<2x32x64xf32, #tpu.memory_space<vmem>>, vector<1x1x16xf32>,
        %get3A_698 = arith.index_cast %add3A_671 : i32 to index
        %get3A_699 = arith.index_cast %squeeze3A_673 : i32 to index
        %get3A_700 = arith.constant 32 : index
        %get3A_701 = tpu.vector_load %arg8[%get3A_698, %get3A_699, %get3A_700] {strides = array<i32>} : memref<32x8x64xf32, #tpu.memory_space<vmem>>, vector<1x1x16xf32>,
        %get3A_702 = vector.shape_cast %get3A_701 : vector<1x1x16xf32> to vector<16xf32>
        %swap3A_703 = arith.constant 0 : i32
        %swap3A_704 = arith.index_cast %swap3A_703 : i32 to index
        %swap3A_705 = arith.index_cast %add3A_671 : i32 to index
        %swap3A_706 = arith.constant 32 : index
        %swap3A_707 = tpu.vector_load %arg10[%swap3A_704, %swap3A_705, %swap3A_706] {strides = array<i32>} : memref<2x32x64xf32, #tpu.memory_space<vmem>>, vector<1x1x16xf32>,
        %swap3A_708 = vector.shape_cast %swap3A_707 : vector<1x1x16xf32> to vector<16xf32>
        %swap3A_709 = vector.shape_cast %get3A_702 : vector<16xf32> to vector<1x1x16xf32>
        tpu.vector_store %arg10[%swap3A_704, %swap3A_705, %swap3A_706], %swap3A_709 {strides = array<i32>} : memref<2x32x64xf32, #tpu.memory_space<vmem>>, vector<1x1x16xf32>,
        %get3A_710 = arith.index_cast %add3A_671 : i32 to index
        %get3A_711 = arith.index_cast %squeeze3A_673 : i32 to index
        %get3A_712 = arith.constant 48 : index
        %get3A_713 = tpu.vector_load %arg8[%get3A_710, %get3A_711, %get3A_712] {strides = array<i32>} : memref<32x8x64xf32, #tpu.memory_space<vmem>>, vector<1x1x16xf32>,
        %get3A_714 = vector.shape_cast %get3A_713 : vector<1x1x16xf32> to vector<16xf32>
        %swap3A_715 = arith.constant 0 : i32
        %swap3A_716 = arith.index_cast %swap3A_715 : i32 to index
        %swap3A_717 = arith.index_cast %add3A_671 : i32 to index
        %swap3A_718 = arith.constant 48 : index
        %swap3A_719 = tpu.vector_load %arg10[%swap3A_716, %swap3A_717, %swap3A_718] {strides = array<i32>} : memref<2x32x64xf32, #tpu.memory_space<vmem>>, vector<1x1x16xf32>,
        %swap3A_720 = vector.shape_cast %swap3A_719 : vector<1x1x16xf32> to vector<16xf32>
        %swap3A_721 = vector.shape_cast %get3A_714 : vector<16xf32> to vector<1x1x16xf32>
        tpu.vector_store %arg10[%swap3A_716, %swap3A_717, %swap3A_718], %swap3A_721 {strides = array<i32>} : memref<2x32x64xf32, #tpu.memory_space<vmem>>, vector<1x1x16xf32>,
        %mul3A_722 = arith.constant 16 : i32
        %mul3A_723 = arith.muli %scan3A_123, %mul3A_722 : i32
        %add3A_724 = arith.constant 11 : i32
        %add3A_725 = arith.addi %mul3A_723, %add3A_724 : i32
        %slice3A_726 = vector.extract_strided_slice %get3A_130 {offsets = [11], sizes = [1], strides = [1]} : vector<16xi32> to vector<1xi32>
        %squeeze3A_727 = vector.extract %slice3A_726[0] : i32 from vector<1xi32>
        %get3A_728 = arith.index_cast %add3A_725 : i32 to index
        %get3A_729 = arith.index_cast %squeeze3A_727 : i32 to index
        %get3A_730 = arith.constant 0 : index
        %get3A_731 = tpu.vector_load %arg8[%get3A_728, %get3A_729, %get3A_730] {strides = array<i32>} : memref<32x8x64xf32, #tpu.memory_space<vmem>>, vector<1x1x16xf32>,
        %get3A_732 = vector.shape_cast %get3A_731 : vector<1x1x16xf32> to vector<16xf32>
        %swap3A_733 = arith.constant 0 : i32
        %swap3A_734 = arith.index_cast %swap3A_733 : i32 to index
        %swap3A_735 = arith.index_cast %add3A_725 : i32 to index
        %swap3A_736 = arith.constant 0 : index
        %swap3A_737 = tpu.vector_load %arg10[%swap3A_734, %swap3A_735, %swap3A_736] {strides = array<i32>} : memref<2x32x64xf32, #tpu.memory_space<vmem>>, vector<1x1x16xf32>,
        %swap3A_738 = vector.shape_cast %swap3A_737 : vector<1x1x16xf32> to vector<16xf32>
        %swap3A_739 = vector.shape_cast %get3A_732 : vector<16xf32> to vector<1x1x16xf32>
        tpu.vector_store %arg10[%swap3A_734, %swap3A_735, %swap3A_736], %swap3A_739 {strides = array<i32>} : memref<2x32x64xf32, #tpu.memory_space<vmem>>, vector<1x1x16xf32>,
        %get3A_740 = arith.index_cast %add3A_725 : i32 to index
        %get3A_741 = arith.index_cast %squeeze3A_727 : i32 to index
        %get3A_742 = arith.constant 16 : index
        %get3A_743 = tpu.vector_load %arg8[%get3A_740, %get3A_741, %get3A_742] {strides = array<i32>} : memref<32x8x64xf32, #tpu.memory_space<vmem>>, vector<1x1x16xf32>,
        %get3A_744 = vector.shape_cast %get3A_743 : vector<1x1x16xf32> to vector<16xf32>
        %swap3A_745 = arith.constant 0 : i32
        %swap3A_746 = arith.index_cast %swap3A_745 : i32 to index
        %swap3A_747 = arith.index_cast %add3A_725 : i32 to index
        %swap3A_748 = arith.constant 16 : index
        %swap3A_749 = tpu.vector_load %arg10[%swap3A_746, %swap3A_747, %swap3A_748] {strides = array<i32>} : memref<2x32x64xf32, #tpu.memory_space<vmem>>, vector<1x1x16xf32>,
        %swap3A_750 = vector.shape_cast %swap3A_749 : vector<1x1x16xf32> to vector<16xf32>
        %swap3A_751 = vector.shape_cast %get3A_744 : vector<16xf32> to vector<1x1x16xf32>
        tpu.vector_store %arg10[%swap3A_746, %swap3A_747, %swap3A_748], %swap3A_751 {strides = array<i32>} : memref<2x32x64xf32, #tpu.memory_space<vmem>>, vector<1x1x16xf32>,
        %get3A_752 = arith.index_cast %add3A_725 : i32 to index
        %get3A_753 = arith.index_cast %squeeze3A_727 : i32 to index
        %get3A_754 = arith.constant 32 : index
        %get3A_755 = tpu.vector_load %arg8[%get3A_752, %get3A_753, %get3A_754] {strides = array<i32>} : memref<32x8x64xf32, #tpu.memory_space<vmem>>, vector<1x1x16xf32>,
        %get3A_756 = vector.shape_cast %get3A_755 : vector<1x1x16xf32> to vector<16xf32>
        %swap3A_757 = arith.constant 0 : i32
        %swap3A_758 = arith.index_cast %swap3A_757 : i32 to index
        %swap3A_759 = arith.index_cast %add3A_725 : i32 to index
        %swap3A_760 = arith.constant 32 : index
        %swap3A_761 = tpu.vector_load %arg10[%swap3A_758, %swap3A_759, %swap3A_760] {strides = array<i32>} : memref<2x32x64xf32, #tpu.memory_space<vmem>>, vector<1x1x16xf32>,
        %swap3A_762 = vector.shape_cast %swap3A_761 : vector<1x1x16xf32> to vector<16xf32>
        %swap3A_763 = vector.shape_cast %get3A_756 : vector<16xf32> to vector<1x1x16xf32>
        tpu.vector_store %arg10[%swap3A_758, %swap3A_759, %swap3A_760], %swap3A_763 {strides = array<i32>} : memref<2x32x64xf32, #tpu.memory_space<vmem>>, vector<1x1x16xf32>,
        %get3A_764 = arith.index_cast %add3A_725 : i32 to index
        %get3A_765 = arith.index_cast %squeeze3A_727 : i32 to index
        %get3A_766 = arith.constant 48 : index
        %get3A_767 = tpu.vector_load %arg8[%get3A_764, %get3A_765, %get3A_766] {strides = array<i32>} : memref<32x8x64xf32, #tpu.memory_space<vmem>>, vector<1x1x16xf32>,
        %get3A_768 = vector.shape_cast %get3A_767 : vector<1x1x16xf32> to vector<16xf32>
        %swap3A_769 = arith.constant 0 : i32
        %swap3A_770 = arith.index_cast %swap3A_769 : i32 to index
        %swap3A_771 = arith.index_cast %add3A_725 : i32 to index
        %swap3A_772 = arith.constant 48 : index
        %swap3A_773 = tpu.vector_load %arg10[%swap3A_770, %swap3A_771, %swap3A_772] {strides = array<i32>} : memref<2x32x64xf32, #tpu.memory_space<vmem>>, vector<1x1x16xf32>,
        %swap3A_774 = vector.shape_cast %swap3A_773 : vector<1x1x16xf32> to vector<16xf32>
        %swap3A_775 = vector.shape_cast %get3A_768 : vector<16xf32> to vector<1x1x16xf32>
        tpu.vector_store %arg10[%swap3A_770, %swap3A_771, %swap3A_772], %swap3A_775 {strides = array<i32>} : memref<2x32x64xf32, #tpu.memory_space<vmem>>, vector<1x1x16xf32>,
        %mul3A_776 = arith.constant 16 : i32
        %mul3A_777 = arith.muli %scan3A_123, %mul3A_776 : i32
        %add3A_778 = arith.constant 12 : i32
        %add3A_779 = arith.addi %mul3A_777, %add3A_778 : i32
        %slice3A_780 = vector.extract_strided_slice %get3A_130 {offsets = [12], sizes = [1], strides = [1]} : vector<16xi32> to vector<1xi32>
        %squeeze3A_781 = vector.extract %slice3A_780[0] : i32 from vector<1xi32>
        %get3A_782 = arith.index_cast %add3A_779 : i32 to index
        %get3A_783 = arith.index_cast %squeeze3A_781 : i32 to index
        %get3A_784 = arith.constant 0 : index
        %get3A_785 = tpu.vector_load %arg8[%get3A_782, %get3A_783, %get3A_784] {strides = array<i32>} : memref<32x8x64xf32, #tpu.memory_space<vmem>>, vector<1x1x16xf32>,
        %get3A_786 = vector.shape_cast %get3A_785 : vector<1x1x16xf32> to vector<16xf32>
        %swap3A_787 = arith.constant 0 : i32
        %swap3A_788 = arith.index_cast %swap3A_787 : i32 to index
        %swap3A_789 = arith.index_cast %add3A_779 : i32 to index
        %swap3A_790 = arith.constant 0 : index
        %swap3A_791 = tpu.vector_load %arg10[%swap3A_788, %swap3A_789, %swap3A_790] {strides = array<i32>} : memref<2x32x64xf32, #tpu.memory_space<vmem>>, vector<1x1x16xf32>,
        %swap3A_792 = vector.shape_cast %swap3A_791 : vector<1x1x16xf32> to vector<16xf32>
        %swap3A_793 = vector.shape_cast %get3A_786 : vector<16xf32> to vector<1x1x16xf32>
        tpu.vector_store %arg10[%swap3A_788, %swap3A_789, %swap3A_790], %swap3A_793 {strides = array<i32>} : memref<2x32x64xf32, #tpu.memory_space<vmem>>, vector<1x1x16xf32>,
        %get3A_794 = arith.index_cast %add3A_779 : i32 to index
        %get3A_795 = arith.index_cast %squeeze3A_781 : i32 to index
        %get3A_796 = arith.constant 16 : index
        %get3A_797 = tpu.vector_load %arg8[%get3A_794, %get3A_795, %get3A_796] {strides = array<i32>} : memref<32x8x64xf32, #tpu.memory_space<vmem>>, vector<1x1x16xf32>,
        %get3A_798 = vector.shape_cast %get3A_797 : vector<1x1x16xf32> to vector<16xf32>
        %swap3A_799 = arith.constant 0 : i32
        %swap3A_800 = arith.index_cast %swap3A_799 : i32 to index
        %swap3A_801 = arith.index_cast %add3A_779 : i32 to index
        %swap3A_802 = arith.constant 16 : index
        %swap3A_803 = tpu.vector_load %arg10[%swap3A_800, %swap3A_801, %swap3A_802] {strides = array<i32>} : memref<2x32x64xf32, #tpu.memory_space<vmem>>, vector<1x1x16xf32>,
        %swap3A_804 = vector.shape_cast %swap3A_803 : vector<1x1x16xf32> to vector<16xf32>
        %swap3A_805 = vector.shape_cast %get3A_798 : vector<16xf32> to vector<1x1x16xf32>
        tpu.vector_store %arg10[%swap3A_800, %swap3A_801, %swap3A_802], %swap3A_805 {strides = array<i32>} : memref<2x32x64xf32, #tpu.memory_space<vmem>>, vector<1x1x16xf32>,
        %get3A_806 = arith.index_cast %add3A_779 : i32 to index
        %get3A_807 = arith.index_cast %squeeze3A_781 : i32 to index
        %get3A_808 = arith.constant 32 : index
        %get3A_809 = tpu.vector_load %arg8[%get3A_806, %get3A_807, %get3A_808] {strides = array<i32>} : memref<32x8x64xf32, #tpu.memory_space<vmem>>, vector<1x1x16xf32>,
        %get3A_810 = vector.shape_cast %get3A_809 : vector<1x1x16xf32> to vector<16xf32>
        %swap3A_811 = arith.constant 0 : i32
        %swap3A_812 = arith.index_cast %swap3A_811 : i32 to index
        %swap3A_813 = arith.index_cast %add3A_779 : i32 to index
        %swap3A_814 = arith.constant 32 : index
        %swap3A_815 = tpu.vector_load %arg10[%swap3A_812, %swap3A_813, %swap3A_814] {strides = array<i32>} : memref<2x32x64xf32, #tpu.memory_space<vmem>>, vector<1x1x16xf32>,
        %swap3A_816 = vector.shape_cast %swap3A_815 : vector<1x1x16xf32> to vector<16xf32>
        %swap3A_817 = vector.shape_cast %get3A_810 : vector<16xf32> to vector<1x1x16xf32>
        tpu.vector_store %arg10[%swap3A_812, %swap3A_813, %swap3A_814], %swap3A_817 {strides = array<i32>} : memref<2x32x64xf32, #tpu.memory_space<vmem>>, vector<1x1x16xf32>,
        %get3A_818 = arith.index_cast %add3A_779 : i32 to index
        %get3A_819 = arith.index_cast %squeeze3A_781 : i32 to index
        %get3A_820 = arith.constant 48 : index
        %get3A_821 = tpu.vector_load %arg8[%get3A_818, %get3A_819, %get3A_820] {strides = array<i32>} : memref<32x8x64xf32, #tpu.memory_space<vmem>>, vector<1x1x16xf32>,
        %get3A_822 = vector.shape_cast %get3A_821 : vector<1x1x16xf32> to vector<16xf32>
        %swap3A_823 = arith.constant 0 : i32
        %swap3A_824 = arith.index_cast %swap3A_823 : i32 to index
        %swap3A_825 = arith.index_cast %add3A_779 : i32 to index
        %swap3A_826 = arith.constant 48 : index
        %swap3A_827 = tpu.vector_load %arg10[%swap3A_824, %swap3A_825, %swap3A_826] {strides = array<i32>} : memref<2x32x64xf32, #tpu.memory_space<vmem>>, vector<1x1x16xf32>,
        %swap3A_828 = vector.shape_cast %swap3A_827 : vector<1x1x16xf32> to vector<16xf32>
        %swap3A_829 = vector.shape_cast %get3A_822 : vector<16xf32> to vector<1x1x16xf32>
        tpu.vector_store %arg10[%swap3A_824, %swap3A_825, %swap3A_826], %swap3A_829 {strides = array<i32>} : memref<2x32x64xf32, #tpu.memory_space<vmem>>, vector<1x1x16xf32>,
        %mul3A_830 = arith.constant 16 : i32
        %mul3A_831 = arith.muli %scan3A_123, %mul3A_830 : i32
        %add3A_832 = arith.constant 13 : i32
        %add3A_833 = arith.addi %mul3A_831, %add3A_832 : i32
        %slice3A_834 = vector.extract_strided_slice %get3A_130 {offsets = [13], sizes = [1], strides = [1]} : vector<16xi32> to vector<1xi32>
        %squeeze3A_835 = vector.extract %slice3A_834[0] : i32 from vector<1xi32>
        %get3A_836 = arith.index_cast %add3A_833 : i32 to index
        %get3A_837 = arith.index_cast %squeeze3A_835 : i32 to index
        %get3A_838 = arith.constant 0 : index
        %get3A_839 = tpu.vector_load %arg8[%get3A_836, %get3A_837, %get3A_838] {strides = array<i32>} : memref<32x8x64xf32, #tpu.memory_space<vmem>>, vector<1x1x16xf32>,
        %get3A_840 = vector.shape_cast %get3A_839 : vector<1x1x16xf32> to vector<16xf32>
        %swap3A_841 = arith.constant 0 : i32
        %swap3A_842 = arith.index_cast %swap3A_841 : i32 to index
        %swap3A_843 = arith.index_cast %add3A_833 : i32 to index
        %swap3A_844 = arith.constant 0 : index
        %swap3A_845 = tpu.vector_load %arg10[%swap3A_842, %swap3A_843, %swap3A_844] {strides = array<i32>} : memref<2x32x64xf32, #tpu.memory_space<vmem>>, vector<1x1x16xf32>,
        %swap3A_846 = vector.shape_cast %swap3A_845 : vector<1x1x16xf32> to vector<16xf32>
        %swap3A_847 = vector.shape_cast %get3A_840 : vector<16xf32> to vector<1x1x16xf32>
        tpu.vector_store %arg10[%swap3A_842, %swap3A_843, %swap3A_844], %swap3A_847 {strides = array<i32>} : memref<2x32x64xf32, #tpu.memory_space<vmem>>, vector<1x1x16xf32>,
        %get3A_848 = arith.index_cast %add3A_833 : i32 to index
        %get3A_849 = arith.index_cast %squeeze3A_835 : i32 to index
        %get3A_850 = arith.constant 16 : index
        %get3A_851 = tpu.vector_load %arg8[%get3A_848, %get3A_849, %get3A_850] {strides = array<i32>} : memref<32x8x64xf32, #tpu.memory_space<vmem>>, vector<1x1x16xf32>,
        %get3A_852 = vector.shape_cast %get3A_851 : vector<1x1x16xf32> to vector<16xf32>
        %swap3A_853 = arith.constant 0 : i32
        %swap3A_854 = arith.index_cast %swap3A_853 : i32 to index
        %swap3A_855 = arith.index_cast %add3A_833 : i32 to index
        %swap3A_856 = arith.constant 16 : index
        %swap3A_857 = tpu.vector_load %arg10[%swap3A_854, %swap3A_855, %swap3A_856] {strides = array<i32>} : memref<2x32x64xf32, #tpu.memory_space<vmem>>, vector<1x1x16xf32>,
        %swap3A_858 = vector.shape_cast %swap3A_857 : vector<1x1x16xf32> to vector<16xf32>
        %swap3A_859 = vector.shape_cast %get3A_852 : vector<16xf32> to vector<1x1x16xf32>
        tpu.vector_store %arg10[%swap3A_854, %swap3A_855, %swap3A_856], %swap3A_859 {strides = array<i32>} : memref<2x32x64xf32, #tpu.memory_space<vmem>>, vector<1x1x16xf32>,
        %get3A_860 = arith.index_cast %add3A_833 : i32 to index
        %get3A_861 = arith.index_cast %squeeze3A_835 : i32 to index
        %get3A_862 = arith.constant 32 : index
        %get3A_863 = tpu.vector_load %arg8[%get3A_860, %get3A_861, %get3A_862] {strides = array<i32>} : memref<32x8x64xf32, #tpu.memory_space<vmem>>, vector<1x1x16xf32>,
        %get3A_864 = vector.shape_cast %get3A_863 : vector<1x1x16xf32> to vector<16xf32>
        %swap3A_865 = arith.constant 0 : i32
        %swap3A_866 = arith.index_cast %swap3A_865 : i32 to index
        %swap3A_867 = arith.index_cast %add3A_833 : i32 to index
        %swap3A_868 = arith.constant 32 : index
        %swap3A_869 = tpu.vector_load %arg10[%swap3A_866, %swap3A_867, %swap3A_868] {strides = array<i32>} : memref<2x32x64xf32, #tpu.memory_space<vmem>>, vector<1x1x16xf32>,
        %swap3A_870 = vector.shape_cast %swap3A_869 : vector<1x1x16xf32> to vector<16xf32>
        %swap3A_871 = vector.shape_cast %get3A_864 : vector<16xf32> to vector<1x1x16xf32>
        tpu.vector_store %arg10[%swap3A_866, %swap3A_867, %swap3A_868], %swap3A_871 {strides = array<i32>} : memref<2x32x64xf32, #tpu.memory_space<vmem>>, vector<1x1x16xf32>,
        %get3A_872 = arith.index_cast %add3A_833 : i32 to index
        %get3A_873 = arith.index_cast %squeeze3A_835 : i32 to index
        %get3A_874 = arith.constant 48 : index
        %get3A_875 = tpu.vector_load %arg8[%get3A_872, %get3A_873, %get3A_874] {strides = array<i32>} : memref<32x8x64xf32, #tpu.memory_space<vmem>>, vector<1x1x16xf32>,
        %get3A_876 = vector.shape_cast %get3A_875 : vector<1x1x16xf32> to vector<16xf32>
        %swap3A_877 = arith.constant 0 : i32
        %swap3A_878 = arith.index_cast %swap3A_877 : i32 to index
        %swap3A_879 = arith.index_cast %add3A_833 : i32 to index
        %swap3A_880 = arith.constant 48 : index
        %swap3A_881 = tpu.vector_load %arg10[%swap3A_878, %swap3A_879, %swap3A_880] {strides = array<i32>} : memref<2x32x64xf32, #tpu.memory_space<vmem>>, vector<1x1x16xf32>,
        %swap3A_882 = vector.shape_cast %swap3A_881 : vector<1x1x16xf32> to vector<16xf32>
        %swap3A_883 = vector.shape_cast %get3A_876 : vector<16xf32> to vector<1x1x16xf32>
        tpu.vector_store %arg10[%swap3A_878, %swap3A_879, %swap3A_880], %swap3A_883 {strides = array<i32>} : memref<2x32x64xf32, #tpu.memory_space<vmem>>, vector<1x1x16xf32>,
        %mul3A_884 = arith.constant 16 : i32
        %mul3A_885 = arith.muli %scan3A_123, %mul3A_884 : i32
        %add3A_886 = arith.constant 14 : i32
        %add3A_887 = arith.addi %mul3A_885, %add3A_886 : i32
        %slice3A_888 = vector.extract_strided_slice %get3A_130 {offsets = [14], sizes = [1], strides = [1]} : vector<16xi32> to vector<1xi32>
        %squeeze3A_889 = vector.extract %slice3A_888[0] : i32 from vector<1xi32>
        %get3A_890 = arith.index_cast %add3A_887 : i32 to index
        %get3A_891 = arith.index_cast %squeeze3A_889 : i32 to index
        %get3A_892 = arith.constant 0 : index
        %get3A_893 = tpu.vector_load %arg8[%get3A_890, %get3A_891, %get3A_892] {strides = array<i32>} : memref<32x8x64xf32, #tpu.memory_space<vmem>>, vector<1x1x16xf32>,
        %get3A_894 = vector.shape_cast %get3A_893 : vector<1x1x16xf32> to vector<16xf32>
        %swap3A_895 = arith.constant 0 : i32
        %swap3A_896 = arith.index_cast %swap3A_895 : i32 to index
        %swap3A_897 = arith.index_cast %add3A_887 : i32 to index
        %swap3A_898 = arith.constant 0 : index
        %swap3A_899 = tpu.vector_load %arg10[%swap3A_896, %swap3A_897, %swap3A_898] {strides = array<i32>} : memref<2x32x64xf32, #tpu.memory_space<vmem>>, vector<1x1x16xf32>,
        %swap3A_900 = vector.shape_cast %swap3A_899 : vector<1x1x16xf32> to vector<16xf32>
        %swap3A_901 = vector.shape_cast %get3A_894 : vector<16xf32> to vector<1x1x16xf32>
        tpu.vector_store %arg10[%swap3A_896, %swap3A_897, %swap3A_898], %swap3A_901 {strides = array<i32>} : memref<2x32x64xf32, #tpu.memory_space<vmem>>, vector<1x1x16xf32>,
        %get3A_902 = arith.index_cast %add3A_887 : i32 to index
        %get3A_903 = arith.index_cast %squeeze3A_889 : i32 to index
        %get3A_904 = arith.constant 16 : index
        %get3A_905 = tpu.vector_load %arg8[%get3A_902, %get3A_903, %get3A_904] {strides = array<i32>} : memref<32x8x64xf32, #tpu.memory_space<vmem>>, vector<1x1x16xf32>,
        %get3A_906 = vector.shape_cast %get3A_905 : vector<1x1x16xf32> to vector<16xf32>
        %swap3A_907 = arith.constant 0 : i32
        %swap3A_908 = arith.index_cast %swap3A_907 : i32 to index
        %swap3A_909 = arith.index_cast %add3A_887 : i32 to index
        %swap3A_910 = arith.constant 16 : index
        %swap3A_911 = tpu.vector_load %arg10[%swap3A_908, %swap3A_909, %swap3A_910] {strides = array<i32>} : memref<2x32x64xf32, #tpu.memory_space<vmem>>, vector<1x1x16xf32>,
        %swap3A_912 = vector.shape_cast %swap3A_911 : vector<1x1x16xf32> to vector<16xf32>
        %swap3A_913 = vector.shape_cast %get3A_906 : vector<16xf32> to vector<1x1x16xf32>
        tpu.vector_store %arg10[%swap3A_908, %swap3A_909, %swap3A_910], %swap3A_913 {strides = array<i32>} : memref<2x32x64xf32, #tpu.memory_space<vmem>>, vector<1x1x16xf32>,
        %get3A_914 = arith.index_cast %add3A_887 : i32 to index
        %get3A_915 = arith.index_cast %squeeze3A_889 : i32 to index
        %get3A_916 = arith.constant 32 : index
        %get3A_917 = tpu.vector_load %arg8[%get3A_914, %get3A_915, %get3A_916] {strides = array<i32>} : memref<32x8x64xf32, #tpu.memory_space<vmem>>, vector<1x1x16xf32>,
        %get3A_918 = vector.shape_cast %get3A_917 : vector<1x1x16xf32> to vector<16xf32>
        %swap3A_919 = arith.constant 0 : i32
        %swap3A_920 = arith.index_cast %swap3A_919 : i32 to index
        %swap3A_921 = arith.index_cast %add3A_887 : i32 to index
        %swap3A_922 = arith.constant 32 : index
        %swap3A_923 = tpu.vector_load %arg10[%swap3A_920, %swap3A_921, %swap3A_922] {strides = array<i32>} : memref<2x32x64xf32, #tpu.memory_space<vmem>>, vector<1x1x16xf32>,
        %swap3A_924 = vector.shape_cast %swap3A_923 : vector<1x1x16xf32> to vector<16xf32>
        %swap3A_925 = vector.shape_cast %get3A_918 : vector<16xf32> to vector<1x1x16xf32>
        tpu.vector_store %arg10[%swap3A_920, %swap3A_921, %swap3A_922], %swap3A_925 {strides = array<i32>} : memref<2x32x64xf32, #tpu.memory_space<vmem>>, vector<1x1x16xf32>,
        %get3A_926 = arith.index_cast %add3A_887 : i32 to index
        %get3A_927 = arith.index_cast %squeeze3A_889 : i32 to index
        %get3A_928 = arith.constant 48 : index
        %get3A_929 = tpu.vector_load %arg8[%get3A_926, %get3A_927, %get3A_928] {strides = array<i32>} : memref<32x8x64xf32, #tpu.memory_space<vmem>>, vector<1x1x16xf32>,
        %get3A_930 = vector.shape_cast %get3A_929 : vector<1x1x16xf32> to vector<16xf32>
        %swap3A_931 = arith.constant 0 : i32
        %swap3A_932 = arith.index_cast %swap3A_931 : i32 to index
        %swap3A_933 = arith.index_cast %add3A_887 : i32 to index
        %swap3A_934 = arith.constant 48 : index
        %swap3A_935 = tpu.vector_load %arg10[%swap3A_932, %swap3A_933, %swap3A_934] {strides = array<i32>} : memref<2x32x64xf32, #tpu.memory_space<vmem>>, vector<1x1x16xf32>,
        %swap3A_936 = vector.shape_cast %swap3A_935 : vector<1x1x16xf32> to vector<16xf32>
        %swap3A_937 = vector.shape_cast %get3A_930 : vector<16xf32> to vector<1x1x16xf32>
        tpu.vector_store %arg10[%swap3A_932, %swap3A_933, %swap3A_934], %swap3A_937 {strides = array<i32>} : memref<2x32x64xf32, #tpu.memory_space<vmem>>, vector<1x1x16xf32>,
        %mul3A_938 = arith.constant 16 : i32
        %mul3A_939 = arith.muli %scan3A_123, %mul3A_938 : i32
        %add3A_940 = arith.constant 15 : i32
        %add3A_941 = arith.addi %mul3A_939, %add3A_940 : i32
        %slice3A_942 = vector.extract_strided_slice %get3A_130 {offsets = [15], sizes = [1], strides = [1]} : vector<16xi32> to vector<1xi32>
        %squeeze3A_943 = vector.extract %slice3A_942[0] : i32 from vector<1xi32>
        %get3A_944 = arith.index_cast %add3A_941 : i32 to index
        %get3A_945 = arith.index_cast %squeeze3A_943 : i32 to index
        %get3A_946 = arith.constant 0 : index
        %get3A_947 = tpu.vector_load %arg8[%get3A_944, %get3A_945, %get3A_946] {strides = array<i32>} : memref<32x8x64xf32, #tpu.memory_space<vmem>>, vector<1x1x16xf32>,
        %get3A_948 = vector.shape_cast %get3A_947 : vector<1x1x16xf32> to vector<16xf32>
        %swap3A_949 = arith.constant 0 : i32
        %swap3A_950 = arith.index_cast %swap3A_949 : i32 to index
        %swap3A_951 = arith.index_cast %add3A_941 : i32 to index
        %swap3A_952 = arith.constant 0 : index
        %swap3A_953 = tpu.vector_load %arg10[%swap3A_950, %swap3A_951, %swap3A_952] {strides = array<i32>} : memref<2x32x64xf32, #tpu.memory_space<vmem>>, vector<1x1x16xf32>,
        %swap3A_954 = vector.shape_cast %swap3A_953 : vector<1x1x16xf32> to vector<16xf32>
        %swap3A_955 = vector.shape_cast %get3A_948 : vector<16xf32> to vector<1x1x16xf32>
        tpu.vector_store %arg10[%swap3A_950, %swap3A_951, %swap3A_952], %swap3A_955 {strides = array<i32>} : memref<2x32x64xf32, #tpu.memory_space<vmem>>, vector<1x1x16xf32>,
        %get3A_956 = arith.index_cast %add3A_941 : i32 to index
        %get3A_957 = arith.index_cast %squeeze3A_943 : i32 to index
        %get3A_958 = arith.constant 16 : index
        %get3A_959 = tpu.vector_load %arg8[%get3A_956, %get3A_957, %get3A_958] {strides = array<i32>} : memref<32x8x64xf32, #tpu.memory_space<vmem>>, vector<1x1x16xf32>,
        %get3A_960 = vector.shape_cast %get3A_959 : vector<1x1x16xf32> to vector<16xf32>
        %swap3A_961 = arith.constant 0 : i32
        %swap3A_962 = arith.index_cast %swap3A_961 : i32 to index
        %swap3A_963 = arith.index_cast %add3A_941 : i32 to index
        %swap3A_964 = arith.constant 16 : index
        %swap3A_965 = tpu.vector_load %arg10[%swap3A_962, %swap3A_963, %swap3A_964] {strides = array<i32>} : memref<2x32x64xf32, #tpu.memory_space<vmem>>, vector<1x1x16xf32>,
        %swap3A_966 = vector.shape_cast %swap3A_965 : vector<1x1x16xf32> to vector<16xf32>
        %swap3A_967 = vector.shape_cast %get3A_960 : vector<16xf32> to vector<1x1x16xf32>
        tpu.vector_store %arg10[%swap3A_962, %swap3A_963, %swap3A_964], %swap3A_967 {strides = array<i32>} : memref<2x32x64xf32, #tpu.memory_space<vmem>>, vector<1x1x16xf32>,
        %get3A_968 = arith.index_cast %add3A_941 : i32 to index
        %get3A_969 = arith.index_cast %squeeze3A_943 : i32 to index
        %get3A_970 = arith.constant 32 : index
        %get3A_971 = tpu.vector_load %arg8[%get3A_968, %get3A_969, %get3A_970] {strides = array<i32>} : memref<32x8x64xf32, #tpu.memory_space<vmem>>, vector<1x1x16xf32>,
        %get3A_972 = vector.shape_cast %get3A_971 : vector<1x1x16xf32> to vector<16xf32>
        %swap3A_973 = arith.constant 0 : i32
        %swap3A_974 = arith.index_cast %swap3A_973 : i32 to index
        %swap3A_975 = arith.index_cast %add3A_941 : i32 to index
        %swap3A_976 = arith.constant 32 : index
        %swap3A_977 = tpu.vector_load %arg10[%swap3A_974, %swap3A_975, %swap3A_976] {strides = array<i32>} : memref<2x32x64xf32, #tpu.memory_space<vmem>>, vector<1x1x16xf32>,
        %swap3A_978 = vector.shape_cast %swap3A_977 : vector<1x1x16xf32> to vector<16xf32>
        %swap3A_979 = vector.shape_cast %get3A_972 : vector<16xf32> to vector<1x1x16xf32>
        tpu.vector_store %arg10[%swap3A_974, %swap3A_975, %swap3A_976], %swap3A_979 {strides = array<i32>} : memref<2x32x64xf32, #tpu.memory_space<vmem>>, vector<1x1x16xf32>,
        %get3A_980 = arith.index_cast %add3A_941 : i32 to index
        %get3A_981 = arith.index_cast %squeeze3A_943 : i32 to index
        %get3A_982 = arith.constant 48 : index
        %get3A_983 = tpu.vector_load %arg8[%get3A_980, %get3A_981, %get3A_982] {strides = array<i32>} : memref<32x8x64xf32, #tpu.memory_space<vmem>>, vector<1x1x16xf32>,
        %get3A_984 = vector.shape_cast %get3A_983 : vector<1x1x16xf32> to vector<16xf32>
        %swap3A_985 = arith.constant 0 : i32
        %swap3A_986 = arith.index_cast %swap3A_985 : i32 to index
        %swap3A_987 = arith.index_cast %add3A_941 : i32 to index
        %swap3A_988 = arith.constant 48 : index
        %swap3A_989 = tpu.vector_load %arg10[%swap3A_986, %swap3A_987, %swap3A_988] {strides = array<i32>} : memref<2x32x64xf32, #tpu.memory_space<vmem>>, vector<1x1x16xf32>,
        %swap3A_990 = vector.shape_cast %swap3A_989 : vector<1x1x16xf32> to vector<16xf32>
        %swap3A_991 = vector.shape_cast %get3A_984 : vector<16xf32> to vector<1x1x16xf32>
        tpu.vector_store %arg10[%swap3A_986, %swap3A_987, %swap3A_988], %swap3A_991 {strides = array<i32>} : memref<2x32x64xf32, #tpu.memory_space<vmem>>, vector<1x1x16xf32>,
      }
      %scan3A_65 = arith.constant 2 : i32
      %mul3A_66 = arith.constant 32 : i32
      %mul3A_67 = arith.muli %mul3A_43, %mul3A_66 : i32
      %add3A_68 = arith.addi %mul3A_2, %mul3A_67 : i32
      %dma_start3A = arith.constant 0 : i32
      %dma_start3A_69 = arith.constant 0 : i32
      %dma_start3A_70 = arith.constant 0 : i32
      %dma_start3A_71 = tpu.memref_slice %arg10[%dma_start3A, %dma_start3A_69, %dma_start3A_70] : memref<2x32x64xf32, #tpu.memory_space<vmem>> -> memref<1x32x64xf32, #tpu.memory_space<vmem>>
      %dma_start3A_72 = tpu.memref_squeeze %dma_start3A_71 : memref<1x32x64xf32, #tpu.memory_space<vmem>> -> memref<32x64xf32, #tpu.memory_space<vmem>>
      %dma_start3A_73 = arith.constant 0 : i32
      %dma_start3A_74 = tpu.memref_slice %arg5[%add3A_68, %dma_start3A_73] : memref<16384x64xf32, #tpu.memory_space<hbm>> -> memref<32x64xf32, #tpu.memory_space<hbm>>
      %dma_start3A_75 = arith.constant 0 : i32
      %dma_start3A_76 = tpu.memref_slice %arg5[%add3A_68, %dma_start3A_75] : memref<16384x64xf32, #tpu.memory_space<hbm>> -> memref<32x64xf32, #tpu.memory_space<hbm>>
      %dma_start3A_77 = arith.constant 0 : i32
      %dma_start3A_78 = arith.constant 0 : i32
      %dma_start3A_79 = tpu.memref_slice %arg10[%dma_start3A, %dma_start3A_77, %dma_start3A_78] : memref<2x32x64xf32, #tpu.memory_space<vmem>> -> memref<1x32x64xf32, #tpu.memory_space<vmem>>
      %dma_start3A_80 = tpu.memref_squeeze %dma_start3A_79 : memref<1x32x64xf32, #tpu.memory_space<vmem>> -> memref<32x64xf32, #tpu.memory_space<vmem>>
      tpu.enqueue_dma source(%dma_start3A_80 : memref<32x64xf32, #tpu.memory_space<vmem>>) target(%dma_start3A_76 : memref<32x64xf32, #tpu.memory_space<hbm>>) target_semaphore(%arg13 : memref<!tpu.dma_semaphore, #tpu.memory_space<semaphore_mem>>)
      %add3A_81 = arith.constant 1 : i32
      %add3A_82 = arith.addi %scan3A_41, %add3A_81 : i32
      %lt3A = arith.constant 8 : i32
      %lt3A_83 = arith.cmpi slt, %add3A_82, %lt3A : i32
      %convert_element_type3A_84 = arith.extui %lt3A_83 : i1 to i32
      %cond3A_85 = arith.constant 0 : i32
      %cond3A_86 = arith.cmpi ne, %convert_element_type3A_84, %cond3A_85 : i32
      scf.if %cond3A_86 {
        %add3A_123 = arith.constant 2 : i32
        %add3A_124 = arith.addi %mul3A_43, %add3A_123 : i32
        %scan3A_125 = arith.constant 0 : i32
        %scan3A_126 = arith.constant 2 : i32
        %scan3A_127 = arith.addi %scan3A_125, %scan3A_126 : i32
        %scan3A_128 = arith.constant 1 : i32
        scf.for %scan3A_130 = %scan3A_125 to %scan3A_127 step %scan3A_128  : i32 {
          %mul3A_131 = arith.constant 32 : i32
          %mul3A_132 = arith.muli %add3A_124, %mul3A_131 : i32
          %mul3A_133 = arith.constant 16 : i32
          %mul3A_134 = arith.muli %scan3A_130, %mul3A_133 : i32
          %add3A_135 = arith.addi %mul3A_132, %mul3A_134 : i32
          %get3A = arith.index_cast %add3A_135 : i32 to index
          %get3A_136 = tpu.vector_load %arg6[%get3A] {strides = array<i32>} : memref<512xi32, #tpu.memory_space<vmem>>, vector<16xi32>,
          %get3A_137 = vector.shape_cast %get3A_136 : vector<16xi32> to vector<16xi32>
          %slice3A = vector.extract_strided_slice %get3A_137 {offsets = [0], sizes = [1], strides = [1]} : vector<16xi32> to vector<1xi32>
          %squeeze3A = vector.extract %slice3A[0] : i32 from vector<1xi32>
          %mul3A_138 = arith.constant 16 : i32
          %mul3A_139 = arith.muli %scan3A_130, %mul3A_138 : i32
          %add3A_140 = arith.constant 0 : i32
          %add3A_141 = arith.addi %mul3A_139, %add3A_140 : i32
          %dma_start3A_142 = arith.constant 0 : i32
          %dma_start3A_143 = arith.constant 0 : i32
          %dma_start3A_144 = tpu.memref_slice %arg8[%add3A_141, %dma_start3A_142, %dma_start3A_143] : memref<32x8x64xf32, #tpu.memory_space<vmem>> -> memref<1x8x64xf32, #tpu.memory_space<vmem>>
          %dma_start3A_145 = tpu.memref_squeeze %dma_start3A_144 : memref<1x8x64xf32, #tpu.memory_space<vmem>> -> memref<8x64xf32, #tpu.memory_space<vmem>>
          %dma_start3A_146 = arith.constant 0 : i32
          %dma_start3A_147 = arith.constant 0 : i32
          %dma_start3A_148 = tpu.memref_slice %arg4[%squeeze3A, %dma_start3A_146, %dma_start3A_147] : memref<125000x8x64xf32, #tpu.memory_space<hbm>> -> memref<1x8x64xf32, #tpu.memory_space<hbm>>
          %dma_start3A_149 = tpu.memref_squeeze %dma_start3A_148 : memref<1x8x64xf32, #tpu.memory_space<hbm>> -> memref<8x64xf32, #tpu.memory_space<hbm>>
          %dma_start3A_150 = arith.constant 0 : i32
          %dma_start3A_151 = arith.constant 0 : i32
          %dma_start3A_152 = tpu.memref_slice %arg8[%add3A_141, %dma_start3A_150, %dma_start3A_151] : memref<32x8x64xf32, #tpu.memory_space<vmem>> -> memref<1x8x64xf32, #tpu.memory_space<vmem>>
          %dma_start3A_153 = tpu.memref_squeeze %dma_start3A_152 : memref<1x8x64xf32, #tpu.memory_space<vmem>> -> memref<8x64xf32, #tpu.memory_space<vmem>>
          %dma_start3A_154 = arith.constant 0 : i32
          %dma_start3A_155 = arith.constant 0 : i32
          %dma_start3A_156 = tpu.memref_slice %arg4[%squeeze3A, %dma_start3A_154, %dma_start3A_155] : memref<125000x8x64xf32, #tpu.memory_space<hbm>> -> memref<1x8x64xf32, #tpu.memory_space<hbm>>
          %dma_start3A_157 = tpu.memref_squeeze %dma_start3A_156 : memref<1x8x64xf32, #tpu.memory_space<hbm>> -> memref<8x64xf32, #tpu.memory_space<hbm>>
          tpu.enqueue_dma source(%dma_start3A_157 : memref<8x64xf32, #tpu.memory_space<hbm>>) target(%dma_start3A_153 : memref<8x64xf32, #tpu.memory_space<vmem>>) target_semaphore(%arg11 : memref<!tpu.dma_semaphore, #tpu.memory_space<semaphore_mem>>)
          %slice3A_158 = vector.extract_strided_slice %get3A_137 {offsets = [1], sizes = [1], strides = [1]} : vector<16xi32> to vector<1xi32>
          %squeeze3A_159 = vector.extract %slice3A_158[0] : i32 from vector<1xi32>
          %mul3A_160 = arith.constant 16 : i32
          %mul3A_161 = arith.muli %scan3A_130, %mul3A_160 : i32
          %add3A_162 = arith.constant 1 : i32
          %add3A_163 = arith.addi %mul3A_161, %add3A_162 : i32
          %dma_start3A_164 = arith.constant 0 : i32
          %dma_start3A_165 = arith.constant 0 : i32
          %dma_start3A_166 = tpu.memref_slice %arg8[%add3A_163, %dma_start3A_164, %dma_start3A_165] : memref<32x8x64xf32, #tpu.memory_space<vmem>> -> memref<1x8x64xf32, #tpu.memory_space<vmem>>
          %dma_start3A_167 = tpu.memref_squeeze %dma_start3A_166 : memref<1x8x64xf32, #tpu.memory_space<vmem>> -> memref<8x64xf32, #tpu.memory_space<vmem>>
          %dma_start3A_168 = arith.constant 0 : i32
          %dma_start3A_169 = arith.constant 0 : i32
          %dma_start3A_170 = tpu.memref_slice %arg4[%squeeze3A_159, %dma_start3A_168, %dma_start3A_169] : memref<125000x8x64xf32, #tpu.memory_space<hbm>> -> memref<1x8x64xf32, #tpu.memory_space<hbm>>
          %dma_start3A_171 = tpu.memref_squeeze %dma_start3A_170 : memref<1x8x64xf32, #tpu.memory_space<hbm>> -> memref<8x64xf32, #tpu.memory_space<hbm>>
          %dma_start3A_172 = arith.constant 0 : i32
          %dma_start3A_173 = arith.constant 0 : i32
          %dma_start3A_174 = tpu.memref_slice %arg8[%add3A_163, %dma_start3A_172, %dma_start3A_173] : memref<32x8x64xf32, #tpu.memory_space<vmem>> -> memref<1x8x64xf32, #tpu.memory_space<vmem>>
          %dma_start3A_175 = tpu.memref_squeeze %dma_start3A_174 : memref<1x8x64xf32, #tpu.memory_space<vmem>> -> memref<8x64xf32, #tpu.memory_space<vmem>>
          %dma_start3A_176 = arith.constant 0 : i32
          %dma_start3A_177 = arith.constant 0 : i32
          %dma_start3A_178 = tpu.memref_slice %arg4[%squeeze3A_159, %dma_start3A_176, %dma_start3A_177] : memref<125000x8x64xf32, #tpu.memory_space<hbm>> -> memref<1x8x64xf32, #tpu.memory_space<hbm>>
          %dma_start3A_179 = tpu.memref_squeeze %dma_start3A_178 : memref<1x8x64xf32, #tpu.memory_space<hbm>> -> memref<8x64xf32, #tpu.memory_space<hbm>>
          tpu.enqueue_dma source(%dma_start3A_179 : memref<8x64xf32, #tpu.memory_space<hbm>>) target(%dma_start3A_175 : memref<8x64xf32, #tpu.memory_space<vmem>>) target_semaphore(%arg11 : memref<!tpu.dma_semaphore, #tpu.memory_space<semaphore_mem>>)
          %slice3A_180 = vector.extract_strided_slice %get3A_137 {offsets = [2], sizes = [1], strides = [1]} : vector<16xi32> to vector<1xi32>
          %squeeze3A_181 = vector.extract %slice3A_180[0] : i32 from vector<1xi32>
          %mul3A_182 = arith.constant 16 : i32
          %mul3A_183 = arith.muli %scan3A_130, %mul3A_182 : i32
          %add3A_184 = arith.constant 2 : i32
          %add3A_185 = arith.addi %mul3A_183, %add3A_184 : i32
          %dma_start3A_186 = arith.constant 0 : i32
          %dma_start3A_187 = arith.constant 0 : i32
          %dma_start3A_188 = tpu.memref_slice %arg8[%add3A_185, %dma_start3A_186, %dma_start3A_187] : memref<32x8x64xf32, #tpu.memory_space<vmem>> -> memref<1x8x64xf32, #tpu.memory_space<vmem>>
          %dma_start3A_189 = tpu.memref_squeeze %dma_start3A_188 : memref<1x8x64xf32, #tpu.memory_space<vmem>> -> memref<8x64xf32, #tpu.memory_space<vmem>>
          %dma_start3A_190 = arith.constant 0 : i32
          %dma_start3A_191 = arith.constant 0 : i32
          %dma_start3A_192 = tpu.memref_slice %arg4[%squeeze3A_181, %dma_start3A_190, %dma_start3A_191] : memref<125000x8x64xf32, #tpu.memory_space<hbm>> -> memref<1x8x64xf32, #tpu.memory_space<hbm>>
          %dma_start3A_193 = tpu.memref_squeeze %dma_start3A_192 : memref<1x8x64xf32, #tpu.memory_space<hbm>> -> memref<8x64xf32, #tpu.memory_space<hbm>>
          %dma_start3A_194 = arith.constant 0 : i32
          %dma_start3A_195 = arith.constant 0 : i32
          %dma_start3A_196 = tpu.memref_slice %arg8[%add3A_185, %dma_start3A_194, %dma_start3A_195] : memref<32x8x64xf32, #tpu.memory_space<vmem>> -> memref<1x8x64xf32, #tpu.memory_space<vmem>>
          %dma_start3A_197 = tpu.memref_squeeze %dma_start3A_196 : memref<1x8x64xf32, #tpu.memory_space<vmem>> -> memref<8x64xf32, #tpu.memory_space<vmem>>
          %dma_start3A_198 = arith.constant 0 : i32
          %dma_start3A_199 = arith.constant 0 : i32
          %dma_start3A_200 = tpu.memref_slice %arg4[%squeeze3A_181, %dma_start3A_198, %dma_start3A_199] : memref<125000x8x64xf32, #tpu.memory_space<hbm>> -> memref<1x8x64xf32, #tpu.memory_space<hbm>>
          %dma_start3A_201 = tpu.memref_squeeze %dma_start3A_200 : memref<1x8x64xf32, #tpu.memory_space<hbm>> -> memref<8x64xf32, #tpu.memory_space<hbm>>
          tpu.enqueue_dma source(%dma_start3A_201 : memref<8x64xf32, #tpu.memory_space<hbm>>) target(%dma_start3A_197 : memref<8x64xf32, #tpu.memory_space<vmem>>) target_semaphore(%arg11 : memref<!tpu.dma_semaphore, #tpu.memory_space<semaphore_mem>>)
          %slice3A_202 = vector.extract_strided_slice %get3A_137 {offsets = [3], sizes = [1], strides = [1]} : vector<16xi32> to vector<1xi32>
          %squeeze3A_203 = vector.extract %slice3A_202[0] : i32 from vector<1xi32>
          %mul3A_204 = arith.constant 16 : i32
          %mul3A_205 = arith.muli %scan3A_130, %mul3A_204 : i32
          %add3A_206 = arith.constant 3 : i32
          %add3A_207 = arith.addi %mul3A_205, %add3A_206 : i32
          %dma_start3A_208 = arith.constant 0 : i32
          %dma_start3A_209 = arith.constant 0 : i32
          %dma_start3A_210 = tpu.memref_slice %arg8[%add3A_207, %dma_start3A_208, %dma_start3A_209] : memref<32x8x64xf32, #tpu.memory_space<vmem>> -> memref<1x8x64xf32, #tpu.memory_space<vmem>>
          %dma_start3A_211 = tpu.memref_squeeze %dma_start3A_210 : memref<1x8x64xf32, #tpu.memory_space<vmem>> -> memref<8x64xf32, #tpu.memory_space<vmem>>
          %dma_start3A_212 = arith.constant 0 : i32
          %dma_start3A_213 = arith.constant 0 : i32
          %dma_start3A_214 = tpu.memref_slice %arg4[%squeeze3A_203, %dma_start3A_212, %dma_start3A_213] : memref<125000x8x64xf32, #tpu.memory_space<hbm>> -> memref<1x8x64xf32, #tpu.memory_space<hbm>>
          %dma_start3A_215 = tpu.memref_squeeze %dma_start3A_214 : memref<1x8x64xf32, #tpu.memory_space<hbm>> -> memref<8x64xf32, #tpu.memory_space<hbm>>
          %dma_start3A_216 = arith.constant 0 : i32
          %dma_start3A_217 = arith.constant 0 : i32
          %dma_start3A_218 = tpu.memref_slice %arg8[%add3A_207, %dma_start3A_216, %dma_start3A_217] : memref<32x8x64xf32, #tpu.memory_space<vmem>> -> memref<1x8x64xf32, #tpu.memory_space<vmem>>
          %dma_start3A_219 = tpu.memref_squeeze %dma_start3A_218 : memref<1x8x64xf32, #tpu.memory_space<vmem>> -> memref<8x64xf32, #tpu.memory_space<vmem>>
          %dma_start3A_220 = arith.constant 0 : i32
          %dma_start3A_221 = arith.constant 0 : i32
          %dma_start3A_222 = tpu.memref_slice %arg4[%squeeze3A_203, %dma_start3A_220, %dma_start3A_221] : memref<125000x8x64xf32, #tpu.memory_space<hbm>> -> memref<1x8x64xf32, #tpu.memory_space<hbm>>
          %dma_start3A_223 = tpu.memref_squeeze %dma_start3A_222 : memref<1x8x64xf32, #tpu.memory_space<hbm>> -> memref<8x64xf32, #tpu.memory_space<hbm>>
          tpu.enqueue_dma source(%dma_start3A_223 : memref<8x64xf32, #tpu.memory_space<hbm>>) target(%dma_start3A_219 : memref<8x64xf32, #tpu.memory_space<vmem>>) target_semaphore(%arg11 : memref<!tpu.dma_semaphore, #tpu.memory_space<semaphore_mem>>)
          %slice3A_224 = vector.extract_strided_slice %get3A_137 {offsets = [4], sizes = [1], strides = [1]} : vector<16xi32> to vector<1xi32>
          %squeeze3A_225 = vector.extract %slice3A_224[0] : i32 from vector<1xi32>
          %mul3A_226 = arith.constant 16 : i32
          %mul3A_227 = arith.muli %scan3A_130, %mul3A_226 : i32
          %add3A_228 = arith.constant 4 : i32
          %add3A_229 = arith.addi %mul3A_227, %add3A_228 : i32
          %dma_start3A_230 = arith.constant 0 : i32
          %dma_start3A_231 = arith.constant 0 : i32
          %dma_start3A_232 = tpu.memref_slice %arg8[%add3A_229, %dma_start3A_230, %dma_start3A_231] : memref<32x8x64xf32, #tpu.memory_space<vmem>> -> memref<1x8x64xf32, #tpu.memory_space<vmem>>
          %dma_start3A_233 = tpu.memref_squeeze %dma_start3A_232 : memref<1x8x64xf32, #tpu.memory_space<vmem>> -> memref<8x64xf32, #tpu.memory_space<vmem>>
          %dma_start3A_234 = arith.constant 0 : i32
          %dma_start3A_235 = arith.constant 0 : i32
          %dma_start3A_236 = tpu.memref_slice %arg4[%squeeze3A_225, %dma_start3A_234, %dma_start3A_235] : memref<125000x8x64xf32, #tpu.memory_space<hbm>> -> memref<1x8x64xf32, #tpu.memory_space<hbm>>
          %dma_start3A_237 = tpu.memref_squeeze %dma_start3A_236 : memref<1x8x64xf32, #tpu.memory_space<hbm>> -> memref<8x64xf32, #tpu.memory_space<hbm>>
          %dma_start3A_238 = arith.constant 0 : i32
          %dma_start3A_239 = arith.constant 0 : i32
          %dma_start3A_240 = tpu.memref_slice %arg8[%add3A_229, %dma_start3A_238, %dma_start3A_239] : memref<32x8x64xf32, #tpu.memory_space<vmem>> -> memref<1x8x64xf32, #tpu.memory_space<vmem>>
          %dma_start3A_241 = tpu.memref_squeeze %dma_start3A_240 : memref<1x8x64xf32, #tpu.memory_space<vmem>> -> memref<8x64xf32, #tpu.memory_space<vmem>>
          %dma_start3A_242 = arith.constant 0 : i32
          %dma_start3A_243 = arith.constant 0 : i32
          %dma_start3A_244 = tpu.memref_slice %arg4[%squeeze3A_225, %dma_start3A_242, %dma_start3A_243] : memref<125000x8x64xf32, #tpu.memory_space<hbm>> -> memref<1x8x64xf32, #tpu.memory_space<hbm>>
          %dma_start3A_245 = tpu.memref_squeeze %dma_start3A_244 : memref<1x8x64xf32, #tpu.memory_space<hbm>> -> memref<8x64xf32, #tpu.memory_space<hbm>>
          tpu.enqueue_dma source(%dma_start3A_245 : memref<8x64xf32, #tpu.memory_space<hbm>>) target(%dma_start3A_241 : memref<8x64xf32, #tpu.memory_space<vmem>>) target_semaphore(%arg11 : memref<!tpu.dma_semaphore, #tpu.memory_space<semaphore_mem>>)
          %slice3A_246 = vector.extract_strided_slice %get3A_137 {offsets = [5], sizes = [1], strides = [1]} : vector<16xi32> to vector<1xi32>
          %squeeze3A_247 = vector.extract %slice3A_246[0] : i32 from vector<1xi32>
          %mul3A_248 = arith.constant 16 : i32
          %mul3A_249 = arith.muli %scan3A_130, %mul3A_248 : i32
          %add3A_250 = arith.constant 5 : i32
          %add3A_251 = arith.addi %mul3A_249, %add3A_250 : i32
          %dma_start3A_252 = arith.constant 0 : i32
          %dma_start3A_253 = arith.constant 0 : i32
          %dma_start3A_254 = tpu.memref_slice %arg8[%add3A_251, %dma_start3A_252, %dma_start3A_253] : memref<32x8x64xf32, #tpu.memory_space<vmem>> -> memref<1x8x64xf32, #tpu.memory_space<vmem>>
          %dma_start3A_255 = tpu.memref_squeeze %dma_start3A_254 : memref<1x8x64xf32, #tpu.memory_space<vmem>> -> memref<8x64xf32, #tpu.memory_space<vmem>>
          %dma_start3A_256 = arith.constant 0 : i32
          %dma_start3A_257 = arith.constant 0 : i32
          %dma_start3A_258 = tpu.memref_slice %arg4[%squeeze3A_247, %dma_start3A_256, %dma_start3A_257] : memref<125000x8x64xf32, #tpu.memory_space<hbm>> -> memref<1x8x64xf32, #tpu.memory_space<hbm>>
          %dma_start3A_259 = tpu.memref_squeeze %dma_start3A_258 : memref<1x8x64xf32, #tpu.memory_space<hbm>> -> memref<8x64xf32, #tpu.memory_space<hbm>>
          %dma_start3A_260 = arith.constant 0 : i32
          %dma_start3A_261 = arith.constant 0 : i32
          %dma_start3A_262 = tpu.memref_slice %arg8[%add3A_251, %dma_start3A_260, %dma_start3A_261] : memref<32x8x64xf32, #tpu.memory_space<vmem>> -> memref<1x8x64xf32, #tpu.memory_space<vmem>>
          %dma_start3A_263 = tpu.memref_squeeze %dma_start3A_262 : memref<1x8x64xf32, #tpu.memory_space<vmem>> -> memref<8x64xf32, #tpu.memory_space<vmem>>
          %dma_start3A_264 = arith.constant 0 : i32
          %dma_start3A_265 = arith.constant 0 : i32
          %dma_start3A_266 = tpu.memref_slice %arg4[%squeeze3A_247, %dma_start3A_264, %dma_start3A_265] : memref<125000x8x64xf32, #tpu.memory_space<hbm>> -> memref<1x8x64xf32, #tpu.memory_space<hbm>>
          %dma_start3A_267 = tpu.memref_squeeze %dma_start3A_266 : memref<1x8x64xf32, #tpu.memory_space<hbm>> -> memref<8x64xf32, #tpu.memory_space<hbm>>
          tpu.enqueue_dma source(%dma_start3A_267 : memref<8x64xf32, #tpu.memory_space<hbm>>) target(%dma_start3A_263 : memref<8x64xf32, #tpu.memory_space<vmem>>) target_semaphore(%arg11 : memref<!tpu.dma_semaphore, #tpu.memory_space<semaphore_mem>>)
          %slice3A_268 = vector.extract_strided_slice %get3A_137 {offsets = [6], sizes = [1], strides = [1]} : vector<16xi32> to vector<1xi32>
          %squeeze3A_269 = vector.extract %slice3A_268[0] : i32 from vector<1xi32>
          %mul3A_270 = arith.constant 16 : i32
          %mul3A_271 = arith.muli %scan3A_130, %mul3A_270 : i32
          %add3A_272 = arith.constant 6 : i32
          %add3A_273 = arith.addi %mul3A_271, %add3A_272 : i32
          %dma_start3A_274 = arith.constant 0 : i32
          %dma_start3A_275 = arith.constant 0 : i32
          %dma_start3A_276 = tpu.memref_slice %arg8[%add3A_273, %dma_start3A_274, %dma_start3A_275] : memref<32x8x64xf32, #tpu.memory_space<vmem>> -> memref<1x8x64xf32, #tpu.memory_space<vmem>>
          %dma_start3A_277 = tpu.memref_squeeze %dma_start3A_276 : memref<1x8x64xf32, #tpu.memory_space<vmem>> -> memref<8x64xf32, #tpu.memory_space<vmem>>
          %dma_start3A_278 = arith.constant 0 : i32
          %dma_start3A_279 = arith.constant 0 : i32
          %dma_start3A_280 = tpu.memref_slice %arg4[%squeeze3A_269, %dma_start3A_278, %dma_start3A_279] : memref<125000x8x64xf32, #tpu.memory_space<hbm>> -> memref<1x8x64xf32, #tpu.memory_space<hbm>>
          %dma_start3A_281 = tpu.memref_squeeze %dma_start3A_280 : memref<1x8x64xf32, #tpu.memory_space<hbm>> -> memref<8x64xf32, #tpu.memory_space<hbm>>
          %dma_start3A_282 = arith.constant 0 : i32
          %dma_start3A_283 = arith.constant 0 : i32
          %dma_start3A_284 = tpu.memref_slice %arg8[%add3A_273, %dma_start3A_282, %dma_start3A_283] : memref<32x8x64xf32, #tpu.memory_space<vmem>> -> memref<1x8x64xf32, #tpu.memory_space<vmem>>
          %dma_start3A_285 = tpu.memref_squeeze %dma_start3A_284 : memref<1x8x64xf32, #tpu.memory_space<vmem>> -> memref<8x64xf32, #tpu.memory_space<vmem>>
          %dma_start3A_286 = arith.constant 0 : i32
          %dma_start3A_287 = arith.constant 0 : i32
          %dma_start3A_288 = tpu.memref_slice %arg4[%squeeze3A_269, %dma_start3A_286, %dma_start3A_287] : memref<125000x8x64xf32, #tpu.memory_space<hbm>> -> memref<1x8x64xf32, #tpu.memory_space<hbm>>
          %dma_start3A_289 = tpu.memref_squeeze %dma_start3A_288 : memref<1x8x64xf32, #tpu.memory_space<hbm>> -> memref<8x64xf32, #tpu.memory_space<hbm>>
          tpu.enqueue_dma source(%dma_start3A_289 : memref<8x64xf32, #tpu.memory_space<hbm>>) target(%dma_start3A_285 : memref<8x64xf32, #tpu.memory_space<vmem>>) target_semaphore(%arg11 : memref<!tpu.dma_semaphore, #tpu.memory_space<semaphore_mem>>)
          %slice3A_290 = vector.extract_strided_slice %get3A_137 {offsets = [7], sizes = [1], strides = [1]} : vector<16xi32> to vector<1xi32>
          %squeeze3A_291 = vector.extract %slice3A_290[0] : i32 from vector<1xi32>
          %mul3A_292 = arith.constant 16 : i32
          %mul3A_293 = arith.muli %scan3A_130, %mul3A_292 : i32
          %add3A_294 = arith.constant 7 : i32
          %add3A_295 = arith.addi %mul3A_293, %add3A_294 : i32
          %dma_start3A_296 = arith.constant 0 : i32
          %dma_start3A_297 = arith.constant 0 : i32
          %dma_start3A_298 = tpu.memref_slice %arg8[%add3A_295, %dma_start3A_296, %dma_start3A_297] : memref<32x8x64xf32, #tpu.memory_space<vmem>> -> memref<1x8x64xf32, #tpu.memory_space<vmem>>
          %dma_start3A_299 = tpu.memref_squeeze %dma_start3A_298 : memref<1x8x64xf32, #tpu.memory_space<vmem>> -> memref<8x64xf32, #tpu.memory_space<vmem>>
          %dma_start3A_300 = arith.constant 0 : i32
          %dma_start3A_301 = arith.constant 0 : i32
          %dma_start3A_302 = tpu.memref_slice %arg4[%squeeze3A_291, %dma_start3A_300, %dma_start3A_301] : memref<125000x8x64xf32, #tpu.memory_space<hbm>> -> memref<1x8x64xf32, #tpu.memory_space<hbm>>
          %dma_start3A_303 = tpu.memref_squeeze %dma_start3A_302 : memref<1x8x64xf32, #tpu.memory_space<hbm>> -> memref<8x64xf32, #tpu.memory_space<hbm>>
          %dma_start3A_304 = arith.constant 0 : i32
          %dma_start3A_305 = arith.constant 0 : i32
          %dma_start3A_306 = tpu.memref_slice %arg8[%add3A_295, %dma_start3A_304, %dma_start3A_305] : memref<32x8x64xf32, #tpu.memory_space<vmem>> -> memref<1x8x64xf32, #tpu.memory_space<vmem>>
          %dma_start3A_307 = tpu.memref_squeeze %dma_start3A_306 : memref<1x8x64xf32, #tpu.memory_space<vmem>> -> memref<8x64xf32, #tpu.memory_space<vmem>>
          %dma_start3A_308 = arith.constant 0 : i32
          %dma_start3A_309 = arith.constant 0 : i32
          %dma_start3A_310 = tpu.memref_slice %arg4[%squeeze3A_291, %dma_start3A_308, %dma_start3A_309] : memref<125000x8x64xf32, #tpu.memory_space<hbm>> -> memref<1x8x64xf32, #tpu.memory_space<hbm>>
          %dma_start3A_311 = tpu.memref_squeeze %dma_start3A_310 : memref<1x8x64xf32, #tpu.memory_space<hbm>> -> memref<8x64xf32, #tpu.memory_space<hbm>>
          tpu.enqueue_dma source(%dma_start3A_311 : memref<8x64xf32, #tpu.memory_space<hbm>>) target(%dma_start3A_307 : memref<8x64xf32, #tpu.memory_space<vmem>>) target_semaphore(%arg11 : memref<!tpu.dma_semaphore, #tpu.memory_space<semaphore_mem>>)
          %slice3A_312 = vector.extract_strided_slice %get3A_137 {offsets = [8], sizes = [1], strides = [1]} : vector<16xi32> to vector<1xi32>
          %squeeze3A_313 = vector.extract %slice3A_312[0] : i32 from vector<1xi32>
          %mul3A_314 = arith.constant 16 : i32
          %mul3A_315 = arith.muli %scan3A_130, %mul3A_314 : i32
          %add3A_316 = arith.constant 8 : i32
          %add3A_317 = arith.addi %mul3A_315, %add3A_316 : i32
          %dma_start3A_318 = arith.constant 0 : i32
          %dma_start3A_319 = arith.constant 0 : i32
          %dma_start3A_320 = tpu.memref_slice %arg8[%add3A_317, %dma_start3A_318, %dma_start3A_319] : memref<32x8x64xf32, #tpu.memory_space<vmem>> -> memref<1x8x64xf32, #tpu.memory_space<vmem>>
          %dma_start3A_321 = tpu.memref_squeeze %dma_start3A_320 : memref<1x8x64xf32, #tpu.memory_space<vmem>> -> memref<8x64xf32, #tpu.memory_space<vmem>>
          %dma_start3A_322 = arith.constant 0 : i32
          %dma_start3A_323 = arith.constant 0 : i32
          %dma_start3A_324 = tpu.memref_slice %arg4[%squeeze3A_313, %dma_start3A_322, %dma_start3A_323] : memref<125000x8x64xf32, #tpu.memory_space<hbm>> -> memref<1x8x64xf32, #tpu.memory_space<hbm>>
          %dma_start3A_325 = tpu.memref_squeeze %dma_start3A_324 : memref<1x8x64xf32, #tpu.memory_space<hbm>> -> memref<8x64xf32, #tpu.memory_space<hbm>>
          %dma_start3A_326 = arith.constant 0 : i32
          %dma_start3A_327 = arith.constant 0 : i32
          %dma_start3A_328 = tpu.memref_slice %arg8[%add3A_317, %dma_start3A_326, %dma_start3A_327] : memref<32x8x64xf32, #tpu.memory_space<vmem>> -> memref<1x8x64xf32, #tpu.memory_space<vmem>>
          %dma_start3A_329 = tpu.memref_squeeze %dma_start3A_328 : memref<1x8x64xf32, #tpu.memory_space<vmem>> -> memref<8x64xf32, #tpu.memory_space<vmem>>
          %dma_start3A_330 = arith.constant 0 : i32
          %dma_start3A_331 = arith.constant 0 : i32
          %dma_start3A_332 = tpu.memref_slice %arg4[%squeeze3A_313, %dma_start3A_330, %dma_start3A_331] : memref<125000x8x64xf32, #tpu.memory_space<hbm>> -> memref<1x8x64xf32, #tpu.memory_space<hbm>>
          %dma_start3A_333 = tpu.memref_squeeze %dma_start3A_332 : memref<1x8x64xf32, #tpu.memory_space<hbm>> -> memref<8x64xf32, #tpu.memory_space<hbm>>
          tpu.enqueue_dma source(%dma_start3A_333 : memref<8x64xf32, #tpu.memory_space<hbm>>) target(%dma_start3A_329 : memref<8x64xf32, #tpu.memory_space<vmem>>) target_semaphore(%arg11 : memref<!tpu.dma_semaphore, #tpu.memory_space<semaphore_mem>>)
          %slice3A_334 = vector.extract_strided_slice %get3A_137 {offsets = [9], sizes = [1], strides = [1]} : vector<16xi32> to vector<1xi32>
          %squeeze3A_335 = vector.extract %slice3A_334[0] : i32 from vector<1xi32>
          %mul3A_336 = arith.constant 16 : i32
          %mul3A_337 = arith.muli %scan3A_130, %mul3A_336 : i32
          %add3A_338 = arith.constant 9 : i32
          %add3A_339 = arith.addi %mul3A_337, %add3A_338 : i32
          %dma_start3A_340 = arith.constant 0 : i32
          %dma_start3A_341 = arith.constant 0 : i32
          %dma_start3A_342 = tpu.memref_slice %arg8[%add3A_339, %dma_start3A_340, %dma_start3A_341] : memref<32x8x64xf32, #tpu.memory_space<vmem>> -> memref<1x8x64xf32, #tpu.memory_space<vmem>>
          %dma_start3A_343 = tpu.memref_squeeze %dma_start3A_342 : memref<1x8x64xf32, #tpu.memory_space<vmem>> -> memref<8x64xf32, #tpu.memory_space<vmem>>
          %dma_start3A_344 = arith.constant 0 : i32
          %dma_start3A_345 = arith.constant 0 : i32
          %dma_start3A_346 = tpu.memref_slice %arg4[%squeeze3A_335, %dma_start3A_344, %dma_start3A_345] : memref<125000x8x64xf32, #tpu.memory_space<hbm>> -> memref<1x8x64xf32, #tpu.memory_space<hbm>>
          %dma_start3A_347 = tpu.memref_squeeze %dma_start3A_346 : memref<1x8x64xf32, #tpu.memory_space<hbm>> -> memref<8x64xf32, #tpu.memory_space<hbm>>
          %dma_start3A_348 = arith.constant 0 : i32
          %dma_start3A_349 = arith.constant 0 : i32
          %dma_start3A_350 = tpu.memref_slice %arg8[%add3A_339, %dma_start3A_348, %dma_start3A_349] : memref<32x8x64xf32, #tpu.memory_space<vmem>> -> memref<1x8x64xf32, #tpu.memory_space<vmem>>
          %dma_start3A_351 = tpu.memref_squeeze %dma_start3A_350 : memref<1x8x64xf32, #tpu.memory_space<vmem>> -> memref<8x64xf32, #tpu.memory_space<vmem>>
          %dma_start3A_352 = arith.constant 0 : i32
          %dma_start3A_353 = arith.constant 0 : i32
          %dma_start3A_354 = tpu.memref_slice %arg4[%squeeze3A_335, %dma_start3A_352, %dma_start3A_353] : memref<125000x8x64xf32, #tpu.memory_space<hbm>> -> memref<1x8x64xf32, #tpu.memory_space<hbm>>
          %dma_start3A_355 = tpu.memref_squeeze %dma_start3A_354 : memref<1x8x64xf32, #tpu.memory_space<hbm>> -> memref<8x64xf32, #tpu.memory_space<hbm>>
          tpu.enqueue_dma source(%dma_start3A_355 : memref<8x64xf32, #tpu.memory_space<hbm>>) target(%dma_start3A_351 : memref<8x64xf32, #tpu.memory_space<vmem>>) target_semaphore(%arg11 : memref<!tpu.dma_semaphore, #tpu.memory_space<semaphore_mem>>)
          %slice3A_356 = vector.extract_strided_slice %get3A_137 {offsets = [10], sizes = [1], strides = [1]} : vector<16xi32> to vector<1xi32>
          %squeeze3A_357 = vector.extract %slice3A_356[0] : i32 from vector<1xi32>
          %mul3A_358 = arith.constant 16 : i32
          %mul3A_359 = arith.muli %scan3A_130, %mul3A_358 : i32
          %add3A_360 = arith.constant 10 : i32
          %add3A_361 = arith.addi %mul3A_359, %add3A_360 : i32
          %dma_start3A_362 = arith.constant 0 : i32
          %dma_start3A_363 = arith.constant 0 : i32
          %dma_start3A_364 = tpu.memref_slice %arg8[%add3A_361, %dma_start3A_362, %dma_start3A_363] : memref<32x8x64xf32, #tpu.memory_space<vmem>> -> memref<1x8x64xf32, #tpu.memory_space<vmem>>
          %dma_start3A_365 = tpu.memref_squeeze %dma_start3A_364 : memref<1x8x64xf32, #tpu.memory_space<vmem>> -> memref<8x64xf32, #tpu.memory_space<vmem>>
          %dma_start3A_366 = arith.constant 0 : i32
          %dma_start3A_367 = arith.constant 0 : i32
          %dma_start3A_368 = tpu.memref_slice %arg4[%squeeze3A_357, %dma_start3A_366, %dma_start3A_367] : memref<125000x8x64xf32, #tpu.memory_space<hbm>> -> memref<1x8x64xf32, #tpu.memory_space<hbm>>
          %dma_start3A_369 = tpu.memref_squeeze %dma_start3A_368 : memref<1x8x64xf32, #tpu.memory_space<hbm>> -> memref<8x64xf32, #tpu.memory_space<hbm>>
          %dma_start3A_370 = arith.constant 0 : i32
          %dma_start3A_371 = arith.constant 0 : i32
          %dma_start3A_372 = tpu.memref_slice %arg8[%add3A_361, %dma_start3A_370, %dma_start3A_371] : memref<32x8x64xf32, #tpu.memory_space<vmem>> -> memref<1x8x64xf32, #tpu.memory_space<vmem>>
          %dma_start3A_373 = tpu.memref_squeeze %dma_start3A_372 : memref<1x8x64xf32, #tpu.memory_space<vmem>> -> memref<8x64xf32, #tpu.memory_space<vmem>>
          %dma_start3A_374 = arith.constant 0 : i32
          %dma_start3A_375 = arith.constant 0 : i32
          %dma_start3A_376 = tpu.memref_slice %arg4[%squeeze3A_357, %dma_start3A_374, %dma_start3A_375] : memref<125000x8x64xf32, #tpu.memory_space<hbm>> -> memref<1x8x64xf32, #tpu.memory_space<hbm>>
          %dma_start3A_377 = tpu.memref_squeeze %dma_start3A_376 : memref<1x8x64xf32, #tpu.memory_space<hbm>> -> memref<8x64xf32, #tpu.memory_space<hbm>>
          tpu.enqueue_dma source(%dma_start3A_377 : memref<8x64xf32, #tpu.memory_space<hbm>>) target(%dma_start3A_373 : memref<8x64xf32, #tpu.memory_space<vmem>>) target_semaphore(%arg11 : memref<!tpu.dma_semaphore, #tpu.memory_space<semaphore_mem>>)
          %slice3A_378 = vector.extract_strided_slice %get3A_137 {offsets = [11], sizes = [1], strides = [1]} : vector<16xi32> to vector<1xi32>
          %squeeze3A_379 = vector.extract %slice3A_378[0] : i32 from vector<1xi32>
          %mul3A_380 = arith.constant 16 : i32
          %mul3A_381 = arith.muli %scan3A_130, %mul3A_380 : i32
          %add3A_382 = arith.constant 11 : i32
          %add3A_383 = arith.addi %mul3A_381, %add3A_382 : i32
          %dma_start3A_384 = arith.constant 0 : i32
          %dma_start3A_385 = arith.constant 0 : i32
          %dma_start3A_386 = tpu.memref_slice %arg8[%add3A_383, %dma_start3A_384, %dma_start3A_385] : memref<32x8x64xf32, #tpu.memory_space<vmem>> -> memref<1x8x64xf32, #tpu.memory_space<vmem>>
          %dma_start3A_387 = tpu.memref_squeeze %dma_start3A_386 : memref<1x8x64xf32, #tpu.memory_space<vmem>> -> memref<8x64xf32, #tpu.memory_space<vmem>>
          %dma_start3A_388 = arith.constant 0 : i32
          %dma_start3A_389 = arith.constant 0 : i32
          %dma_start3A_390 = tpu.memref_slice %arg4[%squeeze3A_379, %dma_start3A_388, %dma_start3A_389] : memref<125000x8x64xf32, #tpu.memory_space<hbm>> -> memref<1x8x64xf32, #tpu.memory_space<hbm>>
          %dma_start3A_391 = tpu.memref_squeeze %dma_start3A_390 : memref<1x8x64xf32, #tpu.memory_space<hbm>> -> memref<8x64xf32, #tpu.memory_space<hbm>>
          %dma_start3A_392 = arith.constant 0 : i32
          %dma_start3A_393 = arith.constant 0 : i32
          %dma_start3A_394 = tpu.memref_slice %arg8[%add3A_383, %dma_start3A_392, %dma_start3A_393] : memref<32x8x64xf32, #tpu.memory_space<vmem>> -> memref<1x8x64xf32, #tpu.memory_space<vmem>>
          %dma_start3A_395 = tpu.memref_squeeze %dma_start3A_394 : memref<1x8x64xf32, #tpu.memory_space<vmem>> -> memref<8x64xf32, #tpu.memory_space<vmem>>
          %dma_start3A_396 = arith.constant 0 : i32
          %dma_start3A_397 = arith.constant 0 : i32
          %dma_start3A_398 = tpu.memref_slice %arg4[%squeeze3A_379, %dma_start3A_396, %dma_start3A_397] : memref<125000x8x64xf32, #tpu.memory_space<hbm>> -> memref<1x8x64xf32, #tpu.memory_space<hbm>>
          %dma_start3A_399 = tpu.memref_squeeze %dma_start3A_398 : memref<1x8x64xf32, #tpu.memory_space<hbm>> -> memref<8x64xf32, #tpu.memory_space<hbm>>
          tpu.enqueue_dma source(%dma_start3A_399 : memref<8x64xf32, #tpu.memory_space<hbm>>) target(%dma_start3A_395 : memref<8x64xf32, #tpu.memory_space<vmem>>) target_semaphore(%arg11 : memref<!tpu.dma_semaphore, #tpu.memory_space<semaphore_mem>>)
          %slice3A_400 = vector.extract_strided_slice %get3A_137 {offsets = [12], sizes = [1], strides = [1]} : vector<16xi32> to vector<1xi32>
          %squeeze3A_401 = vector.extract %slice3A_400[0] : i32 from vector<1xi32>
          %mul3A_402 = arith.constant 16 : i32
          %mul3A_403 = arith.muli %scan3A_130, %mul3A_402 : i32
          %add3A_404 = arith.constant 12 : i32
          %add3A_405 = arith.addi %mul3A_403, %add3A_404 : i32
          %dma_start3A_406 = arith.constant 0 : i32
          %dma_start3A_407 = arith.constant 0 : i32
          %dma_start3A_408 = tpu.memref_slice %arg8[%add3A_405, %dma_start3A_406, %dma_start3A_407] : memref<32x8x64xf32, #tpu.memory_space<vmem>> -> memref<1x8x64xf32, #tpu.memory_space<vmem>>
          %dma_start3A_409 = tpu.memref_squeeze %dma_start3A_408 : memref<1x8x64xf32, #tpu.memory_space<vmem>> -> memref<8x64xf32, #tpu.memory_space<vmem>>
          %dma_start3A_410 = arith.constant 0 : i32
          %dma_start3A_411 = arith.constant 0 : i32
          %dma_start3A_412 = tpu.memref_slice %arg4[%squeeze3A_401, %dma_start3A_410, %dma_start3A_411] : memref<125000x8x64xf32, #tpu.memory_space<hbm>> -> memref<1x8x64xf32, #tpu.memory_space<hbm>>
          %dma_start3A_413 = tpu.memref_squeeze %dma_start3A_412 : memref<1x8x64xf32, #tpu.memory_space<hbm>> -> memref<8x64xf32, #tpu.memory_space<hbm>>
          %dma_start3A_414 = arith.constant 0 : i32
          %dma_start3A_415 = arith.constant 0 : i32
          %dma_start3A_416 = tpu.memref_slice %arg8[%add3A_405, %dma_start3A_414, %dma_start3A_415] : memref<32x8x64xf32, #tpu.memory_space<vmem>> -> memref<1x8x64xf32, #tpu.memory_space<vmem>>
          %dma_start3A_417 = tpu.memref_squeeze %dma_start3A_416 : memref<1x8x64xf32, #tpu.memory_space<vmem>> -> memref<8x64xf32, #tpu.memory_space<vmem>>
          %dma_start3A_418 = arith.constant 0 : i32
          %dma_start3A_419 = arith.constant 0 : i32
          %dma_start3A_420 = tpu.memref_slice %arg4[%squeeze3A_401, %dma_start3A_418, %dma_start3A_419] : memref<125000x8x64xf32, #tpu.memory_space<hbm>> -> memref<1x8x64xf32, #tpu.memory_space<hbm>>
          %dma_start3A_421 = tpu.memref_squeeze %dma_start3A_420 : memref<1x8x64xf32, #tpu.memory_space<hbm>> -> memref<8x64xf32, #tpu.memory_space<hbm>>
          tpu.enqueue_dma source(%dma_start3A_421 : memref<8x64xf32, #tpu.memory_space<hbm>>) target(%dma_start3A_417 : memref<8x64xf32, #tpu.memory_space<vmem>>) target_semaphore(%arg11 : memref<!tpu.dma_semaphore, #tpu.memory_space<semaphore_mem>>)
          %slice3A_422 = vector.extract_strided_slice %get3A_137 {offsets = [13], sizes = [1], strides = [1]} : vector<16xi32> to vector<1xi32>
          %squeeze3A_423 = vector.extract %slice3A_422[0] : i32 from vector<1xi32>
          %mul3A_424 = arith.constant 16 : i32
          %mul3A_425 = arith.muli %scan3A_130, %mul3A_424 : i32
          %add3A_426 = arith.constant 13 : i32
          %add3A_427 = arith.addi %mul3A_425, %add3A_426 : i32
          %dma_start3A_428 = arith.constant 0 : i32
          %dma_start3A_429 = arith.constant 0 : i32
          %dma_start3A_430 = tpu.memref_slice %arg8[%add3A_427, %dma_start3A_428, %dma_start3A_429] : memref<32x8x64xf32, #tpu.memory_space<vmem>> -> memref<1x8x64xf32, #tpu.memory_space<vmem>>
          %dma_start3A_431 = tpu.memref_squeeze %dma_start3A_430 : memref<1x8x64xf32, #tpu.memory_space<vmem>> -> memref<8x64xf32, #tpu.memory_space<vmem>>
          %dma_start3A_432 = arith.constant 0 : i32
          %dma_start3A_433 = arith.constant 0 : i32
          %dma_start3A_434 = tpu.memref_slice %arg4[%squeeze3A_423, %dma_start3A_432, %dma_start3A_433] : memref<125000x8x64xf32, #tpu.memory_space<hbm>> -> memref<1x8x64xf32, #tpu.memory_space<hbm>>
          %dma_start3A_435 = tpu.memref_squeeze %dma_start3A_434 : memref<1x8x64xf32, #tpu.memory_space<hbm>> -> memref<8x64xf32, #tpu.memory_space<hbm>>
          %dma_start3A_436 = arith.constant 0 : i32
          %dma_start3A_437 = arith.constant 0 : i32
          %dma_start3A_438 = tpu.memref_slice %arg8[%add3A_427, %dma_start3A_436, %dma_start3A_437] : memref<32x8x64xf32, #tpu.memory_space<vmem>> -> memref<1x8x64xf32, #tpu.memory_space<vmem>>
          %dma_start3A_439 = tpu.memref_squeeze %dma_start3A_438 : memref<1x8x64xf32, #tpu.memory_space<vmem>> -> memref<8x64xf32, #tpu.memory_space<vmem>>
          %dma_start3A_440 = arith.constant 0 : i32
          %dma_start3A_441 = arith.constant 0 : i32
          %dma_start3A_442 = tpu.memref_slice %arg4[%squeeze3A_423, %dma_start3A_440, %dma_start3A_441] : memref<125000x8x64xf32, #tpu.memory_space<hbm>> -> memref<1x8x64xf32, #tpu.memory_space<hbm>>
          %dma_start3A_443 = tpu.memref_squeeze %dma_start3A_442 : memref<1x8x64xf32, #tpu.memory_space<hbm>> -> memref<8x64xf32, #tpu.memory_space<hbm>>
          tpu.enqueue_dma source(%dma_start3A_443 : memref<8x64xf32, #tpu.memory_space<hbm>>) target(%dma_start3A_439 : memref<8x64xf32, #tpu.memory_space<vmem>>) target_semaphore(%arg11 : memref<!tpu.dma_semaphore, #tpu.memory_space<semaphore_mem>>)
          %slice3A_444 = vector.extract_strided_slice %get3A_137 {offsets = [14], sizes = [1], strides = [1]} : vector<16xi32> to vector<1xi32>
          %squeeze3A_445 = vector.extract %slice3A_444[0] : i32 from vector<1xi32>
          %mul3A_446 = arith.constant 16 : i32
          %mul3A_447 = arith.muli %scan3A_130, %mul3A_446 : i32
          %add3A_448 = arith.constant 14 : i32
          %add3A_449 = arith.addi %mul3A_447, %add3A_448 : i32
          %dma_start3A_450 = arith.constant 0 : i32
          %dma_start3A_451 = arith.constant 0 : i32
          %dma_start3A_452 = tpu.memref_slice %arg8[%add3A_449, %dma_start3A_450, %dma_start3A_451] : memref<32x8x64xf32, #tpu.memory_space<vmem>> -> memref<1x8x64xf32, #tpu.memory_space<vmem>>
          %dma_start3A_453 = tpu.memref_squeeze %dma_start3A_452 : memref<1x8x64xf32, #tpu.memory_space<vmem>> -> memref<8x64xf32, #tpu.memory_space<vmem>>
          %dma_start3A_454 = arith.constant 0 : i32
          %dma_start3A_455 = arith.constant 0 : i32
          %dma_start3A_456 = tpu.memref_slice %arg4[%squeeze3A_445, %dma_start3A_454, %dma_start3A_455] : memref<125000x8x64xf32, #tpu.memory_space<hbm>> -> memref<1x8x64xf32, #tpu.memory_space<hbm>>
          %dma_start3A_457 = tpu.memref_squeeze %dma_start3A_456 : memref<1x8x64xf32, #tpu.memory_space<hbm>> -> memref<8x64xf32, #tpu.memory_space<hbm>>
          %dma_start3A_458 = arith.constant 0 : i32
          %dma_start3A_459 = arith.constant 0 : i32
          %dma_start3A_460 = tpu.memref_slice %arg8[%add3A_449, %dma_start3A_458, %dma_start3A_459] : memref<32x8x64xf32, #tpu.memory_space<vmem>> -> memref<1x8x64xf32, #tpu.memory_space<vmem>>
          %dma_start3A_461 = tpu.memref_squeeze %dma_start3A_460 : memref<1x8x64xf32, #tpu.memory_space<vmem>> -> memref<8x64xf32, #tpu.memory_space<vmem>>
          %dma_start3A_462 = arith.constant 0 : i32
          %dma_start3A_463 = arith.constant 0 : i32
          %dma_start3A_464 = tpu.memref_slice %arg4[%squeeze3A_445, %dma_start3A_462, %dma_start3A_463] : memref<125000x8x64xf32, #tpu.memory_space<hbm>> -> memref<1x8x64xf32, #tpu.memory_space<hbm>>
          %dma_start3A_465 = tpu.memref_squeeze %dma_start3A_464 : memref<1x8x64xf32, #tpu.memory_space<hbm>> -> memref<8x64xf32, #tpu.memory_space<hbm>>
          tpu.enqueue_dma source(%dma_start3A_465 : memref<8x64xf32, #tpu.memory_space<hbm>>) target(%dma_start3A_461 : memref<8x64xf32, #tpu.memory_space<vmem>>) target_semaphore(%arg11 : memref<!tpu.dma_semaphore, #tpu.memory_space<semaphore_mem>>)
          %slice3A_466 = vector.extract_strided_slice %get3A_137 {offsets = [15], sizes = [1], strides = [1]} : vector<16xi32> to vector<1xi32>
          %squeeze3A_467 = vector.extract %slice3A_466[0] : i32 from vector<1xi32>
          %mul3A_468 = arith.constant 16 : i32
          %mul3A_469 = arith.muli %scan3A_130, %mul3A_468 : i32
          %add3A_470 = arith.constant 15 : i32
          %add3A_471 = arith.addi %mul3A_469, %add3A_470 : i32
          %dma_start3A_472 = arith.constant 0 : i32
          %dma_start3A_473 = arith.constant 0 : i32
          %dma_start3A_474 = tpu.memref_slice %arg8[%add3A_471, %dma_start3A_472, %dma_start3A_473] : memref<32x8x64xf32, #tpu.memory_space<vmem>> -> memref<1x8x64xf32, #tpu.memory_space<vmem>>
          %dma_start3A_475 = tpu.memref_squeeze %dma_start3A_474 : memref<1x8x64xf32, #tpu.memory_space<vmem>> -> memref<8x64xf32, #tpu.memory_space<vmem>>
          %dma_start3A_476 = arith.constant 0 : i32
          %dma_start3A_477 = arith.constant 0 : i32
          %dma_start3A_478 = tpu.memref_slice %arg4[%squeeze3A_467, %dma_start3A_476, %dma_start3A_477] : memref<125000x8x64xf32, #tpu.memory_space<hbm>> -> memref<1x8x64xf32, #tpu.memory_space<hbm>>
          %dma_start3A_479 = tpu.memref_squeeze %dma_start3A_478 : memref<1x8x64xf32, #tpu.memory_space<hbm>> -> memref<8x64xf32, #tpu.memory_space<hbm>>
          %dma_start3A_480 = arith.constant 0 : i32
          %dma_start3A_481 = arith.constant 0 : i32
          %dma_start3A_482 = tpu.memref_slice %arg8[%add3A_471, %dma_start3A_480, %dma_start3A_481] : memref<32x8x64xf32, #tpu.memory_space<vmem>> -> memref<1x8x64xf32, #tpu.memory_space<vmem>>
          %dma_start3A_483 = tpu.memref_squeeze %dma_start3A_482 : memref<1x8x64xf32, #tpu.memory_space<vmem>> -> memref<8x64xf32, #tpu.memory_space<vmem>>
          %dma_start3A_484 = arith.constant 0 : i32
          %dma_start3A_485 = arith.constant 0 : i32
          %dma_start3A_486 = tpu.memref_slice %arg4[%squeeze3A_467, %dma_start3A_484, %dma_start3A_485] : memref<125000x8x64xf32, #tpu.memory_space<hbm>> -> memref<1x8x64xf32, #tpu.memory_space<hbm>>
          %dma_start3A_487 = tpu.memref_squeeze %dma_start3A_486 : memref<1x8x64xf32, #tpu.memory_space<hbm>> -> memref<8x64xf32, #tpu.memory_space<hbm>>
          tpu.enqueue_dma source(%dma_start3A_487 : memref<8x64xf32, #tpu.memory_space<hbm>>) target(%dma_start3A_483 : memref<8x64xf32, #tpu.memory_space<vmem>>) target_semaphore(%arg11 : memref<!tpu.dma_semaphore, #tpu.memory_space<semaphore_mem>>)
        }
        %scan3A_129 = arith.constant 2 : i32
      } else {
      }
      %dma_wait3A_87 = arith.constant 0 : i32
      %dma_wait3A_88 = arith.constant 0 : i32
      %dma_wait3A_89 = arith.constant 0 : i32
      %dma_wait3A_90 = tpu.memref_slice %arg4[%dma_wait3A_87, %dma_wait3A_88, %dma_wait3A_89] : memref<125000x8x64xf32, #tpu.memory_space<hbm>> -> memref<32x8x64xf32, #tpu.memory_space<hbm>>
      %dma_wait3A_91 = arith.constant 0 : i32
      %dma_wait3A_92 = arith.constant 0 : i32
      %dma_wait3A_93 = arith.constant 0 : i32
      %dma_wait3A_94 = tpu.memref_slice %arg4[%dma_wait3A_91, %dma_wait3A_92, %dma_wait3A_93] : memref<125000x8x64xf32, #tpu.memory_space<hbm>> -> memref<32x8x64xf32, #tpu.memory_space<hbm>>
      tpu.wait_dma2 semaphore(%arg12 : memref<!tpu.dma_semaphore, #tpu.memory_space<semaphore_mem>>) src(%dma_wait3A_94 : memref<32x8x64xf32, #tpu.memory_space<hbm>>) dst(%arg8 : memref<32x8x64xf32, #tpu.memory_space<vmem>>)
      %ge3A_95 = arith.constant 1 : i32
      %ge3A_96 = arith.cmpi sge, %scan3A_41, %ge3A_95 : i32
      %convert_element_type3A_97 = arith.extui %ge3A_96 : i1 to i32
      %cond3A_98 = arith.constant 0 : i32
      %cond3A_99 = arith.cmpi ne, %convert_element_type3A_97, %cond3A_98 : i32
      scf.if %cond3A_99 {
        %dma_wait3A_123 = arith.constant 1 : i32
        %dma_wait3A_124 = arith.constant 0 : i32
        %dma_wait3A_125 = arith.constant 0 : i32
        %dma_wait3A_126 = tpu.memref_slice %arg10[%dma_wait3A_123, %dma_wait3A_124, %dma_wait3A_125] : memref<2x32x64xf32, #tpu.memory_space<vmem>> -> memref<1x32x64xf32, #tpu.memory_space<vmem>>
        %dma_wait3A_127 = tpu.memref_squeeze %dma_wait3A_126 : memref<1x32x64xf32, #tpu.memory_space<vmem>> -> memref<32x64xf32, #tpu.memory_space<vmem>>
        %dma_wait3A_128 = arith.constant 0 : i32
        %dma_wait3A_129 = arith.constant 0 : i32
        %dma_wait3A_130 = tpu.memref_slice %arg5[%dma_wait3A_128, %dma_wait3A_129] : memref<16384x64xf32, #tpu.memory_space<hbm>> -> memref<32x64xf32, #tpu.memory_space<hbm>>
        %dma_wait3A_131 = arith.constant 0 : i32
        %dma_wait3A_132 = arith.constant 0 : i32
        %dma_wait3A_133 = tpu.memref_slice %arg10[%dma_wait3A_123, %dma_wait3A_131, %dma_wait3A_132] : memref<2x32x64xf32, #tpu.memory_space<vmem>> -> memref<1x32x64xf32, #tpu.memory_space<vmem>>
        %dma_wait3A_134 = tpu.memref_squeeze %dma_wait3A_133 : memref<1x32x64xf32, #tpu.memory_space<vmem>> -> memref<32x64xf32, #tpu.memory_space<vmem>>
        %dma_wait3A_135 = arith.constant 0 : i32
        %dma_wait3A_136 = arith.constant 0 : i32
        %dma_wait3A_137 = tpu.memref_slice %arg5[%dma_wait3A_135, %dma_wait3A_136] : memref<16384x64xf32, #tpu.memory_space<hbm>> -> memref<32x64xf32, #tpu.memory_space<hbm>>
        tpu.wait_dma2 semaphore(%arg13 : memref<!tpu.dma_semaphore, #tpu.memory_space<semaphore_mem>>) src(%dma_wait3A_137 : memref<32x64xf32, #tpu.memory_space<hbm>>) dst(%dma_wait3A_134 : memref<32x64xf32, #tpu.memory_space<vmem>>)
      } else {
      }
      %add3A_100 = arith.constant 1 : i32
      %add3A_101 = arith.addi %mul3A_43, %add3A_100 : i32
      %scan3A_102 = arith.constant 0 : i32
      %scan3A_103 = arith.constant 2 : i32
      %scan3A_104 = arith.addi %scan3A_102, %scan3A_103 : i32
      %scan3A_105 = arith.constant 1 : i32
      scf.for %scan3A_123 = %scan3A_102 to %scan3A_104 step %scan3A_105  : i32 {
        %mul3A_124 = arith.constant 32 : i32
        %mul3A_125 = arith.muli %add3A_101, %mul3A_124 : i32
        %mul3A_126 = arith.constant 16 : i32
        %mul3A_127 = arith.muli %scan3A_123, %mul3A_126 : i32
        %add3A_128 = arith.addi %mul3A_125, %mul3A_127 : i32
        %get3A = arith.index_cast %add3A_128 : i32 to index
        %get3A_129 = tpu.vector_load %arg7[%get3A] {strides = array<i32>} : memref<512xi32, #tpu.memory_space<vmem>>, vector<16xi32>,
        %get3A_130 = vector.shape_cast %get3A_129 : vector<16xi32> to vector<16xi32>
        %mul3A_131 = arith.constant 16 : i32
        %mul3A_132 = arith.muli %scan3A_123, %mul3A_131 : i32
        %add3A_133 = arith.constant 0 : i32
        %add3A_134 = arith.addi %mul3A_132, %add3A_133 : i32
        %slice3A = vector.extract_strided_slice %get3A_130 {offsets = [0], sizes = [1], strides = [1]} : vector<16xi32> to vector<1xi32>
        %squeeze3A = vector.extract %slice3A[0] : i32 from vector<1xi32>
        %get3A_135 = arith.index_cast %add3A_134 : i32 to index
        %get3A_136 = arith.index_cast %squeeze3A : i32 to index
        %get3A_137 = arith.constant 0 : index
        %get3A_138 = tpu.vector_load %arg9[%get3A_135, %get3A_136, %get3A_137] {strides = array<i32>} : memref<32x8x64xf32, #tpu.memory_space<vmem>>, vector<1x1x16xf32>,
        %get3A_139 = vector.shape_cast %get3A_138 : vector<1x1x16xf32> to vector<16xf32>
        %swap3A = arith.constant 1 : i32
        %swap3A_140 = arith.index_cast %swap3A : i32 to index
        %swap3A_141 = arith.index_cast %add3A_134 : i32 to index
        %swap3A_142 = arith.constant 0 : index
        %swap3A_143 = tpu.vector_load %arg10[%swap3A_140, %swap3A_141, %swap3A_142] {strides = array<i32>} : memref<2x32x64xf32, #tpu.memory_space<vmem>>, vector<1x1x16xf32>,
        %swap3A_144 = vector.shape_cast %swap3A_143 : vector<1x1x16xf32> to vector<16xf32>
        %swap3A_145 = vector.shape_cast %get3A_139 : vector<16xf32> to vector<1x1x16xf32>
        tpu.vector_store %arg10[%swap3A_140, %swap3A_141, %swap3A_142], %swap3A_145 {strides = array<i32>} : memref<2x32x64xf32, #tpu.memory_space<vmem>>, vector<1x1x16xf32>,
        %get3A_146 = arith.index_cast %add3A_134 : i32 to index
        %get3A_147 = arith.index_cast %squeeze3A : i32 to index
        %get3A_148 = arith.constant 16 : index
        %get3A_149 = tpu.vector_load %arg9[%get3A_146, %get3A_147, %get3A_148] {strides = array<i32>} : memref<32x8x64xf32, #tpu.memory_space<vmem>>, vector<1x1x16xf32>,
        %get3A_150 = vector.shape_cast %get3A_149 : vector<1x1x16xf32> to vector<16xf32>
        %swap3A_151 = arith.constant 1 : i32
        %swap3A_152 = arith.index_cast %swap3A_151 : i32 to index
        %swap3A_153 = arith.index_cast %add3A_134 : i32 to index
        %swap3A_154 = arith.constant 16 : index
        %swap3A_155 = tpu.vector_load %arg10[%swap3A_152, %swap3A_153, %swap3A_154] {strides = array<i32>} : memref<2x32x64xf32, #tpu.memory_space<vmem>>, vector<1x1x16xf32>,
        %swap3A_156 = vector.shape_cast %swap3A_155 : vector<1x1x16xf32> to vector<16xf32>
        %swap3A_157 = vector.shape_cast %get3A_150 : vector<16xf32> to vector<1x1x16xf32>
        tpu.vector_store %arg10[%swap3A_152, %swap3A_153, %swap3A_154], %swap3A_157 {strides = array<i32>} : memref<2x32x64xf32, #tpu.memory_space<vmem>>, vector<1x1x16xf32>,
        %get3A_158 = arith.index_cast %add3A_134 : i32 to index
        %get3A_159 = arith.index_cast %squeeze3A : i32 to index
        %get3A_160 = arith.constant 32 : index
        %get3A_161 = tpu.vector_load %arg9[%get3A_158, %get3A_159, %get3A_160] {strides = array<i32>} : memref<32x8x64xf32, #tpu.memory_space<vmem>>, vector<1x1x16xf32>,
        %get3A_162 = vector.shape_cast %get3A_161 : vector<1x1x16xf32> to vector<16xf32>
        %swap3A_163 = arith.constant 1 : i32
        %swap3A_164 = arith.index_cast %swap3A_163 : i32 to index
        %swap3A_165 = arith.index_cast %add3A_134 : i32 to index
        %swap3A_166 = arith.constant 32 : index
        %swap3A_167 = tpu.vector_load %arg10[%swap3A_164, %swap3A_165, %swap3A_166] {strides = array<i32>} : memref<2x32x64xf32, #tpu.memory_space<vmem>>, vector<1x1x16xf32>,
        %swap3A_168 = vector.shape_cast %swap3A_167 : vector<1x1x16xf32> to vector<16xf32>
        %swap3A_169 = vector.shape_cast %get3A_162 : vector<16xf32> to vector<1x1x16xf32>
        tpu.vector_store %arg10[%swap3A_164, %swap3A_165, %swap3A_166], %swap3A_169 {strides = array<i32>} : memref<2x32x64xf32, #tpu.memory_space<vmem>>, vector<1x1x16xf32>,
        %get3A_170 = arith.index_cast %add3A_134 : i32 to index
        %get3A_171 = arith.index_cast %squeeze3A : i32 to index
        %get3A_172 = arith.constant 48 : index
        %get3A_173 = tpu.vector_load %arg9[%get3A_170, %get3A_171, %get3A_172] {strides = array<i32>} : memref<32x8x64xf32, #tpu.memory_space<vmem>>, vector<1x1x16xf32>,
        %get3A_174 = vector.shape_cast %get3A_173 : vector<1x1x16xf32> to vector<16xf32>
        %swap3A_175 = arith.constant 1 : i32
        %swap3A_176 = arith.index_cast %swap3A_175 : i32 to index
        %swap3A_177 = arith.index_cast %add3A_134 : i32 to index
        %swap3A_178 = arith.constant 48 : index
        %swap3A_179 = tpu.vector_load %arg10[%swap3A_176, %swap3A_177, %swap3A_178] {strides = array<i32>} : memref<2x32x64xf32, #tpu.memory_space<vmem>>, vector<1x1x16xf32>,
        %swap3A_180 = vector.shape_cast %swap3A_179 : vector<1x1x16xf32> to vector<16xf32>
        %swap3A_181 = vector.shape_cast %get3A_174 : vector<16xf32> to vector<1x1x16xf32>
        tpu.vector_store %arg10[%swap3A_176, %swap3A_177, %swap3A_178], %swap3A_181 {strides = array<i32>} : memref<2x32x64xf32, #tpu.memory_space<vmem>>, vector<1x1x16xf32>,
        %mul3A_182 = arith.constant 16 : i32
        %mul3A_183 = arith.muli %scan3A_123, %mul3A_182 : i32
        %add3A_184 = arith.constant 1 : i32
        %add3A_185 = arith.addi %mul3A_183, %add3A_184 : i32
        %slice3A_186 = vector.extract_strided_slice %get3A_130 {offsets = [1], sizes = [1], strides = [1]} : vector<16xi32> to vector<1xi32>
        %squeeze3A_187 = vector.extract %slice3A_186[0] : i32 from vector<1xi32>
        %get3A_188 = arith.index_cast %add3A_185 : i32 to index
        %get3A_189 = arith.index_cast %squeeze3A_187 : i32 to index
        %get3A_190 = arith.constant 0 : index
        %get3A_191 = tpu.vector_load %arg9[%get3A_188, %get3A_189, %get3A_190] {strides = array<i32>} : memref<32x8x64xf32, #tpu.memory_space<vmem>>, vector<1x1x16xf32>,
        %get3A_192 = vector.shape_cast %get3A_191 : vector<1x1x16xf32> to vector<16xf32>
        %swap3A_193 = arith.constant 1 : i32
        %swap3A_194 = arith.index_cast %swap3A_193 : i32 to index
        %swap3A_195 = arith.index_cast %add3A_185 : i32 to index
        %swap3A_196 = arith.constant 0 : index
        %swap3A_197 = tpu.vector_load %arg10[%swap3A_194, %swap3A_195, %swap3A_196] {strides = array<i32>} : memref<2x32x64xf32, #tpu.memory_space<vmem>>, vector<1x1x16xf32>,
        %swap3A_198 = vector.shape_cast %swap3A_197 : vector<1x1x16xf32> to vector<16xf32>
        %swap3A_199 = vector.shape_cast %get3A_192 : vector<16xf32> to vector<1x1x16xf32>
        tpu.vector_store %arg10[%swap3A_194, %swap3A_195, %swap3A_196], %swap3A_199 {strides = array<i32>} : memref<2x32x64xf32, #tpu.memory_space<vmem>>, vector<1x1x16xf32>,
        %get3A_200 = arith.index_cast %add3A_185 : i32 to index
        %get3A_201 = arith.index_cast %squeeze3A_187 : i32 to index
        %get3A_202 = arith.constant 16 : index
        %get3A_203 = tpu.vector_load %arg9[%get3A_200, %get3A_201, %get3A_202] {strides = array<i32>} : memref<32x8x64xf32, #tpu.memory_space<vmem>>, vector<1x1x16xf32>,
        %get3A_204 = vector.shape_cast %get3A_203 : vector<1x1x16xf32> to vector<16xf32>
        %swap3A_205 = arith.constant 1 : i32
        %swap3A_206 = arith.index_cast %swap3A_205 : i32 to index
        %swap3A_207 = arith.index_cast %add3A_185 : i32 to index
        %swap3A_208 = arith.constant 16 : index
        %swap3A_209 = tpu.vector_load %arg10[%swap3A_206, %swap3A_207, %swap3A_208] {strides = array<i32>} : memref<2x32x64xf32, #tpu.memory_space<vmem>>, vector<1x1x16xf32>,
        %swap3A_210 = vector.shape_cast %swap3A_209 : vector<1x1x16xf32> to vector<16xf32>
        %swap3A_211 = vector.shape_cast %get3A_204 : vector<16xf32> to vector<1x1x16xf32>
        tpu.vector_store %arg10[%swap3A_206, %swap3A_207, %swap3A_208], %swap3A_211 {strides = array<i32>} : memref<2x32x64xf32, #tpu.memory_space<vmem>>, vector<1x1x16xf32>,
        %get3A_212 = arith.index_cast %add3A_185 : i32 to index
        %get3A_213 = arith.index_cast %squeeze3A_187 : i32 to index
        %get3A_214 = arith.constant 32 : index
        %get3A_215 = tpu.vector_load %arg9[%get3A_212, %get3A_213, %get3A_214] {strides = array<i32>} : memref<32x8x64xf32, #tpu.memory_space<vmem>>, vector<1x1x16xf32>,
        %get3A_216 = vector.shape_cast %get3A_215 : vector<1x1x16xf32> to vector<16xf32>
        %swap3A_217 = arith.constant 1 : i32
        %swap3A_218 = arith.index_cast %swap3A_217 : i32 to index
        %swap3A_219 = arith.index_cast %add3A_185 : i32 to index
        %swap3A_220 = arith.constant 32 : index
        %swap3A_221 = tpu.vector_load %arg10[%swap3A_218, %swap3A_219, %swap3A_220] {strides = array<i32>} : memref<2x32x64xf32, #tpu.memory_space<vmem>>, vector<1x1x16xf32>,
        %swap3A_222 = vector.shape_cast %swap3A_221 : vector<1x1x16xf32> to vector<16xf32>
        %swap3A_223 = vector.shape_cast %get3A_216 : vector<16xf32> to vector<1x1x16xf32>
        tpu.vector_store %arg10[%swap3A_218, %swap3A_219, %swap3A_220], %swap3A_223 {strides = array<i32>} : memref<2x32x64xf32, #tpu.memory_space<vmem>>, vector<1x1x16xf32>,
        %get3A_224 = arith.index_cast %add3A_185 : i32 to index
        %get3A_225 = arith.index_cast %squeeze3A_187 : i32 to index
        %get3A_226 = arith.constant 48 : index
        %get3A_227 = tpu.vector_load %arg9[%get3A_224, %get3A_225, %get3A_226] {strides = array<i32>} : memref<32x8x64xf32, #tpu.memory_space<vmem>>, vector<1x1x16xf32>,
        %get3A_228 = vector.shape_cast %get3A_227 : vector<1x1x16xf32> to vector<16xf32>
        %swap3A_229 = arith.constant 1 : i32
        %swap3A_230 = arith.index_cast %swap3A_229 : i32 to index
        %swap3A_231 = arith.index_cast %add3A_185 : i32 to index
        %swap3A_232 = arith.constant 48 : index
        %swap3A_233 = tpu.vector_load %arg10[%swap3A_230, %swap3A_231, %swap3A_232] {strides = array<i32>} : memref<2x32x64xf32, #tpu.memory_space<vmem>>, vector<1x1x16xf32>,
        %swap3A_234 = vector.shape_cast %swap3A_233 : vector<1x1x16xf32> to vector<16xf32>
        %swap3A_235 = vector.shape_cast %get3A_228 : vector<16xf32> to vector<1x1x16xf32>
        tpu.vector_store %arg10[%swap3A_230, %swap3A_231, %swap3A_232], %swap3A_235 {strides = array<i32>} : memref<2x32x64xf32, #tpu.memory_space<vmem>>, vector<1x1x16xf32>,
        %mul3A_236 = arith.constant 16 : i32
        %mul3A_237 = arith.muli %scan3A_123, %mul3A_236 : i32
        %add3A_238 = arith.constant 2 : i32
        %add3A_239 = arith.addi %mul3A_237, %add3A_238 : i32
        %slice3A_240 = vector.extract_strided_slice %get3A_130 {offsets = [2], sizes = [1], strides = [1]} : vector<16xi32> to vector<1xi32>
        %squeeze3A_241 = vector.extract %slice3A_240[0] : i32 from vector<1xi32>
        %get3A_242 = arith.index_cast %add3A_239 : i32 to index
        %get3A_243 = arith.index_cast %squeeze3A_241 : i32 to index
        %get3A_244 = arith.constant 0 : index
        %get3A_245 = tpu.vector_load %arg9[%get3A_242, %get3A_243, %get3A_244] {strides = array<i32>} : memref<32x8x64xf32, #tpu.memory_space<vmem>>, vector<1x1x16xf32>,
        %get3A_246 = vector.shape_cast %get3A_245 : vector<1x1x16xf32> to vector<16xf32>
        %swap3A_247 = arith.constant 1 : i32
        %swap3A_248 = arith.index_cast %swap3A_247 : i32 to index
        %swap3A_249 = arith.index_cast %add3A_239 : i32 to index
        %swap3A_250 = arith.constant 0 : index
        %swap3A_251 = tpu.vector_load %arg10[%swap3A_248, %swap3A_249, %swap3A_250] {strides = array<i32>} : memref<2x32x64xf32, #tpu.memory_space<vmem>>, vector<1x1x16xf32>,
        %swap3A_252 = vector.shape_cast %swap3A_251 : vector<1x1x16xf32> to vector<16xf32>
        %swap3A_253 = vector.shape_cast %get3A_246 : vector<16xf32> to vector<1x1x16xf32>
        tpu.vector_store %arg10[%swap3A_248, %swap3A_249, %swap3A_250], %swap3A_253 {strides = array<i32>} : memref<2x32x64xf32, #tpu.memory_space<vmem>>, vector<1x1x16xf32>,
        %get3A_254 = arith.index_cast %add3A_239 : i32 to index
        %get3A_255 = arith.index_cast %squeeze3A_241 : i32 to index
        %get3A_256 = arith.constant 16 : index
        %get3A_257 = tpu.vector_load %arg9[%get3A_254, %get3A_255, %get3A_256] {strides = array<i32>} : memref<32x8x64xf32, #tpu.memory_space<vmem>>, vector<1x1x16xf32>,
        %get3A_258 = vector.shape_cast %get3A_257 : vector<1x1x16xf32> to vector<16xf32>
        %swap3A_259 = arith.constant 1 : i32
        %swap3A_260 = arith.index_cast %swap3A_259 : i32 to index
        %swap3A_261 = arith.index_cast %add3A_239 : i32 to index
        %swap3A_262 = arith.constant 16 : index
        %swap3A_263 = tpu.vector_load %arg10[%swap3A_260, %swap3A_261, %swap3A_262] {strides = array<i32>} : memref<2x32x64xf32, #tpu.memory_space<vmem>>, vector<1x1x16xf32>,
        %swap3A_264 = vector.shape_cast %swap3A_263 : vector<1x1x16xf32> to vector<16xf32>
        %swap3A_265 = vector.shape_cast %get3A_258 : vector<16xf32> to vector<1x1x16xf32>
        tpu.vector_store %arg10[%swap3A_260, %swap3A_261, %swap3A_262], %swap3A_265 {strides = array<i32>} : memref<2x32x64xf32, #tpu.memory_space<vmem>>, vector<1x1x16xf32>,
        %get3A_266 = arith.index_cast %add3A_239 : i32 to index
        %get3A_267 = arith.index_cast %squeeze3A_241 : i32 to index
        %get3A_268 = arith.constant 32 : index
        %get3A_269 = tpu.vector_load %arg9[%get3A_266, %get3A_267, %get3A_268] {strides = array<i32>} : memref<32x8x64xf32, #tpu.memory_space<vmem>>, vector<1x1x16xf32>,
        %get3A_270 = vector.shape_cast %get3A_269 : vector<1x1x16xf32> to vector<16xf32>
        %swap3A_271 = arith.constant 1 : i32
        %swap3A_272 = arith.index_cast %swap3A_271 : i32 to index
        %swap3A_273 = arith.index_cast %add3A_239 : i32 to index
        %swap3A_274 = arith.constant 32 : index
        %swap3A_275 = tpu.vector_load %arg10[%swap3A_272, %swap3A_273, %swap3A_274] {strides = array<i32>} : memref<2x32x64xf32, #tpu.memory_space<vmem>>, vector<1x1x16xf32>,
        %swap3A_276 = vector.shape_cast %swap3A_275 : vector<1x1x16xf32> to vector<16xf32>
        %swap3A_277 = vector.shape_cast %get3A_270 : vector<16xf32> to vector<1x1x16xf32>
        tpu.vector_store %arg10[%swap3A_272, %swap3A_273, %swap3A_274], %swap3A_277 {strides = array<i32>} : memref<2x32x64xf32, #tpu.memory_space<vmem>>, vector<1x1x16xf32>,
        %get3A_278 = arith.index_cast %add3A_239 : i32 to index
        %get3A_279 = arith.index_cast %squeeze3A_241 : i32 to index
        %get3A_280 = arith.constant 48 : index
        %get3A_281 = tpu.vector_load %arg9[%get3A_278, %get3A_279, %get3A_280] {strides = array<i32>} : memref<32x8x64xf32, #tpu.memory_space<vmem>>, vector<1x1x16xf32>,
        %get3A_282 = vector.shape_cast %get3A_281 : vector<1x1x16xf32> to vector<16xf32>
        %swap3A_283 = arith.constant 1 : i32
        %swap3A_284 = arith.index_cast %swap3A_283 : i32 to index
        %swap3A_285 = arith.index_cast %add3A_239 : i32 to index
        %swap3A_286 = arith.constant 48 : index
        %swap3A_287 = tpu.vector_load %arg10[%swap3A_284, %swap3A_285, %swap3A_286] {strides = array<i32>} : memref<2x32x64xf32, #tpu.memory_space<vmem>>, vector<1x1x16xf32>,
        %swap3A_288 = vector.shape_cast %swap3A_287 : vector<1x1x16xf32> to vector<16xf32>
        %swap3A_289 = vector.shape_cast %get3A_282 : vector<16xf32> to vector<1x1x16xf32>
        tpu.vector_store %arg10[%swap3A_284, %swap3A_285, %swap3A_286], %swap3A_289 {strides = array<i32>} : memref<2x32x64xf32, #tpu.memory_space<vmem>>, vector<1x1x16xf32>,
        %mul3A_290 = arith.constant 16 : i32
        %mul3A_291 = arith.muli %scan3A_123, %mul3A_290 : i32
        %add3A_292 = arith.constant 3 : i32
        %add3A_293 = arith.addi %mul3A_291, %add3A_292 : i32
        %slice3A_294 = vector.extract_strided_slice %get3A_130 {offsets = [3], sizes = [1], strides = [1]} : vector<16xi32> to vector<1xi32>
        %squeeze3A_295 = vector.extract %slice3A_294[0] : i32 from vector<1xi32>
        %get3A_296 = arith.index_cast %add3A_293 : i32 to index
        %get3A_297 = arith.index_cast %squeeze3A_295 : i32 to index
        %get3A_298 = arith.constant 0 : index
        %get3A_299 = tpu.vector_load %arg9[%get3A_296, %get3A_297, %get3A_298] {strides = array<i32>} : memref<32x8x64xf32, #tpu.memory_space<vmem>>, vector<1x1x16xf32>,
        %get3A_300 = vector.shape_cast %get3A_299 : vector<1x1x16xf32> to vector<16xf32>
        %swap3A_301 = arith.constant 1 : i32
        %swap3A_302 = arith.index_cast %swap3A_301 : i32 to index
        %swap3A_303 = arith.index_cast %add3A_293 : i32 to index
        %swap3A_304 = arith.constant 0 : index
        %swap3A_305 = tpu.vector_load %arg10[%swap3A_302, %swap3A_303, %swap3A_304] {strides = array<i32>} : memref<2x32x64xf32, #tpu.memory_space<vmem>>, vector<1x1x16xf32>,
        %swap3A_306 = vector.shape_cast %swap3A_305 : vector<1x1x16xf32> to vector<16xf32>
        %swap3A_307 = vector.shape_cast %get3A_300 : vector<16xf32> to vector<1x1x16xf32>
        tpu.vector_store %arg10[%swap3A_302, %swap3A_303, %swap3A_304], %swap3A_307 {strides = array<i32>} : memref<2x32x64xf32, #tpu.memory_space<vmem>>, vector<1x1x16xf32>,
        %get3A_308 = arith.index_cast %add3A_293 : i32 to index
        %get3A_309 = arith.index_cast %squeeze3A_295 : i32 to index
        %get3A_310 = arith.constant 16 : index
        %get3A_311 = tpu.vector_load %arg9[%get3A_308, %get3A_309, %get3A_310] {strides = array<i32>} : memref<32x8x64xf32, #tpu.memory_space<vmem>>, vector<1x1x16xf32>,
        %get3A_312 = vector.shape_cast %get3A_311 : vector<1x1x16xf32> to vector<16xf32>
        %swap3A_313 = arith.constant 1 : i32
        %swap3A_314 = arith.index_cast %swap3A_313 : i32 to index
        %swap3A_315 = arith.index_cast %add3A_293 : i32 to index
        %swap3A_316 = arith.constant 16 : index
        %swap3A_317 = tpu.vector_load %arg10[%swap3A_314, %swap3A_315, %swap3A_316] {strides = array<i32>} : memref<2x32x64xf32, #tpu.memory_space<vmem>>, vector<1x1x16xf32>,
        %swap3A_318 = vector.shape_cast %swap3A_317 : vector<1x1x16xf32> to vector<16xf32>
        %swap3A_319 = vector.shape_cast %get3A_312 : vector<16xf32> to vector<1x1x16xf32>
        tpu.vector_store %arg10[%swap3A_314, %swap3A_315, %swap3A_316], %swap3A_319 {strides = array<i32>} : memref<2x32x64xf32, #tpu.memory_space<vmem>>, vector<1x1x16xf32>,
        %get3A_320 = arith.index_cast %add3A_293 : i32 to index
        %get3A_321 = arith.index_cast %squeeze3A_295 : i32 to index
        %get3A_322 = arith.constant 32 : index
        %get3A_323 = tpu.vector_load %arg9[%get3A_320, %get3A_321, %get3A_322] {strides = array<i32>} : memref<32x8x64xf32, #tpu.memory_space<vmem>>, vector<1x1x16xf32>,
        %get3A_324 = vector.shape_cast %get3A_323 : vector<1x1x16xf32> to vector<16xf32>
        %swap3A_325 = arith.constant 1 : i32
        %swap3A_326 = arith.index_cast %swap3A_325 : i32 to index
        %swap3A_327 = arith.index_cast %add3A_293 : i32 to index
        %swap3A_328 = arith.constant 32 : index
        %swap3A_329 = tpu.vector_load %arg10[%swap3A_326, %swap3A_327, %swap3A_328] {strides = array<i32>} : memref<2x32x64xf32, #tpu.memory_space<vmem>>, vector<1x1x16xf32>,
        %swap3A_330 = vector.shape_cast %swap3A_329 : vector<1x1x16xf32> to vector<16xf32>
        %swap3A_331 = vector.shape_cast %get3A_324 : vector<16xf32> to vector<1x1x16xf32>
        tpu.vector_store %arg10[%swap3A_326, %swap3A_327, %swap3A_328], %swap3A_331 {strides = array<i32>} : memref<2x32x64xf32, #tpu.memory_space<vmem>>, vector<1x1x16xf32>,
        %get3A_332 = arith.index_cast %add3A_293 : i32 to index
        %get3A_333 = arith.index_cast %squeeze3A_295 : i32 to index
        %get3A_334 = arith.constant 48 : index
        %get3A_335 = tpu.vector_load %arg9[%get3A_332, %get3A_333, %get3A_334] {strides = array<i32>} : memref<32x8x64xf32, #tpu.memory_space<vmem>>, vector<1x1x16xf32>,
        %get3A_336 = vector.shape_cast %get3A_335 : vector<1x1x16xf32> to vector<16xf32>
        %swap3A_337 = arith.constant 1 : i32
        %swap3A_338 = arith.index_cast %swap3A_337 : i32 to index
        %swap3A_339 = arith.index_cast %add3A_293 : i32 to index
        %swap3A_340 = arith.constant 48 : index
        %swap3A_341 = tpu.vector_load %arg10[%swap3A_338, %swap3A_339, %swap3A_340] {strides = array<i32>} : memref<2x32x64xf32, #tpu.memory_space<vmem>>, vector<1x1x16xf32>,
        %swap3A_342 = vector.shape_cast %swap3A_341 : vector<1x1x16xf32> to vector<16xf32>
        %swap3A_343 = vector.shape_cast %get3A_336 : vector<16xf32> to vector<1x1x16xf32>
        tpu.vector_store %arg10[%swap3A_338, %swap3A_339, %swap3A_340], %swap3A_343 {strides = array<i32>} : memref<2x32x64xf32, #tpu.memory_space<vmem>>, vector<1x1x16xf32>,
        %mul3A_344 = arith.constant 16 : i32
        %mul3A_345 = arith.muli %scan3A_123, %mul3A_344 : i32
        %add3A_346 = arith.constant 4 : i32
        %add3A_347 = arith.addi %mul3A_345, %add3A_346 : i32
        %slice3A_348 = vector.extract_strided_slice %get3A_130 {offsets = [4], sizes = [1], strides = [1]} : vector<16xi32> to vector<1xi32>
        %squeeze3A_349 = vector.extract %slice3A_348[0] : i32 from vector<1xi32>
        %get3A_350 = arith.index_cast %add3A_347 : i32 to index
        %get3A_351 = arith.index_cast %squeeze3A_349 : i32 to index
        %get3A_352 = arith.constant 0 : index
        %get3A_353 = tpu.vector_load %arg9[%get3A_350, %get3A_351, %get3A_352] {strides = array<i32>} : memref<32x8x64xf32, #tpu.memory_space<vmem>>, vector<1x1x16xf32>,
        %get3A_354 = vector.shape_cast %get3A_353 : vector<1x1x16xf32> to vector<16xf32>
        %swap3A_355 = arith.constant 1 : i32
        %swap3A_356 = arith.index_cast %swap3A_355 : i32 to index
        %swap3A_357 = arith.index_cast %add3A_347 : i32 to index
        %swap3A_358 = arith.constant 0 : index
        %swap3A_359 = tpu.vector_load %arg10[%swap3A_356, %swap3A_357, %swap3A_358] {strides = array<i32>} : memref<2x32x64xf32, #tpu.memory_space<vmem>>, vector<1x1x16xf32>,
        %swap3A_360 = vector.shape_cast %swap3A_359 : vector<1x1x16xf32> to vector<16xf32>
        %swap3A_361 = vector.shape_cast %get3A_354 : vector<16xf32> to vector<1x1x16xf32>
        tpu.vector_store %arg10[%swap3A_356, %swap3A_357, %swap3A_358], %swap3A_361 {strides = array<i32>} : memref<2x32x64xf32, #tpu.memory_space<vmem>>, vector<1x1x16xf32>,
        %get3A_362 = arith.index_cast %add3A_347 : i32 to index
        %get3A_363 = arith.index_cast %squeeze3A_349 : i32 to index
        %get3A_364 = arith.constant 16 : index
        %get3A_365 = tpu.vector_load %arg9[%get3A_362, %get3A_363, %get3A_364] {strides = array<i32>} : memref<32x8x64xf32, #tpu.memory_space<vmem>>, vector<1x1x16xf32>,
        %get3A_366 = vector.shape_cast %get3A_365 : vector<1x1x16xf32> to vector<16xf32>
        %swap3A_367 = arith.constant 1 : i32
        %swap3A_368 = arith.index_cast %swap3A_367 : i32 to index
        %swap3A_369 = arith.index_cast %add3A_347 : i32 to index
        %swap3A_370 = arith.constant 16 : index
        %swap3A_371 = tpu.vector_load %arg10[%swap3A_368, %swap3A_369, %swap3A_370] {strides = array<i32>} : memref<2x32x64xf32, #tpu.memory_space<vmem>>, vector<1x1x16xf32>,
        %swap3A_372 = vector.shape_cast %swap3A_371 : vector<1x1x16xf32> to vector<16xf32>
        %swap3A_373 = vector.shape_cast %get3A_366 : vector<16xf32> to vector<1x1x16xf32>
        tpu.vector_store %arg10[%swap3A_368, %swap3A_369, %swap3A_370], %swap3A_373 {strides = array<i32>} : memref<2x32x64xf32, #tpu.memory_space<vmem>>, vector<1x1x16xf32>,
        %get3A_374 = arith.index_cast %add3A_347 : i32 to index
        %get3A_375 = arith.index_cast %squeeze3A_349 : i32 to index
        %get3A_376 = arith.constant 32 : index
        %get3A_377 = tpu.vector_load %arg9[%get3A_374, %get3A_375, %get3A_376] {strides = array<i32>} : memref<32x8x64xf32, #tpu.memory_space<vmem>>, vector<1x1x16xf32>,
        %get3A_378 = vector.shape_cast %get3A_377 : vector<1x1x16xf32> to vector<16xf32>
        %swap3A_379 = arith.constant 1 : i32
        %swap3A_380 = arith.index_cast %swap3A_379 : i32 to index
        %swap3A_381 = arith.index_cast %add3A_347 : i32 to index
        %swap3A_382 = arith.constant 32 : index
        %swap3A_383 = tpu.vector_load %arg10[%swap3A_380, %swap3A_381, %swap3A_382] {strides = array<i32>} : memref<2x32x64xf32, #tpu.memory_space<vmem>>, vector<1x1x16xf32>,
        %swap3A_384 = vector.shape_cast %swap3A_383 : vector<1x1x16xf32> to vector<16xf32>
        %swap3A_385 = vector.shape_cast %get3A_378 : vector<16xf32> to vector<1x1x16xf32>
        tpu.vector_store %arg10[%swap3A_380, %swap3A_381, %swap3A_382], %swap3A_385 {strides = array<i32>} : memref<2x32x64xf32, #tpu.memory_space<vmem>>, vector<1x1x16xf32>,
        %get3A_386 = arith.index_cast %add3A_347 : i32 to index
        %get3A_387 = arith.index_cast %squeeze3A_349 : i32 to index
        %get3A_388 = arith.constant 48 : index
        %get3A_389 = tpu.vector_load %arg9[%get3A_386, %get3A_387, %get3A_388] {strides = array<i32>} : memref<32x8x64xf32, #tpu.memory_space<vmem>>, vector<1x1x16xf32>,
        %get3A_390 = vector.shape_cast %get3A_389 : vector<1x1x16xf32> to vector<16xf32>
        %swap3A_391 = arith.constant 1 : i32
        %swap3A_392 = arith.index_cast %swap3A_391 : i32 to index
        %swap3A_393 = arith.index_cast %add3A_347 : i32 to index
        %swap3A_394 = arith.constant 48 : index
        %swap3A_395 = tpu.vector_load %arg10[%swap3A_392, %swap3A_393, %swap3A_394] {strides = array<i32>} : memref<2x32x64xf32, #tpu.memory_space<vmem>>, vector<1x1x16xf32>,
        %swap3A_396 = vector.shape_cast %swap3A_395 : vector<1x1x16xf32> to vector<16xf32>
        %swap3A_397 = vector.shape_cast %get3A_390 : vector<16xf32> to vector<1x1x16xf32>
        tpu.vector_store %arg10[%swap3A_392, %swap3A_393, %swap3A_394], %swap3A_397 {strides = array<i32>} : memref<2x32x64xf32, #tpu.memory_space<vmem>>, vector<1x1x16xf32>,
        %mul3A_398 = arith.constant 16 : i32
        %mul3A_399 = arith.muli %scan3A_123, %mul3A_398 : i32
        %add3A_400 = arith.constant 5 : i32
        %add3A_401 = arith.addi %mul3A_399, %add3A_400 : i32
        %slice3A_402 = vector.extract_strided_slice %get3A_130 {offsets = [5], sizes = [1], strides = [1]} : vector<16xi32> to vector<1xi32>
        %squeeze3A_403 = vector.extract %slice3A_402[0] : i32 from vector<1xi32>
        %get3A_404 = arith.index_cast %add3A_401 : i32 to index
        %get3A_405 = arith.index_cast %squeeze3A_403 : i32 to index
        %get3A_406 = arith.constant 0 : index
        %get3A_407 = tpu.vector_load %arg9[%get3A_404, %get3A_405, %get3A_406] {strides = array<i32>} : memref<32x8x64xf32, #tpu.memory_space<vmem>>, vector<1x1x16xf32>,
        %get3A_408 = vector.shape_cast %get3A_407 : vector<1x1x16xf32> to vector<16xf32>
        %swap3A_409 = arith.constant 1 : i32
        %swap3A_410 = arith.index_cast %swap3A_409 : i32 to index
        %swap3A_411 = arith.index_cast %add3A_401 : i32 to index
        %swap3A_412 = arith.constant 0 : index
        %swap3A_413 = tpu.vector_load %arg10[%swap3A_410, %swap3A_411, %swap3A_412] {strides = array<i32>} : memref<2x32x64xf32, #tpu.memory_space<vmem>>, vector<1x1x16xf32>,
        %swap3A_414 = vector.shape_cast %swap3A_413 : vector<1x1x16xf32> to vector<16xf32>
        %swap3A_415 = vector.shape_cast %get3A_408 : vector<16xf32> to vector<1x1x16xf32>
        tpu.vector_store %arg10[%swap3A_410, %swap3A_411, %swap3A_412], %swap3A_415 {strides = array<i32>} : memref<2x32x64xf32, #tpu.memory_space<vmem>>, vector<1x1x16xf32>,
        %get3A_416 = arith.index_cast %add3A_401 : i32 to index
        %get3A_417 = arith.index_cast %squeeze3A_403 : i32 to index
        %get3A_418 = arith.constant 16 : index
        %get3A_419 = tpu.vector_load %arg9[%get3A_416, %get3A_417, %get3A_418] {strides = array<i32>} : memref<32x8x64xf32, #tpu.memory_space<vmem>>, vector<1x1x16xf32>,
        %get3A_420 = vector.shape_cast %get3A_419 : vector<1x1x16xf32> to vector<16xf32>
        %swap3A_421 = arith.constant 1 : i32
        %swap3A_422 = arith.index_cast %swap3A_421 : i32 to index
        %swap3A_423 = arith.index_cast %add3A_401 : i32 to index
        %swap3A_424 = arith.constant 16 : index
        %swap3A_425 = tpu.vector_load %arg10[%swap3A_422, %swap3A_423, %swap3A_424] {strides = array<i32>} : memref<2x32x64xf32, #tpu.memory_space<vmem>>, vector<1x1x16xf32>,
        %swap3A_426 = vector.shape_cast %swap3A_425 : vector<1x1x16xf32> to vector<16xf32>
        %swap3A_427 = vector.shape_cast %get3A_420 : vector<16xf32> to vector<1x1x16xf32>
        tpu.vector_store %arg10[%swap3A_422, %swap3A_423, %swap3A_424], %swap3A_427 {strides = array<i32>} : memref<2x32x64xf32, #tpu.memory_space<vmem>>, vector<1x1x16xf32>,
        %get3A_428 = arith.index_cast %add3A_401 : i32 to index
        %get3A_429 = arith.index_cast %squeeze3A_403 : i32 to index
        %get3A_430 = arith.constant 32 : index
        %get3A_431 = tpu.vector_load %arg9[%get3A_428, %get3A_429, %get3A_430] {strides = array<i32>} : memref<32x8x64xf32, #tpu.memory_space<vmem>>, vector<1x1x16xf32>,
        %get3A_432 = vector.shape_cast %get3A_431 : vector<1x1x16xf32> to vector<16xf32>
        %swap3A_433 = arith.constant 1 : i32
        %swap3A_434 = arith.index_cast %swap3A_433 : i32 to index
        %swap3A_435 = arith.index_cast %add3A_401 : i32 to index
        %swap3A_436 = arith.constant 32 : index
        %swap3A_437 = tpu.vector_load %arg10[%swap3A_434, %swap3A_435, %swap3A_436] {strides = array<i32>} : memref<2x32x64xf32, #tpu.memory_space<vmem>>, vector<1x1x16xf32>,
        %swap3A_438 = vector.shape_cast %swap3A_437 : vector<1x1x16xf32> to vector<16xf32>
        %swap3A_439 = vector.shape_cast %get3A_432 : vector<16xf32> to vector<1x1x16xf32>
        tpu.vector_store %arg10[%swap3A_434, %swap3A_435, %swap3A_436], %swap3A_439 {strides = array<i32>} : memref<2x32x64xf32, #tpu.memory_space<vmem>>, vector<1x1x16xf32>,
        %get3A_440 = arith.index_cast %add3A_401 : i32 to index
        %get3A_441 = arith.index_cast %squeeze3A_403 : i32 to index
        %get3A_442 = arith.constant 48 : index
        %get3A_443 = tpu.vector_load %arg9[%get3A_440, %get3A_441, %get3A_442] {strides = array<i32>} : memref<32x8x64xf32, #tpu.memory_space<vmem>>, vector<1x1x16xf32>,
        %get3A_444 = vector.shape_cast %get3A_443 : vector<1x1x16xf32> to vector<16xf32>
        %swap3A_445 = arith.constant 1 : i32
        %swap3A_446 = arith.index_cast %swap3A_445 : i32 to index
        %swap3A_447 = arith.index_cast %add3A_401 : i32 to index
        %swap3A_448 = arith.constant 48 : index
        %swap3A_449 = tpu.vector_load %arg10[%swap3A_446, %swap3A_447, %swap3A_448] {strides = array<i32>} : memref<2x32x64xf32, #tpu.memory_space<vmem>>, vector<1x1x16xf32>,
        %swap3A_450 = vector.shape_cast %swap3A_449 : vector<1x1x16xf32> to vector<16xf32>
        %swap3A_451 = vector.shape_cast %get3A_444 : vector<16xf32> to vector<1x1x16xf32>
        tpu.vector_store %arg10[%swap3A_446, %swap3A_447, %swap3A_448], %swap3A_451 {strides = array<i32>} : memref<2x32x64xf32, #tpu.memory_space<vmem>>, vector<1x1x16xf32>,
        %mul3A_452 = arith.constant 16 : i32
        %mul3A_453 = arith.muli %scan3A_123, %mul3A_452 : i32
        %add3A_454 = arith.constant 6 : i32
        %add3A_455 = arith.addi %mul3A_453, %add3A_454 : i32
        %slice3A_456 = vector.extract_strided_slice %get3A_130 {offsets = [6], sizes = [1], strides = [1]} : vector<16xi32> to vector<1xi32>
        %squeeze3A_457 = vector.extract %slice3A_456[0] : i32 from vector<1xi32>
        %get3A_458 = arith.index_cast %add3A_455 : i32 to index
        %get3A_459 = arith.index_cast %squeeze3A_457 : i32 to index
        %get3A_460 = arith.constant 0 : index
        %get3A_461 = tpu.vector_load %arg9[%get3A_458, %get3A_459, %get3A_460] {strides = array<i32>} : memref<32x8x64xf32, #tpu.memory_space<vmem>>, vector<1x1x16xf32>,
        %get3A_462 = vector.shape_cast %get3A_461 : vector<1x1x16xf32> to vector<16xf32>
        %swap3A_463 = arith.constant 1 : i32
        %swap3A_464 = arith.index_cast %swap3A_463 : i32 to index
        %swap3A_465 = arith.index_cast %add3A_455 : i32 to index
        %swap3A_466 = arith.constant 0 : index
        %swap3A_467 = tpu.vector_load %arg10[%swap3A_464, %swap3A_465, %swap3A_466] {strides = array<i32>} : memref<2x32x64xf32, #tpu.memory_space<vmem>>, vector<1x1x16xf32>,
        %swap3A_468 = vector.shape_cast %swap3A_467 : vector<1x1x16xf32> to vector<16xf32>
        %swap3A_469 = vector.shape_cast %get3A_462 : vector<16xf32> to vector<1x1x16xf32>
        tpu.vector_store %arg10[%swap3A_464, %swap3A_465, %swap3A_466], %swap3A_469 {strides = array<i32>} : memref<2x32x64xf32, #tpu.memory_space<vmem>>, vector<1x1x16xf32>,
        %get3A_470 = arith.index_cast %add3A_455 : i32 to index
        %get3A_471 = arith.index_cast %squeeze3A_457 : i32 to index
        %get3A_472 = arith.constant 16 : index
        %get3A_473 = tpu.vector_load %arg9[%get3A_470, %get3A_471, %get3A_472] {strides = array<i32>} : memref<32x8x64xf32, #tpu.memory_space<vmem>>, vector<1x1x16xf32>,
        %get3A_474 = vector.shape_cast %get3A_473 : vector<1x1x16xf32> to vector<16xf32>
        %swap3A_475 = arith.constant 1 : i32
        %swap3A_476 = arith.index_cast %swap3A_475 : i32 to index
        %swap3A_477 = arith.index_cast %add3A_455 : i32 to index
        %swap3A_478 = arith.constant 16 : index
        %swap3A_479 = tpu.vector_load %arg10[%swap3A_476, %swap3A_477, %swap3A_478] {strides = array<i32>} : memref<2x32x64xf32, #tpu.memory_space<vmem>>, vector<1x1x16xf32>,
        %swap3A_480 = vector.shape_cast %swap3A_479 : vector<1x1x16xf32> to vector<16xf32>
        %swap3A_481 = vector.shape_cast %get3A_474 : vector<16xf32> to vector<1x1x16xf32>
        tpu.vector_store %arg10[%swap3A_476, %swap3A_477, %swap3A_478], %swap3A_481 {strides = array<i32>} : memref<2x32x64xf32, #tpu.memory_space<vmem>>, vector<1x1x16xf32>,
        %get3A_482 = arith.index_cast %add3A_455 : i32 to index
        %get3A_483 = arith.index_cast %squeeze3A_457 : i32 to index
        %get3A_484 = arith.constant 32 : index
        %get3A_485 = tpu.vector_load %arg9[%get3A_482, %get3A_483, %get3A_484] {strides = array<i32>} : memref<32x8x64xf32, #tpu.memory_space<vmem>>, vector<1x1x16xf32>,
        %get3A_486 = vector.shape_cast %get3A_485 : vector<1x1x16xf32> to vector<16xf32>
        %swap3A_487 = arith.constant 1 : i32
        %swap3A_488 = arith.index_cast %swap3A_487 : i32 to index
        %swap3A_489 = arith.index_cast %add3A_455 : i32 to index
        %swap3A_490 = arith.constant 32 : index
        %swap3A_491 = tpu.vector_load %arg10[%swap3A_488, %swap3A_489, %swap3A_490] {strides = array<i32>} : memref<2x32x64xf32, #tpu.memory_space<vmem>>, vector<1x1x16xf32>,
        %swap3A_492 = vector.shape_cast %swap3A_491 : vector<1x1x16xf32> to vector<16xf32>
        %swap3A_493 = vector.shape_cast %get3A_486 : vector<16xf32> to vector<1x1x16xf32>
        tpu.vector_store %arg10[%swap3A_488, %swap3A_489, %swap3A_490], %swap3A_493 {strides = array<i32>} : memref<2x32x64xf32, #tpu.memory_space<vmem>>, vector<1x1x16xf32>,
        %get3A_494 = arith.index_cast %add3A_455 : i32 to index
        %get3A_495 = arith.index_cast %squeeze3A_457 : i32 to index
        %get3A_496 = arith.constant 48 : index
        %get3A_497 = tpu.vector_load %arg9[%get3A_494, %get3A_495, %get3A_496] {strides = array<i32>} : memref<32x8x64xf32, #tpu.memory_space<vmem>>, vector<1x1x16xf32>,
        %get3A_498 = vector.shape_cast %get3A_497 : vector<1x1x16xf32> to vector<16xf32>
        %swap3A_499 = arith.constant 1 : i32
        %swap3A_500 = arith.index_cast %swap3A_499 : i32 to index
        %swap3A_501 = arith.index_cast %add3A_455 : i32 to index
        %swap3A_502 = arith.constant 48 : index
        %swap3A_503 = tpu.vector_load %arg10[%swap3A_500, %swap3A_501, %swap3A_502] {strides = array<i32>} : memref<2x32x64xf32, #tpu.memory_space<vmem>>, vector<1x1x16xf32>,
        %swap3A_504 = vector.shape_cast %swap3A_503 : vector<1x1x16xf32> to vector<16xf32>
        %swap3A_505 = vector.shape_cast %get3A_498 : vector<16xf32> to vector<1x1x16xf32>
        tpu.vector_store %arg10[%swap3A_500, %swap3A_501, %swap3A_502], %swap3A_505 {strides = array<i32>} : memref<2x32x64xf32, #tpu.memory_space<vmem>>, vector<1x1x16xf32>,
        %mul3A_506 = arith.constant 16 : i32
        %mul3A_507 = arith.muli %scan3A_123, %mul3A_506 : i32
        %add3A_508 = arith.constant 7 : i32
        %add3A_509 = arith.addi %mul3A_507, %add3A_508 : i32
        %slice3A_510 = vector.extract_strided_slice %get3A_130 {offsets = [7], sizes = [1], strides = [1]} : vector<16xi32> to vector<1xi32>
        %squeeze3A_511 = vector.extract %slice3A_510[0] : i32 from vector<1xi32>
        %get3A_512 = arith.index_cast %add3A_509 : i32 to index
        %get3A_513 = arith.index_cast %squeeze3A_511 : i32 to index
        %get3A_514 = arith.constant 0 : index
        %get3A_515 = tpu.vector_load %arg9[%get3A_512, %get3A_513, %get3A_514] {strides = array<i32>} : memref<32x8x64xf32, #tpu.memory_space<vmem>>, vector<1x1x16xf32>,
        %get3A_516 = vector.shape_cast %get3A_515 : vector<1x1x16xf32> to vector<16xf32>
        %swap3A_517 = arith.constant 1 : i32
        %swap3A_518 = arith.index_cast %swap3A_517 : i32 to index
        %swap3A_519 = arith.index_cast %add3A_509 : i32 to index
        %swap3A_520 = arith.constant 0 : index
        %swap3A_521 = tpu.vector_load %arg10[%swap3A_518, %swap3A_519, %swap3A_520] {strides = array<i32>} : memref<2x32x64xf32, #tpu.memory_space<vmem>>, vector<1x1x16xf32>,
        %swap3A_522 = vector.shape_cast %swap3A_521 : vector<1x1x16xf32> to vector<16xf32>
        %swap3A_523 = vector.shape_cast %get3A_516 : vector<16xf32> to vector<1x1x16xf32>
        tpu.vector_store %arg10[%swap3A_518, %swap3A_519, %swap3A_520], %swap3A_523 {strides = array<i32>} : memref<2x32x64xf32, #tpu.memory_space<vmem>>, vector<1x1x16xf32>,
        %get3A_524 = arith.index_cast %add3A_509 : i32 to index
        %get3A_525 = arith.index_cast %squeeze3A_511 : i32 to index
        %get3A_526 = arith.constant 16 : index
        %get3A_527 = tpu.vector_load %arg9[%get3A_524, %get3A_525, %get3A_526] {strides = array<i32>} : memref<32x8x64xf32, #tpu.memory_space<vmem>>, vector<1x1x16xf32>,
        %get3A_528 = vector.shape_cast %get3A_527 : vector<1x1x16xf32> to vector<16xf32>
        %swap3A_529 = arith.constant 1 : i32
        %swap3A_530 = arith.index_cast %swap3A_529 : i32 to index
        %swap3A_531 = arith.index_cast %add3A_509 : i32 to index
        %swap3A_532 = arith.constant 16 : index
        %swap3A_533 = tpu.vector_load %arg10[%swap3A_530, %swap3A_531, %swap3A_532] {strides = array<i32>} : memref<2x32x64xf32, #tpu.memory_space<vmem>>, vector<1x1x16xf32>,
        %swap3A_534 = vector.shape_cast %swap3A_533 : vector<1x1x16xf32> to vector<16xf32>
        %swap3A_535 = vector.shape_cast %get3A_528 : vector<16xf32> to vector<1x1x16xf32>
        tpu.vector_store %arg10[%swap3A_530, %swap3A_531, %swap3A_532], %swap3A_535 {strides = array<i32>} : memref<2x32x64xf32, #tpu.memory_space<vmem>>, vector<1x1x16xf32>,
        %get3A_536 = arith.index_cast %add3A_509 : i32 to index
        %get3A_537 = arith.index_cast %squeeze3A_511 : i32 to index
        %get3A_538 = arith.constant 32 : index
        %get3A_539 = tpu.vector_load %arg9[%get3A_536, %get3A_537, %get3A_538] {strides = array<i32>} : memref<32x8x64xf32, #tpu.memory_space<vmem>>, vector<1x1x16xf32>,
        %get3A_540 = vector.shape_cast %get3A_539 : vector<1x1x16xf32> to vector<16xf32>
        %swap3A_541 = arith.constant 1 : i32
        %swap3A_542 = arith.index_cast %swap3A_541 : i32 to index
        %swap3A_543 = arith.index_cast %add3A_509 : i32 to index
        %swap3A_544 = arith.constant 32 : index
        %swap3A_545 = tpu.vector_load %arg10[%swap3A_542, %swap3A_543, %swap3A_544] {strides = array<i32>} : memref<2x32x64xf32, #tpu.memory_space<vmem>>, vector<1x1x16xf32>,
        %swap3A_546 = vector.shape_cast %swap3A_545 : vector<1x1x16xf32> to vector<16xf32>
        %swap3A_547 = vector.shape_cast %get3A_540 : vector<16xf32> to vector<1x1x16xf32>
        tpu.vector_store %arg10[%swap3A_542, %swap3A_543, %swap3A_544], %swap3A_547 {strides = array<i32>} : memref<2x32x64xf32, #tpu.memory_space<vmem>>, vector<1x1x16xf32>,
        %get3A_548 = arith.index_cast %add3A_509 : i32 to index
        %get3A_549 = arith.index_cast %squeeze3A_511 : i32 to index
        %get3A_550 = arith.constant 48 : index
        %get3A_551 = tpu.vector_load %arg9[%get3A_548, %get3A_549, %get3A_550] {strides = array<i32>} : memref<32x8x64xf32, #tpu.memory_space<vmem>>, vector<1x1x16xf32>,
        %get3A_552 = vector.shape_cast %get3A_551 : vector<1x1x16xf32> to vector<16xf32>
        %swap3A_553 = arith.constant 1 : i32
        %swap3A_554 = arith.index_cast %swap3A_553 : i32 to index
        %swap3A_555 = arith.index_cast %add3A_509 : i32 to index
        %swap3A_556 = arith.constant 48 : index
        %swap3A_557 = tpu.vector_load %arg10[%swap3A_554, %swap3A_555, %swap3A_556] {strides = array<i32>} : memref<2x32x64xf32, #tpu.memory_space<vmem>>, vector<1x1x16xf32>,
        %swap3A_558 = vector.shape_cast %swap3A_557 : vector<1x1x16xf32> to vector<16xf32>
        %swap3A_559 = vector.shape_cast %get3A_552 : vector<16xf32> to vector<1x1x16xf32>
        tpu.vector_store %arg10[%swap3A_554, %swap3A_555, %swap3A_556], %swap3A_559 {strides = array<i32>} : memref<2x32x64xf32, #tpu.memory_space<vmem>>, vector<1x1x16xf32>,
        %mul3A_560 = arith.constant 16 : i32
        %mul3A_561 = arith.muli %scan3A_123, %mul3A_560 : i32
        %add3A_562 = arith.constant 8 : i32
        %add3A_563 = arith.addi %mul3A_561, %add3A_562 : i32
        %slice3A_564 = vector.extract_strided_slice %get3A_130 {offsets = [8], sizes = [1], strides = [1]} : vector<16xi32> to vector<1xi32>
        %squeeze3A_565 = vector.extract %slice3A_564[0] : i32 from vector<1xi32>
        %get3A_566 = arith.index_cast %add3A_563 : i32 to index
        %get3A_567 = arith.index_cast %squeeze3A_565 : i32 to index
        %get3A_568 = arith.constant 0 : index
        %get3A_569 = tpu.vector_load %arg9[%get3A_566, %get3A_567, %get3A_568] {strides = array<i32>} : memref<32x8x64xf32, #tpu.memory_space<vmem>>, vector<1x1x16xf32>,
        %get3A_570 = vector.shape_cast %get3A_569 : vector<1x1x16xf32> to vector<16xf32>
        %swap3A_571 = arith.constant 1 : i32
        %swap3A_572 = arith.index_cast %swap3A_571 : i32 to index
        %swap3A_573 = arith.index_cast %add3A_563 : i32 to index
        %swap3A_574 = arith.constant 0 : index
        %swap3A_575 = tpu.vector_load %arg10[%swap3A_572, %swap3A_573, %swap3A_574] {strides = array<i32>} : memref<2x32x64xf32, #tpu.memory_space<vmem>>, vector<1x1x16xf32>,
        %swap3A_576 = vector.shape_cast %swap3A_575 : vector<1x1x16xf32> to vector<16xf32>
        %swap3A_577 = vector.shape_cast %get3A_570 : vector<16xf32> to vector<1x1x16xf32>
        tpu.vector_store %arg10[%swap3A_572, %swap3A_573, %swap3A_574], %swap3A_577 {strides = array<i32>} : memref<2x32x64xf32, #tpu.memory_space<vmem>>, vector<1x1x16xf32>,
        %get3A_578 = arith.index_cast %add3A_563 : i32 to index
        %get3A_579 = arith.index_cast %squeeze3A_565 : i32 to index
        %get3A_580 = arith.constant 16 : index
        %get3A_581 = tpu.vector_load %arg9[%get3A_578, %get3A_579, %get3A_580] {strides = array<i32>} : memref<32x8x64xf32, #tpu.memory_space<vmem>>, vector<1x1x16xf32>,
        %get3A_582 = vector.shape_cast %get3A_581 : vector<1x1x16xf32> to vector<16xf32>
        %swap3A_583 = arith.constant 1 : i32
        %swap3A_584 = arith.index_cast %swap3A_583 : i32 to index
        %swap3A_585 = arith.index_cast %add3A_563 : i32 to index
        %swap3A_586 = arith.constant 16 : index
        %swap3A_587 = tpu.vector_load %arg10[%swap3A_584, %swap3A_585, %swap3A_586] {strides = array<i32>} : memref<2x32x64xf32, #tpu.memory_space<vmem>>, vector<1x1x16xf32>,
        %swap3A_588 = vector.shape_cast %swap3A_587 : vector<1x1x16xf32> to vector<16xf32>
        %swap3A_589 = vector.shape_cast %get3A_582 : vector<16xf32> to vector<1x1x16xf32>
        tpu.vector_store %arg10[%swap3A_584, %swap3A_585, %swap3A_586], %swap3A_589 {strides = array<i32>} : memref<2x32x64xf32, #tpu.memory_space<vmem>>, vector<1x1x16xf32>,
        %get3A_590 = arith.index_cast %add3A_563 : i32 to index
        %get3A_591 = arith.index_cast %squeeze3A_565 : i32 to index
        %get3A_592 = arith.constant 32 : index
        %get3A_593 = tpu.vector_load %arg9[%get3A_590, %get3A_591, %get3A_592] {strides = array<i32>} : memref<32x8x64xf32, #tpu.memory_space<vmem>>, vector<1x1x16xf32>,
        %get3A_594 = vector.shape_cast %get3A_593 : vector<1x1x16xf32> to vector<16xf32>
        %swap3A_595 = arith.constant 1 : i32
        %swap3A_596 = arith.index_cast %swap3A_595 : i32 to index
        %swap3A_597 = arith.index_cast %add3A_563 : i32 to index
        %swap3A_598 = arith.constant 32 : index
        %swap3A_599 = tpu.vector_load %arg10[%swap3A_596, %swap3A_597, %swap3A_598] {strides = array<i32>} : memref<2x32x64xf32, #tpu.memory_space<vmem>>, vector<1x1x16xf32>,
        %swap3A_600 = vector.shape_cast %swap3A_599 : vector<1x1x16xf32> to vector<16xf32>
        %swap3A_601 = vector.shape_cast %get3A_594 : vector<16xf32> to vector<1x1x16xf32>
        tpu.vector_store %arg10[%swap3A_596, %swap3A_597, %swap3A_598], %swap3A_601 {strides = array<i32>} : memref<2x32x64xf32, #tpu.memory_space<vmem>>, vector<1x1x16xf32>,
        %get3A_602 = arith.index_cast %add3A_563 : i32 to index
        %get3A_603 = arith.index_cast %squeeze3A_565 : i32 to index
        %get3A_604 = arith.constant 48 : index
        %get3A_605 = tpu.vector_load %arg9[%get3A_602, %get3A_603, %get3A_604] {strides = array<i32>} : memref<32x8x64xf32, #tpu.memory_space<vmem>>, vector<1x1x16xf32>,
        %get3A_606 = vector.shape_cast %get3A_605 : vector<1x1x16xf32> to vector<16xf32>
        %swap3A_607 = arith.constant 1 : i32
        %swap3A_608 = arith.index_cast %swap3A_607 : i32 to index
        %swap3A_609 = arith.index_cast %add3A_563 : i32 to index
        %swap3A_610 = arith.constant 48 : index
        %swap3A_611 = tpu.vector_load %arg10[%swap3A_608, %swap3A_609, %swap3A_610] {strides = array<i32>} : memref<2x32x64xf32, #tpu.memory_space<vmem>>, vector<1x1x16xf32>,
        %swap3A_612 = vector.shape_cast %swap3A_611 : vector<1x1x16xf32> to vector<16xf32>
        %swap3A_613 = vector.shape_cast %get3A_606 : vector<16xf32> to vector<1x1x16xf32>
        tpu.vector_store %arg10[%swap3A_608, %swap3A_609, %swap3A_610], %swap3A_613 {strides = array<i32>} : memref<2x32x64xf32, #tpu.memory_space<vmem>>, vector<1x1x16xf32>,
        %mul3A_614 = arith.constant 16 : i32
        %mul3A_615 = arith.muli %scan3A_123, %mul3A_614 : i32
        %add3A_616 = arith.constant 9 : i32
        %add3A_617 = arith.addi %mul3A_615, %add3A_616 : i32
        %slice3A_618 = vector.extract_strided_slice %get3A_130 {offsets = [9], sizes = [1], strides = [1]} : vector<16xi32> to vector<1xi32>
        %squeeze3A_619 = vector.extract %slice3A_618[0] : i32 from vector<1xi32>
        %get3A_620 = arith.index_cast %add3A_617 : i32 to index
        %get3A_621 = arith.index_cast %squeeze3A_619 : i32 to index
        %get3A_622 = arith.constant 0 : index
        %get3A_623 = tpu.vector_load %arg9[%get3A_620, %get3A_621, %get3A_622] {strides = array<i32>} : memref<32x8x64xf32, #tpu.memory_space<vmem>>, vector<1x1x16xf32>,
        %get3A_624 = vector.shape_cast %get3A_623 : vector<1x1x16xf32> to vector<16xf32>
        %swap3A_625 = arith.constant 1 : i32
        %swap3A_626 = arith.index_cast %swap3A_625 : i32 to index
        %swap3A_627 = arith.index_cast %add3A_617 : i32 to index
        %swap3A_628 = arith.constant 0 : index
        %swap3A_629 = tpu.vector_load %arg10[%swap3A_626, %swap3A_627, %swap3A_628] {strides = array<i32>} : memref<2x32x64xf32, #tpu.memory_space<vmem>>, vector<1x1x16xf32>,
        %swap3A_630 = vector.shape_cast %swap3A_629 : vector<1x1x16xf32> to vector<16xf32>
        %swap3A_631 = vector.shape_cast %get3A_624 : vector<16xf32> to vector<1x1x16xf32>
        tpu.vector_store %arg10[%swap3A_626, %swap3A_627, %swap3A_628], %swap3A_631 {strides = array<i32>} : memref<2x32x64xf32, #tpu.memory_space<vmem>>, vector<1x1x16xf32>,
        %get3A_632 = arith.index_cast %add3A_617 : i32 to index
        %get3A_633 = arith.index_cast %squeeze3A_619 : i32 to index
        %get3A_634 = arith.constant 16 : index
        %get3A_635 = tpu.vector_load %arg9[%get3A_632, %get3A_633, %get3A_634] {strides = array<i32>} : memref<32x8x64xf32, #tpu.memory_space<vmem>>, vector<1x1x16xf32>,
        %get3A_636 = vector.shape_cast %get3A_635 : vector<1x1x16xf32> to vector<16xf32>
        %swap3A_637 = arith.constant 1 : i32
        %swap3A_638 = arith.index_cast %swap3A_637 : i32 to index
        %swap3A_639 = arith.index_cast %add3A_617 : i32 to index
        %swap3A_640 = arith.constant 16 : index
        %swap3A_641 = tpu.vector_load %arg10[%swap3A_638, %swap3A_639, %swap3A_640] {strides = array<i32>} : memref<2x32x64xf32, #tpu.memory_space<vmem>>, vector<1x1x16xf32>,
        %swap3A_642 = vector.shape_cast %swap3A_641 : vector<1x1x16xf32> to vector<16xf32>
        %swap3A_643 = vector.shape_cast %get3A_636 : vector<16xf32> to vector<1x1x16xf32>
        tpu.vector_store %arg10[%swap3A_638, %swap3A_639, %swap3A_640], %swap3A_643 {strides = array<i32>} : memref<2x32x64xf32, #tpu.memory_space<vmem>>, vector<1x1x16xf32>,
        %get3A_644 = arith.index_cast %add3A_617 : i32 to index
        %get3A_645 = arith.index_cast %squeeze3A_619 : i32 to index
        %get3A_646 = arith.constant 32 : index
        %get3A_647 = tpu.vector_load %arg9[%get3A_644, %get3A_645, %get3A_646] {strides = array<i32>} : memref<32x8x64xf32, #tpu.memory_space<vmem>>, vector<1x1x16xf32>,
        %get3A_648 = vector.shape_cast %get3A_647 : vector<1x1x16xf32> to vector<16xf32>
        %swap3A_649 = arith.constant 1 : i32
        %swap3A_650 = arith.index_cast %swap3A_649 : i32 to index
        %swap3A_651 = arith.index_cast %add3A_617 : i32 to index
        %swap3A_652 = arith.constant 32 : index
        %swap3A_653 = tpu.vector_load %arg10[%swap3A_650, %swap3A_651, %swap3A_652] {strides = array<i32>} : memref<2x32x64xf32, #tpu.memory_space<vmem>>, vector<1x1x16xf32>,
        %swap3A_654 = vector.shape_cast %swap3A_653 : vector<1x1x16xf32> to vector<16xf32>
        %swap3A_655 = vector.shape_cast %get3A_648 : vector<16xf32> to vector<1x1x16xf32>
        tpu.vector_store %arg10[%swap3A_650, %swap3A_651, %swap3A_652], %swap3A_655 {strides = array<i32>} : memref<2x32x64xf32, #tpu.memory_space<vmem>>, vector<1x1x16xf32>,
        %get3A_656 = arith.index_cast %add3A_617 : i32 to index
        %get3A_657 = arith.index_cast %squeeze3A_619 : i32 to index
        %get3A_658 = arith.constant 48 : index
        %get3A_659 = tpu.vector_load %arg9[%get3A_656, %get3A_657, %get3A_658] {strides = array<i32>} : memref<32x8x64xf32, #tpu.memory_space<vmem>>, vector<1x1x16xf32>,
        %get3A_660 = vector.shape_cast %get3A_659 : vector<1x1x16xf32> to vector<16xf32>
        %swap3A_661 = arith.constant 1 : i32
        %swap3A_662 = arith.index_cast %swap3A_661 : i32 to index
        %swap3A_663 = arith.index_cast %add3A_617 : i32 to index
        %swap3A_664 = arith.constant 48 : index
        %swap3A_665 = tpu.vector_load %arg10[%swap3A_662, %swap3A_663, %swap3A_664] {strides = array<i32>} : memref<2x32x64xf32, #tpu.memory_space<vmem>>, vector<1x1x16xf32>,
        %swap3A_666 = vector.shape_cast %swap3A_665 : vector<1x1x16xf32> to vector<16xf32>
        %swap3A_667 = vector.shape_cast %get3A_660 : vector<16xf32> to vector<1x1x16xf32>
        tpu.vector_store %arg10[%swap3A_662, %swap3A_663, %swap3A_664], %swap3A_667 {strides = array<i32>} : memref<2x32x64xf32, #tpu.memory_space<vmem>>, vector<1x1x16xf32>,
        %mul3A_668 = arith.constant 16 : i32
        %mul3A_669 = arith.muli %scan3A_123, %mul3A_668 : i32
        %add3A_670 = arith.constant 10 : i32
        %add3A_671 = arith.addi %mul3A_669, %add3A_670 : i32
        %slice3A_672 = vector.extract_strided_slice %get3A_130 {offsets = [10], sizes = [1], strides = [1]} : vector<16xi32> to vector<1xi32>
        %squeeze3A_673 = vector.extract %slice3A_672[0] : i32 from vector<1xi32>
        %get3A_674 = arith.index_cast %add3A_671 : i32 to index
        %get3A_675 = arith.index_cast %squeeze3A_673 : i32 to index
        %get3A_676 = arith.constant 0 : index
        %get3A_677 = tpu.vector_load %arg9[%get3A_674, %get3A_675, %get3A_676] {strides = array<i32>} : memref<32x8x64xf32, #tpu.memory_space<vmem>>, vector<1x1x16xf32>,
        %get3A_678 = vector.shape_cast %get3A_677 : vector<1x1x16xf32> to vector<16xf32>
        %swap3A_679 = arith.constant 1 : i32
        %swap3A_680 = arith.index_cast %swap3A_679 : i32 to index
        %swap3A_681 = arith.index_cast %add3A_671 : i32 to index
        %swap3A_682 = arith.constant 0 : index
        %swap3A_683 = tpu.vector_load %arg10[%swap3A_680, %swap3A_681, %swap3A_682] {strides = array<i32>} : memref<2x32x64xf32, #tpu.memory_space<vmem>>, vector<1x1x16xf32>,
        %swap3A_684 = vector.shape_cast %swap3A_683 : vector<1x1x16xf32> to vector<16xf32>
        %swap3A_685 = vector.shape_cast %get3A_678 : vector<16xf32> to vector<1x1x16xf32>
        tpu.vector_store %arg10[%swap3A_680, %swap3A_681, %swap3A_682], %swap3A_685 {strides = array<i32>} : memref<2x32x64xf32, #tpu.memory_space<vmem>>, vector<1x1x16xf32>,
        %get3A_686 = arith.index_cast %add3A_671 : i32 to index
        %get3A_687 = arith.index_cast %squeeze3A_673 : i32 to index
        %get3A_688 = arith.constant 16 : index
        %get3A_689 = tpu.vector_load %arg9[%get3A_686, %get3A_687, %get3A_688] {strides = array<i32>} : memref<32x8x64xf32, #tpu.memory_space<vmem>>, vector<1x1x16xf32>,
        %get3A_690 = vector.shape_cast %get3A_689 : vector<1x1x16xf32> to vector<16xf32>
        %swap3A_691 = arith.constant 1 : i32
        %swap3A_692 = arith.index_cast %swap3A_691 : i32 to index
        %swap3A_693 = arith.index_cast %add3A_671 : i32 to index
        %swap3A_694 = arith.constant 16 : index
        %swap3A_695 = tpu.vector_load %arg10[%swap3A_692, %swap3A_693, %swap3A_694] {strides = array<i32>} : memref<2x32x64xf32, #tpu.memory_space<vmem>>, vector<1x1x16xf32>,
        %swap3A_696 = vector.shape_cast %swap3A_695 : vector<1x1x16xf32> to vector<16xf32>
        %swap3A_697 = vector.shape_cast %get3A_690 : vector<16xf32> to vector<1x1x16xf32>
        tpu.vector_store %arg10[%swap3A_692, %swap3A_693, %swap3A_694], %swap3A_697 {strides = array<i32>} : memref<2x32x64xf32, #tpu.memory_space<vmem>>, vector<1x1x16xf32>,
        %get3A_698 = arith.index_cast %add3A_671 : i32 to index
        %get3A_699 = arith.index_cast %squeeze3A_673 : i32 to index
        %get3A_700 = arith.constant 32 : index
        %get3A_701 = tpu.vector_load %arg9[%get3A_698, %get3A_699, %get3A_700] {strides = array<i32>} : memref<32x8x64xf32, #tpu.memory_space<vmem>>, vector<1x1x16xf32>,
        %get3A_702 = vector.shape_cast %get3A_701 : vector<1x1x16xf32> to vector<16xf32>
        %swap3A_703 = arith.constant 1 : i32
        %swap3A_704 = arith.index_cast %swap3A_703 : i32 to index
        %swap3A_705 = arith.index_cast %add3A_671 : i32 to index
        %swap3A_706 = arith.constant 32 : index
        %swap3A_707 = tpu.vector_load %arg10[%swap3A_704, %swap3A_705, %swap3A_706] {strides = array<i32>} : memref<2x32x64xf32, #tpu.memory_space<vmem>>, vector<1x1x16xf32>,
        %swap3A_708 = vector.shape_cast %swap3A_707 : vector<1x1x16xf32> to vector<16xf32>
        %swap3A_709 = vector.shape_cast %get3A_702 : vector<16xf32> to vector<1x1x16xf32>
        tpu.vector_store %arg10[%swap3A_704, %swap3A_705, %swap3A_706], %swap3A_709 {strides = array<i32>} : memref<2x32x64xf32, #tpu.memory_space<vmem>>, vector<1x1x16xf32>,
        %get3A_710 = arith.index_cast %add3A_671 : i32 to index
        %get3A_711 = arith.index_cast %squeeze3A_673 : i32 to index
        %get3A_712 = arith.constant 48 : index
        %get3A_713 = tpu.vector_load %arg9[%get3A_710, %get3A_711, %get3A_712] {strides = array<i32>} : memref<32x8x64xf32, #tpu.memory_space<vmem>>, vector<1x1x16xf32>,
        %get3A_714 = vector.shape_cast %get3A_713 : vector<1x1x16xf32> to vector<16xf32>
        %swap3A_715 = arith.constant 1 : i32
        %swap3A_716 = arith.index_cast %swap3A_715 : i32 to index
        %swap3A_717 = arith.index_cast %add3A_671 : i32 to index
        %swap3A_718 = arith.constant 48 : index
        %swap3A_719 = tpu.vector_load %arg10[%swap3A_716, %swap3A_717, %swap3A_718] {strides = array<i32>} : memref<2x32x64xf32, #tpu.memory_space<vmem>>, vector<1x1x16xf32>,
        %swap3A_720 = vector.shape_cast %swap3A_719 : vector<1x1x16xf32> to vector<16xf32>
        %swap3A_721 = vector.shape_cast %get3A_714 : vector<16xf32> to vector<1x1x16xf32>
        tpu.vector_store %arg10[%swap3A_716, %swap3A_717, %swap3A_718], %swap3A_721 {strides = array<i32>} : memref<2x32x64xf32, #tpu.memory_space<vmem>>, vector<1x1x16xf32>,
        %mul3A_722 = arith.constant 16 : i32
        %mul3A_723 = arith.muli %scan3A_123, %mul3A_722 : i32
        %add3A_724 = arith.constant 11 : i32
        %add3A_725 = arith.addi %mul3A_723, %add3A_724 : i32
        %slice3A_726 = vector.extract_strided_slice %get3A_130 {offsets = [11], sizes = [1], strides = [1]} : vector<16xi32> to vector<1xi32>
        %squeeze3A_727 = vector.extract %slice3A_726[0] : i32 from vector<1xi32>
        %get3A_728 = arith.index_cast %add3A_725 : i32 to index
        %get3A_729 = arith.index_cast %squeeze3A_727 : i32 to index
        %get3A_730 = arith.constant 0 : index
        %get3A_731 = tpu.vector_load %arg9[%get3A_728, %get3A_729, %get3A_730] {strides = array<i32>} : memref<32x8x64xf32, #tpu.memory_space<vmem>>, vector<1x1x16xf32>,
        %get3A_732 = vector.shape_cast %get3A_731 : vector<1x1x16xf32> to vector<16xf32>
        %swap3A_733 = arith.constant 1 : i32
        %swap3A_734 = arith.index_cast %swap3A_733 : i32 to index
        %swap3A_735 = arith.index_cast %add3A_725 : i32 to index
        %swap3A_736 = arith.constant 0 : index
        %swap3A_737 = tpu.vector_load %arg10[%swap3A_734, %swap3A_735, %swap3A_736] {strides = array<i32>} : memref<2x32x64xf32, #tpu.memory_space<vmem>>, vector<1x1x16xf32>,
        %swap3A_738 = vector.shape_cast %swap3A_737 : vector<1x1x16xf32> to vector<16xf32>
        %swap3A_739 = vector.shape_cast %get3A_732 : vector<16xf32> to vector<1x1x16xf32>
        tpu.vector_store %arg10[%swap3A_734, %swap3A_735, %swap3A_736], %swap3A_739 {strides = array<i32>} : memref<2x32x64xf32, #tpu.memory_space<vmem>>, vector<1x1x16xf32>,
        %get3A_740 = arith.index_cast %add3A_725 : i32 to index
        %get3A_741 = arith.index_cast %squeeze3A_727 : i32 to index
        %get3A_742 = arith.constant 16 : index
        %get3A_743 = tpu.vector_load %arg9[%get3A_740, %get3A_741, %get3A_742] {strides = array<i32>} : memref<32x8x64xf32, #tpu.memory_space<vmem>>, vector<1x1x16xf32>,
        %get3A_744 = vector.shape_cast %get3A_743 : vector<1x1x16xf32> to vector<16xf32>
        %swap3A_745 = arith.constant 1 : i32
        %swap3A_746 = arith.index_cast %swap3A_745 : i32 to index
        %swap3A_747 = arith.index_cast %add3A_725 : i32 to index
        %swap3A_748 = arith.constant 16 : index
        %swap3A_749 = tpu.vector_load %arg10[%swap3A_746, %swap3A_747, %swap3A_748] {strides = array<i32>} : memref<2x32x64xf32, #tpu.memory_space<vmem>>, vector<1x1x16xf32>,
        %swap3A_750 = vector.shape_cast %swap3A_749 : vector<1x1x16xf32> to vector<16xf32>
        %swap3A_751 = vector.shape_cast %get3A_744 : vector<16xf32> to vector<1x1x16xf32>
        tpu.vector_store %arg10[%swap3A_746, %swap3A_747, %swap3A_748], %swap3A_751 {strides = array<i32>} : memref<2x32x64xf32, #tpu.memory_space<vmem>>, vector<1x1x16xf32>,
        %get3A_752 = arith.index_cast %add3A_725 : i32 to index
        %get3A_753 = arith.index_cast %squeeze3A_727 : i32 to index
        %get3A_754 = arith.constant 32 : index
        %get3A_755 = tpu.vector_load %arg9[%get3A_752, %get3A_753, %get3A_754] {strides = array<i32>} : memref<32x8x64xf32, #tpu.memory_space<vmem>>, vector<1x1x16xf32>,
        %get3A_756 = vector.shape_cast %get3A_755 : vector<1x1x16xf32> to vector<16xf32>
        %swap3A_757 = arith.constant 1 : i32
        %swap3A_758 = arith.index_cast %swap3A_757 : i32 to index
        %swap3A_759 = arith.index_cast %add3A_725 : i32 to index
        %swap3A_760 = arith.constant 32 : index
        %swap3A_761 = tpu.vector_load %arg10[%swap3A_758, %swap3A_759, %swap3A_760] {strides = array<i32>} : memref<2x32x64xf32, #tpu.memory_space<vmem>>, vector<1x1x16xf32>,
        %swap3A_762 = vector.shape_cast %swap3A_761 : vector<1x1x16xf32> to vector<16xf32>
        %swap3A_763 = vector.shape_cast %get3A_756 : vector<16xf32> to vector<1x1x16xf32>
        tpu.vector_store %arg10[%swap3A_758, %swap3A_759, %swap3A_760], %swap3A_763 {strides = array<i32>} : memref<2x32x64xf32, #tpu.memory_space<vmem>>, vector<1x1x16xf32>,
        %get3A_764 = arith.index_cast %add3A_725 : i32 to index
        %get3A_765 = arith.index_cast %squeeze3A_727 : i32 to index
        %get3A_766 = arith.constant 48 : index
        %get3A_767 = tpu.vector_load %arg9[%get3A_764, %get3A_765, %get3A_766] {strides = array<i32>} : memref<32x8x64xf32, #tpu.memory_space<vmem>>, vector<1x1x16xf32>,
        %get3A_768 = vector.shape_cast %get3A_767 : vector<1x1x16xf32> to vector<16xf32>
        %swap3A_769 = arith.constant 1 : i32
        %swap3A_770 = arith.index_cast %swap3A_769 : i32 to index
        %swap3A_771 = arith.index_cast %add3A_725 : i32 to index
        %swap3A_772 = arith.constant 48 : index
        %swap3A_773 = tpu.vector_load %arg10[%swap3A_770, %swap3A_771, %swap3A_772] {strides = array<i32>} : memref<2x32x64xf32, #tpu.memory_space<vmem>>, vector<1x1x16xf32>,
        %swap3A_774 = vector.shape_cast %swap3A_773 : vector<1x1x16xf32> to vector<16xf32>
        %swap3A_775 = vector.shape_cast %get3A_768 : vector<16xf32> to vector<1x1x16xf32>
        tpu.vector_store %arg10[%swap3A_770, %swap3A_771, %swap3A_772], %swap3A_775 {strides = array<i32>} : memref<2x32x64xf32, #tpu.memory_space<vmem>>, vector<1x1x16xf32>,
        %mul3A_776 = arith.constant 16 : i32
        %mul3A_777 = arith.muli %scan3A_123, %mul3A_776 : i32
        %add3A_778 = arith.constant 12 : i32
        %add3A_779 = arith.addi %mul3A_777, %add3A_778 : i32
        %slice3A_780 = vector.extract_strided_slice %get3A_130 {offsets = [12], sizes = [1], strides = [1]} : vector<16xi32> to vector<1xi32>
        %squeeze3A_781 = vector.extract %slice3A_780[0] : i32 from vector<1xi32>
        %get3A_782 = arith.index_cast %add3A_779 : i32 to index
        %get3A_783 = arith.index_cast %squeeze3A_781 : i32 to index
        %get3A_784 = arith.constant 0 : index
        %get3A_785 = tpu.vector_load %arg9[%get3A_782, %get3A_783, %get3A_784] {strides = array<i32>} : memref<32x8x64xf32, #tpu.memory_space<vmem>>, vector<1x1x16xf32>,
        %get3A_786 = vector.shape_cast %get3A_785 : vector<1x1x16xf32> to vector<16xf32>
        %swap3A_787 = arith.constant 1 : i32
        %swap3A_788 = arith.index_cast %swap3A_787 : i32 to index
        %swap3A_789 = arith.index_cast %add3A_779 : i32 to index
        %swap3A_790 = arith.constant 0 : index
        %swap3A_791 = tpu.vector_load %arg10[%swap3A_788, %swap3A_789, %swap3A_790] {strides = array<i32>} : memref<2x32x64xf32, #tpu.memory_space<vmem>>, vector<1x1x16xf32>,
        %swap3A_792 = vector.shape_cast %swap3A_791 : vector<1x1x16xf32> to vector<16xf32>
        %swap3A_793 = vector.shape_cast %get3A_786 : vector<16xf32> to vector<1x1x16xf32>
        tpu.vector_store %arg10[%swap3A_788, %swap3A_789, %swap3A_790], %swap3A_793 {strides = array<i32>} : memref<2x32x64xf32, #tpu.memory_space<vmem>>, vector<1x1x16xf32>,
        %get3A_794 = arith.index_cast %add3A_779 : i32 to index
        %get3A_795 = arith.index_cast %squeeze3A_781 : i32 to index
        %get3A_796 = arith.constant 16 : index
        %get3A_797 = tpu.vector_load %arg9[%get3A_794, %get3A_795, %get3A_796] {strides = array<i32>} : memref<32x8x64xf32, #tpu.memory_space<vmem>>, vector<1x1x16xf32>,
        %get3A_798 = vector.shape_cast %get3A_797 : vector<1x1x16xf32> to vector<16xf32>
        %swap3A_799 = arith.constant 1 : i32
        %swap3A_800 = arith.index_cast %swap3A_799 : i32 to index
        %swap3A_801 = arith.index_cast %add3A_779 : i32 to index
        %swap3A_802 = arith.constant 16 : index
        %swap3A_803 = tpu.vector_load %arg10[%swap3A_800, %swap3A_801, %swap3A_802] {strides = array<i32>} : memref<2x32x64xf32, #tpu.memory_space<vmem>>, vector<1x1x16xf32>,
        %swap3A_804 = vector.shape_cast %swap3A_803 : vector<1x1x16xf32> to vector<16xf32>
        %swap3A_805 = vector.shape_cast %get3A_798 : vector<16xf32> to vector<1x1x16xf32>
        tpu.vector_store %arg10[%swap3A_800, %swap3A_801, %swap3A_802], %swap3A_805 {strides = array<i32>} : memref<2x32x64xf32, #tpu.memory_space<vmem>>, vector<1x1x16xf32>,
        %get3A_806 = arith.index_cast %add3A_779 : i32 to index
        %get3A_807 = arith.index_cast %squeeze3A_781 : i32 to index
        %get3A_808 = arith.constant 32 : index
        %get3A_809 = tpu.vector_load %arg9[%get3A_806, %get3A_807, %get3A_808] {strides = array<i32>} : memref<32x8x64xf32, #tpu.memory_space<vmem>>, vector<1x1x16xf32>,
        %get3A_810 = vector.shape_cast %get3A_809 : vector<1x1x16xf32> to vector<16xf32>
        %swap3A_811 = arith.constant 1 : i32
        %swap3A_812 = arith.index_cast %swap3A_811 : i32 to index
        %swap3A_813 = arith.index_cast %add3A_779 : i32 to index
        %swap3A_814 = arith.constant 32 : index
        %swap3A_815 = tpu.vector_load %arg10[%swap3A_812, %swap3A_813, %swap3A_814] {strides = array<i32>} : memref<2x32x64xf32, #tpu.memory_space<vmem>>, vector<1x1x16xf32>,
        %swap3A_816 = vector.shape_cast %swap3A_815 : vector<1x1x16xf32> to vector<16xf32>
        %swap3A_817 = vector.shape_cast %get3A_810 : vector<16xf32> to vector<1x1x16xf32>
        tpu.vector_store %arg10[%swap3A_812, %swap3A_813, %swap3A_814], %swap3A_817 {strides = array<i32>} : memref<2x32x64xf32, #tpu.memory_space<vmem>>, vector<1x1x16xf32>,
        %get3A_818 = arith.index_cast %add3A_779 : i32 to index
        %get3A_819 = arith.index_cast %squeeze3A_781 : i32 to index
        %get3A_820 = arith.constant 48 : index
        %get3A_821 = tpu.vector_load %arg9[%get3A_818, %get3A_819, %get3A_820] {strides = array<i32>} : memref<32x8x64xf32, #tpu.memory_space<vmem>>, vector<1x1x16xf32>,
        %get3A_822 = vector.shape_cast %get3A_821 : vector<1x1x16xf32> to vector<16xf32>
        %swap3A_823 = arith.constant 1 : i32
        %swap3A_824 = arith.index_cast %swap3A_823 : i32 to index
        %swap3A_825 = arith.index_cast %add3A_779 : i32 to index
        %swap3A_826 = arith.constant 48 : index
        %swap3A_827 = tpu.vector_load %arg10[%swap3A_824, %swap3A_825, %swap3A_826] {strides = array<i32>} : memref<2x32x64xf32, #tpu.memory_space<vmem>>, vector<1x1x16xf32>,
        %swap3A_828 = vector.shape_cast %swap3A_827 : vector<1x1x16xf32> to vector<16xf32>
        %swap3A_829 = vector.shape_cast %get3A_822 : vector<16xf32> to vector<1x1x16xf32>
        tpu.vector_store %arg10[%swap3A_824, %swap3A_825, %swap3A_826], %swap3A_829 {strides = array<i32>} : memref<2x32x64xf32, #tpu.memory_space<vmem>>, vector<1x1x16xf32>,
        %mul3A_830 = arith.constant 16 : i32
        %mul3A_831 = arith.muli %scan3A_123, %mul3A_830 : i32
        %add3A_832 = arith.constant 13 : i32
        %add3A_833 = arith.addi %mul3A_831, %add3A_832 : i32
        %slice3A_834 = vector.extract_strided_slice %get3A_130 {offsets = [13], sizes = [1], strides = [1]} : vector<16xi32> to vector<1xi32>
        %squeeze3A_835 = vector.extract %slice3A_834[0] : i32 from vector<1xi32>
        %get3A_836 = arith.index_cast %add3A_833 : i32 to index
        %get3A_837 = arith.index_cast %squeeze3A_835 : i32 to index
        %get3A_838 = arith.constant 0 : index
        %get3A_839 = tpu.vector_load %arg9[%get3A_836, %get3A_837, %get3A_838] {strides = array<i32>} : memref<32x8x64xf32, #tpu.memory_space<vmem>>, vector<1x1x16xf32>,
        %get3A_840 = vector.shape_cast %get3A_839 : vector<1x1x16xf32> to vector<16xf32>
        %swap3A_841 = arith.constant 1 : i32
        %swap3A_842 = arith.index_cast %swap3A_841 : i32 to index
        %swap3A_843 = arith.index_cast %add3A_833 : i32 to index
        %swap3A_844 = arith.constant 0 : index
        %swap3A_845 = tpu.vector_load %arg10[%swap3A_842, %swap3A_843, %swap3A_844] {strides = array<i32>} : memref<2x32x64xf32, #tpu.memory_space<vmem>>, vector<1x1x16xf32>,
        %swap3A_846 = vector.shape_cast %swap3A_845 : vector<1x1x16xf32> to vector<16xf32>
        %swap3A_847 = vector.shape_cast %get3A_840 : vector<16xf32> to vector<1x1x16xf32>
        tpu.vector_store %arg10[%swap3A_842, %swap3A_843, %swap3A_844], %swap3A_847 {strides = array<i32>} : memref<2x32x64xf32, #tpu.memory_space<vmem>>, vector<1x1x16xf32>,
        %get3A_848 = arith.index_cast %add3A_833 : i32 to index
        %get3A_849 = arith.index_cast %squeeze3A_835 : i32 to index
        %get3A_850 = arith.constant 16 : index
        %get3A_851 = tpu.vector_load %arg9[%get3A_848, %get3A_849, %get3A_850] {strides = array<i32>} : memref<32x8x64xf32, #tpu.memory_space<vmem>>, vector<1x1x16xf32>,
        %get3A_852 = vector.shape_cast %get3A_851 : vector<1x1x16xf32> to vector<16xf32>
        %swap3A_853 = arith.constant 1 : i32
        %swap3A_854 = arith.index_cast %swap3A_853 : i32 to index
        %swap3A_855 = arith.index_cast %add3A_833 : i32 to index
        %swap3A_856 = arith.constant 16 : index
        %swap3A_857 = tpu.vector_load %arg10[%swap3A_854, %swap3A_855, %swap3A_856] {strides = array<i32>} : memref<2x32x64xf32, #tpu.memory_space<vmem>>, vector<1x1x16xf32>,
        %swap3A_858 = vector.shape_cast %swap3A_857 : vector<1x1x16xf32> to vector<16xf32>
        %swap3A_859 = vector.shape_cast %get3A_852 : vector<16xf32> to vector<1x1x16xf32>
        tpu.vector_store %arg10[%swap3A_854, %swap3A_855, %swap3A_856], %swap3A_859 {strides = array<i32>} : memref<2x32x64xf32, #tpu.memory_space<vmem>>, vector<1x1x16xf32>,
        %get3A_860 = arith.index_cast %add3A_833 : i32 to index
        %get3A_861 = arith.index_cast %squeeze3A_835 : i32 to index
        %get3A_862 = arith.constant 32 : index
        %get3A_863 = tpu.vector_load %arg9[%get3A_860, %get3A_861, %get3A_862] {strides = array<i32>} : memref<32x8x64xf32, #tpu.memory_space<vmem>>, vector<1x1x16xf32>,
        %get3A_864 = vector.shape_cast %get3A_863 : vector<1x1x16xf32> to vector<16xf32>
        %swap3A_865 = arith.constant 1 : i32
        %swap3A_866 = arith.index_cast %swap3A_865 : i32 to index
        %swap3A_867 = arith.index_cast %add3A_833 : i32 to index
        %swap3A_868 = arith.constant 32 : index
        %swap3A_869 = tpu.vector_load %arg10[%swap3A_866, %swap3A_867, %swap3A_868] {strides = array<i32>} : memref<2x32x64xf32, #tpu.memory_space<vmem>>, vector<1x1x16xf32>,
        %swap3A_870 = vector.shape_cast %swap3A_869 : vector<1x1x16xf32> to vector<16xf32>
        %swap3A_871 = vector.shape_cast %get3A_864 : vector<16xf32> to vector<1x1x16xf32>
        tpu.vector_store %arg10[%swap3A_866, %swap3A_867, %swap3A_868], %swap3A_871 {strides = array<i32>} : memref<2x32x64xf32, #tpu.memory_space<vmem>>, vector<1x1x16xf32>,
        %get3A_872 = arith.index_cast %add3A_833 : i32 to index
        %get3A_873 = arith.index_cast %squeeze3A_835 : i32 to index
        %get3A_874 = arith.constant 48 : index
        %get3A_875 = tpu.vector_load %arg9[%get3A_872, %get3A_873, %get3A_874] {strides = array<i32>} : memref<32x8x64xf32, #tpu.memory_space<vmem>>, vector<1x1x16xf32>,
        %get3A_876 = vector.shape_cast %get3A_875 : vector<1x1x16xf32> to vector<16xf32>
        %swap3A_877 = arith.constant 1 : i32
        %swap3A_878 = arith.index_cast %swap3A_877 : i32 to index
        %swap3A_879 = arith.index_cast %add3A_833 : i32 to index
        %swap3A_880 = arith.constant 48 : index
        %swap3A_881 = tpu.vector_load %arg10[%swap3A_878, %swap3A_879, %swap3A_880] {strides = array<i32>} : memref<2x32x64xf32, #tpu.memory_space<vmem>>, vector<1x1x16xf32>,
        %swap3A_882 = vector.shape_cast %swap3A_881 : vector<1x1x16xf32> to vector<16xf32>
        %swap3A_883 = vector.shape_cast %get3A_876 : vector<16xf32> to vector<1x1x16xf32>
        tpu.vector_store %arg10[%swap3A_878, %swap3A_879, %swap3A_880], %swap3A_883 {strides = array<i32>} : memref<2x32x64xf32, #tpu.memory_space<vmem>>, vector<1x1x16xf32>,
        %mul3A_884 = arith.constant 16 : i32
        %mul3A_885 = arith.muli %scan3A_123, %mul3A_884 : i32
        %add3A_886 = arith.constant 14 : i32
        %add3A_887 = arith.addi %mul3A_885, %add3A_886 : i32
        %slice3A_888 = vector.extract_strided_slice %get3A_130 {offsets = [14], sizes = [1], strides = [1]} : vector<16xi32> to vector<1xi32>
        %squeeze3A_889 = vector.extract %slice3A_888[0] : i32 from vector<1xi32>
        %get3A_890 = arith.index_cast %add3A_887 : i32 to index
        %get3A_891 = arith.index_cast %squeeze3A_889 : i32 to index
        %get3A_892 = arith.constant 0 : index
        %get3A_893 = tpu.vector_load %arg9[%get3A_890, %get3A_891, %get3A_892] {strides = array<i32>} : memref<32x8x64xf32, #tpu.memory_space<vmem>>, vector<1x1x16xf32>,
        %get3A_894 = vector.shape_cast %get3A_893 : vector<1x1x16xf32> to vector<16xf32>
        %swap3A_895 = arith.constant 1 : i32
        %swap3A_896 = arith.index_cast %swap3A_895 : i32 to index
        %swap3A_897 = arith.index_cast %add3A_887 : i32 to index
        %swap3A_898 = arith.constant 0 : index
        %swap3A_899 = tpu.vector_load %arg10[%swap3A_896, %swap3A_897, %swap3A_898] {strides = array<i32>} : memref<2x32x64xf32, #tpu.memory_space<vmem>>, vector<1x1x16xf32>,
        %swap3A_900 = vector.shape_cast %swap3A_899 : vector<1x1x16xf32> to vector<16xf32>
        %swap3A_901 = vector.shape_cast %get3A_894 : vector<16xf32> to vector<1x1x16xf32>
        tpu.vector_store %arg10[%swap3A_896, %swap3A_897, %swap3A_898], %swap3A_901 {strides = array<i32>} : memref<2x32x64xf32, #tpu.memory_space<vmem>>, vector<1x1x16xf32>,
        %get3A_902 = arith.index_cast %add3A_887 : i32 to index
        %get3A_903 = arith.index_cast %squeeze3A_889 : i32 to index
        %get3A_904 = arith.constant 16 : index
        %get3A_905 = tpu.vector_load %arg9[%get3A_902, %get3A_903, %get3A_904] {strides = array<i32>} : memref<32x8x64xf32, #tpu.memory_space<vmem>>, vector<1x1x16xf32>,
        %get3A_906 = vector.shape_cast %get3A_905 : vector<1x1x16xf32> to vector<16xf32>
        %swap3A_907 = arith.constant 1 : i32
        %swap3A_908 = arith.index_cast %swap3A_907 : i32 to index
        %swap3A_909 = arith.index_cast %add3A_887 : i32 to index
        %swap3A_910 = arith.constant 16 : index
        %swap3A_911 = tpu.vector_load %arg10[%swap3A_908, %swap3A_909, %swap3A_910] {strides = array<i32>} : memref<2x32x64xf32, #tpu.memory_space<vmem>>, vector<1x1x16xf32>,
        %swap3A_912 = vector.shape_cast %swap3A_911 : vector<1x1x16xf32> to vector<16xf32>
        %swap3A_913 = vector.shape_cast %get3A_906 : vector<16xf32> to vector<1x1x16xf32>
        tpu.vector_store %arg10[%swap3A_908, %swap3A_909, %swap3A_910], %swap3A_913 {strides = array<i32>} : memref<2x32x64xf32, #tpu.memory_space<vmem>>, vector<1x1x16xf32>,
        %get3A_914 = arith.index_cast %add3A_887 : i32 to index
        %get3A_915 = arith.index_cast %squeeze3A_889 : i32 to index
        %get3A_916 = arith.constant 32 : index
        %get3A_917 = tpu.vector_load %arg9[%get3A_914, %get3A_915, %get3A_916] {strides = array<i32>} : memref<32x8x64xf32, #tpu.memory_space<vmem>>, vector<1x1x16xf32>,
        %get3A_918 = vector.shape_cast %get3A_917 : vector<1x1x16xf32> to vector<16xf32>
        %swap3A_919 = arith.constant 1 : i32
        %swap3A_920 = arith.index_cast %swap3A_919 : i32 to index
        %swap3A_921 = arith.index_cast %add3A_887 : i32 to index
        %swap3A_922 = arith.constant 32 : index
        %swap3A_923 = tpu.vector_load %arg10[%swap3A_920, %swap3A_921, %swap3A_922] {strides = array<i32>} : memref<2x32x64xf32, #tpu.memory_space<vmem>>, vector<1x1x16xf32>,
        %swap3A_924 = vector.shape_cast %swap3A_923 : vector<1x1x16xf32> to vector<16xf32>
        %swap3A_925 = vector.shape_cast %get3A_918 : vector<16xf32> to vector<1x1x16xf32>
        tpu.vector_store %arg10[%swap3A_920, %swap3A_921, %swap3A_922], %swap3A_925 {strides = array<i32>} : memref<2x32x64xf32, #tpu.memory_space<vmem>>, vector<1x1x16xf32>,
        %get3A_926 = arith.index_cast %add3A_887 : i32 to index
        %get3A_927 = arith.index_cast %squeeze3A_889 : i32 to index
        %get3A_928 = arith.constant 48 : index
        %get3A_929 = tpu.vector_load %arg9[%get3A_926, %get3A_927, %get3A_928] {strides = array<i32>} : memref<32x8x64xf32, #tpu.memory_space<vmem>>, vector<1x1x16xf32>,
        %get3A_930 = vector.shape_cast %get3A_929 : vector<1x1x16xf32> to vector<16xf32>
        %swap3A_931 = arith.constant 1 : i32
        %swap3A_932 = arith.index_cast %swap3A_931 : i32 to index
        %swap3A_933 = arith.index_cast %add3A_887 : i32 to index
        %swap3A_934 = arith.constant 48 : index
        %swap3A_935 = tpu.vector_load %arg10[%swap3A_932, %swap3A_933, %swap3A_934] {strides = array<i32>} : memref<2x32x64xf32, #tpu.memory_space<vmem>>, vector<1x1x16xf32>,
        %swap3A_936 = vector.shape_cast %swap3A_935 : vector<1x1x16xf32> to vector<16xf32>
        %swap3A_937 = vector.shape_cast %get3A_930 : vector<16xf32> to vector<1x1x16xf32>
        tpu.vector_store %arg10[%swap3A_932, %swap3A_933, %swap3A_934], %swap3A_937 {strides = array<i32>} : memref<2x32x64xf32, #tpu.memory_space<vmem>>, vector<1x1x16xf32>,
        %mul3A_938 = arith.constant 16 : i32
        %mul3A_939 = arith.muli %scan3A_123, %mul3A_938 : i32
        %add3A_940 = arith.constant 15 : i32
        %add3A_941 = arith.addi %mul3A_939, %add3A_940 : i32
        %slice3A_942 = vector.extract_strided_slice %get3A_130 {offsets = [15], sizes = [1], strides = [1]} : vector<16xi32> to vector<1xi32>
        %squeeze3A_943 = vector.extract %slice3A_942[0] : i32 from vector<1xi32>
        %get3A_944 = arith.index_cast %add3A_941 : i32 to index
        %get3A_945 = arith.index_cast %squeeze3A_943 : i32 to index
        %get3A_946 = arith.constant 0 : index
        %get3A_947 = tpu.vector_load %arg9[%get3A_944, %get3A_945, %get3A_946] {strides = array<i32>} : memref<32x8x64xf32, #tpu.memory_space<vmem>>, vector<1x1x16xf32>,
        %get3A_948 = vector.shape_cast %get3A_947 : vector<1x1x16xf32> to vector<16xf32>
        %swap3A_949 = arith.constant 1 : i32
        %swap3A_950 = arith.index_cast %swap3A_949 : i32 to index
        %swap3A_951 = arith.index_cast %add3A_941 : i32 to index
        %swap3A_952 = arith.constant 0 : index
        %swap3A_953 = tpu.vector_load %arg10[%swap3A_950, %swap3A_951, %swap3A_952] {strides = array<i32>} : memref<2x32x64xf32, #tpu.memory_space<vmem>>, vector<1x1x16xf32>,
        %swap3A_954 = vector.shape_cast %swap3A_953 : vector<1x1x16xf32> to vector<16xf32>
        %swap3A_955 = vector.shape_cast %get3A_948 : vector<16xf32> to vector<1x1x16xf32>
        tpu.vector_store %arg10[%swap3A_950, %swap3A_951, %swap3A_952], %swap3A_955 {strides = array<i32>} : memref<2x32x64xf32, #tpu.memory_space<vmem>>, vector<1x1x16xf32>,
        %get3A_956 = arith.index_cast %add3A_941 : i32 to index
        %get3A_957 = arith.index_cast %squeeze3A_943 : i32 to index
        %get3A_958 = arith.constant 16 : index
        %get3A_959 = tpu.vector_load %arg9[%get3A_956, %get3A_957, %get3A_958] {strides = array<i32>} : memref<32x8x64xf32, #tpu.memory_space<vmem>>, vector<1x1x16xf32>,
        %get3A_960 = vector.shape_cast %get3A_959 : vector<1x1x16xf32> to vector<16xf32>
        %swap3A_961 = arith.constant 1 : i32
        %swap3A_962 = arith.index_cast %swap3A_961 : i32 to index
        %swap3A_963 = arith.index_cast %add3A_941 : i32 to index
        %swap3A_964 = arith.constant 16 : index
        %swap3A_965 = tpu.vector_load %arg10[%swap3A_962, %swap3A_963, %swap3A_964] {strides = array<i32>} : memref<2x32x64xf32, #tpu.memory_space<vmem>>, vector<1x1x16xf32>,
        %swap3A_966 = vector.shape_cast %swap3A_965 : vector<1x1x16xf32> to vector<16xf32>
        %swap3A_967 = vector.shape_cast %get3A_960 : vector<16xf32> to vector<1x1x16xf32>
        tpu.vector_store %arg10[%swap3A_962, %swap3A_963, %swap3A_964], %swap3A_967 {strides = array<i32>} : memref<2x32x64xf32, #tpu.memory_space<vmem>>, vector<1x1x16xf32>,
        %get3A_968 = arith.index_cast %add3A_941 : i32 to index
        %get3A_969 = arith.index_cast %squeeze3A_943 : i32 to index
        %get3A_970 = arith.constant 32 : index
        %get3A_971 = tpu.vector_load %arg9[%get3A_968, %get3A_969, %get3A_970] {strides = array<i32>} : memref<32x8x64xf32, #tpu.memory_space<vmem>>, vector<1x1x16xf32>,
        %get3A_972 = vector.shape_cast %get3A_971 : vector<1x1x16xf32> to vector<16xf32>
        %swap3A_973 = arith.constant 1 : i32
        %swap3A_974 = arith.index_cast %swap3A_973 : i32 to index
        %swap3A_975 = arith.index_cast %add3A_941 : i32 to index
        %swap3A_976 = arith.constant 32 : index
        %swap3A_977 = tpu.vector_load %arg10[%swap3A_974, %swap3A_975, %swap3A_976] {strides = array<i32>} : memref<2x32x64xf32, #tpu.memory_space<vmem>>, vector<1x1x16xf32>,
        %swap3A_978 = vector.shape_cast %swap3A_977 : vector<1x1x16xf32> to vector<16xf32>
        %swap3A_979 = vector.shape_cast %get3A_972 : vector<16xf32> to vector<1x1x16xf32>
        tpu.vector_store %arg10[%swap3A_974, %swap3A_975, %swap3A_976], %swap3A_979 {strides = array<i32>} : memref<2x32x64xf32, #tpu.memory_space<vmem>>, vector<1x1x16xf32>,
        %get3A_980 = arith.index_cast %add3A_941 : i32 to index
        %get3A_981 = arith.index_cast %squeeze3A_943 : i32 to index
        %get3A_982 = arith.constant 48 : index
        %get3A_983 = tpu.vector_load %arg9[%get3A_980, %get3A_981, %get3A_982] {strides = array<i32>} : memref<32x8x64xf32, #tpu.memory_space<vmem>>, vector<1x1x16xf32>,
        %get3A_984 = vector.shape_cast %get3A_983 : vector<1x1x16xf32> to vector<16xf32>
        %swap3A_985 = arith.constant 1 : i32
        %swap3A_986 = arith.index_cast %swap3A_985 : i32 to index
        %swap3A_987 = arith.index_cast %add3A_941 : i32 to index
        %swap3A_988 = arith.constant 48 : index
        %swap3A_989 = tpu.vector_load %arg10[%swap3A_986, %swap3A_987, %swap3A_988] {strides = array<i32>} : memref<2x32x64xf32, #tpu.memory_space<vmem>>, vector<1x1x16xf32>,
        %swap3A_990 = vector.shape_cast %swap3A_989 : vector<1x1x16xf32> to vector<16xf32>
        %swap3A_991 = vector.shape_cast %get3A_984 : vector<16xf32> to vector<1x1x16xf32>
        tpu.vector_store %arg10[%swap3A_986, %swap3A_987, %swap3A_988], %swap3A_991 {strides = array<i32>} : memref<2x32x64xf32, #tpu.memory_space<vmem>>, vector<1x1x16xf32>,
      }
      %scan3A_106 = arith.constant 2 : i32
      %mul3A_107 = arith.constant 32 : i32
      %mul3A_108 = arith.muli %add3A_101, %mul3A_107 : i32
      %add3A_109 = arith.addi %mul3A_2, %mul3A_108 : i32
      %dma_start3A_110 = arith.constant 1 : i32
      %dma_start3A_111 = arith.constant 0 : i32
      %dma_start3A_112 = arith.constant 0 : i32
      %dma_start3A_113 = tpu.memref_slice %arg10[%dma_start3A_110, %dma_start3A_111, %dma_start3A_112] : memref<2x32x64xf32, #tpu.memory_space<vmem>> -> memref<1x32x64xf32, #tpu.memory_space<vmem>>
      %dma_start3A_114 = tpu.memref_squeeze %dma_start3A_113 : memref<1x32x64xf32, #tpu.memory_space<vmem>> -> memref<32x64xf32, #tpu.memory_space<vmem>>
      %dma_start3A_115 = arith.constant 0 : i32
      %dma_start3A_116 = tpu.memref_slice %arg5[%add3A_109, %dma_start3A_115] : memref<16384x64xf32, #tpu.memory_space<hbm>> -> memref<32x64xf32, #tpu.memory_space<hbm>>
      %dma_start3A_117 = arith.constant 0 : i32
      %dma_start3A_118 = tpu.memref_slice %arg5[%add3A_109, %dma_start3A_117] : memref<16384x64xf32, #tpu.memory_space<hbm>> -> memref<32x64xf32, #tpu.memory_space<hbm>>
      %dma_start3A_119 = arith.constant 0 : i32
      %dma_start3A_120 = arith.constant 0 : i32
      %dma_start3A_121 = tpu.memref_slice %arg10[%dma_start3A_110, %dma_start3A_119, %dma_start3A_120] : memref<2x32x64xf32, #tpu.memory_space<vmem>> -> memref<1x32x64xf32, #tpu.memory_space<vmem>>
      %dma_start3A_122 = tpu.memref_squeeze %dma_start3A_121 : memref<1x32x64xf32, #tpu.memory_space<vmem>> -> memref<32x64xf32, #tpu.memory_space<vmem>>
      tpu.enqueue_dma source(%dma_start3A_122 : memref<32x64xf32, #tpu.memory_space<vmem>>) target(%dma_start3A_118 : memref<32x64xf32, #tpu.memory_space<hbm>>) target_semaphore(%arg13 : memref<!tpu.dma_semaphore, #tpu.memory_space<semaphore_mem>>)
    }
    %scan3A_11 = arith.constant 8 : i32
    %dma_wait3A = arith.constant 0 : i32
    %dma_wait3A_12 = arith.constant 0 : i32
    %dma_wait3A_13 = arith.constant 0 : i32
    %dma_wait3A_14 = tpu.memref_slice %arg10[%dma_wait3A, %dma_wait3A_12, %dma_wait3A_13] : memref<2x32x64xf32, #tpu.memory_space<vmem>> -> memref<1x32x64xf32, #tpu.memory_space<vmem>>
    %dma_wait3A_15 = tpu.memref_squeeze %dma_wait3A_14 : memref<1x32x64xf32, #tpu.memory_space<vmem>> -> memref<32x64xf32, #tpu.memory_space<vmem>>
    %dma_wait3A_16 = arith.constant 0 : i32
    %dma_wait3A_17 = arith.constant 0 : i32
    %dma_wait3A_18 = tpu.memref_slice %arg5[%dma_wait3A_16, %dma_wait3A_17] : memref<16384x64xf32, #tpu.memory_space<hbm>> -> memref<32x64xf32, #tpu.memory_space<hbm>>
    %dma_wait3A_19 = arith.constant 0 : i32
    %dma_wait3A_20 = arith.constant 0 : i32
    %dma_wait3A_21 = tpu.memref_slice %arg10[%dma_wait3A, %dma_wait3A_19, %dma_wait3A_20] : memref<2x32x64xf32, #tpu.memory_space<vmem>> -> memref<1x32x64xf32, #tpu.memory_space<vmem>>
    %dma_wait3A_22 = tpu.memref_squeeze %dma_wait3A_21 : memref<1x32x64xf32, #tpu.memory_space<vmem>> -> memref<32x64xf32, #tpu.memory_space<vmem>>
    %dma_wait3A_23 = arith.constant 0 : i32
    %dma_wait3A_24 = arith.constant 0 : i32
    %dma_wait3A_25 = tpu.memref_slice %arg5[%dma_wait3A_23, %dma_wait3A_24] : memref<16384x64xf32, #tpu.memory_space<hbm>> -> memref<32x64xf32, #tpu.memory_space<hbm>>
    tpu.wait_dma2 semaphore(%arg13 : memref<!tpu.dma_semaphore, #tpu.memory_space<semaphore_mem>>) src(%dma_wait3A_25 : memref<32x64xf32, #tpu.memory_space<hbm>>) dst(%dma_wait3A_22 : memref<32x64xf32, #tpu.memory_space<vmem>>)
    %dma_wait3A_26 = arith.constant 1 : i32
    %dma_wait3A_27 = arith.constant 0 : i32
    %dma_wait3A_28 = arith.constant 0 : i32
    %dma_wait3A_29 = tpu.memref_slice %arg10[%dma_wait3A_26, %dma_wait3A_27, %dma_wait3A_28] : memref<2x32x64xf32, #tpu.memory_space<vmem>> -> memref<1x32x64xf32, #tpu.memory_space<vmem>>
    %dma_wait3A_30 = tpu.memref_squeeze %dma_wait3A_29 : memref<1x32x64xf32, #tpu.memory_space<vmem>> -> memref<32x64xf32, #tpu.memory_space<vmem>>
    %dma_wait3A_31 = arith.constant 0 : i32
    %dma_wait3A_32 = arith.constant 0 : i32
    %dma_wait3A_33 = tpu.memref_slice %arg5[%dma_wait3A_31, %dma_wait3A_32] : memref<16384x64xf32, #tpu.memory_space<hbm>> -> memref<32x64xf32, #tpu.memory_space<hbm>>
    %dma_wait3A_34 = arith.constant 0 : i32
    %dma_wait3A_35 = arith.constant 0 : i32
    %dma_wait3A_36 = tpu.memref_slice %arg10[%dma_wait3A_26, %dma_wait3A_34, %dma_wait3A_35] : memref<2x32x64xf32, #tpu.memory_space<vmem>> -> memref<1x32x64xf32, #tpu.memory_space<vmem>>
    %dma_wait3A_37 = tpu.memref_squeeze %dma_wait3A_36 : memref<1x32x64xf32, #tpu.memory_space<vmem>> -> memref<32x64xf32, #tpu.memory_space<vmem>>
    %dma_wait3A_38 = arith.constant 0 : i32
    %dma_wait3A_39 = arith.constant 0 : i32
    %dma_wait3A_40 = tpu.memref_slice %arg5[%dma_wait3A_38, %dma_wait3A_39] : memref<16384x64xf32, #tpu.memory_space<hbm>> -> memref<32x64xf32, #tpu.memory_space<hbm>>
    tpu.wait_dma2 semaphore(%arg13 : memref<!tpu.dma_semaphore, #tpu.memory_space<semaphore_mem>>) src(%dma_wait3A_40 : memref<32x64xf32, #tpu.memory_space<hbm>>) dst(%dma_wait3A_37 : memref<32x64xf32, #tpu.memory_space<vmem>>)
    return
  }
}

</mosaic_0001>

<sc_bundles>
// kernel: kernel.3.cloned.1.call-start
scs
__scs_entry_jumppad:
0x0: {  	(pc) =	sbr.rel $0x88, $3  }
0x1: {  	(tag) =	ssettag $0x0;
	lr =	simm.s32 $0x1  }
0x2: {  	[smem:$0x3F9F] =	sst lr;
	_ =	strace $0xD0000000  }
0x3: {  	_ = 	snop  }
0x4: {  	_ = 	snop  }
0x5: {  	_ = 	snop  }
0x6: {  	_ = 	snop  }
0x7: {  	_ = 	snop  }
__scs_overlays_trampoline_lowered:
0x8: {  	[smem:$0x3FAE] =	sst s0  }
0x9: {  	[smem:$0x3FAF] =	sst s1  }
0xa: {  	[smem:$0x3FB0] =	sst s2  }
0xb: {  	[smem:$0x3FB1] =	sst s3  }
0xc: {  	[smem:$0x3FB2] =	sst s4  }
0xd: {  	[smem:$0x3FB3] =	sst s5  }
0xe: {  	[smem:$0x3FB4] =	sst s6  }
0xf: {  	[smem:$0x3FB5] =	sst s7  }
0x10: {  	[smem:$0x3FB6] =	sst s8  }
0x11: {  	[smem:$0x3FB7] =	sst s9;
	s0 =	simm.s32 @!p0 $0x0  }
0x12: {  	s1 =	sld [smem:$0x3F9D];
	s0 =	simm.s32 @p0 $0x1  }
0x13: {  	[smem:$0x3FB8] =	sst s0;
	s0 =	simm.s32 @!p1 $0x0  }
0x14: {  	s2 =	sld [smem:$0x3F9C];
	s0 =	simm.s32 @p1 $0x1  }
0x15: {  	[smem:$0x3FB9] =	sst s0;
	s0 =	simm.s32 @!p2 $0x0  }
0x16: {  	s3 =	sld [smem:$0x3FDB];
	s0 =	simm.s32 @p2 $0x1  }
0x17: {  	s4 =	simm.s32 $0x1BF5;
	[smem:$0x3FBB] =	sst s0  }
0x18: {  	s0 =	sld [smem:$0x3F9E];
	_ =	swait.ge [sflag:s4], $0x0  }
0x19: {  	s7 =	sld [smem:$0x3F9F]  }
0x1a: {  	s8 =	sadd.s32 $0xFFFFE003, lr  }
0x1b: {  	s9 =	sadd.s32 $0xFFFFFEF7, lr;
	s5 =	simm.s32 $0xFFFFFFFF;
	p2 =	slt.u32 s8, $0xFFFFF086  }
0x1c: {  	p1 =	slt.u32 s9, $0xF7A;
	s5 =	simm.s32 @!p2 $0x0  }
0x1d: {  	s5 =	simm.s32 @p1 $0x1;
	p0 =	seq.s32 s7, s2  }
0x1e: {  	s7 =	smul.u32 @!p0 $0xF7A, s2;
	p2 =	seq.s32 @!p0 s5, $0x0  }
0x1f: {  	s9 =	smul.u32 $0xF7A, s1;
	s8 =	simm.s32 @!p0 $0x1BF5;
	p2 =	por !p2, p0  }
0x20: {  	[sflag:s8] =	ssyncset.s32 @!p0 $0xFFFFF086;
	s6 =	sadd.s32 @!p0 s3, s7;
	s7 =	simm.s32 @!p0 $0x108  }
0x21: {  	s3 =	sadd.s32 s3, s9;
	s6 =	sadd.s32 @!p0 $0x88, s6;
	s7 =	simm.s32 @p2 $0x1082  }
0x22: {  	[simem:s7], [sflag:s8] =	dma.local @!p0 [hbm:s6], $0xF7A  }
0x23: {  	s9 =	sor.u32 $0xD0000000, s2;
	s6 =	simm.s32 $0x108;
	_ =	swait.ge @!p0 [sflag:s8], $0x0  }
0x24: {  	s3 =	sadd.s32 $0x88, s3;
	s6 =	simm.s32 @!p1 $0x1082;
	[sflag:s4] =	ssyncset.s32 $0xFFFFF086  }
0x25: {  	[simem:s6], [sflag:s4] =	dma.local [hbm:s3], $0xF7A  }
0x26: {  	[smem:$0x3F9F] =	sst s1;
	(tag) =	ssettag s2;
	_ =	strace s9  }
0x27: {  	s1 =	sld [smem:$0x3FAF]  }
0x28: {  	s2 =	sld [smem:$0x3FB0]  }
0x29: {  	s4 =	sld [smem:$0x3FB2]  }
0x2a: {  	p0 =	seq.s32 s5, $0x0;
	s5 =	sld [smem:$0x3FB3]  }
0x2b: {  	s6 =	sld [smem:$0x3FB4]  }
0x2c: {  	s7 =	sld [smem:$0x3FB5]  }
0x2d: {  	s3 =	simm.s32 $0x108;
	s8 =	sld [smem:$0x3FB6]  }
0x2e: {  	s3 =	simm.s32 @!p0 $0x1082;
	s9 =	sld [smem:$0x3FB7]  }
0x2f: {  	lr =	sadd.s32 s0, s3;
	s0 =	sld [smem:$0x3FAE]  }
0x30: {  	s3 =	sld [smem:$0x3FB1]  }
0x31: {  	[smem:$0x3FBA] =	sst s10  }
0x32: {  	s10 =	sld [smem:$0x3FB8];
	_ =	sdelay $0x3  }
0x33: {  	p0 =	seq.s32 s10, $0x1;
	s10 =	sld [smem:$0x3FBA];
	_ =	sdelay $0x3  }
0x34: {  	[smem:$0x3FBA] =	sst s10  }
0x35: {  	s10 =	sld [smem:$0x3FB9];
	_ =	sdelay $0x3  }
0x36: {  	p1 =	seq.s32 s10, $0x1;
	s10 =	sld [smem:$0x3FBA];
	_ =	sdelay $0x3  }
0x37: {  	[smem:$0x3FBA] =	sst s10  }
0x38: {  	s10 =	sld [smem:$0x3FBB]  }
0x39: {  	_ = 	snop;
	(pc) =	sbr.ind lr, $3  }
0x3a: {  	_ = 	snop  }
0x3b: {  	_ = 	snop  }
0x3c: {  	p2 =	seq.s32 s10, $0x1;
	s10 =	sld [smem:$0x3FBA]  }
0x3d: {  	_ =	shalt  }
0x3e: {  	_ =	shalt  }
0x3f: {  	_ =	shalt  }
0x40: {  	_ =	shalt  }
0x41: {  	_ =	shalt  }
0x42: {  	_ =	shalt  }
0x43: {  	_ =	shalt  }
0x44: {  	_ =	shalt  }
0x45: {  	_ =	shalt  }
0x46: {  	_ =	shalt  }
0x47: {  	_ =	shalt  }
0x48: {  	_ =	shalt  }
0x49: {  	_ =	shalt  }
0x4a: {  	_ =	shalt  }
0x4b: {  	_ =	shalt  }
0x4c: {  	_ =	shalt  }
0x4d: {  	_ =	shalt  }
0x4e: {  	_ =	shalt  }
0x4f: {  	_ =	shalt  }
0x50: {  	_ =	shalt  }
0x51: {  	_ =	shalt  }
0x52: {  	_ =	shalt  }
0x53: {  	_ =	shalt  }
0x54: {  	_ =	shalt  }
0x55: {  	_ =	shalt  }
0x56: {  	_ =	shalt  }
0x57: {  	_ =	shalt  }
0x58: {  	_ =	shalt  }
0x59: {  	_ =	shalt  }
0x5a: {  	_ =	shalt  }
0x5b: {  	_ =	shalt  }
0x5c: {  	_ =	shalt  }
0x5d: {  	_ =	shalt  }
0x5e: {  	_ =	shalt  }
0x5f: {  	_ =	shalt  }
0x60: {  	_ =	shalt  }
0x61: {  	_ =	shalt  }
0x62: {  	_ =	shalt  }
0x63: {  	_ =	shalt  }
0x64: {  	_ =	shalt  }
0x65: {  	_ =	shalt  }
0x66: {  	_ =	shalt  }
0x67: {  	_ =	shalt  }
0x68: {  	_ =	shalt  }
0x69: {  	_ =	shalt  }
0x6a: {  	_ =	shalt  }
0x6b: {  	_ =	shalt  }
0x6c: {  	_ =	shalt  }
0x6d: {  	_ =	shalt  }
0x6e: {  	_ =	shalt  }
0x6f: {  	_ =	shalt  }
0x70: {  	_ =	shalt  }
0x71: {  	_ =	shalt  }
0x72: {  	_ =	shalt  }
0x73: {  	_ =	shalt  }
0x74: {  	_ =	shalt  }
0x75: {  	_ =	shalt  }
0x76: {  	_ =	shalt  }
0x77: {  	_ =	shalt  }
0x78: {  	_ =	shalt  }
0x79: {  	_ =	shalt  }
0x7a: {  	_ =	shalt  }
0x7b: {  	_ =	shalt  }
0x7c: {  	_ =	shalt  }
0x7d: {  	_ =	shalt  }
0x7e: {  	_ =	shalt  }
0x7f: {  	_ =	shalt  }
0x80: {  	_ =	shalt  }
0x81: {  	_ =	shalt  }
0x82: {  	_ =	shalt  }
0x83: {  	_ =	shalt  }
0x84: {  	_ =	shalt  }
0x85: {  	_ =	shalt  }
0x86: {  	_ =	shalt  }
0x87: {  	_ =	shalt  }
.Lfunc_end0:
.L_simem_size_0:
called_computation_lowered:
.L_overlay_start_0:
0x88: {  	s2 =	sld [smem:$0x3FD9]  }
0x89: {  	s3 =	sld [smem:$0x3FFE];
	_ =	sdelay $0x1  }
0x8a: {  	s1 =	srdreg.scid  }
0x8b: {  	s0 =	sand.u32 $0x1, s1  }
0x8c: {  	s17 =	sshll.u32 s0, $0xA;
	s2 =	sadd.s32 s3, s2  }
0x8d: {  	s2 =	sadd.s32 s2, s17  }
0x8e: {  	[smem:$0x3FC6] =	sst s2  }
0x8f: {  	_ = 	snop  }
0x90: {  	s2 =	sld [smem:$0x3FD0];
	(tm) =	ssettm $0x1  }
0x91: {  	s18 =	sld [smem:$0x3FFB];
	_ =	sdelay $0x3  }
0x92: {  	_ =	strace s18  }
0x93: {  	s3 =	sld [smem:$0x3FFC];
	_ =	sdelay $0x3  }
0x94: {  	_ =	strace s3  }
0x95: {  	s3 =	sld [smem:$0x3FFD];
	_ =	sdelay $0x3  }
0x96: {  	_ =	strace s3  }
0x97: {  	_ =	strace $0x8FFFFFFF  }
0x98: {  	s19 =	sld [smem:$0x3FDB];
	_ =	sdelay $0x1  }
0x99: {  	s4 =	simm.s32 $_scs_section_size  }
0x9a: {  	s5 =	simm.s32 $_size__tile_overlayer_lowered;
	s6 =	simm.s32 $_tile_overlayer_lowered  }
0x9b: {  	s22 =	simm.s32 $0x1BFF;
	s21 =	sshll.u32 s6, $0x1;
	s3 =	sadd.s32 s4, s19  }
0x9c: {  	s7 =	simm.s32 $0x0;
	s20 =	sshll.u32 s5, $0x1;
	s5 =	sadd.s32 s21, s3  }
0x9d: {  	[timem:s7], [sflag:s22] =	dma.local [hbm:s5], s20  }
0x9e: {  	_ =	swait.ge [sflag:s22], s20  }
0x9f: {  	s4 =	ssub.s32 $0x0, s20;
	[sflag:s22] =	ssyncset.done $0x0  }
0xa0: {  	[sflag:s22] =	ssyncadd.s32 s4;
	_ =	sdelay $0x1  }
0xa1: {  	s23 =	simm.s32 $0x1B8B  }
0xa2: {  	_ =	swait.ge [sflag:s23], $0x1  }
0xa3: {  	[sflag:s23] =	ssyncset.done $0x0  }
0xa4: {  	s25 =	simm.s32 $0x1B8E;
	s24 =	sld [smem:$0x3FFE];
	[sflag:s23] =	ssyncadd.s32 $0xFFFFFFFF  }
0xa5: {  	s26 =	simm.s32 $execute0_lowered;
	[smem:$0x3FD2] =	sst s25  }
0xa6: {  	s5 =	sshll.u32 s26, $0x1;
	_ =	strace $0x80000046;
	[dreg:$0x1] =	wrdreg $0xFFFFFFFF  }
0xa7: {  	s28 =	simm.s32 $_size_execute0_lowered;
	s3 =	sadd.s32 s3, s5;
	[dreg:$0x0] =	wrdreg $0x0  }
0xa8: {  	s5 =	sshll.u32 s28, $0x1;
	[dreg:$0x2] =	wrdreg s3  }
0xa9: {  	[dreg:$0x3] =	wrdreg s5  }
0xaa: {  	[dreg:$0x4] =	wrdreg $0xC0  }
0xab: {  	_ =	task [dreg:s7], $0x5FFFF  }
0xac: {  	[dreg:$0x1] =	wrdreg $0xFFFFFFFF  }
0xad: {  	[dreg:$0x0] =	wrdreg $0x60  }
0xae: {  	[dreg:$0x2] =	wrdreg s24  }
0xaf: {  	[dreg:$0x3] =	wrdreg s2  }
0xb0: {  	[dreg:$0x4] =	wrdreg $0x9  }
0xb1: {  	_ =	task.clear_ibuf [dreg:s7], $0x5FFFF;
	_ =	strace $0x90000046  }
0xb2: {  	s29 =	simm.s32 $0x9;
	_ =	strace $0x80000048  }
0xb3: {  	_ =	swait.ge [sflag:s29], $0x1  }
0xb4: {  	[sflag:s29] =	ssyncadd.s32 $0xFFFFFFFF  }
0xb5: {  	_ =	strace $0x90000048  }
0xb6: {  	_ =	sfence  }
0xb7: {  	s30 =	sld [smem:$0x0];
	_ =	sdelay $0x2  }
0xb8: {  	s31 =	sshll.u32 s1, $0xD;
	s1 =	sshrl.u32 s1, $0x2  }
0xb9: {  	s3 =	sand.u32 $0x4000, s31;
	s1 =	sadd.s32 s1, s30  }
0xba: {  	s0 =	sor.u32 s3, s0;
	s1 =	sshll.u32 s1, $0x11  }
0xbb: {  	s0 =	sor.u32 s1, s0  }
0xbc: {  	s0 =	sadd.s32 $0x8F2B, s0  }
0xbd: {  	[sflag:s0] =	ssyncadd.remote.s32 $0x1  }
0xbe: {  	_ =	sfence.sel $0xFFFF  }
0xbf: {  	[dreg:$0x0] =	wrdreg $0xFFFFFFFF;
	(pc) =	sbr.abs _section_cstart, $3  }
0xc0: {  	[dreg:$0x1] =	wrdreg $0xFFFFFFFF  }
0xc1: {  	_ =	task.clear_ibuf [dreg:s7], $0x2FFFF;
	_ =	strace $0x9FFFFFFF  }
0xc2: {  	(tm) =	ssettm $0x7FFFFFFF  }
0xc3: {  	_ =	shalt  }
tec
execute0_lowered:
.L_overlay_start_1:
0x0: {  	(tag) =	ssettag $0x1  }
0x1: {  	s4 =	rddreg [dreg:$0x0]  }
0x2: {  	s5 =	rddreg [dreg:$0x1];
	s2 =	srdreg.scid  }
0x3: {  	s0 =	rddreg [dreg:$0x2];
	s1 =	stileid.u32  }
0x4: {  	s11 =	simm.s32 $0x10400;
	s12 =	simm.s32 $0x2;
	s13 =	simm.s32 $0x3  }
0x5: {  	s14 =	simm.s32 $0x11400;
	s15 =	simm.s32 $0x0;
	s3 =	sand.u32 $0x1, s2  }
0x6: {  	s2 =	simm.s32 $0x0;
	s6 =	sshll.u32 s1, $0xA;
	s7 =	sshll.u32 s3, $0x9  }
0x7: {  	[smem:$0x7FF] =	sst s2;
	s8 =	ssub.s32 $0x2, s3;
	s3 =	sadd.s32 $0xE00, s4  }
0x8: {  	s6 =	sor.u32 s7, s6;
	_ =	strace $0x80000047;
	s10 =	sshrl.u32 s8, $0x1  }
0x9: {  	s7 =	sshrl.u32 s6, $0x3;
	s6 =	sshll.u32 s6, $0x4;
	s8 =	ssub.s32 s8, s10  }
0xa: {  	s10 =	simm.s32 $0x1;
	s9 =	sadd.s32 s7, s4;
	s6 =	sadd.s32 s6, s4  }
0xb: {  	s5 =	sadd.s32 s5, s7;
	s7 =	smax.u32 s8, $0x1;
	s8 =	simm.s32 $0x4  }
0xc: {  	s4 =	sadd.s32 $0x600, s9;
	s6 =	sadd.s32 $0xF43200, s6;
	s9 =	simm.s32 $0x200  }
.LBB2_1:
0xd: {  	[tilespmem:s2], [sflag:$0x4] =	stream.linear.gather [hbm4b:s4+s2], $0x200, $0x38;
	[tilespmem:$0x12400] =	vst v63  }
0xe: {  	_ =	swait.ge [sflag:s8], $0x200  }
0xf: {  	[sflag:s8] =	ssyncset.done $0x0  }
0x10: {  	[sflag:s8] =	ssyncadd.s32 $0xFFFFFE00  }
0x11: {  	[tilespmem:s9], [sflag:$0x4] =	stream.linear.gather [hbm4b:s5+s2], $0x200, $0x38;
	[tilespmem:$0x12400] =	vst v63  }
0x12: {  	_ =	swait.ge [sflag:s8], $0x200  }
0x13: {  	[sflag:s8] =	ssyncset.done $0x0  }
0x14: {  	p0 =	por $0x1, $0x1;
	s17 =	simm.s32 $0x0;
	[sflag:s8] =	ssyncadd.s32 $0xFFFFFE00  }
.LBB2_2:
0x15: {  	s16 =	sshll.u32 s17, $0x4  }
0x16: {  	s16 =	sand.u32 $0x3FFFFFF0, s16  }
0x17: {  	v0 =	vld [tilespmem:s16+$0x0];
	_ =	sdelay $0x4  }
0x18: {  	v0 =	vshll.u32 v0, $0x7  }
0x19: {  	(v2sf) =	vpush v0, $0x0;
	_ =	sdelay $0x1  }
0x1a: {  	(v2sf) =	vpush v0, $0x1;
	_ =	sdelay $0x1  }
0x1b: {  	(v2sf) =	vpush v0, $0x2;
	_ =	sdelay $0x4  }
0x1c: {  	(v2sf) =	vpush v0, $0x3;
	_ =	sdelay $0x5  }
0x1d: {  	s18 =	spop (v2sf);
	(v2sf) =	vpush v0, $0x4;
	_ =	sdelay $0x1  }
0x1e: {  	s25 =	spop (v2sf);
	(v2sf) =	vpush v0, $0x5;
	_ =	sdelay $0x1  }
0x1f: {  	s28 =	spop (v2sf);
	(v2sf) =	vpush v0, $0x6  }
0x20: {  	s22 =	sshll.u32 s17, $0xE  }
0x21: {  	s17 =	sand.u32 $0x3FFFC000, s22;
	s23 =	sand.u32 $0x1FFFFF80, s18  }
0x22: {  	s24 =	sor.u32 $0x400, s17;
	s16 =	simm.s32 $0x0;
	s19 =	sadd.s32 s3, s23  }
0x23: {  	[tilespmem:s24], [sflag:$0x1] =	stream.linear.gather [hbm4b:s19+s16], $0x400, $0x38;
	[tilespmem:$0x12400] =	vst v63  }
0x24: {  	s18 =	sand.u32 $0x1FFFFF80, s25;
	s30 =	spop (v2sf);
	(v2sf) =	vpush v0, $0x7  }
0x25: {  	s26 =	sor.u32 $0x800, s17;
	s18 =	sadd.s32 s3, s18  }
0x26: {  	[tilespmem:s26], [sflag:$0x1] =	stream.linear.gather [hbm4b:s18+s16], $0x400, $0x38;
	[tilespmem:$0x12400] =	vst v63  }
0x27: {  	s18 =	sand.u32 $0x1FFFFF80, s28  }
0x28: {  	s29 =	sor.u32 $0xC00, s17;
	s18 =	sadd.s32 s3, s18  }
0x29: {  	[tilespmem:s29], [sflag:$0x1] =	stream.linear.gather [hbm4b:s18+s16], $0x400, $0x38;
	[tilespmem:$0x12400] =	vst v63  }
0x2a: {  	s19 =	spop (v2sf);
	(v2sf) =	vpush v0, $0x8  }
0x2b: {  	s18 =	sand.u32 $0x1FFFFF80, s30  }
0x2c: {  	s31 =	sor.u32 $0x1000, s17;
	s18 =	sadd.s32 s3, s18;
	s21 =	spop (v2sf);
	(v2sf) =	vpush v0, $0x9  }
0x2d: {  	[tilespmem:s31], [sflag:$0x1] =	stream.linear.gather [hbm4b:s18+s16], $0x400, $0x38;
	[tilespmem:$0x12400] =	vst v63  }
0x2e: {  	s23 =	spop (v2sf);
	(v2sf) =	vpush v0, $0xA  }
0x2f: {  	s18 =	sand.u32 $0x1FFFFF80, s19  }
0x30: {  	s20 =	sor.u32 $0x1400, s17;
	s18 =	sadd.s32 s3, s18  }
0x31: {  	[tilespmem:s20], [sflag:$0x1] =	stream.linear.gather [hbm4b:s18+s16], $0x400, $0x38;
	[tilespmem:$0x12400] =	vst v63  }
0x32: {  	s18 =	sand.u32 $0x1FFFFF80, s21  }
0x33: {  	s22 =	sor.u32 $0x1800, s17;
	s25 =	spop (v2sf);
	s18 =	sadd.s32 s3, s18  }
0x34: {  	(v2sf) =	vpush v0, $0xB;
	[tilespmem:s22], [sflag:$0x1] =	stream.linear.gather [hbm4b:s18+s16], $0x400, $0x38;
	[tilespmem:$0x12400] =	vst v63  }
0x35: {  	s18 =	sand.u32 $0x1FFFFF80, s23  }
0x36: {  	s24 =	sor.u32 $0x1C00, s17;
	s18 =	sadd.s32 s3, s18  }
0x37: {  	[tilespmem:s24], [sflag:$0x1] =	stream.linear.gather [hbm4b:s18+s16], $0x400, $0x38;
	[tilespmem:$0x12400] =	vst v63  }
0x38: {  	s18 =	sand.u32 $0x1FFFFF80, s25  }
0x39: {  	s26 =	sor.u32 $0x2000, s17;
	s18 =	sadd.s32 s3, s18;
	s28 =	spop (v2sf);
	(v2sf) =	vpush v0, $0xC  }
0x3a: {  	[tilespmem:s26], [sflag:$0x1] =	stream.linear.gather [hbm4b:s18+s16], $0x400, $0x38;
	[tilespmem:$0x12400] =	vst v63  }
0x3b: {  	s30 =	spop (v2sf);
	(v2sf) =	vpush v0, $0xD  }
0x3c: {  	s18 =	sand.u32 $0x1FFFFF80, s28  }
0x3d: {  	s29 =	sor.u32 $0x2400, s17;
	s18 =	sadd.s32 s3, s18;
	s20 =	spop (v2sf)  }
0x3e: {  	(v2sf) =	vpush v0, $0xE;
	[tilespmem:s29], [sflag:$0x1] =	stream.linear.gather [hbm4b:s18+s16], $0x400, $0x38;
	[tilespmem:$0x12400] =	vst v63  }
0x3f: {  	s18 =	sand.u32 $0x1FFFFF80, s30  }
0x40: {  	s31 =	sor.u32 $0x2800, s17;
	s18 =	sadd.s32 s3, s18  }
0x41: {  	[tilespmem:s31], [sflag:$0x1] =	stream.linear.gather [hbm4b:s18+s16], $0x400, $0x38;
	[tilespmem:$0x12400] =	vst v63  }
0x42: {  	s18 =	sand.u32 $0x1FFFFF80, s20  }
0x43: {  	s21 =	sor.u32 $0x2C00, s17;
	s22 =	spop (v2sf);
	(v2sf) =	vpush v0, $0xF;
	s18 =	sadd.s32 s3, s18  }
0x44: {  	[tilespmem:s21], [sflag:$0x1] =	stream.linear.gather [hbm4b:s18+s16], $0x400, $0x38;
	[tilespmem:$0x12400] =	vst v63  }
0x45: {  	s18 =	sand.u32 $0x1FFFFF80, s22  }
0x46: {  	s23 =	sor.u32 $0x3000, s17;
	s18 =	sadd.s32 s3, s18  }
0x47: {  	[tilespmem:s23], [sflag:$0x1] =	stream.linear.gather [hbm4b:s18+s16], $0x400, $0x38;
	[tilespmem:$0x12400] =	vst v63  }
0x48: {  	s24 =	spop (v2sf)  }
0x49: {  	s18 =	sand.u32 $0x1FFFFF80, s24  }
0x4a: {  	s25 =	sor.u32 $0x3400, s17;
	s26 =	spop (v2sf);
	s18 =	sadd.s32 s3, s18  }
0x4b: {  	[tilespmem:s25], [sflag:$0x1] =	stream.linear.gather [hbm4b:s18+s16], $0x400, $0x38;
	[tilespmem:$0x12400] =	vst v63  }
0x4c: {  	s18 =	sand.u32 $0x1FFFFF80, s26  }
0x4d: {  	s28 =	sor.u32 $0x3800, s17;
	s29 =	spop (v2sf);
	s18 =	sadd.s32 s3, s18  }
0x4e: {  	[tilespmem:s28], [sflag:$0x1] =	stream.linear.gather [hbm4b:s18+s16], $0x400, $0x38;
	[tilespmem:$0x12400] =	vst v63  }
0x4f: {  	s18 =	sand.u32 $0x1FFFFF80, s29  }
0x50: {  	p1 =	por p0, p0;
	s30 =	sor.u32 $0x3C00, s17;
	s18 =	sadd.s32 s3, s18  }
0x51: {  	[tilespmem:s30], [sflag:$0x1] =	stream.linear.gather [hbm4b:s18+s16], $0x400, $0x38;
	[tilespmem:$0x12400] =	vst v63  }
.Ltmp0:
0x52: {  	s31 =	spop (v2sf);
	(pc) =	sbr.rel @p1 .LBB2_2-.Ltmp0, $4  }
0x53: {  	s18 =	sand.u32 $0x1FFFFF80, s31  }
0x54: {  	s17 =	sadd.s32 $0x4000, s17;
	s18 =	sadd.s32 s3, s18  }
0x55: {  	[tilespmem:s17], [sflag:$0x1] =	stream.linear.gather [hbm4b:s18+s16], $0x400, $0x38;
	[tilespmem:$0x12400] =	vst v63  }
0x56: {  	p0 =	por $0x0, $0x0;
	s17 =	simm.s32 $0x1  }
.LBB2_3:
0x57: {  	s17 =	sshllo.u32 s16, $0x1  }
0x58: {  	s18 =	sshll.u32 s17, $0x7  }
0x59: {  	s18 =	sshrl.u32 s18, $0x2  }
0x5a: {  	v0 =	vmov s18;
	_ =	sdelay $0x1  }
0x5b: {  	p0 =	por $0x1, $0x1;
	s19 =	simm.s32 $0x0  }
.LBB2_4:
0x5c: {  	s20 =	sshll.u32 s19, $0x4  }
0x5d: {  	s20 =	sand.u32 $0x3FFFFFF0, s20  }
0x5e: {  	v1 =	vld.idx.msk [tilespmem:v0+s20+$0x0 ss:$0x1], $0xffff;
	_ =	sdelay $0x4  }
0x5f: {  	v1 =	vshll.u32 v1, $0x7  }
0x60: {  	(v2sf) =	vpush v1, $0x0;
	_ =	sdelay $0x3  }
0x61: {  	(v2sf) =	vpush v1, $0x1;
	_ =	sdelay $0x1  }
0x62: {  	(v2sf) =	vpush v1, $0x2;
	_ =	sdelay $0x3  }
0x63: {  	(v2sf) =	vpush v1, $0x3;
	_ =	sdelay $0x4  }
0x64: {  	s30 =	sshll.u32 s19, $0xE;
	s31 =	spop (v2sf);
	(v2sf) =	vpush v1, $0x4  }
0x65: {  	s19 =	sand.u32 $0x3FFFC000, s30;
	s20 =	sand.u32 $0x1FFFFF80, s31  }
0x66: {  	s21 =	sadd.s32 $0x8400, s19;
	s20 =	sadd.s32 s3, s20  }
0x67: {  	[tilespmem:s21], [sflag:$0x2] =	stream.linear.gather [hbm4b:s20+s2], $0x400, $0x38;
	[tilespmem:$0x12400] =	vst v63  }
0x68: {  	s21 =	spop (v2sf);
	(v2sf) =	vpush v1, $0x5;
	_ =	sdelay $0x1  }
0x69: {  	s23 =	spop (v2sf);
	(v2sf) =	vpush v1, $0x6;
	_ =	sdelay $0x3  }
0x6a: {  	s25 =	spop (v2sf);
	(v2sf) =	vpush v1, $0x7;
	_ =	sdelay $0x1  }
0x6b: {  	s20 =	sand.u32 $0x1FFFFF80, s21  }
0x6c: {  	s22 =	sadd.s32 $0x8800, s19;
	s20 =	sadd.s32 s3, s20  }
0x6d: {  	[tilespmem:s22], [sflag:$0x2] =	stream.linear.gather [hbm4b:s20+s2], $0x400, $0x38;
	[tilespmem:$0x12400] =	vst v63  }
0x6e: {  	s20 =	sand.u32 $0x1FFFFF80, s23;
	s28 =	spop (v2sf);
	(v2sf) =	vpush v1, $0x8  }
0x6f: {  	s24 =	sadd.s32 $0x8C00, s19;
	s20 =	sadd.s32 s3, s20  }
0x70: {  	[tilespmem:s24], [sflag:$0x2] =	stream.linear.gather [hbm4b:s20+s2], $0x400, $0x38;
	[tilespmem:$0x12400] =	vst v63  }
0x71: {  	s20 =	sand.u32 $0x1FFFFF80, s25  }
0x72: {  	s26 =	sadd.s32 $0x9000, s19;
	s20 =	sadd.s32 s3, s20;
	s30 =	spop (v2sf);
	(v2sf) =	vpush v1, $0x9  }
0x73: {  	[tilespmem:s26], [sflag:$0x2] =	stream.linear.gather [hbm4b:s20+s2], $0x400, $0x38;
	[tilespmem:$0x12400] =	vst v63  }
0x74: {  	s20 =	sand.u32 $0x1FFFFF80, s28;
	s21 =	spop (v2sf);
	(v2sf) =	vpush v1, $0xA  }
0x75: {  	s29 =	sadd.s32 $0x9400, s19;
	s20 =	sadd.s32 s3, s20  }
0x76: {  	[tilespmem:s29], [sflag:$0x2] =	stream.linear.gather [hbm4b:s20+s2], $0x400, $0x38;
	[tilespmem:$0x12400] =	vst v63  }
0x77: {  	s20 =	sand.u32 $0x1FFFFF80, s30  }
0x78: {  	s31 =	sadd.s32 $0x9800, s19;
	s20 =	sadd.s32 s3, s20;
	s23 =	spop (v2sf);
	(v2sf) =	vpush v1, $0xB  }
0x79: {  	[tilespmem:s31], [sflag:$0x2] =	stream.linear.gather [hbm4b:s20+s2], $0x400, $0x38;
	[tilespmem:$0x12400] =	vst v63  }
0x7a: {  	s20 =	sand.u32 $0x1FFFFF80, s21  }
0x7b: {  	s22 =	sadd.s32 $0x9C00, s19;
	s20 =	sadd.s32 s3, s20  }
0x7c: {  	[tilespmem:s22], [sflag:$0x2] =	stream.linear.gather [hbm4b:s20+s2], $0x400, $0x38;
	[tilespmem:$0x12400] =	vst v63  }
0x7d: {  	s20 =	sand.u32 $0x1FFFFF80, s23;
	s25 =	spop (v2sf);
	(v2sf) =	vpush v1, $0xC  }
0x7e: {  	s24 =	sadd.s32 $0xA000, s19;
	s20 =	sadd.s32 s3, s20  }
0x7f: {  	[tilespmem:s24], [sflag:$0x2] =	stream.linear.gather [hbm4b:s20+s2], $0x400, $0x38;
	[tilespmem:$0x12400] =	vst v63  }
0x80: {  	s20 =	sand.u32 $0x1FFFFF80, s25  }
0x81: {  	s26 =	sadd.s32 $0xA400, s19;
	s20 =	sadd.s32 s3, s20;
	s28 =	spop (v2sf);
	(v2sf) =	vpush v1, $0xD  }
0x82: {  	[tilespmem:s26], [sflag:$0x2] =	stream.linear.gather [hbm4b:s20+s2], $0x400, $0x38;
	[tilespmem:$0x12400] =	vst v63  }
0x83: {  	s20 =	sand.u32 $0x1FFFFF80, s28;
	s30 =	spop (v2sf);
	(v2sf) =	vpush v1, $0xE  }
0x84: {  	s29 =	sadd.s32 $0xA800, s19;
	s20 =	sadd.s32 s3, s20  }
0x85: {  	[tilespmem:s29], [sflag:$0x2] =	stream.linear.gather [hbm4b:s20+s2], $0x400, $0x38;
	[tilespmem:$0x12400] =	vst v63  }
0x86: {  	s20 =	sand.u32 $0x1FFFFF80, s30  }
0x87: {  	s31 =	sadd.s32 $0xAC00, s19;
	s22 =	spop (v2sf);
	s20 =	sadd.s32 s3, s20  }
0x88: {  	(v2sf) =	vpush v1, $0xF;
	[tilespmem:s31], [sflag:$0x2] =	stream.linear.gather [hbm4b:s20+s2], $0x400, $0x38;
	[tilespmem:$0x12400] =	vst v63  }
0x89: {  	s20 =	sand.u32 $0x1FFFFF80, s22  }
0x8a: {  	s23 =	sadd.s32 $0xB000, s19;
	s20 =	sadd.s32 s3, s20  }
0x8b: {  	[tilespmem:s23], [sflag:$0x2] =	stream.linear.gather [hbm4b:s20+s2], $0x400, $0x38;
	[tilespmem:$0x12400] =	vst v63  }
0x8c: {  	s24 =	spop (v2sf)  }
0x8d: {  	s20 =	sand.u32 $0x1FFFFF80, s24  }
0x8e: {  	s25 =	sadd.s32 $0xB400, s19;
	s20 =	sadd.s32 s3, s20  }
0x8f: {  	[tilespmem:s25], [sflag:$0x2] =	stream.linear.gather [hbm4b:s20+s2], $0x400, $0x38;
	[tilespmem:$0x12400] =	vst v63  }
0x90: {  	s26 =	spop (v2sf)  }
0x91: {  	s20 =	sand.u32 $0x1FFFFF80, s26  }
0x92: {  	s28 =	sadd.s32 $0xB800, s19;
	s29 =	spop (v2sf);
	s20 =	sadd.s32 s3, s20  }
0x93: {  	[tilespmem:s28], [sflag:$0x2] =	stream.linear.gather [hbm4b:s20+s2], $0x400, $0x38;
	[tilespmem:$0x12400] =	vst v63  }
0x94: {  	s20 =	sand.u32 $0x1FFFFF80, s29  }
0x95: {  	p1 =	por p0, p0;
	s30 =	sadd.s32 $0xBC00, s19;
	s20 =	sadd.s32 s3, s20  }
0x96: {  	[tilespmem:s30], [sflag:$0x2] =	stream.linear.gather [hbm4b:s20+s2], $0x400, $0x38;
	[tilespmem:$0x12400] =	vst v63  }
.Ltmp1:
0x97: {  	s31 =	spop (v2sf);
	(pc) =	sbr.rel @p1 .LBB2_4-.Ltmp1, $4  }
0x98: {  	s20 =	sand.u32 $0x1FFFFF80, s31  }
0x99: {  	s19 =	sadd.s32 $0xC000, s19;
	s20 =	sadd.s32 s3, s20  }
0x9a: {  	[tilespmem:s19], [sflag:$0x2] =	stream.linear.gather [hbm4b:s20+s2], $0x400, $0x38;
	[tilespmem:$0x12400] =	vst v63  }
0x9b: {  	p0 =	por $0x0, $0x0;
	s19 =	simm.s32 $0x1  }
0x9c: {  	s19 =	sshll.u32 s16, $0x8  }
0x9d: {  	_ =	swait.ge [sflag:s10], $0x8000;
	s19 =	sshrl.u32 s19, $0x2  }
0x9e: {  	p0 =	seq.s32 s16, $0x0;
	[sflag:s10] =	ssyncset.done $0x0;
	s21 =	sadd.s32 $0x200, s19  }
0x9f: {  	s20 =	simm.s32 @!p0 $0x3;
	[sflag:s10] =	ssyncadd.s32 $0xFFFF8000;
	v0 =	vmov s21  }
0xa0: {  	_ =	swait.ge @!p0 [sflag:s20], $0x1000  }
0xa1: {  	[sflag:s20] =	ssyncset.done @!p0 $0x0  }
0xa2: {  	p1 =	por $0x1, $0x1;
	[sflag:s20] =	ssyncadd.s32 @!p0 $0xFFFFF000;
	s20 =	simm.s32 $0x0  }
.LBB2_6:
0xa3: {  	s21 =	sshll.u32 s20, $0x4  }
0xa4: {  	v1 =	vld.idx.msk [tilespmem:v0+s21+$0x0 ss:$0x1], $0xffff;
	_ =	sdelay $0x4  }
0xa5: {  	v1 =	vshll.u32 v1, $0x9  }
0xa6: {  	v1 =	vshra.s32 v1, $0x2  }
0xa7: {  	(v2sf) =	vpush v1, $0x0;
	_ =	sdelay $0xd  }
0xa8: {  	s22 =	sshll.u32 s20, $0xE  }
0xa9: {  	s22 =	sand.u32 $0x3FFFC000, s22;
	s23 =	spop (v2sf)  }
0xaa: {  	s22 =	sadd.s32 s23, s22  }
0xab: {  	v2 =	vld [tilespmem:s22+$0x400];
	_ =	sdelay $0x2  }
0xac: {  	s28 =	sshll.u32 s20, $0xB  }
0xad: {  	s23 =	sand.u32 $0x3FFFF800, s28  }
0xae: {  	[tilespmem:s23+$0x10400] =	vst v2  }
0xaf: {  	v2 =	vld [tilespmem:s22+$0x410]  }
0xb0: {  	(v2sf) =	vpush v1, $0x1;
	_ =	sdelay $0x3  }
0xb1: {  	[tilespmem:s23+$0x10410] =	vst v2  }
0xb2: {  	v2 =	vld [tilespmem:s22+$0x420];
	_ =	sdelay $0x4  }
0xb3: {  	[tilespmem:s23+$0x10420] =	vst v2  }
0xb4: {  	v2 =	vld [tilespmem:s22+$0x430];
	_ =	sdelay $0x1  }
0xb5: {  	s29 =	sor.u32 $0x1, s21  }
0xb6: {  	s24 =	sshll.u32 s29, $0xA  }
0xb7: {  	s24 =	sand.u32 $0x3FFFC400, s24;
	s25 =	spop (v2sf)  }
0xb8: {  	s30 =	sadd.s32 s25, s24;
	[tilespmem:s23+$0x10430] =	vst v2  }
0xb9: {  	v2 =	vld [tilespmem:s30+$0x400];
	_ =	sdelay $0x2  }
0xba: {  	s22 =	sshll.u32 s29, $0x7  }
0xbb: {  	s22 =	sand.u32 $0x3FFFF880, s22  }
0xbc: {  	[tilespmem:s22+$0x10400] =	vst v2  }
0xbd: {  	v2 =	vld [tilespmem:s30+$0x410]  }
0xbe: {  	(v2sf) =	vpush v1, $0x2;
	_ =	sdelay $0x3  }
0xbf: {  	[tilespmem:s22+$0x10410] =	vst v2  }
0xc0: {  	v2 =	vld [tilespmem:s30+$0x420];
	_ =	sdelay $0x4  }
0xc1: {  	[tilespmem:s22+$0x10420] =	vst v2  }
0xc2: {  	v2 =	vld [tilespmem:s30+$0x430];
	_ =	sdelay $0x1  }
0xc3: {  	s31 =	sor.u32 $0x2, s21  }
0xc4: {  	s25 =	sshll.u32 s31, $0xA  }
0xc5: {  	s24 =	sand.u32 $0x3FFFC800, s25;
	s26 =	spop (v2sf)  }
0xc6: {  	s28 =	sadd.s32 s26, s24;
	[tilespmem:s22+$0x10430] =	vst v2  }
0xc7: {  	v2 =	vld [tilespmem:s28+$0x400];
	_ =	sdelay $0x2  }
0xc8: {  	s23 =	sshll.u32 s31, $0x7  }
0xc9: {  	s23 =	sand.u32 $0x3FFFF900, s23  }
0xca: {  	[tilespmem:s23+$0x10400] =	vst v2  }
0xcb: {  	v2 =	vld [tilespmem:s28+$0x410]  }
0xcc: {  	(v2sf) =	vpush v1, $0x3;
	_ =	sdelay $0x3  }
0xcd: {  	[tilespmem:s23+$0x10410] =	vst v2  }
0xce: {  	v2 =	vld [tilespmem:s28+$0x420];
	_ =	sdelay $0x4  }
0xcf: {  	[tilespmem:s23+$0x10420] =	vst v2  }
0xd0: {  	v2 =	vld [tilespmem:s28+$0x430];
	_ =	sdelay $0x1  }
0xd1: {  	s29 =	sor.u32 $0x3, s21  }
0xd2: {  	s30 =	sshll.u32 s29, $0xA  }
0xd3: {  	s24 =	sand.u32 $0x3FFFCC00, s30;
	s31 =	spop (v2sf)  }
0xd4: {  	s25 =	sadd.s32 s31, s24;
	[tilespmem:s23+$0x10430] =	vst v2  }
0xd5: {  	v2 =	vld [tilespmem:s25+$0x400];
	_ =	sdelay $0x2  }
0xd6: {  	s22 =	sshll.u32 s29, $0x7  }
0xd7: {  	s22 =	sand.u32 $0x3FFFF980, s22  }
0xd8: {  	[tilespmem:s22+$0x10400] =	vst v2  }
0xd9: {  	v2 =	vld [tilespmem:s25+$0x410]  }
0xda: {  	(v2sf) =	vpush v1, $0x4;
	_ =	sdelay $0x3  }
0xdb: {  	[tilespmem:s22+$0x10410] =	vst v2  }
0xdc: {  	v2 =	vld [tilespmem:s25+$0x420];
	_ =	sdelay $0x4  }
0xdd: {  	[tilespmem:s22+$0x10420] =	vst v2  }
0xde: {  	v2 =	vld [tilespmem:s25+$0x430];
	_ =	sdelay $0x1  }
0xdf: {  	s26 =	sor.u32 $0x4, s21  }
0xe0: {  	s28 =	sshll.u32 s26, $0xA  }
0xe1: {  	s29 =	spop (v2sf);
	s24 =	sand.u32 $0x3FFFD000, s28  }
0xe2: {  	s30 =	sadd.s32 s29, s24;
	[tilespmem:s22+$0x10430] =	vst v2  }
0xe3: {  	v2 =	vld [tilespmem:s30+$0x400];
	_ =	sdelay $0x2  }
0xe4: {  	s23 =	sshll.u32 s26, $0x7  }
0xe5: {  	s23 =	sand.u32 $0x3FFFFA00, s23  }
0xe6: {  	[tilespmem:s23+$0x10400] =	vst v2  }
0xe7: {  	v2 =	vld [tilespmem:s30+$0x410]  }
0xe8: {  	(v2sf) =	vpush v1, $0x5;
	_ =	sdelay $0x3  }
0xe9: {  	[tilespmem:s23+$0x10410] =	vst v2  }
0xea: {  	v2 =	vld [tilespmem:s30+$0x420];
	_ =	sdelay $0x4  }
0xeb: {  	[tilespmem:s23+$0x10420] =	vst v2  }
0xec: {  	v2 =	vld [tilespmem:s30+$0x430];
	_ =	sdelay $0x1  }
0xed: {  	s31 =	sor.u32 $0x5, s21  }
0xee: {  	s25 =	sshll.u32 s31, $0xA  }
0xef: {  	s26 =	spop (v2sf);
	s24 =	sand.u32 $0x3FFFD400, s25  }
0xf0: {  	s28 =	sadd.s32 s26, s24;
	[tilespmem:s23+$0x10430] =	vst v2  }
0xf1: {  	v2 =	vld [tilespmem:s28+$0x400];
	_ =	sdelay $0x2  }
0xf2: {  	s22 =	sshll.u32 s31, $0x7  }
0xf3: {  	s22 =	sand.u32 $0x3FFFFA80, s22  }
0xf4: {  	[tilespmem:s22+$0x10400] =	vst v2  }
0xf5: {  	v2 =	vld [tilespmem:s28+$0x410]  }
0xf6: {  	(v2sf) =	vpush v1, $0x6;
	_ =	sdelay $0x3  }
0xf7: {  	[tilespmem:s22+$0x10410] =	vst v2  }
0xf8: {  	v2 =	vld [tilespmem:s28+$0x420];
	_ =	sdelay $0x4  }
0xf9: {  	[tilespmem:s22+$0x10420] =	vst v2  }
0xfa: {  	v2 =	vld [tilespmem:s28+$0x430];
	_ =	sdelay $0x1  }
0xfb: {  	s29 =	sor.u32 $0x6, s21  }
0xfc: {  	s30 =	sshll.u32 s29, $0xA  }
0xfd: {  	s31 =	spop (v2sf);
	s24 =	sand.u32 $0x3FFFD800, s30  }
0xfe: {  	s25 =	sadd.s32 s31, s24;
	[tilespmem:s22+$0x10430] =	vst v2  }
0xff: {  	v2 =	vld [tilespmem:s25+$0x400];
	_ =	sdelay $0x2  }
0x100: {  	s23 =	sshll.u32 s29, $0x7  }
0x101: {  	s23 =	sand.u32 $0x3FFFFB00, s23  }
0x102: {  	[tilespmem:s23+$0x10400] =	vst v2  }
0x103: {  	v2 =	vld [tilespmem:s25+$0x410]  }
0x104: {  	(v2sf) =	vpush v1, $0x7;
	_ =	sdelay $0x3  }
0x105: {  	[tilespmem:s23+$0x10410] =	vst v2  }
0x106: {  	v2 =	vld [tilespmem:s25+$0x420];
	_ =	sdelay $0x4  }
0x107: {  	[tilespmem:s23+$0x10420] =	vst v2  }
0x108: {  	v2 =	vld [tilespmem:s25+$0x430];
	_ =	sdelay $0x1  }
0x109: {  	s26 =	sor.u32 $0x7, s21  }
0x10a: {  	s28 =	sshll.u32 s26, $0xA  }
0x10b: {  	s29 =	spop (v2sf);
	s24 =	sand.u32 $0x3FFFDC00, s28  }
0x10c: {  	s30 =	sadd.s32 s29, s24;
	[tilespmem:s23+$0x10430] =	vst v2  }
0x10d: {  	v2 =	vld [tilespmem:s30+$0x400];
	_ =	sdelay $0x2  }
0x10e: {  	s22 =	sshll.u32 s26, $0x7  }
0x10f: {  	s22 =	sand.u32 $0x3FFFFB80, s22  }
0x110: {  	[tilespmem:s22+$0x10400] =	vst v2  }
0x111: {  	v2 =	vld [tilespmem:s30+$0x410]  }
0x112: {  	(v2sf) =	vpush v1, $0x8;
	_ =	sdelay $0x3  }
0x113: {  	[tilespmem:s22+$0x10410] =	vst v2  }
0x114: {  	v2 =	vld [tilespmem:s30+$0x420];
	_ =	sdelay $0x4  }
0x115: {  	[tilespmem:s22+$0x10420] =	vst v2  }
0x116: {  	v2 =	vld [tilespmem:s30+$0x430];
	_ =	sdelay $0x1  }
0x117: {  	s31 =	sor.u32 $0x8, s21  }
0x118: {  	s25 =	sshll.u32 s31, $0xA  }
0x119: {  	s26 =	spop (v2sf);
	s24 =	sand.u32 $0x3FFFE000, s25  }
0x11a: {  	s28 =	sadd.s32 s26, s24;
	[tilespmem:s22+$0x10430] =	vst v2  }
0x11b: {  	v2 =	vld [tilespmem:s28+$0x400];
	_ =	sdelay $0x2  }
0x11c: {  	s23 =	sshll.u32 s31, $0x7  }
0x11d: {  	s23 =	sand.u32 $0x3FFFFC00, s23  }
0x11e: {  	[tilespmem:s23+$0x10400] =	vst v2  }
0x11f: {  	v2 =	vld [tilespmem:s28+$0x410]  }
0x120: {  	(v2sf) =	vpush v1, $0x9;
	_ =	sdelay $0x3  }
0x121: {  	[tilespmem:s23+$0x10410] =	vst v2  }
0x122: {  	v2 =	vld [tilespmem:s28+$0x420];
	_ =	sdelay $0x4  }
0x123: {  	[tilespmem:s23+$0x10420] =	vst v2  }
0x124: {  	v2 =	vld [tilespmem:s28+$0x430];
	_ =	sdelay $0x1  }
0x125: {  	s29 =	sor.u32 $0x9, s21  }
0x126: {  	s30 =	sshll.u32 s29, $0xA  }
0x127: {  	s31 =	spop (v2sf);
	s24 =	sand.u32 $0x3FFFE400, s30  }
0x128: {  	s25 =	sadd.s32 s31, s24;
	[tilespmem:s23+$0x10430] =	vst v2  }
0x129: {  	v2 =	vld [tilespmem:s25+$0x400];
	_ =	sdelay $0x2  }
0x12a: {  	s22 =	sshll.u32 s29, $0x7  }
0x12b: {  	s22 =	sand.u32 $0x3FFFFC80, s22  }
0x12c: {  	[tilespmem:s22+$0x10400] =	vst v2  }
0x12d: {  	v2 =	vld [tilespmem:s25+$0x410]  }
0x12e: {  	(v2sf) =	vpush v1, $0xA;
	_ =	sdelay $0x3  }
0x12f: {  	[tilespmem:s22+$0x10410] =	vst v2  }
0x130: {  	v2 =	vld [tilespmem:s25+$0x420];
	_ =	sdelay $0x4  }
0x131: {  	[tilespmem:s22+$0x10420] =	vst v2  }
0x132: {  	v2 =	vld [tilespmem:s25+$0x430];
	_ =	sdelay $0x1  }
0x133: {  	s26 =	sor.u32 $0xA, s21  }
0x134: {  	s28 =	sshll.u32 s26, $0xA  }
0x135: {  	s29 =	spop (v2sf);
	s24 =	sand.u32 $0x3FFFE800, s28  }
0x136: {  	s30 =	sadd.s32 s29, s24;
	[tilespmem:s22+$0x10430] =	vst v2  }
0x137: {  	v2 =	vld [tilespmem:s30+$0x400];
	_ =	sdelay $0x2  }
0x138: {  	s23 =	sshll.u32 s26, $0x7  }
0x139: {  	s23 =	sand.u32 $0x3FFFFD00, s23  }
0x13a: {  	[tilespmem:s23+$0x10400] =	vst v2  }
0x13b: {  	v2 =	vld [tilespmem:s30+$0x410]  }
0x13c: {  	(v2sf) =	vpush v1, $0xB;
	_ =	sdelay $0x3  }
0x13d: {  	[tilespmem:s23+$0x10410] =	vst v2  }
0x13e: {  	v2 =	vld [tilespmem:s30+$0x420];
	_ =	sdelay $0x4  }
0x13f: {  	[tilespmem:s23+$0x10420] =	vst v2  }
0x140: {  	v2 =	vld [tilespmem:s30+$0x430];
	_ =	sdelay $0x1  }
0x141: {  	s31 =	sor.u32 $0xB, s21  }
0x142: {  	s25 =	sshll.u32 s31, $0xA  }
0x143: {  	s26 =	spop (v2sf);
	s24 =	sand.u32 $0x3FFFEC00, s25  }
0x144: {  	s28 =	sadd.s32 s26, s24;
	[tilespmem:s23+$0x10430] =	vst v2  }
0x145: {  	v2 =	vld [tilespmem:s28+$0x400];
	_ =	sdelay $0x2  }
0x146: {  	s22 =	sshll.u32 s31, $0x7  }
0x147: {  	s22 =	sand.u32 $0x3FFFFD80, s22  }
0x148: {  	[tilespmem:s22+$0x10400] =	vst v2  }
0x149: {  	v2 =	vld [tilespmem:s28+$0x410]  }
0x14a: {  	(v2sf) =	vpush v1, $0xC;
	_ =	sdelay $0x3  }
0x14b: {  	[tilespmem:s22+$0x10410] =	vst v2  }
0x14c: {  	v2 =	vld [tilespmem:s28+$0x420];
	_ =	sdelay $0x4  }
0x14d: {  	[tilespmem:s22+$0x10420] =	vst v2  }
0x14e: {  	v2 =	vld [tilespmem:s28+$0x430];
	_ =	sdelay $0x1  }
0x14f: {  	s29 =	sor.u32 $0xC, s21  }
0x150: {  	s30 =	sshll.u32 s29, $0xA  }
0x151: {  	s31 =	spop (v2sf);
	s24 =	sand.u32 $0x3FFFF000, s30  }
0x152: {  	s26 =	sadd.s32 s31, s24;
	[tilespmem:s22+$0x10430] =	vst v2  }
0x153: {  	v2 =	vld [tilespmem:s26+$0x400];
	_ =	sdelay $0x2  }
0x154: {  	s23 =	sshll.u32 s29, $0x7  }
0x155: {  	s23 =	sand.u32 $0x3FFFFE00, s23  }
0x156: {  	[tilespmem:s23+$0x10400] =	vst v2  }
0x157: {  	v2 =	vld [tilespmem:s26+$0x410]  }
0x158: {  	(v2sf) =	vpush v1, $0xD;
	_ =	sdelay $0x3  }
0x159: {  	[tilespmem:s23+$0x10410] =	vst v2  }
0x15a: {  	v2 =	vld [tilespmem:s26+$0x420];
	_ =	sdelay $0x4  }
0x15b: {  	[tilespmem:s23+$0x10420] =	vst v2  }
0x15c: {  	v2 =	vld [tilespmem:s26+$0x430];
	_ =	sdelay $0x1  }
0x15d: {  	s28 =	sor.u32 $0xD, s21  }
0x15e: {  	s29 =	sshll.u32 s28, $0xA  }
0x15f: {  	s30 =	spop (v2sf);
	s24 =	sand.u32 $0x3FFFF400, s29  }
0x160: {  	s31 =	sadd.s32 s30, s24;
	[tilespmem:s23+$0x10430] =	vst v2  }
0x161: {  	v2 =	vld [tilespmem:s31+$0x400];
	_ =	sdelay $0x2  }
0x162: {  	s22 =	sshll.u32 s28, $0x7  }
0x163: {  	s22 =	sand.u32 $0x3FFFFE80, s22  }
0x164: {  	[tilespmem:s22+$0x10400] =	vst v2  }
0x165: {  	v2 =	vld [tilespmem:s31+$0x410]  }
0x166: {  	(v2sf) =	vpush v1, $0xE;
	_ =	sdelay $0x3  }
0x167: {  	[tilespmem:s22+$0x10410] =	vst v2  }
0x168: {  	v2 =	vld [tilespmem:s31+$0x420];
	_ =	sdelay $0x4  }
0x169: {  	[tilespmem:s22+$0x10420] =	vst v2  }
0x16a: {  	v2 =	vld [tilespmem:s31+$0x430];
	_ =	sdelay $0x1  }
0x16b: {  	s21 =	sor.u32 $0xE, s21  }
0x16c: {  	s24 =	sshll.u32 s21, $0xA  }
0x16d: {  	s25 =	spop (v2sf);
	s23 =	sand.u32 $0x3FFFF800, s24  }
0x16e: {  	s26 =	sadd.s32 s25, s23;
	[tilespmem:s22+$0x10430] =	vst v2  }
0x16f: {  	v2 =	vld [tilespmem:s26+$0x400];
	_ =	sdelay $0x2  }
0x170: {  	s21 =	sshll.u32 s21, $0x7  }
0x171: {  	s21 =	sand.u32 $0x3FFFFF00, s21  }
0x172: {  	[tilespmem:s21+$0x10400] =	vst v2  }
0x173: {  	v2 =	vld [tilespmem:s26+$0x410]  }
0x174: {  	(v2sf) =	vpush v1, $0xF;
	_ =	sdelay $0x3  }
0x175: {  	[tilespmem:s21+$0x10410] =	vst v2  }
0x176: {  	v1 =	vld [tilespmem:s26+$0x420];
	_ =	sdelay $0x4  }
0x177: {  	[tilespmem:s21+$0x10420] =	vst v1  }
0x178: {  	v1 =	vld [tilespmem:s26+$0x430];
	_ =	sdelay $0x1  }
0x179: {  	s28 =	sshllo.u32 s20, $0x4  }
0x17a: {  	s29 =	sshll.u32 s28, $0xA  }
0x17b: {  	s30 =	spop (v2sf);
	s22 =	sand.u32 $0x3FFFFC00, s29  }
0x17c: {  	s31 =	sadd.s32 s30, s22;
	[tilespmem:s21+$0x10430] =	vst v1  }
0x17d: {  	v1 =	vld [tilespmem:s31+$0x400];
	_ =	sdelay $0x2  }
0x17e: {  	s20 =	sshll.u32 s28, $0x7  }
0x17f: {  	s20 =	sand.u32 $0x3FFFFF80, s20  }
0x180: {  	[tilespmem:s20+$0x10400] =	vst v1  }
0x181: {  	v1 =	vld [tilespmem:s31+$0x410];
	_ =	sdelay $0x4  }
0x182: {  	[tilespmem:s20+$0x10410] =	vst v1  }
0x183: {  	v1 =	vld [tilespmem:s31+$0x420];
	_ =	sdelay $0x4  }
0x184: {  	[tilespmem:s20+$0x10420] =	vst v1  }
0x185: {  	p2 =	por p1, p1;
	v1 =	vld [tilespmem:s31+$0x430]  }
.Ltmp2:
0x186: {  	_ = 	snop;
	(pc) =	sbr.rel @p2 .LBB2_6-.Ltmp2, $2  }
0x187: {  	_ =	sdelay $0x2  }
0x188: {  	p1 =	por $0x0, $0x0;
	[tilespmem:s20+$0x10430] =	vst v1;
	s20 =	simm.s32 $0x1  }
0x189: {  	p1 =	seq.s32 s16, $0x7  }
.Ltmp3:
0x18a: {  	_ = 	snop;
	(pc) =	sbr.rel @!p1 .LBB2_8-.Ltmp3, $4  }
0x18b: {  	_ = 	snop  }
0x18c: {  	s20 =	sshll.u32 s16, $0xA  }
0x18d: {  	s20 =	sadd.s32 s20, s6  }
0x18e: {  	[hbm4b:s20+s2] =	stream.linear.scatter [tilespmem:s11], [sflag:$0x3], $0x1000, $0x38;
	[tilespmem:$0x12400] =	vst v63  }
.Ltmp4:
0x18f: {  	(pc) =	sbr.rel .LBB2_11-.Ltmp4, $4  }
0x190: {  	_ = 	snop  }
0x191: {  	_ =	swait.ge [sflag:s12], $0x8000  }
0x192: {  	[sflag:s12] =	ssyncset.done $0x0  }
0x193: {  	[sflag:s12] =	ssyncadd.s32 $0xFFFF8000  }
.LBB2_8:
0x194: {  	s20 =	sadd.s32 $0x40, s19  }
0x195: {  	v0 =	vmov s20;
	_ =	sdelay $0x1  }
0x196: {  	s19 =	simm.s32 $0x0;
	p1 =	por $0x1, $0x1  }
.LBB2_9:
0x197: {  	s20 =	sshll.u32 s19, $0x4  }
0x198: {  	s20 =	sand.u32 $0x3FFFFFF0, s20  }
0x199: {  	v1 =	vld.idx.msk [tilespmem:v0+s20+$0x0 ss:$0x1], $0xffff;
	_ =	sdelay $0x4  }
0x19a: {  	v1 =	vshll.u32 v1, $0x7  }
0x19b: {  	(v2sf) =	vpush v1, $0x0;
	_ =	sdelay $0x3  }
0x19c: {  	(v2sf) =	vpush v1, $0x1;
	_ =	sdelay $0x1  }
0x19d: {  	(v2sf) =	vpush v1, $0x2;
	_ =	sdelay $0x3  }
0x19e: {  	(v2sf) =	vpush v1, $0x3;
	_ =	sdelay $0x4  }
0x19f: {  	s30 =	sshll.u32 s19, $0xE;
	s31 =	spop (v2sf);
	(v2sf) =	vpush v1, $0x4  }
0x1a0: {  	s19 =	sand.u32 $0x3FFFC000, s30;
	s20 =	sand.u32 $0x1FFFFF80, s31  }
0x1a1: {  	s21 =	sor.u32 $0x400, s19;
	s20 =	sadd.s32 s3, s20  }
0x1a2: {  	[tilespmem:s21], [sflag:$0x1] =	stream.linear.gather [hbm4b:s20+s2], $0x400, $0x38;
	[tilespmem:$0x12400] =	vst v63  }
0x1a3: {  	s21 =	spop (v2sf);
	(v2sf) =	vpush v1, $0x5;
	_ =	sdelay $0x1  }
0x1a4: {  	s23 =	spop (v2sf);
	(v2sf) =	vpush v1, $0x6;
	_ =	sdelay $0x3  }
0x1a5: {  	s25 =	spop (v2sf);
	(v2sf) =	vpush v1, $0x7;
	_ =	sdelay $0x1  }
0x1a6: {  	s20 =	sand.u32 $0x1FFFFF80, s21  }
0x1a7: {  	s22 =	sor.u32 $0x800, s19;
	s20 =	sadd.s32 s3, s20  }
0x1a8: {  	[tilespmem:s22], [sflag:$0x1] =	stream.linear.gather [hbm4b:s20+s2], $0x400, $0x38;
	[tilespmem:$0x12400] =	vst v63  }
0x1a9: {  	s20 =	sand.u32 $0x1FFFFF80, s23;
	s28 =	spop (v2sf);
	(v2sf) =	vpush v1, $0x8  }
0x1aa: {  	s24 =	sor.u32 $0xC00, s19;
	s20 =	sadd.s32 s3, s20  }
0x1ab: {  	[tilespmem:s24], [sflag:$0x1] =	stream.linear.gather [hbm4b:s20+s2], $0x400, $0x38;
	[tilespmem:$0x12400] =	vst v63  }
0x1ac: {  	s20 =	sand.u32 $0x1FFFFF80, s25  }
0x1ad: {  	s26 =	sor.u32 $0x1000, s19;
	s20 =	sadd.s32 s3, s20;
	s30 =	spop (v2sf);
	(v2sf) =	vpush v1, $0x9  }
0x1ae: {  	[tilespmem:s26], [sflag:$0x1] =	stream.linear.gather [hbm4b:s20+s2], $0x400, $0x38;
	[tilespmem:$0x12400] =	vst v63  }
0x1af: {  	s20 =	sand.u32 $0x1FFFFF80, s28;
	s21 =	spop (v2sf);
	(v2sf) =	vpush v1, $0xA  }
0x1b0: {  	s29 =	sor.u32 $0x1400, s19;
	s20 =	sadd.s32 s3, s20  }
0x1b1: {  	[tilespmem:s29], [sflag:$0x1] =	stream.linear.gather [hbm4b:s20+s2], $0x400, $0x38;
	[tilespmem:$0x12400] =	vst v63  }
0x1b2: {  	s20 =	sand.u32 $0x1FFFFF80, s30  }
0x1b3: {  	s31 =	sor.u32 $0x1800, s19;
	s20 =	sadd.s32 s3, s20;
	s23 =	spop (v2sf);
	(v2sf) =	vpush v1, $0xB  }
0x1b4: {  	[tilespmem:s31], [sflag:$0x1] =	stream.linear.gather [hbm4b:s20+s2], $0x400, $0x38;
	[tilespmem:$0x12400] =	vst v63  }
0x1b5: {  	s20 =	sand.u32 $0x1FFFFF80, s21  }
0x1b6: {  	s22 =	sor.u32 $0x1C00, s19;
	s20 =	sadd.s32 s3, s20  }
0x1b7: {  	[tilespmem:s22], [sflag:$0x1] =	stream.linear.gather [hbm4b:s20+s2], $0x400, $0x38;
	[tilespmem:$0x12400] =	vst v63  }
0x1b8: {  	s20 =	sand.u32 $0x1FFFFF80, s23;
	s25 =	spop (v2sf);
	(v2sf) =	vpush v1, $0xC  }
0x1b9: {  	s24 =	sor.u32 $0x2000, s19;
	s20 =	sadd.s32 s3, s20  }
0x1ba: {  	[tilespmem:s24], [sflag:$0x1] =	stream.linear.gather [hbm4b:s20+s2], $0x400, $0x38;
	[tilespmem:$0x12400] =	vst v63  }
0x1bb: {  	s20 =	sand.u32 $0x1FFFFF80, s25  }
0x1bc: {  	s26 =	sor.u32 $0x2400, s19;
	s20 =	sadd.s32 s3, s20;
	s28 =	spop (v2sf);
	(v2sf) =	vpush v1, $0xD  }
0x1bd: {  	[tilespmem:s26], [sflag:$0x1] =	stream.linear.gather [hbm4b:s20+s2], $0x400, $0x38;
	[tilespmem:$0x12400] =	vst v63  }
0x1be: {  	s20 =	sand.u32 $0x1FFFFF80, s28;
	s30 =	spop (v2sf);
	(v2sf) =	vpush v1, $0xE  }
0x1bf: {  	s29 =	sor.u32 $0x2800, s19;
	s20 =	sadd.s32 s3, s20  }
0x1c0: {  	[tilespmem:s29], [sflag:$0x1] =	stream.linear.gather [hbm4b:s20+s2], $0x400, $0x38;
	[tilespmem:$0x12400] =	vst v63  }
0x1c1: {  	s20 =	sand.u32 $0x1FFFFF80, s30  }
0x1c2: {  	s31 =	sor.u32 $0x2C00, s19;
	s22 =	spop (v2sf);
	s20 =	sadd.s32 s3, s20  }
0x1c3: {  	(v2sf) =	vpush v1, $0xF;
	[tilespmem:s31], [sflag:$0x1] =	stream.linear.gather [hbm4b:s20+s2], $0x400, $0x38;
	[tilespmem:$0x12400] =	vst v63  }
0x1c4: {  	s20 =	sand.u32 $0x1FFFFF80, s22  }
0x1c5: {  	s23 =	sor.u32 $0x3000, s19;
	s20 =	sadd.s32 s3, s20  }
0x1c6: {  	[tilespmem:s23], [sflag:$0x1] =	stream.linear.gather [hbm4b:s20+s2], $0x400, $0x38;
	[tilespmem:$0x12400] =	vst v63  }
0x1c7: {  	s24 =	spop (v2sf)  }
0x1c8: {  	s20 =	sand.u32 $0x1FFFFF80, s24  }
0x1c9: {  	s25 =	sor.u32 $0x3400, s19;
	s20 =	sadd.s32 s3, s20  }
0x1ca: {  	[tilespmem:s25], [sflag:$0x1] =	stream.linear.gather [hbm4b:s20+s2], $0x400, $0x38;
	[tilespmem:$0x12400] =	vst v63  }
0x1cb: {  	s26 =	spop (v2sf)  }
0x1cc: {  	s20 =	sand.u32 $0x1FFFFF80, s26  }
0x1cd: {  	s28 =	sor.u32 $0x3800, s19;
	s29 =	spop (v2sf);
	s20 =	sadd.s32 s3, s20  }
0x1ce: {  	[tilespmem:s28], [sflag:$0x1] =	stream.linear.gather [hbm4b:s20+s2], $0x400, $0x38;
	[tilespmem:$0x12400] =	vst v63  }
0x1cf: {  	s20 =	sand.u32 $0x1FFFFF80, s29  }
0x1d0: {  	p2 =	por p1, p1;
	s30 =	sor.u32 $0x3C00, s19;
	s20 =	sadd.s32 s3, s20  }
0x1d1: {  	[tilespmem:s30], [sflag:$0x1] =	stream.linear.gather [hbm4b:s20+s2], $0x400, $0x38;
	[tilespmem:$0x12400] =	vst v63  }
.Ltmp5:
0x1d2: {  	s31 =	spop (v2sf);
	(pc) =	sbr.rel @p2 .LBB2_9-.Ltmp5, $4  }
0x1d3: {  	s20 =	sand.u32 $0x1FFFFF80, s31  }
0x1d4: {  	s19 =	sadd.s32 $0x4000, s19;
	s20 =	sadd.s32 s3, s20  }
0x1d5: {  	[tilespmem:s19], [sflag:$0x1] =	stream.linear.gather [hbm4b:s20+s2], $0x400, $0x38;
	[tilespmem:$0x12400] =	vst v63  }
0x1d6: {  	p1 =	por $0x0, $0x0;
	s19 =	simm.s32 $0x1  }
.Ltmp6:
0x1d7: {  	(pc) =	sbr.rel @p0 .LBB2_12-.Ltmp6, $4  }
0x1d8: {  	_ = 	snop  }
0x1d9: {  	_ =	swait.ge [sflag:s12], $0x8000  }
0x1da: {  	[sflag:s12] =	ssyncset.done $0x0  }
0x1db: {  	[sflag:s12] =	ssyncadd.s32 $0xFFFF8000  }
.LBB2_11:
0x1dc: {  	_ =	swait.ge [sflag:s13], $0x1000  }
0x1dd: {  	[sflag:s13] =	ssyncset.done $0x0  }
0x1de: {  	[sflag:s13] =	ssyncadd.s32 $0xFFFFF000  }
.LBB2_12:
0x1df: {  	s19 =	sadd.s32 $0x200, s18  }
0x1e0: {  	v0 =	vmov s19;
	_ =	sdelay $0x2  }
0x1e1: {  	s16 =	sadd.s32 $0x1, s16;
	s18 =	simm.s32 $0x0;
	p0 =	por $0x1, $0x1  }
.LBB2_13:
0x1e2: {  	s19 =	sshll.u32 s18, $0x4  }
0x1e3: {  	v1 =	vld.idx.msk [tilespmem:v0+s19+$0x0 ss:$0x1], $0xffff;
	_ =	sdelay $0x4  }
0x1e4: {  	v1 =	vshll.u32 v1, $0x9  }
0x1e5: {  	v1 =	vshra.s32 v1, $0x2  }
0x1e6: {  	(v2sf) =	vpush v1, $0x0;
	_ =	sdelay $0xd  }
0x1e7: {  	s20 =	sshll.u32 s18, $0xE  }
0x1e8: {  	s20 =	sand.u32 $0x3FFFC000, s20;
	s21 =	spop (v2sf)  }
0x1e9: {  	s20 =	sadd.s32 s21, s20  }
0x1ea: {  	v2 =	vld [tilespmem:s20+$0x8400];
	_ =	sdelay $0x2  }
0x1eb: {  	s30 =	sshll.u32 s18, $0xB  }
0x1ec: {  	s21 =	sand.u32 $0x3FFFF800, s30  }
0x1ed: {  	[tilespmem:s21+$0x11400] =	vst v2  }
0x1ee: {  	v2 =	vld [tilespmem:s20+$0x8410]  }
0x1ef: {  	(v2sf) =	vpush v1, $0x1;
	_ =	sdelay $0x3  }
0x1f0: {  	[tilespmem:s21+$0x11410] =	vst v2  }
0x1f1: {  	v2 =	vld [tilespmem:s20+$0x8420];
	_ =	sdelay $0x4  }
0x1f2: {  	[tilespmem:s21+$0x11420] =	vst v2  }
0x1f3: {  	v2 =	vld [tilespmem:s20+$0x8430];
	_ =	sdelay $0x1  }
0x1f4: {  	s31 =	sor.u32 $0x1, s19  }
0x1f5: {  	s22 =	sshll.u32 s31, $0xA  }
0x1f6: {  	s22 =	sand.u32 $0x3FFFC400, s22;
	s23 =	spop (v2sf)  }
0x1f7: {  	s23 =	sadd.s32 s23, s22;
	[tilespmem:s21+$0x11430] =	vst v2  }
0x1f8: {  	v2 =	vld [tilespmem:s23+$0x8400];
	_ =	sdelay $0x2  }
0x1f9: {  	s20 =	sshll.u32 s31, $0x7  }
0x1fa: {  	s20 =	sand.u32 $0x3FFFF880, s20  }
0x1fb: {  	[tilespmem:s20+$0x11400] =	vst v2  }
0x1fc: {  	v2 =	vld [tilespmem:s23+$0x8410]  }
0x1fd: {  	(v2sf) =	vpush v1, $0x2;
	_ =	sdelay $0x3  }
0x1fe: {  	[tilespmem:s20+$0x11410] =	vst v2  }
0x1ff: {  	v2 =	vld [tilespmem:s23+$0x8420];
	_ =	sdelay $0x4  }
0x200: {  	[tilespmem:s20+$0x11420] =	vst v2  }
0x201: {  	v2 =	vld [tilespmem:s23+$0x8430];
	_ =	sdelay $0x1  }
0x202: {  	s24 =	sor.u32 $0x2, s19  }
0x203: {  	s25 =	sshll.u32 s24, $0xA  }
0x204: {  	s22 =	sand.u32 $0x3FFFC800, s25;
	s26 =	spop (v2sf)  }
0x205: {  	s28 =	sadd.s32 s26, s22;
	[tilespmem:s20+$0x11430] =	vst v2  }
0x206: {  	v2 =	vld [tilespmem:s28+$0x8400];
	_ =	sdelay $0x2  }
0x207: {  	s21 =	sshll.u32 s24, $0x7  }
0x208: {  	s21 =	sand.u32 $0x3FFFF900, s21  }
0x209: {  	[tilespmem:s21+$0x11400] =	vst v2  }
0x20a: {  	v2 =	vld [tilespmem:s28+$0x8410]  }
0x20b: {  	(v2sf) =	vpush v1, $0x3;
	_ =	sdelay $0x3  }
0x20c: {  	[tilespmem:s21+$0x11410] =	vst v2  }
0x20d: {  	v2 =	vld [tilespmem:s28+$0x8420];
	_ =	sdelay $0x4  }
0x20e: {  	[tilespmem:s21+$0x11420] =	vst v2  }
0x20f: {  	v2 =	vld [tilespmem:s28+$0x8430];
	_ =	sdelay $0x1  }
0x210: {  	s29 =	sor.u32 $0x3, s19  }
0x211: {  	s30 =	sshll.u32 s29, $0xA  }
0x212: {  	s22 =	sand.u32 $0x3FFFCC00, s30;
	s31 =	spop (v2sf)  }
0x213: {  	s23 =	sadd.s32 s31, s22;
	[tilespmem:s21+$0x11430] =	vst v2  }
0x214: {  	v2 =	vld [tilespmem:s23+$0x8400];
	_ =	sdelay $0x2  }
0x215: {  	s20 =	sshll.u32 s29, $0x7  }
0x216: {  	s20 =	sand.u32 $0x3FFFF980, s20  }
0x217: {  	[tilespmem:s20+$0x11400] =	vst v2  }
0x218: {  	v2 =	vld [tilespmem:s23+$0x8410]  }
0x219: {  	(v2sf) =	vpush v1, $0x4;
	_ =	sdelay $0x3  }
0x21a: {  	[tilespmem:s20+$0x11410] =	vst v2  }
0x21b: {  	v2 =	vld [tilespmem:s23+$0x8420];
	_ =	sdelay $0x4  }
0x21c: {  	[tilespmem:s20+$0x11420] =	vst v2  }
0x21d: {  	v2 =	vld [tilespmem:s23+$0x8430];
	_ =	sdelay $0x1  }
0x21e: {  	s24 =	sor.u32 $0x4, s19  }
0x21f: {  	s25 =	sshll.u32 s24, $0xA  }
0x220: {  	s22 =	sand.u32 $0x3FFFD000, s25;
	s26 =	spop (v2sf)  }
0x221: {  	s28 =	sadd.s32 s26, s22;
	[tilespmem:s20+$0x11430] =	vst v2  }
0x222: {  	v2 =	vld [tilespmem:s28+$0x8400];
	_ =	sdelay $0x2  }
0x223: {  	s21 =	sshll.u32 s24, $0x7  }
0x224: {  	s21 =	sand.u32 $0x3FFFFA00, s21  }
0x225: {  	[tilespmem:s21+$0x11400] =	vst v2  }
0x226: {  	v2 =	vld [tilespmem:s28+$0x8410]  }
0x227: {  	(v2sf) =	vpush v1, $0x5;
	_ =	sdelay $0x3  }
0x228: {  	[tilespmem:s21+$0x11410] =	vst v2  }
0x229: {  	v2 =	vld [tilespmem:s28+$0x8420];
	_ =	sdelay $0x4  }
0x22a: {  	[tilespmem:s21+$0x11420] =	vst v2  }
0x22b: {  	v2 =	vld [tilespmem:s28+$0x8430];
	_ =	sdelay $0x1  }
0x22c: {  	s29 =	sor.u32 $0x5, s19  }
0x22d: {  	s30 =	sshll.u32 s29, $0xA  }
0x22e: {  	s22 =	sand.u32 $0x3FFFD400, s30;
	s31 =	spop (v2sf)  }
0x22f: {  	s23 =	sadd.s32 s31, s22;
	[tilespmem:s21+$0x11430] =	vst v2  }
0x230: {  	v2 =	vld [tilespmem:s23+$0x8400];
	_ =	sdelay $0x2  }
0x231: {  	s20 =	sshll.u32 s29, $0x7  }
0x232: {  	s20 =	sand.u32 $0x3FFFFA80, s20  }
0x233: {  	[tilespmem:s20+$0x11400] =	vst v2  }
0x234: {  	v2 =	vld [tilespmem:s23+$0x8410]  }
0x235: {  	(v2sf) =	vpush v1, $0x6;
	_ =	sdelay $0x3  }
0x236: {  	[tilespmem:s20+$0x11410] =	vst v2  }
0x237: {  	v2 =	vld [tilespmem:s23+$0x8420];
	_ =	sdelay $0x4  }
0x238: {  	[tilespmem:s20+$0x11420] =	vst v2  }
0x239: {  	v2 =	vld [tilespmem:s23+$0x8430];
	_ =	sdelay $0x1  }
0x23a: {  	s24 =	sor.u32 $0x6, s19  }
0x23b: {  	s25 =	sshll.u32 s24, $0xA  }
0x23c: {  	s26 =	spop (v2sf);
	s22 =	sand.u32 $0x3FFFD800, s25  }
0x23d: {  	s28 =	sadd.s32 s26, s22;
	[tilespmem:s20+$0x11430] =	vst v2  }
0x23e: {  	v2 =	vld [tilespmem:s28+$0x8400];
	_ =	sdelay $0x2  }
0x23f: {  	s21 =	sshll.u32 s24, $0x7  }
0x240: {  	s21 =	sand.u32 $0x3FFFFB00, s21  }
0x241: {  	[tilespmem:s21+$0x11400] =	vst v2  }
0x242: {  	v2 =	vld [tilespmem:s28+$0x8410]  }
0x243: {  	(v2sf) =	vpush v1, $0x7;
	_ =	sdelay $0x3  }
0x244: {  	[tilespmem:s21+$0x11410] =	vst v2  }
0x245: {  	v2 =	vld [tilespmem:s28+$0x8420];
	_ =	sdelay $0x4  }
0x246: {  	[tilespmem:s21+$0x11420] =	vst v2  }
0x247: {  	v2 =	vld [tilespmem:s28+$0x8430];
	_ =	sdelay $0x1  }
0x248: {  	s29 =	sor.u32 $0x7, s19  }
0x249: {  	s30 =	sshll.u32 s29, $0xA  }
0x24a: {  	s31 =	spop (v2sf);
	s22 =	sand.u32 $0x3FFFDC00, s30  }
0x24b: {  	s23 =	sadd.s32 s31, s22;
	[tilespmem:s21+$0x11430] =	vst v2  }
0x24c: {  	v2 =	vld [tilespmem:s23+$0x8400];
	_ =	sdelay $0x2  }
0x24d: {  	s20 =	sshll.u32 s29, $0x7  }
0x24e: {  	s20 =	sand.u32 $0x3FFFFB80, s20  }
0x24f: {  	[tilespmem:s20+$0x11400] =	vst v2  }
0x250: {  	v2 =	vld [tilespmem:s23+$0x8410]  }
0x251: {  	(v2sf) =	vpush v1, $0x8;
	_ =	sdelay $0x3  }
0x252: {  	[tilespmem:s20+$0x11410] =	vst v2  }
0x253: {  	v2 =	vld [tilespmem:s23+$0x8420];
	_ =	sdelay $0x4  }
0x254: {  	[tilespmem:s20+$0x11420] =	vst v2  }
0x255: {  	v2 =	vld [tilespmem:s23+$0x8430];
	_ =	sdelay $0x1  }
0x256: {  	s24 =	sor.u32 $0x8, s19  }
0x257: {  	s25 =	sshll.u32 s24, $0xA  }
0x258: {  	s26 =	spop (v2sf);
	s22 =	sand.u32 $0x3FFFE000, s25  }
0x259: {  	s28 =	sadd.s32 s26, s22;
	[tilespmem:s20+$0x11430] =	vst v2  }
0x25a: {  	v2 =	vld [tilespmem:s28+$0x8400];
	_ =	sdelay $0x2  }
0x25b: {  	s21 =	sshll.u32 s24, $0x7  }
0x25c: {  	s21 =	sand.u32 $0x3FFFFC00, s21  }
0x25d: {  	[tilespmem:s21+$0x11400] =	vst v2  }
0x25e: {  	v2 =	vld [tilespmem:s28+$0x8410]  }
0x25f: {  	(v2sf) =	vpush v1, $0x9;
	_ =	sdelay $0x3  }
0x260: {  	[tilespmem:s21+$0x11410] =	vst v2  }
0x261: {  	v2 =	vld [tilespmem:s28+$0x8420];
	_ =	sdelay $0x4  }
0x262: {  	[tilespmem:s21+$0x11420] =	vst v2  }
0x263: {  	v2 =	vld [tilespmem:s28+$0x8430];
	_ =	sdelay $0x1  }
0x264: {  	s29 =	sor.u32 $0x9, s19  }
0x265: {  	s30 =	sshll.u32 s29, $0xA  }
0x266: {  	s31 =	spop (v2sf);
	s22 =	sand.u32 $0x3FFFE400, s30  }
0x267: {  	s23 =	sadd.s32 s31, s22;
	[tilespmem:s21+$0x11430] =	vst v2  }
0x268: {  	v2 =	vld [tilespmem:s23+$0x8400];
	_ =	sdelay $0x2  }
0x269: {  	s20 =	sshll.u32 s29, $0x7  }
0x26a: {  	s20 =	sand.u32 $0x3FFFFC80, s20  }
0x26b: {  	[tilespmem:s20+$0x11400] =	vst v2  }
0x26c: {  	v2 =	vld [tilespmem:s23+$0x8410]  }
0x26d: {  	(v2sf) =	vpush v1, $0xA;
	_ =	sdelay $0x3  }
0x26e: {  	[tilespmem:s20+$0x11410] =	vst v2  }
0x26f: {  	v2 =	vld [tilespmem:s23+$0x8420];
	_ =	sdelay $0x4  }
0x270: {  	[tilespmem:s20+$0x11420] =	vst v2  }
0x271: {  	v2 =	vld [tilespmem:s23+$0x8430];
	_ =	sdelay $0x1  }
0x272: {  	s24 =	sor.u32 $0xA, s19  }
0x273: {  	s25 =	sshll.u32 s24, $0xA  }
0x274: {  	s26 =	spop (v2sf);
	s22 =	sand.u32 $0x3FFFE800, s25  }
0x275: {  	s28 =	sadd.s32 s26, s22;
	[tilespmem:s20+$0x11430] =	vst v2  }
0x276: {  	v2 =	vld [tilespmem:s28+$0x8400];
	_ =	sdelay $0x2  }
0x277: {  	s21 =	sshll.u32 s24, $0x7  }
0x278: {  	s21 =	sand.u32 $0x3FFFFD00, s21  }
0x279: {  	[tilespmem:s21+$0x11400] =	vst v2  }
0x27a: {  	v2 =	vld [tilespmem:s28+$0x8410]  }
0x27b: {  	(v2sf) =	vpush v1, $0xB;
	_ =	sdelay $0x3  }
0x27c: {  	[tilespmem:s21+$0x11410] =	vst v2  }
0x27d: {  	v2 =	vld [tilespmem:s28+$0x8420];
	_ =	sdelay $0x4  }
0x27e: {  	[tilespmem:s21+$0x11420] =	vst v2  }
0x27f: {  	v2 =	vld [tilespmem:s28+$0x8430];
	_ =	sdelay $0x1  }
0x280: {  	s29 =	sor.u32 $0xB, s19  }
0x281: {  	s30 =	sshll.u32 s29, $0xA  }
0x282: {  	s31 =	spop (v2sf);
	s22 =	sand.u32 $0x3FFFEC00, s30  }
0x283: {  	s23 =	sadd.s32 s31, s22;
	[tilespmem:s21+$0x11430] =	vst v2  }
0x284: {  	v2 =	vld [tilespmem:s23+$0x8400];
	_ =	sdelay $0x2  }
0x285: {  	s20 =	sshll.u32 s29, $0x7  }
0x286: {  	s20 =	sand.u32 $0x3FFFFD80, s20  }
0x287: {  	[tilespmem:s20+$0x11400] =	vst v2  }
0x288: {  	v2 =	vld [tilespmem:s23+$0x8410]  }
0x289: {  	(v2sf) =	vpush v1, $0xC;
	_ =	sdelay $0x3  }
0x28a: {  	[tilespmem:s20+$0x11410] =	vst v2  }
0x28b: {  	v2 =	vld [tilespmem:s23+$0x8420];
	_ =	sdelay $0x4  }
0x28c: {  	[tilespmem:s20+$0x11420] =	vst v2  }
0x28d: {  	v2 =	vld [tilespmem:s23+$0x8430];
	_ =	sdelay $0x1  }
0x28e: {  	s24 =	sor.u32 $0xC, s19  }
0x28f: {  	s25 =	sshll.u32 s24, $0xA  }
0x290: {  	s26 =	spop (v2sf);
	s22 =	sand.u32 $0x3FFFF000, s25  }
0x291: {  	s28 =	sadd.s32 s26, s22;
	[tilespmem:s20+$0x11430] =	vst v2  }
0x292: {  	v2 =	vld [tilespmem:s28+$0x8400];
	_ =	sdelay $0x2  }
0x293: {  	s21 =	sshll.u32 s24, $0x7  }
0x294: {  	s21 =	sand.u32 $0x3FFFFE00, s21  }
0x295: {  	[tilespmem:s21+$0x11400] =	vst v2  }
0x296: {  	v2 =	vld [tilespmem:s28+$0x8410]  }
0x297: {  	(v2sf) =	vpush v1, $0xD;
	_ =	sdelay $0x3  }
0x298: {  	[tilespmem:s21+$0x11410] =	vst v2  }
0x299: {  	v2 =	vld [tilespmem:s28+$0x8420];
	_ =	sdelay $0x4  }
0x29a: {  	[tilespmem:s21+$0x11420] =	vst v2  }
0x29b: {  	v2 =	vld [tilespmem:s28+$0x8430];
	_ =	sdelay $0x1  }
0x29c: {  	s29 =	sor.u32 $0xD, s19  }
0x29d: {  	s30 =	sshll.u32 s29, $0xA  }
0x29e: {  	s31 =	spop (v2sf);
	s22 =	sand.u32 $0x3FFFF400, s30  }
0x29f: {  	s23 =	sadd.s32 s31, s22;
	[tilespmem:s21+$0x11430] =	vst v2  }
0x2a0: {  	v2 =	vld [tilespmem:s23+$0x8400];
	_ =	sdelay $0x2  }
0x2a1: {  	s20 =	sshll.u32 s29, $0x7  }
0x2a2: {  	s20 =	sand.u32 $0x3FFFFE80, s20  }
0x2a3: {  	[tilespmem:s20+$0x11400] =	vst v2  }
0x2a4: {  	v2 =	vld [tilespmem:s23+$0x8410]  }
0x2a5: {  	(v2sf) =	vpush v1, $0xE;
	_ =	sdelay $0x3  }
0x2a6: {  	[tilespmem:s20+$0x11410] =	vst v2  }
0x2a7: {  	v2 =	vld [tilespmem:s23+$0x8420];
	_ =	sdelay $0x4  }
0x2a8: {  	[tilespmem:s20+$0x11420] =	vst v2  }
0x2a9: {  	v2 =	vld [tilespmem:s23+$0x8430];
	_ =	sdelay $0x1  }
0x2aa: {  	s19 =	sor.u32 $0xE, s19  }
0x2ab: {  	s24 =	sshll.u32 s19, $0xA  }
0x2ac: {  	s25 =	spop (v2sf);
	s21 =	sand.u32 $0x3FFFF800, s24  }
0x2ad: {  	s26 =	sadd.s32 s25, s21;
	[tilespmem:s20+$0x11430] =	vst v2  }
0x2ae: {  	v2 =	vld [tilespmem:s26+$0x8400];
	_ =	sdelay $0x2  }
0x2af: {  	s19 =	sshll.u32 s19, $0x7  }
0x2b0: {  	s19 =	sand.u32 $0x3FFFFF00, s19  }
0x2b1: {  	[tilespmem:s19+$0x11400] =	vst v2  }
0x2b2: {  	v2 =	vld [tilespmem:s26+$0x8410]  }
0x2b3: {  	(v2sf) =	vpush v1, $0xF;
	_ =	sdelay $0x3  }
0x2b4: {  	[tilespmem:s19+$0x11410] =	vst v2  }
0x2b5: {  	v1 =	vld [tilespmem:s26+$0x8420];
	_ =	sdelay $0x4  }
0x2b6: {  	[tilespmem:s19+$0x11420] =	vst v1  }
0x2b7: {  	v1 =	vld [tilespmem:s26+$0x8430];
	_ =	sdelay $0x1  }
0x2b8: {  	s28 =	sshllo.u32 s18, $0x4  }
0x2b9: {  	s29 =	sshll.u32 s28, $0xA  }
0x2ba: {  	s30 =	spop (v2sf);
	s20 =	sand.u32 $0x3FFFFC00, s29  }
0x2bb: {  	s31 =	sadd.s32 s30, s20;
	[tilespmem:s19+$0x11430] =	vst v1  }
0x2bc: {  	v1 =	vld [tilespmem:s31+$0x8400];
	_ =	sdelay $0x2  }
0x2bd: {  	s18 =	sshll.u32 s28, $0x7  }
0x2be: {  	s18 =	sand.u32 $0x3FFFFF80, s18  }
0x2bf: {  	[tilespmem:s18+$0x11400] =	vst v1  }
0x2c0: {  	v1 =	vld [tilespmem:s31+$0x8410];
	_ =	sdelay $0x4  }
0x2c1: {  	[tilespmem:s18+$0x11410] =	vst v1  }
0x2c2: {  	v1 =	vld [tilespmem:s31+$0x8420];
	_ =	sdelay $0x4  }
0x2c3: {  	[tilespmem:s18+$0x11420] =	vst v1  }
0x2c4: {  	p1 =	por p0, p0;
	v1 =	vld [tilespmem:s31+$0x8430]  }
.Ltmp7:
0x2c5: {  	_ = 	snop;
	(pc) =	sbr.rel @p1 .LBB2_13-.Ltmp7, $2  }
0x2c6: {  	_ =	sdelay $0x2  }
0x2c7: {  	p0 =	por $0x0, $0x0;
	[tilespmem:s18+$0x11430] =	vst v1;
	s18 =	simm.s32 $0x1  }
0x2c8: {  	p0 =	sne.s32 s16, $0x8  }
.Ltmp8:
0x2c9: {  	_ = 	snop;
	(pc) =	sbr.rel @p0 .LBB2_3-.Ltmp8, $4  }
0x2ca: {  	_ = 	snop  }
0x2cb: {  	s17 =	sshll.u32 s17, $0x9  }
0x2cc: {  	s17 =	sadd.s32 s17, s6  }
0x2cd: {  	[hbm4b:s17+s2] =	stream.linear.scatter [tilespmem:s14], [sflag:$0x3], $0x1000, $0x38;
	[tilespmem:$0x12400] =	vst v63  }
0x2ce: {  	s15 =	sadd.s32 $0x1, s15  }
0x2cf: {  	_ =	swait.ge [sflag:s13], $0x1000;
	p0 =	sne.s32 s15, s7  }
.Ltmp9:
0x2d0: {  	[sflag:s13] =	ssyncset.done $0x0;
	(pc) =	sbr.rel @p0 .LBB2_1-.Ltmp9, $4  }
0x2d1: {  	[sflag:s13] =	ssyncadd.s32 $0xFFFFF000  }
0x2d2: {  	_ =	swait.ge [sflag:s13], $0x1000  }
0x2d3: {  	[sflag:s13] =	ssyncset.done $0x0  }
0x2d4: {  	[sflag:s13] =	ssyncadd.s32 $0xFFFFF000  }
0x2d5: {  	_ =	sfence.sel $0x180000  }
0x2d6: {  	[bflag:$0x0] =	sbarrier.arrive $0xFFFF  }
0x2d7: {  	p0 =	sne.s32 s1, $0x0;
	_ =	strace $0x90000047  }
0x2d8: {  	s0 =	sadd.s32 @!p0 $0x100000, s0;
	[bflag:$0x2] =	sbarrier.arrive $0xFFFF  }
0x2d9: {  	[sflag:s0] =	ssyncadd.tile.s32 @!p0 $0x1;
	_ =	shalt  }
.Lfunc_end2:
_tile_overlayer_lowered:
.L_overlay_start_2:
0x2da: {  	(tag) =	ssettag $0x2  }
0x2db: {  	s0 =	rddreg [dreg:$0x0];
	s2 =	stileid.u32  }
0x2dc: {  	s1 =	rddreg [dreg:$0x1];
	p0 =	sne.s32 s2, $0x0  }
0x2dd: {  	s3 =	rddreg [dreg:$0x2];
	[bflag:$0x3] =	sbarrier.arrive $0xFFFF;
	s2 =	simm.s32 @!p0 $0x1C04  }
0x2de: {  	[timem:s3], [sflag:s2] =	dma.local @!p0 [hbm:s0], s1  }
0x2df: {  	s0 =	simm.s32 @!p0 $0x4  }
0x2e0: {  	_ =	swait.ge @!p0 [sflag:s0], s1  }
0x2e1: {  	s1 =	ssub.s32 @!p0 $0x0, s1;
	[sflag:s0] =	ssyncset.done @!p0 $0x0  }
0x2e2: {  	[sflag:s0] =	ssyncadd.s32 @!p0 s1  }
0x2e3: {  	[bflag:$0x3] =	sbarrier.arrive $0xFFFF  }
0x2e4: {  	_ =	shalt  }

</sc_bundles>
